<compile_context>
chip_gen: v7x
topology: tpu7x:2x2x1
jax: 0.10.2.dev20260603
libtpu: 0.0.44.dev20260713+nightly
codegen_flags: <defaults>
</compile_context>

<pallas_src>
import functools
import math

import jax
import jax.numpy as jnp
from jax import lax
from jax.experimental import pallas as pl
from jax.experimental.pallas import tpu as pltpu
from jax.experimental.pallas import tpu_sc as plsc

HID = 128
LAT = 256
NFREQ = 10
N_NODES = 10000
N_EDGES = 320000
N_GRAPHS = 256

NCORES = 2
NSUB = 16
NW = NCORES * NSUB
EPW = N_EDGES // NW
CHUNK = 128
NFULL = EPW // CHUNK
TAIL = EPW - NFULL * CHUNK
NPAD = 10240
RPS = NPAD // NSUB

EBLK = 2000
NBLK = 2000

_TWO_PI = 2.0 * math.pi
_F32 = jnp.float32


def _silu(x):
    return x * jax.nn.sigmoid(x)



def _gather_body(with_frac, *refs):
    if with_frac:
        (p_hbm, q_hbm, fp_hbm, src_hbm, dst_hbm,
         hi_hbm, hj_hbm, fs_hbm, fd_hbm,
         idxv, idxt, rowb, rowt, frb, frt, sem) = refs
    else:
        (p_hbm, q_hbm, src_hbm, dst_hbm, hi_hbm, hj_hbm,
         idxv, idxt, rowb, rowt, sem) = refs
        fp_hbm = fs_hbm = fd_hbm = frb = frt = None

    c = lax.axis_index("c")
    s = lax.axis_index("s")
    wid = c * NSUB + s
    base0 = wid * EPW

    def chunk(off, idx_ref, row_ref, fr_ref):
        pltpu.sync_copy(src_hbm.at[pl.ds(off, idx_ref.shape[0])], idx_ref)
        g1 = pltpu.async_copy(p_hbm.at[idx_ref], row_ref, sem)
        if with_frac:
            g2 = pltpu.async_copy(fp_hbm.at[idx_ref], fr_ref, sem)
        g1.wait()
        if with_frac:
            g2.wait()
        pltpu.sync_copy(row_ref, hi_hbm.at[pl.ds(off, row_ref.shape[0])])
        if with_frac:
            pltpu.sync_copy(fr_ref, fs_hbm.at[pl.ds(off, fr_ref.shape[0])])

        pltpu.sync_copy(dst_hbm.at[pl.ds(off, idx_ref.shape[0])], idx_ref)
        g1 = pltpu.async_copy(q_hbm.at[idx_ref], row_ref, sem)
        if with_frac:
            g2 = pltpu.async_copy(fp_hbm.at[idx_ref], fr_ref, sem)
        g1.wait()
        if with_frac:
            g2.wait()
        pltpu.sync_copy(row_ref, hj_hbm.at[pl.ds(off, row_ref.shape[0])])
        if with_frac:
            pltpu.sync_copy(fr_ref, fd_hbm.at[pl.ds(off, fr_ref.shape[0])])

    def body(j, carry):
        chunk(base0 + j * CHUNK, idxv, rowb, frb)
        return carry

    lax.fori_loop(0, NFULL, body, 0)
    chunk(base0 + NFULL * CHUNK, idxt, rowt, frt)


def _make_gather(with_frac):
    nout = 4 if with_frac else 2
    outs = [jax.ShapeDtypeStruct((N_EDGES, HID), _F32)] * nout
    scratch = [pltpu.VMEM((CHUNK,), jnp.int32),
               pltpu.VMEM((TAIL,), jnp.int32),
               pltpu.VMEM((CHUNK, HID), _F32),
               pltpu.VMEM((TAIL, HID), _F32)]
    if with_frac:
        scratch += [pltpu.VMEM((CHUNK, HID), _F32),
                    pltpu.VMEM((TAIL, HID), _F32)]
    scratch += [pltpu.SemaphoreType.DMA]
    mesh = plsc.VectorSubcoreMesh(core_axis_name="c", subcore_axis_name="s")
    return pl.kernel(functools.partial(_gather_body, with_frac),
                     out_type=tuple(outs), mesh=mesh,
                     scratch_types=tuple(scratch))



def _scatter_body(with_vals, *refs):
    if with_vals:
        (val_hbm, didx_hbm, zeros_hbm, out_hbm,
         idxv, idxt, valb, valt, shacc) = refs
    else:
        (didx_hbm, zeros_hbm, ones_hbm, out_hbm,
         idxv, idxt, valb, valt, shacc) = refs

    c = lax.axis_index("c")
    s = lax.axis_index("s")
    wid = c * NSUB + s
    base0 = wid * EPW
    rbase = s * RPS

    pltpu.sync_copy(zeros_hbm.at[pl.ds(rbase, RPS)], shacc.at[pl.ds(rbase, RPS)])
    if not with_vals:
        pltpu.sync_copy(ones_hbm, valb)
        pltpu.sync_copy(ones_hbm.at[pl.ds(0, TAIL)], valt)
    plsc.subcore_barrier()

    def chunk(off, idx_ref, val_ref):
        pltpu.sync_copy(didx_hbm.at[pl.ds(off, idx_ref.shape[0])], idx_ref)
        if with_vals:
            pltpu.sync_copy(val_hbm.at[pl.ds(off, val_ref.shape[0])], val_ref)
        pltpu.sync_copy(val_ref, shacc.at[idx_ref], add=True)

    def body(j, carry):
        chunk(base0 + j * CHUNK, idxv, valb)
        return carry

    lax.fori_loop(0, NFULL, body, 0)
    chunk(base0 + NFULL * CHUNK, idxt, valt)
    plsc.subcore_barrier()

    pltpu.sync_copy(shacc.at[pl.ds(rbase, RPS)],
                    out_hbm.at[c, pl.ds(rbase, RPS)])


def _make_scatter(with_vals):
    outs = [jax.ShapeDtypeStruct((2, NPAD, HID), _F32)]
    scratch = [pltpu.VMEM((CHUNK,), jnp.int32),
               pltpu.VMEM((TAIL,), jnp.int32),
               pltpu.VMEM((CHUNK, HID), _F32),
               pltpu.VMEM((TAIL, HID), _F32),
               pltpu.VMEM_SHARED((NPAD, HID), _F32)]
    mesh = plsc.VectorSubcoreMesh(core_axis_name="c", subcore_axis_name="s")
    return pl.kernel(functools.partial(_scatter_body, with_vals),
                     out_type=tuple(outs), mesh=mesh,
                     scratch_types=tuple(scratch))



def _full(shape):
    return pl.BlockSpec(shape, lambda i: (0,) * len(shape))


def _init_body(at_ref, t_ref, n2g_ref, latips_ref,
               nembW_ref, latWs_ref, latWc_ref, latb_ref,
               w1s_ref, w1d_ref, w1lat_ref, b1_ref,
               nf_ref, ln_ref, p_ref, q_ref):
    at = at_ref[...]
    blk = at.shape[0]
    oh_atom = (at - 1 == lax.broadcasted_iota(jnp.int32, (blk, HID), 1)
               ).astype(_F32)
    n2g = n2g_ref[...]
    oh_g = (n2g == lax.broadcasted_iota(jnp.int32, (blk, N_GRAPHS), 1)
            ).astype(_F32)
    ln = jnp.dot(oh_g, latips_ref[...], preferred_element_type=_F32)
    fac = math.log(10000.0) / (LAT // 2 - 1)
    lane = lax.broadcasted_iota(jnp.int32, (blk, HID), 1).astype(_F32)
    ang = t_ref[...] * jnp.exp(lane * (-fac))
    nf = (jnp.dot(oh_atom, nembW_ref[...], preferred_element_type=_F32)
          + jnp.dot(jnp.sin(ang), latWs_ref[...], preferred_element_type=_F32)
          + jnp.dot(jnp.cos(ang), latWc_ref[...], preferred_element_type=_F32)
          + latb_ref[...])
    nf_ref[...] = nf
    ln_ref[...] = ln
    p_ref[...] = (jnp.dot(nf, w1s_ref[...], preferred_element_type=_F32)
                  + jnp.dot(ln, w1lat_ref[...], preferred_element_type=_F32)
                  + b1_ref[...])
    q_ref[...] = jnp.dot(nf, w1d_ref[...], preferred_element_type=_F32)


def _fd_emb_matmul(fd, ws_ref, wc_ref):
    blk = fd.shape[0]
    j = lax.broadcasted_iota(jnp.int32, (blk, 32), 1)
    k = (j % NFREQ).astype(_F32)
    xs = jnp.where(j < NFREQ, fd[:, 0:1],
                   jnp.where(j < 2 * NFREQ, fd[:, 1:2], fd[:, 2:3]))
    ang = (_TWO_PI * k) * xs
    return (jnp.dot(jnp.sin(ang), ws_ref[...], preferred_element_type=_F32)
            + jnp.dot(jnp.cos(ang), wc_ref[...], preferred_element_type=_F32))


def _edge0_body(hi_ref, hj_ref, fs_ref, fdt_ref, ws_ref, wc_ref, w2_ref,
                b2_ref, ef_ref, fd16_ref):
    shift = fdt_ref[...][:, 0:16] - fs_ref[...][:, 0:16]
    fd = shift - jnp.floor(shift + 0.5 + 1e-4)
    fd16_ref[...] = fd
    x = hi_ref[...] + hj_ref[...] + _fd_emb_matmul(fd, ws_ref, wc_ref)
    h = _silu(x)
    ef_ref[...] = _silu(jnp.dot(h, w2_ref[...], preferred_element_type=_F32)
                        + b2_ref[...])


def _edge_body(hi_ref, hj_ref, fd16_ref, ws_ref, wc_ref, w2_ref, b2_ref,
               ef_ref):
    x = (hi_ref[...] + hj_ref[...]
         + _fd_emb_matmul(fd16_ref[...], ws_ref, wc_ref))
    h = _silu(x)
    ef_ref[...] = _silu(jnp.dot(h, w2_ref[...], preferred_element_type=_F32)
                        + b2_ref[...])


def _node_body(nf_ref, ln_ref, a0_ref, a1_ref, c0_ref, c1_ref,
               nW1a_ref, nW1b_ref, nb1_ref, nW2_ref, nb2_ref,
               w1s_ref, w1d_ref, w1lat_ref, b1_ref,
               nfo_ref, p_ref, q_ref):
    cnt = c0_ref[...][:, 0:1] + c1_ref[...][:, 0:1]
    recip = 1.0 / jnp.maximum(cnt, 1.0)
    agg = (a0_ref[...] + a1_ref[...]) * recip
    nf = nf_ref[...]
    h = _silu(jnp.dot(nf, nW1a_ref[...], preferred_element_type=_F32)
              + jnp.dot(agg, nW1b_ref[...], preferred_element_type=_F32)
              + nb1_ref[...])
    nfo = nf + _silu(jnp.dot(h, nW2_ref[...], preferred_element_type=_F32)
                     + nb2_ref[...])
    nfo_ref[...] = nfo
    ln = ln_ref[...]
    p_ref[...] = (jnp.dot(nfo, w1s_ref[...], preferred_element_type=_F32)
                  + jnp.dot(ln, w1lat_ref[...], preferred_element_type=_F32)
                  + b1_ref[...])
    q_ref[...] = jnp.dot(nfo, w1d_ref[...], preferred_element_type=_F32)


def _final_body(ef_ref, fd16_ref, cW1_ref, cb1_ref, cW2_ref, tr_ref):
    blk = ef_ref.shape[0]
    fd = fd16_ref[...]
    h = _silu(jnp.dot(ef_ref[...], cW1_ref[...], preferred_element_type=_F32)
              + cb1_ref[...])
    sc = jnp.dot(h, cW2_ref[...], preferred_element_type=_F32)
    tr_ref[...] = jnp.concatenate(
        [fd * sc, jnp.zeros((blk, HID - 16), _F32)], axis=1)


def _out_body(t0_ref, t1_ref, c0_ref, c1_ref, o_ref):
    cnt = c0_ref[...][:, 0:1] + c1_ref[...][:, 0:1]
    recip = 1.0 / jnp.maximum(cnt, 1.0)
    o_ref[...] = (t0_ref[...][:, 0:3] + t1_ref[...][:, 0:3]) * recip



def kernel(atom_types, t, frac_coords, edge_index, lattices, node2graph,
           params):
    n = N_NODES
    e = N_EDGES
    src = edge_index[0].astype(jnp.int32)
    dst = edge_index[1].astype(jnp.int32)
    at2 = atom_types.astype(jnp.int32).reshape(n, 1)
    t2 = t.reshape(n, 1)
    n2g2 = node2graph.astype(jnp.int32).reshape(n, 1)
    fracp = jnp.pad(frac_coords, ((0, 0), (0, HID - 3)))
    lat_ips = (lattices @ jnp.swapaxes(lattices, -1, -2)).reshape(-1, 9)
    latips16 = jnp.pad(lat_ips, ((0, N_GRAPHS - lat_ips.shape[0]), (0, 7)))

    nemb_pad = jnp.pad(params["node_emb"],
                       ((0, HID - params["node_emb"].shape[0]), (0, 0)))
    latW = params["lat_W"]
    nembW = nemb_pad @ latW[:HID]
    latWs = latW[HID:HID + LAT // 2]
    latWc = latW[HID + LAT // 2:]
    latb = params["lat_b"].reshape(1, HID)
    lw = []
    for lp in params["layers"]:
        W1 = lp["e_W1"]
        lw.append(dict(
            w1s=W1[:HID], w1d=W1[HID:2 * HID],
            w1lat=jnp.pad(W1[2 * HID:2 * HID + 9], ((0, 7), (0, 0))),
            b1=lp["e_b1"].reshape(1, HID),
            ws=jnp.pad(W1[2 * HID + 9:2 * HID + 9 + 30], ((0, 2), (0, 0))),
            wc=jnp.pad(W1[2 * HID + 39:], ((0, 2), (0, 0))),
            w2=lp["e_W2"], b2=lp["e_b2"].reshape(1, HID),
            nW1a=lp["n_W1"][:HID], nW1b=lp["n_W1"][HID:],
            nb1=lp["n_b1"].reshape(1, HID),
            nW2=lp["n_W2"], nb2=lp["n_b2"].reshape(1, HID),
        ))
    zerosN = jnp.zeros((NPAD, HID), _F32)
    ones128 = jnp.ones((CHUNK, HID), _F32)

    ng = n // NBLK
    nodeblk = lambda w: pl.BlockSpec((NBLK, w), lambda i: (i, 0))
    edgeblk = lambda w: pl.BlockSpec((EBLK, w), lambda i: (i, 0))
    wspec = [_full((HID, HID)), _full((HID, HID)), _full((16, HID)),
             _full((1, HID))]

    init_call = pl.pallas_call(
        _init_body,
        grid=(ng,),
        in_specs=[nodeblk(1), nodeblk(1), nodeblk(1),
                  _full((N_GRAPHS, 16)),
                  _full((HID, HID)), _full((HID, HID)), _full((HID, HID)),
                  _full((1, HID))] + wspec,
        out_specs=[nodeblk(HID), nodeblk(16), nodeblk(HID), nodeblk(HID)],
        out_shape=[jax.ShapeDtypeStruct((n, HID), _F32),
                   jax.ShapeDtypeStruct((n, 16), _F32),
                   jax.ShapeDtypeStruct((n, HID), _F32),
                   jax.ShapeDtypeStruct((n, HID), _F32)],
    )
    l0 = lw[0]
    nf, ln16, p, q = init_call(at2, t2, n2g2, latips16, nembW, latWs, latWc,
                               latb, l0["w1s"], l0["w1d"], l0["w1lat"],
                               l0["b1"])

    eg = e // EBLK
    edge_wspec = [_full((32, HID)), _full((32, HID)), _full((HID, HID)),
                  _full((1, HID))]
    edge0_call = pl.pallas_call(
        _edge0_body,
        grid=(eg,),
        in_specs=[edgeblk(HID)] * 4 + edge_wspec,
        out_specs=[edgeblk(HID), edgeblk(16)],
        out_shape=[jax.ShapeDtypeStruct((e, HID), _F32),
                   jax.ShapeDtypeStruct((e, 16), _F32)],
    )
    edge_call = pl.pallas_call(
        _edge_body,
        grid=(eg,),
        in_specs=[edgeblk(HID), edgeblk(HID), edgeblk(16)] + edge_wspec,
        out_specs=edgeblk(HID),
        out_shape=jax.ShapeDtypeStruct((e, HID), _F32),
    )

    node_call = pl.pallas_call(
        _node_body,
        grid=(ng,),
        in_specs=[nodeblk(HID), nodeblk(16), nodeblk(HID), nodeblk(HID),
                  nodeblk(HID), nodeblk(HID),
                  _full((HID, HID)), _full((HID, HID)), _full((1, HID)),
                  _full((HID, HID)), _full((1, HID))] + wspec,
        out_specs=[nodeblk(HID), nodeblk(HID), nodeblk(HID)],
        out_shape=[jax.ShapeDtypeStruct((n, HID), _F32)] * 3,
    )

    gather0 = _make_gather(True)
    gatherL = _make_gather(False)
    scatterV = _make_scatter(True)
    scatterC = _make_scatter(False)

    (cntp,) = scatterC(dst, zerosN, ones128)
    cp0, cp1 = cntp[0], cntp[1]

    fd16 = None
    ef = None
    for li in range(4):
        w = lw[li]
        if li == 0:
            hi, hj, fs, fdt = gather0(p, q, fracp, src, dst)
            ef, fd16 = edge0_call(hi, hj, fs, fdt, w["ws"], w["wc"],
                                  w["w2"], w["b2"])
        else:
            hi, hj = gatherL(p, q, src, dst)
            ef = edge_call(hi, hj, fd16, w["ws"], w["wc"], w["w2"], w["b2"])
        if li == 3:
            break
        (aggp,) = scatterV(ef, dst, zerosN)
        wn = lw[li + 1]
        nf, p, q = node_call(nf, ln16, aggp[0], aggp[1], cp0, cp1,
                             w["nW1a"], w["nW1b"], w["nb1"], w["nW2"],
                             w["nb2"], wn["w1s"], wn["w1d"], wn["w1lat"],
                             wn["b1"])

    final_call = pl.pallas_call(
        _final_body,
        grid=(eg,),
        in_specs=[edgeblk(HID), edgeblk(16),
                  _full((HID, HID)), _full((1, HID)), _full((HID, 1))],
        out_specs=edgeblk(HID),
        out_shape=jax.ShapeDtypeStruct((e, HID), _F32),
    )
    trans = final_call(ef, fd16, params["c_W1"],
                       params["c_b1"].reshape(1, HID), params["c_W2"])

    (transp,) = scatterV(trans, dst, zerosN)

    out_call = pl.pallas_call(
        _out_body,
        grid=(1,),
        in_specs=[_full((n, HID))] * 4,
        out_specs=_full((n, 3)),
        out_shape=jax.ShapeDtypeStruct((n, 3), _F32),
    )
    return out_call(transp[0], transp[1], cp0, cp1)

# --- scband reference (transcript-rebuilt; emitter-appended) ---
"""Pipeline reference for scband-egnn-27693949125353 (READ-ONLY COPY).

The authoritative reference and input builder live on the scoring server;
editing this copy changes nothing except your own understanding.
"""

import math
import jax
import jax.numpy as jnp
import numpy as np

HID = 128
LAT = 256
NLAYERS = 4
NFREQ = 10
DIS_DIM = NFREQ * 2 * 3  # 60
MAX_ATOMS = 100
N_NODES = 10000
N_EDGES = 320000
N_GRAPHS = 256


def _silu(x):
    return x * jax.nn.sigmoid(x)


def _scatter_mean(data, idx, n):
    s = jax.ops.segment_sum(data, idx, num_segments=n)
    cnt = jax.ops.segment_sum(jnp.ones((data.shape[0],), data.dtype), idx, num_segments=n)
    return s / jnp.clip(cnt, 1.0)[:, None]


def _time_emb(t):
    half = LAT // 2
    fac = math.log(10000.0) / (half - 1)
    emb = jnp.exp(jnp.arange(half, dtype=jnp.float32) * (-fac))
    emb = t[:, None] * emb[None, :]
    return jnp.concatenate([jnp.sin(emb), jnp.cos(emb)], axis=-1)


def _dis_emb(x):
    freqs = 2.0 * math.pi * jnp.arange(NFREQ, dtype=jnp.float32)
    emb = x[..., None] * freqs[None, None, :]
    emb = emb.reshape(-1, NFREQ * 3)
    return jnp.concatenate([jnp.sin(emb), jnp.cos(emb)], axis=-1)


def _forward(atom_types, t, frac_coords, edge_index, lattices, node2graph, params):
    src, dst = edge_index[0], edge_index[1]
    shift = frac_coords[dst] - frac_coords[src]
    frac_diff = shift - jnp.floor(shift + 0.5 + 1e-4)
    edge2graph = node2graph[src]
    te = _time_emb(t)
    nf = params["node_emb"][atom_types - 1]
    nf = jnp.concatenate([nf, te], axis=1) @ params["lat_W"] + params["lat_b"]
    fd_emb = _dis_emb(frac_diff)
    lat_ips = (lattices @ jnp.swapaxes(lattices, -1, -2)).reshape(-1, 9)
    lat_edges = lat_ips[edge2graph]
    n = nf.shape[0]
    ef = None
    for lp in params["layers"]:
        hi, hj = nf[src], nf[dst]
        ein = jnp.concatenate([hi, hj, lat_edges, fd_emb], axis=1)
        ef = _silu(_silu(ein @ lp["e_W1"] + lp["e_b1"]) @ lp["e_W2"] + lp["e_b2"])
        agg = _scatter_mean(ef, dst, n)
        nout = _silu(
            _silu(jnp.concatenate([nf, agg], axis=1) @ lp["n_W1"] + lp["n_b1"]) @ lp["n_W2"]
            + lp["n_b2"]
        )
        nf = nf + nout
    trans = frac_diff * (_silu(ef @ params["c_W1"] + params["c_b1"]) @ params["c_W2"])
    return _scatter_mean(trans, dst, n)


def setup_inputs(seed: int = 0) -> dict:
    key = jax.random.key(seed)
    keys = jax.random.split(key, 40)
    kit = iter(list(keys))
    atom_types = jax.random.randint(next(kit), (N_NODES,), 1, MAX_ATOMS)
    t = jax.random.uniform(next(kit), (N_NODES,), dtype=jnp.float32)
    frac_coords = jax.random.uniform(next(kit), (N_NODES, 3), dtype=jnp.float32)
    edge_index = jax.random.randint(next(kit), (2, N_EDGES), 0, N_NODES)
    node2graph = jnp.sort(jax.random.randint(next(kit), (N_NODES,), 0, N_GRAPHS))
    lattices = jax.random.normal(next(kit), (N_GRAPHS, 3, 3), dtype=jnp.float32)

    def lin(k, fi, fo):
        return jax.random.normal(k, (fi, fo), dtype=jnp.float32) * (1.0 / np.sqrt(fi))

    params = {
        "node_emb": jax.random.normal(next(kit), (MAX_ATOMS, HID), dtype=jnp.float32) * 0.05,
        "lat_W": lin(next(kit), HID + LAT, HID),
        "lat_b": jnp.zeros((HID,), dtype=jnp.float32),
        "layers": [],
        "c_W1": lin(next(kit), HID, HID),
        "c_b1": jnp.zeros((HID,), dtype=jnp.float32),
        "c_W2": lin(next(kit), HID, 1),
    }
    for _ in range(NLAYERS):
        params["layers"].append(
            {
                "e_W1": lin(next(kit), 2 * HID + 9 + DIS_DIM, HID),
                "e_b1": jnp.zeros((HID,), dtype=jnp.float32),
                "e_W2": lin(next(kit), HID, HID),
                "e_b2": jnp.zeros((HID,), dtype=jnp.float32),
                "n_W1": lin(next(kit), 2 * HID, HID),
                "n_b1": jnp.zeros((HID,), dtype=jnp.float32),
                "n_W2": lin(next(kit), HID, HID),
                "n_b2": jnp.zeros((HID,), dtype=jnp.float32),
            }
        )
    return {
        "atom_types": atom_types,
        "t": t,
        "frac_coords": frac_coords,
        "edge_index": edge_index,
        "lattices": lattices,
        "node2graph": node2graph,
        "params": params,
    }


def reference(atom_types, t, frac_coords, edge_index, lattices, node2graph, params):
    return _forward(atom_types, t, frac_coords, edge_index, lattices, node2graph, params)

if __name__ == "__main__":
    import jax
    _d = setup_inputs()
    print(jax.jit(kernel)(*tuple(_d.values())))

</pallas_src>

<mosaic_0001>
#map = affine_map<(d0, d1) -> (0, 0)>
#map1 = affine_map<(d0, d1) -> (0)>
module attributes {stable_mosaic.version = 14 : i64} {
  func.func @_gather_body(%arg0: i32, %arg1: i32, %arg2: memref<10000x128xf32, #tpu.memory_space<hbm>>, %arg3: memref<10000x128xf32, #tpu.memory_space<hbm>>, %arg4: memref<320000xi32, #tpu.memory_space<hbm>>, %arg5: memref<320000xi32, #tpu.memory_space<hbm>>, %arg6: memref<320000x128xf32, #tpu.memory_space<hbm>>, %arg7: memref<320000x128xf32, #tpu.memory_space<hbm>>, %arg8: memref<128xi32, #tpu.memory_space<vmem>>, %arg9: memref<16xi32, #tpu.memory_space<vmem>>, %arg10: memref<128x128xf32, #tpu.memory_space<vmem>>, %arg11: memref<16x128xf32, #tpu.memory_space<vmem>>, %arg12: memref<!tpu.dma_semaphore, #tpu.memory_space<semaphore_mem>>) attributes {dimension_semantics = [#tpu.dimension_semantics<core_parallel>, #tpu.dimension_semantics<subcore_parallel>], iteration_bounds = array<i64: 2, 16>, scalar_prefetch = 0 : i64, scratch_operands = 5 : i64, tpu.core_type = #tpu.core_type<sc_vector_subcore>, window_params = [{transform_indices = #map}, {transform_indices = #map}, {transform_indices = #map1}, {transform_indices = #map1}, {transform_indices = #map}, {transform_indices = #map}]} {
    %mul3A = arith.constant 16 : i32
    %mul3A_0 = arith.muli %arg0, %mul3A : i32
    %add3A = arith.addi %mul3A_0, %arg1 : i32
    %mul3A_1 = arith.constant 10000 : i32
    %mul3A_2 = arith.muli %add3A, %mul3A_1 : i32
    %scan3A = arith.constant 0 : i32
    %scan3A_3 = arith.constant 0 : i32
    %scan3A_4 = arith.constant 78 : i32
    %scan3A_5 = arith.addi %scan3A_3, %scan3A_4 : i32
    %scan3A_6 = arith.constant 1 : i32
    scf.for %scan3A_20 = %scan3A_3 to %scan3A_5 step %scan3A_6  : i32 {
      %mul3A_21 = arith.constant 128 : i32
      %mul3A_22 = arith.muli %scan3A_20, %mul3A_21 : i32
      %add3A_23 = arith.addi %mul3A_2, %mul3A_22 : i32
      "tpu.region"() ({
        %run_scoped3A = tpu.sem_alloc : memref<!tpu.dma_semaphore, #tpu.memory_space<semaphore_mem>>
        %dma_start3A_36 = tpu.memref_slice %arg4[%add3A_23] : memref<320000xi32, #tpu.memory_space<hbm>> -> memref<128xi32, #tpu.memory_space<hbm>>
        %dma_start3A_37 = tpu.memref_slice %arg4[%add3A_23] : memref<320000xi32, #tpu.memory_space<hbm>> -> memref<128xi32, #tpu.memory_space<hbm>>
        tpu.enqueue_dma source(%dma_start3A_37 : memref<128xi32, #tpu.memory_space<hbm>>) target(%arg8 : memref<128xi32, #tpu.memory_space<vmem>>) target_semaphore(%run_scoped3A : memref<!tpu.dma_semaphore, #tpu.memory_space<semaphore_mem>>)
        %dma_wait3A_38 = tpu.memref_slice %arg4[%add3A_23] : memref<320000xi32, #tpu.memory_space<hbm>> -> memref<128xi32, #tpu.memory_space<hbm>>
        %dma_wait3A_39 = tpu.memref_slice %arg4[%add3A_23] : memref<320000xi32, #tpu.memory_space<hbm>> -> memref<128xi32, #tpu.memory_space<hbm>>
        tpu.wait_dma2 semaphore(%run_scoped3A : memref<!tpu.dma_semaphore, #tpu.memory_space<semaphore_mem>>) src(%dma_wait3A_39 : memref<128xi32, #tpu.memory_space<hbm>>) dst(%arg8 : memref<128xi32, #tpu.memory_space<vmem>>)
        tpu.yield
      }) : () -> ()
      %dma_start3A_24 = arith.constant 0 : i32
      %dma_start3A_25 = arith.constant 0 : i32
      %dma_start3A_26 = tpu.memref_slice %arg2[%dma_start3A_24, %dma_start3A_25] : memref<10000x128xf32, #tpu.memory_space<hbm>> -> memref<10000x128xf32, #tpu.memory_space<hbm>>
      tpu.enqueue_indirect_dma source(%dma_start3A_26 : memref<10000x128xf32, #tpu.memory_space<hbm>>) target(%arg10 : memref<128x128xf32, #tpu.memory_space<vmem>>) offsets(%arg8 : memref<128xi32, #tpu.memory_space<vmem>>) semaphore(%arg12 : memref<!tpu.dma_semaphore, #tpu.memory_space<semaphore_mem>>)
      %dma_wait3A_27 = arith.constant 0 : i32
      %dma_wait3A_28 = arith.constant 0 : i32
      %dma_wait3A_29 = tpu.memref_slice %arg2[%dma_wait3A_27, %dma_wait3A_28] : memref<10000x128xf32, #tpu.memory_space<hbm>> -> memref<10000x128xf32, #tpu.memory_space<hbm>>
      tpu.wait_indirect_dma semaphore(%arg12 : memref<!tpu.dma_semaphore, #tpu.memory_space<semaphore_mem>>) src(%dma_wait3A_29 : memref<10000x128xf32, #tpu.memory_space<hbm>>) dst(%arg10 : memref<128x128xf32, #tpu.memory_space<vmem>>)
      "tpu.region"() ({
        %run_scoped3A = tpu.sem_alloc : memref<!tpu.dma_semaphore, #tpu.memory_space<semaphore_mem>>
        %dma_start3A_36 = arith.constant 0 : i32
        %dma_start3A_37 = tpu.memref_slice %arg6[%add3A_23, %dma_start3A_36] : memref<320000x128xf32, #tpu.memory_space<hbm>> -> memref<128x128xf32, #tpu.memory_space<hbm>>
        %dma_start3A_38 = arith.constant 0 : i32
        %dma_start3A_39 = tpu.memref_slice %arg6[%add3A_23, %dma_start3A_38] : memref<320000x128xf32, #tpu.memory_space<hbm>> -> memref<128x128xf32, #tpu.memory_space<hbm>>
        tpu.enqueue_dma source(%arg10 : memref<128x128xf32, #tpu.memory_space<vmem>>) target(%dma_start3A_39 : memref<128x128xf32, #tpu.memory_space<hbm>>) target_semaphore(%run_scoped3A : memref<!tpu.dma_semaphore, #tpu.memory_space<semaphore_mem>>)
        %dma_wait3A_40 = arith.constant 0 : i32
        %dma_wait3A_41 = tpu.memref_slice %arg6[%add3A_23, %dma_wait3A_40] : memref<320000x128xf32, #tpu.memory_space<hbm>> -> memref<128x128xf32, #tpu.memory_space<hbm>>
        %dma_wait3A_42 = arith.constant 0 : i32
        %dma_wait3A_43 = tpu.memref_slice %arg6[%add3A_23, %dma_wait3A_42] : memref<320000x128xf32, #tpu.memory_space<hbm>> -> memref<128x128xf32, #tpu.memory_space<hbm>>
        tpu.wait_dma2 semaphore(%run_scoped3A : memref<!tpu.dma_semaphore, #tpu.memory_space<semaphore_mem>>) src(%arg10 : memref<128x128xf32, #tpu.memory_space<vmem>>) dst(%dma_wait3A_43 : memref<128x128xf32, #tpu.memory_space<hbm>>)
        tpu.yield
      }) : () -> ()
      "tpu.region"() ({
        %run_scoped3A = tpu.sem_alloc : memref<!tpu.dma_semaphore, #tpu.memory_space<semaphore_mem>>
        %dma_start3A_36 = tpu.memref_slice %arg5[%add3A_23] : memref<320000xi32, #tpu.memory_space<hbm>> -> memref<128xi32, #tpu.memory_space<hbm>>
        %dma_start3A_37 = tpu.memref_slice %arg5[%add3A_23] : memref<320000xi32, #tpu.memory_space<hbm>> -> memref<128xi32, #tpu.memory_space<hbm>>
        tpu.enqueue_dma source(%dma_start3A_37 : memref<128xi32, #tpu.memory_space<hbm>>) target(%arg8 : memref<128xi32, #tpu.memory_space<vmem>>) target_semaphore(%run_scoped3A : memref<!tpu.dma_semaphore, #tpu.memory_space<semaphore_mem>>)
        %dma_wait3A_38 = tpu.memref_slice %arg5[%add3A_23] : memref<320000xi32, #tpu.memory_space<hbm>> -> memref<128xi32, #tpu.memory_space<hbm>>
        %dma_wait3A_39 = tpu.memref_slice %arg5[%add3A_23] : memref<320000xi32, #tpu.memory_space<hbm>> -> memref<128xi32, #tpu.memory_space<hbm>>
        tpu.wait_dma2 semaphore(%run_scoped3A : memref<!tpu.dma_semaphore, #tpu.memory_space<semaphore_mem>>) src(%dma_wait3A_39 : memref<128xi32, #tpu.memory_space<hbm>>) dst(%arg8 : memref<128xi32, #tpu.memory_space<vmem>>)
        tpu.yield
      }) : () -> ()
      %dma_start3A_30 = arith.constant 0 : i32
      %dma_start3A_31 = arith.constant 0 : i32
      %dma_start3A_32 = tpu.memref_slice %arg3[%dma_start3A_30, %dma_start3A_31] : memref<10000x128xf32, #tpu.memory_space<hbm>> -> memref<10000x128xf32, #tpu.memory_space<hbm>>
      tpu.enqueue_indirect_dma source(%dma_start3A_32 : memref<10000x128xf32, #tpu.memory_space<hbm>>) target(%arg10 : memref<128x128xf32, #tpu.memory_space<vmem>>) offsets(%arg8 : memref<128xi32, #tpu.memory_space<vmem>>) semaphore(%arg12 : memref<!tpu.dma_semaphore, #tpu.memory_space<semaphore_mem>>)
      %dma_wait3A_33 = arith.constant 0 : i32
      %dma_wait3A_34 = arith.constant 0 : i32
      %dma_wait3A_35 = tpu.memref_slice %arg3[%dma_wait3A_33, %dma_wait3A_34] : memref<10000x128xf32, #tpu.memory_space<hbm>> -> memref<10000x128xf32, #tpu.memory_space<hbm>>
      tpu.wait_indirect_dma semaphore(%arg12 : memref<!tpu.dma_semaphore, #tpu.memory_space<semaphore_mem>>) src(%dma_wait3A_35 : memref<10000x128xf32, #tpu.memory_space<hbm>>) dst(%arg10 : memref<128x128xf32, #tpu.memory_space<vmem>>)
      "tpu.region"() ({
        %run_scoped3A = tpu.sem_alloc : memref<!tpu.dma_semaphore, #tpu.memory_space<semaphore_mem>>
        %dma_start3A_36 = arith.constant 0 : i32
        %dma_start3A_37 = tpu.memref_slice %arg7[%add3A_23, %dma_start3A_36] : memref<320000x128xf32, #tpu.memory_space<hbm>> -> memref<128x128xf32, #tpu.memory_space<hbm>>
        %dma_start3A_38 = arith.constant 0 : i32
        %dma_start3A_39 = tpu.memref_slice %arg7[%add3A_23, %dma_start3A_38] : memref<320000x128xf32, #tpu.memory_space<hbm>> -> memref<128x128xf32, #tpu.memory_space<hbm>>
        tpu.enqueue_dma source(%arg10 : memref<128x128xf32, #tpu.memory_space<vmem>>) target(%dma_start3A_39 : memref<128x128xf32, #tpu.memory_space<hbm>>) target_semaphore(%run_scoped3A : memref<!tpu.dma_semaphore, #tpu.memory_space<semaphore_mem>>)
        %dma_wait3A_40 = arith.constant 0 : i32
        %dma_wait3A_41 = tpu.memref_slice %arg7[%add3A_23, %dma_wait3A_40] : memref<320000x128xf32, #tpu.memory_space<hbm>> -> memref<128x128xf32, #tpu.memory_space<hbm>>
        %dma_wait3A_42 = arith.constant 0 : i32
        %dma_wait3A_43 = tpu.memref_slice %arg7[%add3A_23, %dma_wait3A_42] : memref<320000x128xf32, #tpu.memory_space<hbm>> -> memref<128x128xf32, #tpu.memory_space<hbm>>
        tpu.wait_dma2 semaphore(%run_scoped3A : memref<!tpu.dma_semaphore, #tpu.memory_space<semaphore_mem>>) src(%arg10 : memref<128x128xf32, #tpu.memory_space<vmem>>) dst(%dma_wait3A_43 : memref<128x128xf32, #tpu.memory_space<hbm>>)
        tpu.yield
      }) : () -> ()
    }
    %scan3A_7 = arith.constant 78 : i32
    %add3A_8 = arith.constant 9984 : i32
    %add3A_9 = arith.addi %mul3A_2, %add3A_8 : i32
    "tpu.region"() ({
      %run_scoped3A = tpu.sem_alloc : memref<!tpu.dma_semaphore, #tpu.memory_space<semaphore_mem>>
      %dma_start3A_20 = tpu.memref_slice %arg4[%add3A_9] : memref<320000xi32, #tpu.memory_space<hbm>> -> memref<16xi32, #tpu.memory_space<hbm>>
      %dma_start3A_21 = tpu.memref_slice %arg4[%add3A_9] : memref<320000xi32, #tpu.memory_space<hbm>> -> memref<16xi32, #tpu.memory_space<hbm>>
      tpu.enqueue_dma source(%dma_start3A_21 : memref<16xi32, #tpu.memory_space<hbm>>) target(%arg9 : memref<16xi32, #tpu.memory_space<vmem>>) target_semaphore(%run_scoped3A : memref<!tpu.dma_semaphore, #tpu.memory_space<semaphore_mem>>)
      %dma_wait3A_22 = tpu.memref_slice %arg4[%add3A_9] : memref<320000xi32, #tpu.memory_space<hbm>> -> memref<16xi32, #tpu.memory_space<hbm>>
      %dma_wait3A_23 = tpu.memref_slice %arg4[%add3A_9] : memref<320000xi32, #tpu.memory_space<hbm>> -> memref<16xi32, #tpu.memory_space<hbm>>
      tpu.wait_dma2 semaphore(%run_scoped3A : memref<!tpu.dma_semaphore, #tpu.memory_space<semaphore_mem>>) src(%dma_wait3A_23 : memref<16xi32, #tpu.memory_space<hbm>>) dst(%arg9 : memref<16xi32, #tpu.memory_space<vmem>>)
      tpu.yield
    }) : () -> ()
    %dma_start3A = arith.constant 0 : i32
    %dma_start3A_10 = arith.constant 0 : i32
    %dma_start3A_11 = tpu.memref_slice %arg2[%dma_start3A, %dma_start3A_10] : memref<10000x128xf32, #tpu.memory_space<hbm>> -> memref<10000x128xf32, #tpu.memory_space<hbm>>
    tpu.enqueue_indirect_dma source(%dma_start3A_11 : memref<10000x128xf32, #tpu.memory_space<hbm>>) target(%arg11 : memref<16x128xf32, #tpu.memory_space<vmem>>) offsets(%arg9 : memref<16xi32, #tpu.memory_space<vmem>>) semaphore(%arg12 : memref<!tpu.dma_semaphore, #tpu.memory_space<semaphore_mem>>)
    %dma_wait3A = arith.constant 0 : i32
    %dma_wait3A_12 = arith.constant 0 : i32
    %dma_wait3A_13 = tpu.memref_slice %arg2[%dma_wait3A, %dma_wait3A_12] : memref<10000x128xf32, #tpu.memory_space<hbm>> -> memref<10000x128xf32, #tpu.memory_space<hbm>>
    tpu.wait_indirect_dma semaphore(%arg12 : memref<!tpu.dma_semaphore, #tpu.memory_space<semaphore_mem>>) src(%dma_wait3A_13 : memref<10000x128xf32, #tpu.memory_space<hbm>>) dst(%arg11 : memref<16x128xf32, #tpu.memory_space<vmem>>)
    "tpu.region"() ({
      %run_scoped3A = tpu.sem_alloc : memref<!tpu.dma_semaphore, #tpu.memory_space<semaphore_mem>>
      %dma_start3A_20 = arith.constant 0 : i32
      %dma_start3A_21 = tpu.memref_slice %arg6[%add3A_9, %dma_start3A_20] : memref<320000x128xf32, #tpu.memory_space<hbm>> -> memref<16x128xf32, #tpu.memory_space<hbm>>
      %dma_start3A_22 = arith.constant 0 : i32
      %dma_start3A_23 = tpu.memref_slice %arg6[%add3A_9, %dma_start3A_22] : memref<320000x128xf32, #tpu.memory_space<hbm>> -> memref<16x128xf32, #tpu.memory_space<hbm>>
      tpu.enqueue_dma source(%arg11 : memref<16x128xf32, #tpu.memory_space<vmem>>) target(%dma_start3A_23 : memref<16x128xf32, #tpu.memory_space<hbm>>) target_semaphore(%run_scoped3A : memref<!tpu.dma_semaphore, #tpu.memory_space<semaphore_mem>>)
      %dma_wait3A_24 = arith.constant 0 : i32
      %dma_wait3A_25 = tpu.memref_slice %arg6[%add3A_9, %dma_wait3A_24] : memref<320000x128xf32, #tpu.memory_space<hbm>> -> memref<16x128xf32, #tpu.memory_space<hbm>>
      %dma_wait3A_26 = arith.constant 0 : i32
      %dma_wait3A_27 = tpu.memref_slice %arg6[%add3A_9, %dma_wait3A_26] : memref<320000x128xf32, #tpu.memory_space<hbm>> -> memref<16x128xf32, #tpu.memory_space<hbm>>
      tpu.wait_dma2 semaphore(%run_scoped3A : memref<!tpu.dma_semaphore, #tpu.memory_space<semaphore_mem>>) src(%arg11 : memref<16x128xf32, #tpu.memory_space<vmem>>) dst(%dma_wait3A_27 : memref<16x128xf32, #tpu.memory_space<hbm>>)
      tpu.yield
    }) : () -> ()
    "tpu.region"() ({
      %run_scoped3A = tpu.sem_alloc : memref<!tpu.dma_semaphore, #tpu.memory_space<semaphore_mem>>
      %dma_start3A_20 = tpu.memref_slice %arg5[%add3A_9] : memref<320000xi32, #tpu.memory_space<hbm>> -> memref<16xi32, #tpu.memory_space<hbm>>
      %dma_start3A_21 = tpu.memref_slice %arg5[%add3A_9] : memref<320000xi32, #tpu.memory_space<hbm>> -> memref<16xi32, #tpu.memory_space<hbm>>
      tpu.enqueue_dma source(%dma_start3A_21 : memref<16xi32, #tpu.memory_space<hbm>>) target(%arg9 : memref<16xi32, #tpu.memory_space<vmem>>) target_semaphore(%run_scoped3A : memref<!tpu.dma_semaphore, #tpu.memory_space<semaphore_mem>>)
      %dma_wait3A_22 = tpu.memref_slice %arg5[%add3A_9] : memref<320000xi32, #tpu.memory_space<hbm>> -> memref<16xi32, #tpu.memory_space<hbm>>
      %dma_wait3A_23 = tpu.memref_slice %arg5[%add3A_9] : memref<320000xi32, #tpu.memory_space<hbm>> -> memref<16xi32, #tpu.memory_space<hbm>>
      tpu.wait_dma2 semaphore(%run_scoped3A : memref<!tpu.dma_semaphore, #tpu.memory_space<semaphore_mem>>) src(%dma_wait3A_23 : memref<16xi32, #tpu.memory_space<hbm>>) dst(%arg9 : memref<16xi32, #tpu.memory_space<vmem>>)
      tpu.yield
    }) : () -> ()
    %dma_start3A_14 = arith.constant 0 : i32
    %dma_start3A_15 = arith.constant 0 : i32
    %dma_start3A_16 = tpu.memref_slice %arg3[%dma_start3A_14, %dma_start3A_15] : memref<10000x128xf32, #tpu.memory_space<hbm>> -> memref<10000x128xf32, #tpu.memory_space<hbm>>
    tpu.enqueue_indirect_dma source(%dma_start3A_16 : memref<10000x128xf32, #tpu.memory_space<hbm>>) target(%arg11 : memref<16x128xf32, #tpu.memory_space<vmem>>) offsets(%arg9 : memref<16xi32, #tpu.memory_space<vmem>>) semaphore(%arg12 : memref<!tpu.dma_semaphore, #tpu.memory_space<semaphore_mem>>)
    %dma_wait3A_17 = arith.constant 0 : i32
    %dma_wait3A_18 = arith.constant 0 : i32
    %dma_wait3A_19 = tpu.memref_slice %arg3[%dma_wait3A_17, %dma_wait3A_18] : memref<10000x128xf32, #tpu.memory_space<hbm>> -> memref<10000x128xf32, #tpu.memory_space<hbm>>
    tpu.wait_indirect_dma semaphore(%arg12 : memref<!tpu.dma_semaphore, #tpu.memory_space<semaphore_mem>>) src(%dma_wait3A_19 : memref<10000x128xf32, #tpu.memory_space<hbm>>) dst(%arg11 : memref<16x128xf32, #tpu.memory_space<vmem>>)
    "tpu.region"() ({
      %run_scoped3A = tpu.sem_alloc : memref<!tpu.dma_semaphore, #tpu.memory_space<semaphore_mem>>
      %dma_start3A_20 = arith.constant 0 : i32
      %dma_start3A_21 = tpu.memref_slice %arg7[%add3A_9, %dma_start3A_20] : memref<320000x128xf32, #tpu.memory_space<hbm>> -> memref<16x128xf32, #tpu.memory_space<hbm>>
      %dma_start3A_22 = arith.constant 0 : i32
      %dma_start3A_23 = tpu.memref_slice %arg7[%add3A_9, %dma_start3A_22] : memref<320000x128xf32, #tpu.memory_space<hbm>> -> memref<16x128xf32, #tpu.memory_space<hbm>>
      tpu.enqueue_dma source(%arg11 : memref<16x128xf32, #tpu.memory_space<vmem>>) target(%dma_start3A_23 : memref<16x128xf32, #tpu.memory_space<hbm>>) target_semaphore(%run_scoped3A : memref<!tpu.dma_semaphore, #tpu.memory_space<semaphore_mem>>)
      %dma_wait3A_24 = arith.constant 0 : i32
      %dma_wait3A_25 = tpu.memref_slice %arg7[%add3A_9, %dma_wait3A_24] : memref<320000x128xf32, #tpu.memory_space<hbm>> -> memref<16x128xf32, #tpu.memory_space<hbm>>
      %dma_wait3A_26 = arith.constant 0 : i32
      %dma_wait3A_27 = tpu.memref_slice %arg7[%add3A_9, %dma_wait3A_26] : memref<320000x128xf32, #tpu.memory_space<hbm>> -> memref<16x128xf32, #tpu.memory_space<hbm>>
      tpu.wait_dma2 semaphore(%run_scoped3A : memref<!tpu.dma_semaphore, #tpu.memory_space<semaphore_mem>>) src(%arg11 : memref<16x128xf32, #tpu.memory_space<vmem>>) dst(%dma_wait3A_27 : memref<16x128xf32, #tpu.memory_space<hbm>>)
      tpu.yield
    }) : () -> ()
    return
  }
}

#map = affine_map<(d0, d1) -> (0, 0)>
#map1 = affine_map<(d0, d1) -> (0)>
module attributes {stable_mosaic.version = 14 : i64} {
  func.func @_gather_body(%arg0: i32, %arg1: i32, %arg2: memref<10000x128xf32, #tpu.memory_space<hbm>>, %arg3: memref<10000x128xf32, #tpu.memory_space<hbm>>, %arg4: memref<10000x128xf32, #tpu.memory_space<hbm>>, %arg5: memref<320000xi32, #tpu.memory_space<hbm>>, %arg6: memref<320000xi32, #tpu.memory_space<hbm>>, %arg7: memref<320000x128xf32, #tpu.memory_space<hbm>>, %arg8: memref<320000x128xf32, #tpu.memory_space<hbm>>, %arg9: memref<320000x128xf32, #tpu.memory_space<hbm>>, %arg10: memref<320000x128xf32, #tpu.memory_space<hbm>>, %arg11: memref<128xi32, #tpu.memory_space<vmem>>, %arg12: memref<16xi32, #tpu.memory_space<vmem>>, %arg13: memref<128x128xf32, #tpu.memory_space<vmem>>, %arg14: memref<16x128xf32, #tpu.memory_space<vmem>>, %arg15: memref<128x128xf32, #tpu.memory_space<vmem>>, %arg16: memref<16x128xf32, #tpu.memory_space<vmem>>, %arg17: memref<!tpu.dma_semaphore, #tpu.memory_space<semaphore_mem>>) attributes {dimension_semantics = [#tpu.dimension_semantics<core_parallel>, #tpu.dimension_semantics<subcore_parallel>], iteration_bounds = array<i64: 2, 16>, scalar_prefetch = 0 : i64, scratch_operands = 7 : i64, tpu.core_type = #tpu.core_type<sc_vector_subcore>, window_params = [{transform_indices = #map}, {transform_indices = #map}, {transform_indices = #map}, {transform_indices = #map1}, {transform_indices = #map1}, {transform_indices = #map}, {transform_indices = #map}, {transform_indices = #map}, {transform_indices = #map}]} {
    %mul3A = arith.constant 16 : i32
    %mul3A_0 = arith.muli %arg0, %mul3A : i32
    %add3A = arith.addi %mul3A_0, %arg1 : i32
    %mul3A_1 = arith.constant 10000 : i32
    %mul3A_2 = arith.muli %add3A, %mul3A_1 : i32
    %scan3A = arith.constant 0 : i32
    %scan3A_3 = arith.constant 0 : i32
    %scan3A_4 = arith.constant 78 : i32
    %scan3A_5 = arith.addi %scan3A_3, %scan3A_4 : i32
    %scan3A_6 = arith.constant 1 : i32
    scf.for %scan3A_32 = %scan3A_3 to %scan3A_5 step %scan3A_6  : i32 {
      %mul3A_33 = arith.constant 128 : i32
      %mul3A_34 = arith.muli %scan3A_32, %mul3A_33 : i32
      %add3A_35 = arith.addi %mul3A_2, %mul3A_34 : i32
      "tpu.region"() ({
        %run_scoped3A = tpu.sem_alloc : memref<!tpu.dma_semaphore, #tpu.memory_space<semaphore_mem>>
        %dma_start3A_60 = tpu.memref_slice %arg5[%add3A_35] : memref<320000xi32, #tpu.memory_space<hbm>> -> memref<128xi32, #tpu.memory_space<hbm>>
        %dma_start3A_61 = tpu.memref_slice %arg5[%add3A_35] : memref<320000xi32, #tpu.memory_space<hbm>> -> memref<128xi32, #tpu.memory_space<hbm>>
        tpu.enqueue_dma source(%dma_start3A_61 : memref<128xi32, #tpu.memory_space<hbm>>) target(%arg11 : memref<128xi32, #tpu.memory_space<vmem>>) target_semaphore(%run_scoped3A : memref<!tpu.dma_semaphore, #tpu.memory_space<semaphore_mem>>)
        %dma_wait3A_62 = tpu.memref_slice %arg5[%add3A_35] : memref<320000xi32, #tpu.memory_space<hbm>> -> memref<128xi32, #tpu.memory_space<hbm>>
        %dma_wait3A_63 = tpu.memref_slice %arg5[%add3A_35] : memref<320000xi32, #tpu.memory_space<hbm>> -> memref<128xi32, #tpu.memory_space<hbm>>
        tpu.wait_dma2 semaphore(%run_scoped3A : memref<!tpu.dma_semaphore, #tpu.memory_space<semaphore_mem>>) src(%dma_wait3A_63 : memref<128xi32, #tpu.memory_space<hbm>>) dst(%arg11 : memref<128xi32, #tpu.memory_space<vmem>>)
        tpu.yield
      }) : () -> ()
      %dma_start3A_36 = arith.constant 0 : i32
      %dma_start3A_37 = arith.constant 0 : i32
      %dma_start3A_38 = tpu.memref_slice %arg2[%dma_start3A_36, %dma_start3A_37] : memref<10000x128xf32, #tpu.memory_space<hbm>> -> memref<10000x128xf32, #tpu.memory_space<hbm>>
      tpu.enqueue_indirect_dma source(%dma_start3A_38 : memref<10000x128xf32, #tpu.memory_space<hbm>>) target(%arg13 : memref<128x128xf32, #tpu.memory_space<vmem>>) offsets(%arg11 : memref<128xi32, #tpu.memory_space<vmem>>) semaphore(%arg17 : memref<!tpu.dma_semaphore, #tpu.memory_space<semaphore_mem>>)
      %dma_start3A_39 = arith.constant 0 : i32
      %dma_start3A_40 = arith.constant 0 : i32
      %dma_start3A_41 = tpu.memref_slice %arg4[%dma_start3A_39, %dma_start3A_40] : memref<10000x128xf32, #tpu.memory_space<hbm>> -> memref<10000x128xf32, #tpu.memory_space<hbm>>
      tpu.enqueue_indirect_dma source(%dma_start3A_41 : memref<10000x128xf32, #tpu.memory_space<hbm>>) target(%arg15 : memref<128x128xf32, #tpu.memory_space<vmem>>) offsets(%arg11 : memref<128xi32, #tpu.memory_space<vmem>>) semaphore(%arg17 : memref<!tpu.dma_semaphore, #tpu.memory_space<semaphore_mem>>)
      %dma_wait3A_42 = arith.constant 0 : i32
      %dma_wait3A_43 = arith.constant 0 : i32
      %dma_wait3A_44 = tpu.memref_slice %arg2[%dma_wait3A_42, %dma_wait3A_43] : memref<10000x128xf32, #tpu.memory_space<hbm>> -> memref<10000x128xf32, #tpu.memory_space<hbm>>
      tpu.wait_indirect_dma semaphore(%arg17 : memref<!tpu.dma_semaphore, #tpu.memory_space<semaphore_mem>>) src(%dma_wait3A_44 : memref<10000x128xf32, #tpu.memory_space<hbm>>) dst(%arg13 : memref<128x128xf32, #tpu.memory_space<vmem>>)
      %dma_wait3A_45 = arith.constant 0 : i32
      %dma_wait3A_46 = arith.constant 0 : i32
      %dma_wait3A_47 = tpu.memref_slice %arg4[%dma_wait3A_45, %dma_wait3A_46] : memref<10000x128xf32, #tpu.memory_space<hbm>> -> memref<10000x128xf32, #tpu.memory_space<hbm>>
      tpu.wait_indirect_dma semaphore(%arg17 : memref<!tpu.dma_semaphore, #tpu.memory_space<semaphore_mem>>) src(%dma_wait3A_47 : memref<10000x128xf32, #tpu.memory_space<hbm>>) dst(%arg15 : memref<128x128xf32, #tpu.memory_space<vmem>>)
      "tpu.region"() ({
        %run_scoped3A = tpu.sem_alloc : memref<!tpu.dma_semaphore, #tpu.memory_space<semaphore_mem>>
        %dma_start3A_60 = arith.constant 0 : i32
        %dma_start3A_61 = tpu.memref_slice %arg7[%add3A_35, %dma_start3A_60] : memref<320000x128xf32, #tpu.memory_space<hbm>> -> memref<128x128xf32, #tpu.memory_space<hbm>>
        %dma_start3A_62 = arith.constant 0 : i32
        %dma_start3A_63 = tpu.memref_slice %arg7[%add3A_35, %dma_start3A_62] : memref<320000x128xf32, #tpu.memory_space<hbm>> -> memref<128x128xf32, #tpu.memory_space<hbm>>
        tpu.enqueue_dma source(%arg13 : memref<128x128xf32, #tpu.memory_space<vmem>>) target(%dma_start3A_63 : memref<128x128xf32, #tpu.memory_space<hbm>>) target_semaphore(%run_scoped3A : memref<!tpu.dma_semaphore, #tpu.memory_space<semaphore_mem>>)
        %dma_wait3A_64 = arith.constant 0 : i32
        %dma_wait3A_65 = tpu.memref_slice %arg7[%add3A_35, %dma_wait3A_64] : memref<320000x128xf32, #tpu.memory_space<hbm>> -> memref<128x128xf32, #tpu.memory_space<hbm>>
        %dma_wait3A_66 = arith.constant 0 : i32
        %dma_wait3A_67 = tpu.memref_slice %arg7[%add3A_35, %dma_wait3A_66] : memref<320000x128xf32, #tpu.memory_space<hbm>> -> memref<128x128xf32, #tpu.memory_space<hbm>>
        tpu.wait_dma2 semaphore(%run_scoped3A : memref<!tpu.dma_semaphore, #tpu.memory_space<semaphore_mem>>) src(%arg13 : memref<128x128xf32, #tpu.memory_space<vmem>>) dst(%dma_wait3A_67 : memref<128x128xf32, #tpu.memory_space<hbm>>)
        tpu.yield
      }) : () -> ()
      "tpu.region"() ({
        %run_scoped3A = tpu.sem_alloc : memref<!tpu.dma_semaphore, #tpu.memory_space<semaphore_mem>>
        %dma_start3A_60 = arith.constant 0 : i32
        %dma_start3A_61 = tpu.memref_slice %arg9[%add3A_35, %dma_start3A_60] : memref<320000x128xf32, #tpu.memory_space<hbm>> -> memref<128x128xf32, #tpu.memory_space<hbm>>
        %dma_start3A_62 = arith.constant 0 : i32
        %dma_start3A_63 = tpu.memref_slice %arg9[%add3A_35, %dma_start3A_62] : memref<320000x128xf32, #tpu.memory_space<hbm>> -> memref<128x128xf32, #tpu.memory_space<hbm>>
        tpu.enqueue_dma source(%arg15 : memref<128x128xf32, #tpu.memory_space<vmem>>) target(%dma_start3A_63 : memref<128x128xf32, #tpu.memory_space<hbm>>) target_semaphore(%run_scoped3A : memref<!tpu.dma_semaphore, #tpu.memory_space<semaphore_mem>>)
        %dma_wait3A_64 = arith.constant 0 : i32
        %dma_wait3A_65 = tpu.memref_slice %arg9[%add3A_35, %dma_wait3A_64] : memref<320000x128xf32, #tpu.memory_space<hbm>> -> memref<128x128xf32, #tpu.memory_space<hbm>>
        %dma_wait3A_66 = arith.constant 0 : i32
        %dma_wait3A_67 = tpu.memref_slice %arg9[%add3A_35, %dma_wait3A_66] : memref<320000x128xf32, #tpu.memory_space<hbm>> -> memref<128x128xf32, #tpu.memory_space<hbm>>
        tpu.wait_dma2 semaphore(%run_scoped3A : memref<!tpu.dma_semaphore, #tpu.memory_space<semaphore_mem>>) src(%arg15 : memref<128x128xf32, #tpu.memory_space<vmem>>) dst(%dma_wait3A_67 : memref<128x128xf32, #tpu.memory_space<hbm>>)
        tpu.yield
      }) : () -> ()
      "tpu.region"() ({
        %run_scoped3A = tpu.sem_alloc : memref<!tpu.dma_semaphore, #tpu.memory_space<semaphore_mem>>
        %dma_start3A_60 = tpu.memref_slice %arg6[%add3A_35] : memref<320000xi32, #tpu.memory_space<hbm>> -> memref<128xi32, #tpu.memory_space<hbm>>
        %dma_start3A_61 = tpu.memref_slice %arg6[%add3A_35] : memref<320000xi32, #tpu.memory_space<hbm>> -> memref<128xi32, #tpu.memory_space<hbm>>
        tpu.enqueue_dma source(%dma_start3A_61 : memref<128xi32, #tpu.memory_space<hbm>>) target(%arg11 : memref<128xi32, #tpu.memory_space<vmem>>) target_semaphore(%run_scoped3A : memref<!tpu.dma_semaphore, #tpu.memory_space<semaphore_mem>>)
        %dma_wait3A_62 = tpu.memref_slice %arg6[%add3A_35] : memref<320000xi32, #tpu.memory_space<hbm>> -> memref<128xi32, #tpu.memory_space<hbm>>
        %dma_wait3A_63 = tpu.memref_slice %arg6[%add3A_35] : memref<320000xi32, #tpu.memory_space<hbm>> -> memref<128xi32, #tpu.memory_space<hbm>>
        tpu.wait_dma2 semaphore(%run_scoped3A : memref<!tpu.dma_semaphore, #tpu.memory_space<semaphore_mem>>) src(%dma_wait3A_63 : memref<128xi32, #tpu.memory_space<hbm>>) dst(%arg11 : memref<128xi32, #tpu.memory_space<vmem>>)
        tpu.yield
      }) : () -> ()
      %dma_start3A_48 = arith.constant 0 : i32
      %dma_start3A_49 = arith.constant 0 : i32
      %dma_start3A_50 = tpu.memref_slice %arg3[%dma_start3A_48, %dma_start3A_49] : memref<10000x128xf32, #tpu.memory_space<hbm>> -> memref<10000x128xf32, #tpu.memory_space<hbm>>
      tpu.enqueue_indirect_dma source(%dma_start3A_50 : memref<10000x128xf32, #tpu.memory_space<hbm>>) target(%arg13 : memref<128x128xf32, #tpu.memory_space<vmem>>) offsets(%arg11 : memref<128xi32, #tpu.memory_space<vmem>>) semaphore(%arg17 : memref<!tpu.dma_semaphore, #tpu.memory_space<semaphore_mem>>)
      %dma_start3A_51 = arith.constant 0 : i32
      %dma_start3A_52 = arith.constant 0 : i32
      %dma_start3A_53 = tpu.memref_slice %arg4[%dma_start3A_51, %dma_start3A_52] : memref<10000x128xf32, #tpu.memory_space<hbm>> -> memref<10000x128xf32, #tpu.memory_space<hbm>>
      tpu.enqueue_indirect_dma source(%dma_start3A_53 : memref<10000x128xf32, #tpu.memory_space<hbm>>) target(%arg15 : memref<128x128xf32, #tpu.memory_space<vmem>>) offsets(%arg11 : memref<128xi32, #tpu.memory_space<vmem>>) semaphore(%arg17 : memref<!tpu.dma_semaphore, #tpu.memory_space<semaphore_mem>>)
      %dma_wait3A_54 = arith.constant 0 : i32
      %dma_wait3A_55 = arith.constant 0 : i32
      %dma_wait3A_56 = tpu.memref_slice %arg3[%dma_wait3A_54, %dma_wait3A_55] : memref<10000x128xf32, #tpu.memory_space<hbm>> -> memref<10000x128xf32, #tpu.memory_space<hbm>>
      tpu.wait_indirect_dma semaphore(%arg17 : memref<!tpu.dma_semaphore, #tpu.memory_space<semaphore_mem>>) src(%dma_wait3A_56 : memref<10000x128xf32, #tpu.memory_space<hbm>>) dst(%arg13 : memref<128x128xf32, #tpu.memory_space<vmem>>)
      %dma_wait3A_57 = arith.constant 0 : i32
      %dma_wait3A_58 = arith.constant 0 : i32
      %dma_wait3A_59 = tpu.memref_slice %arg4[%dma_wait3A_57, %dma_wait3A_58] : memref<10000x128xf32, #tpu.memory_space<hbm>> -> memref<10000x128xf32, #tpu.memory_space<hbm>>
      tpu.wait_indirect_dma semaphore(%arg17 : memref<!tpu.dma_semaphore, #tpu.memory_space<semaphore_mem>>) src(%dma_wait3A_59 : memref<10000x128xf32, #tpu.memory_space<hbm>>) dst(%arg15 : memref<128x128xf32, #tpu.memory_space<vmem>>)
      "tpu.region"() ({
        %run_scoped3A = tpu.sem_alloc : memref<!tpu.dma_semaphore, #tpu.memory_space<semaphore_mem>>
        %dma_start3A_60 = arith.constant 0 : i32
        %dma_start3A_61 = tpu.memref_slice %arg8[%add3A_35, %dma_start3A_60] : memref<320000x128xf32, #tpu.memory_space<hbm>> -> memref<128x128xf32, #tpu.memory_space<hbm>>
        %dma_start3A_62 = arith.constant 0 : i32
        %dma_start3A_63 = tpu.memref_slice %arg8[%add3A_35, %dma_start3A_62] : memref<320000x128xf32, #tpu.memory_space<hbm>> -> memref<128x128xf32, #tpu.memory_space<hbm>>
        tpu.enqueue_dma source(%arg13 : memref<128x128xf32, #tpu.memory_space<vmem>>) target(%dma_start3A_63 : memref<128x128xf32, #tpu.memory_space<hbm>>) target_semaphore(%run_scoped3A : memref<!tpu.dma_semaphore, #tpu.memory_space<semaphore_mem>>)
        %dma_wait3A_64 = arith.constant 0 : i32
        %dma_wait3A_65 = tpu.memref_slice %arg8[%add3A_35, %dma_wait3A_64] : memref<320000x128xf32, #tpu.memory_space<hbm>> -> memref<128x128xf32, #tpu.memory_space<hbm>>
        %dma_wait3A_66 = arith.constant 0 : i32
        %dma_wait3A_67 = tpu.memref_slice %arg8[%add3A_35, %dma_wait3A_66] : memref<320000x128xf32, #tpu.memory_space<hbm>> -> memref<128x128xf32, #tpu.memory_space<hbm>>
        tpu.wait_dma2 semaphore(%run_scoped3A : memref<!tpu.dma_semaphore, #tpu.memory_space<semaphore_mem>>) src(%arg13 : memref<128x128xf32, #tpu.memory_space<vmem>>) dst(%dma_wait3A_67 : memref<128x128xf32, #tpu.memory_space<hbm>>)
        tpu.yield
      }) : () -> ()
      "tpu.region"() ({
        %run_scoped3A = tpu.sem_alloc : memref<!tpu.dma_semaphore, #tpu.memory_space<semaphore_mem>>
        %dma_start3A_60 = arith.constant 0 : i32
        %dma_start3A_61 = tpu.memref_slice %arg10[%add3A_35, %dma_start3A_60] : memref<320000x128xf32, #tpu.memory_space<hbm>> -> memref<128x128xf32, #tpu.memory_space<hbm>>
        %dma_start3A_62 = arith.constant 0 : i32
        %dma_start3A_63 = tpu.memref_slice %arg10[%add3A_35, %dma_start3A_62] : memref<320000x128xf32, #tpu.memory_space<hbm>> -> memref<128x128xf32, #tpu.memory_space<hbm>>
        tpu.enqueue_dma source(%arg15 : memref<128x128xf32, #tpu.memory_space<vmem>>) target(%dma_start3A_63 : memref<128x128xf32, #tpu.memory_space<hbm>>) target_semaphore(%run_scoped3A : memref<!tpu.dma_semaphore, #tpu.memory_space<semaphore_mem>>)
        %dma_wait3A_64 = arith.constant 0 : i32
        %dma_wait3A_65 = tpu.memref_slice %arg10[%add3A_35, %dma_wait3A_64] : memref<320000x128xf32, #tpu.memory_space<hbm>> -> memref<128x128xf32, #tpu.memory_space<hbm>>
        %dma_wait3A_66 = arith.constant 0 : i32
        %dma_wait3A_67 = tpu.memref_slice %arg10[%add3A_35, %dma_wait3A_66] : memref<320000x128xf32, #tpu.memory_space<hbm>> -> memref<128x128xf32, #tpu.memory_space<hbm>>
        tpu.wait_dma2 semaphore(%run_scoped3A : memref<!tpu.dma_semaphore, #tpu.memory_space<semaphore_mem>>) src(%arg15 : memref<128x128xf32, #tpu.memory_space<vmem>>) dst(%dma_wait3A_67 : memref<128x128xf32, #tpu.memory_space<hbm>>)
        tpu.yield
      }) : () -> ()
    }
    %scan3A_7 = arith.constant 78 : i32
    %add3A_8 = arith.constant 9984 : i32
    %add3A_9 = arith.addi %mul3A_2, %add3A_8 : i32
    "tpu.region"() ({
      %run_scoped3A = tpu.sem_alloc : memref<!tpu.dma_semaphore, #tpu.memory_space<semaphore_mem>>
      %dma_start3A_32 = tpu.memref_slice %arg5[%add3A_9] : memref<320000xi32, #tpu.memory_space<hbm>> -> memref<16xi32, #tpu.memory_space<hbm>>
      %dma_start3A_33 = tpu.memref_slice %arg5[%add3A_9] : memref<320000xi32, #tpu.memory_space<hbm>> -> memref<16xi32, #tpu.memory_space<hbm>>
      tpu.enqueue_dma source(%dma_start3A_33 : memref<16xi32, #tpu.memory_space<hbm>>) target(%arg12 : memref<16xi32, #tpu.memory_space<vmem>>) target_semaphore(%run_scoped3A : memref<!tpu.dma_semaphore, #tpu.memory_space<semaphore_mem>>)
      %dma_wait3A_34 = tpu.memref_slice %arg5[%add3A_9] : memref<320000xi32, #tpu.memory_space<hbm>> -> memref<16xi32, #tpu.memory_space<hbm>>
      %dma_wait3A_35 = tpu.memref_slice %arg5[%add3A_9] : memref<320000xi32, #tpu.memory_space<hbm>> -> memref<16xi32, #tpu.memory_space<hbm>>
      tpu.wait_dma2 semaphore(%run_scoped3A : memref<!tpu.dma_semaphore, #tpu.memory_space<semaphore_mem>>) src(%dma_wait3A_35 : memref<16xi32, #tpu.memory_space<hbm>>) dst(%arg12 : memref<16xi32, #tpu.memory_space<vmem>>)
      tpu.yield
    }) : () -> ()
    %dma_start3A = arith.constant 0 : i32
    %dma_start3A_10 = arith.constant 0 : i32
    %dma_start3A_11 = tpu.memref_slice %arg2[%dma_start3A, %dma_start3A_10] : memref<10000x128xf32, #tpu.memory_space<hbm>> -> memref<10000x128xf32, #tpu.memory_space<hbm>>
    tpu.enqueue_indirect_dma source(%dma_start3A_11 : memref<10000x128xf32, #tpu.memory_space<hbm>>) target(%arg14 : memref<16x128xf32, #tpu.memory_space<vmem>>) offsets(%arg12 : memref<16xi32, #tpu.memory_space<vmem>>) semaphore(%arg17 : memref<!tpu.dma_semaphore, #tpu.memory_space<semaphore_mem>>)
    %dma_start3A_12 = arith.constant 0 : i32
    %dma_start3A_13 = arith.constant 0 : i32
    %dma_start3A_14 = tpu.memref_slice %arg4[%dma_start3A_12, %dma_start3A_13] : memref<10000x128xf32, #tpu.memory_space<hbm>> -> memref<10000x128xf32, #tpu.memory_space<hbm>>
    tpu.enqueue_indirect_dma source(%dma_start3A_14 : memref<10000x128xf32, #tpu.memory_space<hbm>>) target(%arg16 : memref<16x128xf32, #tpu.memory_space<vmem>>) offsets(%arg12 : memref<16xi32, #tpu.memory_space<vmem>>) semaphore(%arg17 : memref<!tpu.dma_semaphore, #tpu.memory_space<semaphore_mem>>)
    %dma_wait3A = arith.constant 0 : i32
    %dma_wait3A_15 = arith.constant 0 : i32
    %dma_wait3A_16 = tpu.memref_slice %arg2[%dma_wait3A, %dma_wait3A_15] : memref<10000x128xf32, #tpu.memory_space<hbm>> -> memref<10000x128xf32, #tpu.memory_space<hbm>>
    tpu.wait_indirect_dma semaphore(%arg17 : memref<!tpu.dma_semaphore, #tpu.memory_space<semaphore_mem>>) src(%dma_wait3A_16 : memref<10000x128xf32, #tpu.memory_space<hbm>>) dst(%arg14 : memref<16x128xf32, #tpu.memory_space<vmem>>)
    %dma_wait3A_17 = arith.constant 0 : i32
    %dma_wait3A_18 = arith.constant 0 : i32
    %dma_wait3A_19 = tpu.memref_slice %arg4[%dma_wait3A_17, %dma_wait3A_18] : memref<10000x128xf32, #tpu.memory_space<hbm>> -> memref<10000x128xf32, #tpu.memory_space<hbm>>
    tpu.wait_indirect_dma semaphore(%arg17 : memref<!tpu.dma_semaphore, #tpu.memory_space<semaphore_mem>>) src(%dma_wait3A_19 : memref<10000x128xf32, #tpu.memory_space<hbm>>) dst(%arg16 : memref<16x128xf32, #tpu.memory_space<vmem>>)
    "tpu.region"() ({
      %run_scoped3A = tpu.sem_alloc : memref<!tpu.dma_semaphore, #tpu.memory_space<semaphore_mem>>
      %dma_start3A_32 = arith.constant 0 : i32
      %dma_start3A_33 = tpu.memref_slice %arg7[%add3A_9, %dma_start3A_32] : memref<320000x128xf32, #tpu.memory_space<hbm>> -> memref<16x128xf32, #tpu.memory_space<hbm>>
      %dma_start3A_34 = arith.constant 0 : i32
      %dma_start3A_35 = tpu.memref_slice %arg7[%add3A_9, %dma_start3A_34] : memref<320000x128xf32, #tpu.memory_space<hbm>> -> memref<16x128xf32, #tpu.memory_space<hbm>>
      tpu.enqueue_dma source(%arg14 : memref<16x128xf32, #tpu.memory_space<vmem>>) target(%dma_start3A_35 : memref<16x128xf32, #tpu.memory_space<hbm>>) target_semaphore(%run_scoped3A : memref<!tpu.dma_semaphore, #tpu.memory_space<semaphore_mem>>)
      %dma_wait3A_36 = arith.constant 0 : i32
      %dma_wait3A_37 = tpu.memref_slice %arg7[%add3A_9, %dma_wait3A_36] : memref<320000x128xf32, #tpu.memory_space<hbm>> -> memref<16x128xf32, #tpu.memory_space<hbm>>
      %dma_wait3A_38 = arith.constant 0 : i32
      %dma_wait3A_39 = tpu.memref_slice %arg7[%add3A_9, %dma_wait3A_38] : memref<320000x128xf32, #tpu.memory_space<hbm>> -> memref<16x128xf32, #tpu.memory_space<hbm>>
      tpu.wait_dma2 semaphore(%run_scoped3A : memref<!tpu.dma_semaphore, #tpu.memory_space<semaphore_mem>>) src(%arg14 : memref<16x128xf32, #tpu.memory_space<vmem>>) dst(%dma_wait3A_39 : memref<16x128xf32, #tpu.memory_space<hbm>>)
      tpu.yield
    }) : () -> ()
    "tpu.region"() ({
      %run_scoped3A = tpu.sem_alloc : memref<!tpu.dma_semaphore, #tpu.memory_space<semaphore_mem>>
      %dma_start3A_32 = arith.constant 0 : i32
      %dma_start3A_33 = tpu.memref_slice %arg9[%add3A_9, %dma_start3A_32] : memref<320000x128xf32, #tpu.memory_space<hbm>> -> memref<16x128xf32, #tpu.memory_space<hbm>>
      %dma_start3A_34 = arith.constant 0 : i32
      %dma_start3A_35 = tpu.memref_slice %arg9[%add3A_9, %dma_start3A_34] : memref<320000x128xf32, #tpu.memory_space<hbm>> -> memref<16x128xf32, #tpu.memory_space<hbm>>
      tpu.enqueue_dma source(%arg16 : memref<16x128xf32, #tpu.memory_space<vmem>>) target(%dma_start3A_35 : memref<16x128xf32, #tpu.memory_space<hbm>>) target_semaphore(%run_scoped3A : memref<!tpu.dma_semaphore, #tpu.memory_space<semaphore_mem>>)
      %dma_wait3A_36 = arith.constant 0 : i32
      %dma_wait3A_37 = tpu.memref_slice %arg9[%add3A_9, %dma_wait3A_36] : memref<320000x128xf32, #tpu.memory_space<hbm>> -> memref<16x128xf32, #tpu.memory_space<hbm>>
      %dma_wait3A_38 = arith.constant 0 : i32
      %dma_wait3A_39 = tpu.memref_slice %arg9[%add3A_9, %dma_wait3A_38] : memref<320000x128xf32, #tpu.memory_space<hbm>> -> memref<16x128xf32, #tpu.memory_space<hbm>>
      tpu.wait_dma2 semaphore(%run_scoped3A : memref<!tpu.dma_semaphore, #tpu.memory_space<semaphore_mem>>) src(%arg16 : memref<16x128xf32, #tpu.memory_space<vmem>>) dst(%dma_wait3A_39 : memref<16x128xf32, #tpu.memory_space<hbm>>)
      tpu.yield
    }) : () -> ()
    "tpu.region"() ({
      %run_scoped3A = tpu.sem_alloc : memref<!tpu.dma_semaphore, #tpu.memory_space<semaphore_mem>>
      %dma_start3A_32 = tpu.memref_slice %arg6[%add3A_9] : memref<320000xi32, #tpu.memory_space<hbm>> -> memref<16xi32, #tpu.memory_space<hbm>>
      %dma_start3A_33 = tpu.memref_slice %arg6[%add3A_9] : memref<320000xi32, #tpu.memory_space<hbm>> -> memref<16xi32, #tpu.memory_space<hbm>>
      tpu.enqueue_dma source(%dma_start3A_33 : memref<16xi32, #tpu.memory_space<hbm>>) target(%arg12 : memref<16xi32, #tpu.memory_space<vmem>>) target_semaphore(%run_scoped3A : memref<!tpu.dma_semaphore, #tpu.memory_space<semaphore_mem>>)
      %dma_wait3A_34 = tpu.memref_slice %arg6[%add3A_9] : memref<320000xi32, #tpu.memory_space<hbm>> -> memref<16xi32, #tpu.memory_space<hbm>>
      %dma_wait3A_35 = tpu.memref_slice %arg6[%add3A_9] : memref<320000xi32, #tpu.memory_space<hbm>> -> memref<16xi32, #tpu.memory_space<hbm>>
      tpu.wait_dma2 semaphore(%run_scoped3A : memref<!tpu.dma_semaphore, #tpu.memory_space<semaphore_mem>>) src(%dma_wait3A_35 : memref<16xi32, #tpu.memory_space<hbm>>) dst(%arg12 : memref<16xi32, #tpu.memory_space<vmem>>)
      tpu.yield
    }) : () -> ()
    %dma_start3A_20 = arith.constant 0 : i32
    %dma_start3A_21 = arith.constant 0 : i32
    %dma_start3A_22 = tpu.memref_slice %arg3[%dma_start3A_20, %dma_start3A_21] : memref<10000x128xf32, #tpu.memory_space<hbm>> -> memref<10000x128xf32, #tpu.memory_space<hbm>>
    tpu.enqueue_indirect_dma source(%dma_start3A_22 : memref<10000x128xf32, #tpu.memory_space<hbm>>) target(%arg14 : memref<16x128xf32, #tpu.memory_space<vmem>>) offsets(%arg12 : memref<16xi32, #tpu.memory_space<vmem>>) semaphore(%arg17 : memref<!tpu.dma_semaphore, #tpu.memory_space<semaphore_mem>>)
    %dma_start3A_23 = arith.constant 0 : i32
    %dma_start3A_24 = arith.constant 0 : i32
    %dma_start3A_25 = tpu.memref_slice %arg4[%dma_start3A_23, %dma_start3A_24] : memref<10000x128xf32, #tpu.memory_space<hbm>> -> memref<10000x128xf32, #tpu.memory_space<hbm>>
    tpu.enqueue_indirect_dma source(%dma_start3A_25 : memref<10000x128xf32, #tpu.memory_space<hbm>>) target(%arg16 : memref<16x128xf32, #tpu.memory_space<vmem>>) offsets(%arg12 : memref<16xi32, #tpu.memory_space<vmem>>) semaphore(%arg17 : memref<!tpu.dma_semaphore, #tpu.memory_space<semaphore_mem>>)
    %dma_wait3A_26 = arith.constant 0 : i32
    %dma_wait3A_27 = arith.constant 0 : i32
    %dma_wait3A_28 = tpu.memref_slice %arg3[%dma_wait3A_26, %dma_wait3A_27] : memref<10000x128xf32, #tpu.memory_space<hbm>> -> memref<10000x128xf32, #tpu.memory_space<hbm>>
    tpu.wait_indirect_dma semaphore(%arg17 : memref<!tpu.dma_semaphore, #tpu.memory_space<semaphore_mem>>) src(%dma_wait3A_28 : memref<10000x128xf32, #tpu.memory_space<hbm>>) dst(%arg14 : memref<16x128xf32, #tpu.memory_space<vmem>>)
    %dma_wait3A_29 = arith.constant 0 : i32
    %dma_wait3A_30 = arith.constant 0 : i32
    %dma_wait3A_31 = tpu.memref_slice %arg4[%dma_wait3A_29, %dma_wait3A_30] : memref<10000x128xf32, #tpu.memory_space<hbm>> -> memref<10000x128xf32, #tpu.memory_space<hbm>>
    tpu.wait_indirect_dma semaphore(%arg17 : memref<!tpu.dma_semaphore, #tpu.memory_space<semaphore_mem>>) src(%dma_wait3A_31 : memref<10000x128xf32, #tpu.memory_space<hbm>>) dst(%arg16 : memref<16x128xf32, #tpu.memory_space<vmem>>)
    "tpu.region"() ({
      %run_scoped3A = tpu.sem_alloc : memref<!tpu.dma_semaphore, #tpu.memory_space<semaphore_mem>>
      %dma_start3A_32 = arith.constant 0 : i32
      %dma_start3A_33 = tpu.memref_slice %arg8[%add3A_9, %dma_start3A_32] : memref<320000x128xf32, #tpu.memory_space<hbm>> -> memref<16x128xf32, #tpu.memory_space<hbm>>
      %dma_start3A_34 = arith.constant 0 : i32
      %dma_start3A_35 = tpu.memref_slice %arg8[%add3A_9, %dma_start3A_34] : memref<320000x128xf32, #tpu.memory_space<hbm>> -> memref<16x128xf32, #tpu.memory_space<hbm>>
      tpu.enqueue_dma source(%arg14 : memref<16x128xf32, #tpu.memory_space<vmem>>) target(%dma_start3A_35 : memref<16x128xf32, #tpu.memory_space<hbm>>) target_semaphore(%run_scoped3A : memref<!tpu.dma_semaphore, #tpu.memory_space<semaphore_mem>>)
      %dma_wait3A_36 = arith.constant 0 : i32
      %dma_wait3A_37 = tpu.memref_slice %arg8[%add3A_9, %dma_wait3A_36] : memref<320000x128xf32, #tpu.memory_space<hbm>> -> memref<16x128xf32, #tpu.memory_space<hbm>>
      %dma_wait3A_38 = arith.constant 0 : i32
      %dma_wait3A_39 = tpu.memref_slice %arg8[%add3A_9, %dma_wait3A_38] : memref<320000x128xf32, #tpu.memory_space<hbm>> -> memref<16x128xf32, #tpu.memory_space<hbm>>
      tpu.wait_dma2 semaphore(%run_scoped3A : memref<!tpu.dma_semaphore, #tpu.memory_space<semaphore_mem>>) src(%arg14 : memref<16x128xf32, #tpu.memory_space<vmem>>) dst(%dma_wait3A_39 : memref<16x128xf32, #tpu.memory_space<hbm>>)
      tpu.yield
    }) : () -> ()
    "tpu.region"() ({
      %run_scoped3A = tpu.sem_alloc : memref<!tpu.dma_semaphore, #tpu.memory_space<semaphore_mem>>
      %dma_start3A_32 = arith.constant 0 : i32
      %dma_start3A_33 = tpu.memref_slice %arg10[%add3A_9, %dma_start3A_32] : memref<320000x128xf32, #tpu.memory_space<hbm>> -> memref<16x128xf32, #tpu.memory_space<hbm>>
      %dma_start3A_34 = arith.constant 0 : i32
      %dma_start3A_35 = tpu.memref_slice %arg10[%add3A_9, %dma_start3A_34] : memref<320000x128xf32, #tpu.memory_space<hbm>> -> memref<16x128xf32, #tpu.memory_space<hbm>>
      tpu.enqueue_dma source(%arg16 : memref<16x128xf32, #tpu.memory_space<vmem>>) target(%dma_start3A_35 : memref<16x128xf32, #tpu.memory_space<hbm>>) target_semaphore(%run_scoped3A : memref<!tpu.dma_semaphore, #tpu.memory_space<semaphore_mem>>)
      %dma_wait3A_36 = arith.constant 0 : i32
      %dma_wait3A_37 = tpu.memref_slice %arg10[%add3A_9, %dma_wait3A_36] : memref<320000x128xf32, #tpu.memory_space<hbm>> -> memref<16x128xf32, #tpu.memory_space<hbm>>
      %dma_wait3A_38 = arith.constant 0 : i32
      %dma_wait3A_39 = tpu.memref_slice %arg10[%add3A_9, %dma_wait3A_38] : memref<320000x128xf32, #tpu.memory_space<hbm>> -> memref<16x128xf32, #tpu.memory_space<hbm>>
      tpu.wait_dma2 semaphore(%run_scoped3A : memref<!tpu.dma_semaphore, #tpu.memory_space<semaphore_mem>>) src(%arg16 : memref<16x128xf32, #tpu.memory_space<vmem>>) dst(%dma_wait3A_39 : memref<16x128xf32, #tpu.memory_space<hbm>>)
      tpu.yield
    }) : () -> ()
    return
  }
}

#map = affine_map<(d0, d1) -> (0)>
#map1 = affine_map<(d0, d1) -> (0, 0)>
#map2 = affine_map<(d0, d1) -> (0, 0, 0)>
module attributes {stable_mosaic.version = 14 : i64} {
  func.func @_scatter_body(%arg0: i32, %arg1: i32, %arg2: memref<320000xi32, #tpu.memory_space<hbm>>, %arg3: memref<10240x128xf32, #tpu.memory_space<hbm>>, %arg4: memref<128x128xf32, #tpu.memory_space<hbm>>, %arg5: memref<2x10240x128xf32, #tpu.memory_space<hbm>>, %arg6: memref<128xi32, #tpu.memory_space<vmem>>, %arg7: memref<16xi32, #tpu.memory_space<vmem>>, %arg8: memref<128x128xf32, #tpu.memory_space<vmem>>, %arg9: memref<16x128xf32, #tpu.memory_space<vmem>>, %arg10: memref<10240x128xf32, #tpu.memory_space<vmem_shared>>) attributes {dimension_semantics = [#tpu.dimension_semantics<core_parallel>, #tpu.dimension_semantics<subcore_parallel>], iteration_bounds = array<i64: 2, 16>, scalar_prefetch = 0 : i64, scratch_operands = 5 : i64, tpu.core_type = #tpu.core_type<sc_vector_subcore>, window_params = [{transform_indices = #map}, {transform_indices = #map1}, {transform_indices = #map1}, {transform_indices = #map2}]} {
    %mul3A = arith.constant 16 : i32
    %mul3A_0 = arith.muli %arg0, %mul3A : i32
    %add3A = arith.addi %mul3A_0, %arg1 : i32
    %mul3A_1 = arith.constant 10000 : i32
    %mul3A_2 = arith.muli %add3A, %mul3A_1 : i32
    %mul3A_3 = arith.constant 640 : i32
    %mul3A_4 = arith.muli %arg1, %mul3A_3 : i32
    "tpu.region"() ({
      %run_scoped3A = tpu.sem_alloc : memref<!tpu.dma_semaphore, #tpu.memory_space<semaphore_mem>>
      %dma_start3A = arith.constant 0 : i32
      %dma_start3A_13 = tpu.memref_slice %arg10[%mul3A_4, %dma_start3A] : memref<10240x128xf32, #tpu.memory_space<vmem_shared>> -> memref<640x128xf32, #tpu.memory_space<vmem_shared>>
      %dma_start3A_14 = arith.constant 0 : i32
      %dma_start3A_15 = tpu.memref_slice %arg3[%mul3A_4, %dma_start3A_14] : memref<10240x128xf32, #tpu.memory_space<hbm>> -> memref<640x128xf32, #tpu.memory_space<hbm>>
      tpu.enqueue_dma source(%dma_start3A_15 : memref<640x128xf32, #tpu.memory_space<hbm>>) target(%dma_start3A_13 : memref<640x128xf32, #tpu.memory_space<vmem_shared>>) target_semaphore(%run_scoped3A : memref<!tpu.dma_semaphore, #tpu.memory_space<semaphore_mem>>)
      %dma_wait3A = arith.constant 0 : i32
      %dma_wait3A_16 = tpu.memref_slice %arg10[%mul3A_4, %dma_wait3A] : memref<10240x128xf32, #tpu.memory_space<vmem_shared>> -> memref<640x128xf32, #tpu.memory_space<vmem_shared>>
      %dma_wait3A_17 = arith.constant 0 : i32
      %dma_wait3A_18 = tpu.memref_slice %arg3[%mul3A_4, %dma_wait3A_17] : memref<10240x128xf32, #tpu.memory_space<hbm>> -> memref<640x128xf32, #tpu.memory_space<hbm>>
      tpu.wait_dma2 semaphore(%run_scoped3A : memref<!tpu.dma_semaphore, #tpu.memory_space<semaphore_mem>>) src(%dma_wait3A_18 : memref<640x128xf32, #tpu.memory_space<hbm>>) dst(%dma_wait3A_16 : memref<640x128xf32, #tpu.memory_space<vmem_shared>>)
      tpu.yield
    }) : () -> ()
    "tpu.region"() ({
      %run_scoped3A = tpu.sem_alloc : memref<!tpu.dma_semaphore, #tpu.memory_space<semaphore_mem>>
      tpu.enqueue_dma source(%arg4 : memref<128x128xf32, #tpu.memory_space<hbm>>) target(%arg8 : memref<128x128xf32, #tpu.memory_space<vmem>>) target_semaphore(%run_scoped3A : memref<!tpu.dma_semaphore, #tpu.memory_space<semaphore_mem>>)
      tpu.wait_dma2 semaphore(%run_scoped3A : memref<!tpu.dma_semaphore, #tpu.memory_space<semaphore_mem>>) src(%arg4 : memref<128x128xf32, #tpu.memory_space<hbm>>) dst(%arg8 : memref<128x128xf32, #tpu.memory_space<vmem>>)
      tpu.yield
    }) : () -> ()
    "tpu.region"() ({
      %run_scoped3A = tpu.sem_alloc : memref<!tpu.dma_semaphore, #tpu.memory_space<semaphore_mem>>
      %dma_start3A = arith.constant 0 : i32
      %dma_start3A_13 = arith.constant 0 : i32
      %dma_start3A_14 = tpu.memref_slice %arg4[%dma_start3A, %dma_start3A_13] : memref<128x128xf32, #tpu.memory_space<hbm>> -> memref<16x128xf32, #tpu.memory_space<hbm>>
      %dma_start3A_15 = arith.constant 0 : i32
      %dma_start3A_16 = arith.constant 0 : i32
      %dma_start3A_17 = tpu.memref_slice %arg4[%dma_start3A_15, %dma_start3A_16] : memref<128x128xf32, #tpu.memory_space<hbm>> -> memref<16x128xf32, #tpu.memory_space<hbm>>
      tpu.enqueue_dma source(%dma_start3A_17 : memref<16x128xf32, #tpu.memory_space<hbm>>) target(%arg9 : memref<16x128xf32, #tpu.memory_space<vmem>>) target_semaphore(%run_scoped3A : memref<!tpu.dma_semaphore, #tpu.memory_space<semaphore_mem>>)
      %dma_wait3A = arith.constant 0 : i32
      %dma_wait3A_18 = arith.constant 0 : i32
      %dma_wait3A_19 = tpu.memref_slice %arg4[%dma_wait3A, %dma_wait3A_18] : memref<128x128xf32, #tpu.memory_space<hbm>> -> memref<16x128xf32, #tpu.memory_space<hbm>>
      %dma_wait3A_20 = arith.constant 0 : i32
      %dma_wait3A_21 = arith.constant 0 : i32
      %dma_wait3A_22 = tpu.memref_slice %arg4[%dma_wait3A_20, %dma_wait3A_21] : memref<128x128xf32, #tpu.memory_space<hbm>> -> memref<16x128xf32, #tpu.memory_space<hbm>>
      tpu.wait_dma2 semaphore(%run_scoped3A : memref<!tpu.dma_semaphore, #tpu.memory_space<semaphore_mem>>) src(%dma_wait3A_22 : memref<16x128xf32, #tpu.memory_space<hbm>>) dst(%arg9 : memref<16x128xf32, #tpu.memory_space<vmem>>)
      tpu.yield
    }) : () -> ()
    %barrier3A = arith.constant 0 : index
    tpu.barrier barrier_id(%barrier3A)
    %scan3A = arith.constant 0 : i32
    %scan3A_5 = arith.constant 0 : i32
    %scan3A_6 = arith.constant 78 : i32
    %scan3A_7 = arith.addi %scan3A_5, %scan3A_6 : i32
    %scan3A_8 = arith.constant 1 : i32
    scf.for %scan3A_13 = %scan3A_5 to %scan3A_7 step %scan3A_8  : i32 {
      %mul3A_14 = arith.constant 128 : i32
      %mul3A_15 = arith.muli %scan3A_13, %mul3A_14 : i32
      %add3A_16 = arith.addi %mul3A_2, %mul3A_15 : i32
      "tpu.region"() ({
        %run_scoped3A = tpu.sem_alloc : memref<!tpu.dma_semaphore, #tpu.memory_space<semaphore_mem>>
        %dma_start3A = tpu.memref_slice %arg2[%add3A_16] : memref<320000xi32, #tpu.memory_space<hbm>> -> memref<128xi32, #tpu.memory_space<hbm>>
        %dma_start3A_17 = tpu.memref_slice %arg2[%add3A_16] : memref<320000xi32, #tpu.memory_space<hbm>> -> memref<128xi32, #tpu.memory_space<hbm>>
        tpu.enqueue_dma source(%dma_start3A_17 : memref<128xi32, #tpu.memory_space<hbm>>) target(%arg6 : memref<128xi32, #tpu.memory_space<vmem>>) target_semaphore(%run_scoped3A : memref<!tpu.dma_semaphore, #tpu.memory_space<semaphore_mem>>)
        %dma_wait3A = tpu.memref_slice %arg2[%add3A_16] : memref<320000xi32, #tpu.memory_space<hbm>> -> memref<128xi32, #tpu.memory_space<hbm>>
        %dma_wait3A_18 = tpu.memref_slice %arg2[%add3A_16] : memref<320000xi32, #tpu.memory_space<hbm>> -> memref<128xi32, #tpu.memory_space<hbm>>
        tpu.wait_dma2 semaphore(%run_scoped3A : memref<!tpu.dma_semaphore, #tpu.memory_space<semaphore_mem>>) src(%dma_wait3A_18 : memref<128xi32, #tpu.memory_space<hbm>>) dst(%arg6 : memref<128xi32, #tpu.memory_space<vmem>>)
        tpu.yield
      }) : () -> ()
      "tpu.region"() ({
        %run_scoped3A = tpu.sem_alloc : memref<!tpu.dma_semaphore, #tpu.memory_space<semaphore_mem>>
        %dma_start3A = arith.constant 0 : i32
        %dma_start3A_17 = arith.constant 0 : i32
        %dma_start3A_18 = tpu.memref_slice %arg10[%dma_start3A, %dma_start3A_17] : memref<10240x128xf32, #tpu.memory_space<vmem_shared>> -> memref<10240x128xf32, #tpu.memory_space<vmem_shared>>
        tpu.enqueue_indirect_dma source(%arg8 : memref<128x128xf32, #tpu.memory_space<vmem>>) target(%dma_start3A_18 : memref<10240x128xf32, #tpu.memory_space<vmem_shared>>) offsets(%arg6 : memref<128xi32, #tpu.memory_space<vmem>>) semaphore(%run_scoped3A : memref<!tpu.dma_semaphore, #tpu.memory_space<semaphore_mem>>) {add = true}
        %dma_wait3A = arith.constant 0 : i32
        %dma_wait3A_19 = arith.constant 0 : i32
        %dma_wait3A_20 = tpu.memref_slice %arg10[%dma_wait3A, %dma_wait3A_19] : memref<10240x128xf32, #tpu.memory_space<vmem_shared>> -> memref<10240x128xf32, #tpu.memory_space<vmem_shared>>
        tpu.wait_indirect_dma semaphore(%run_scoped3A : memref<!tpu.dma_semaphore, #tpu.memory_space<semaphore_mem>>) src(%arg8 : memref<128x128xf32, #tpu.memory_space<vmem>>) dst(%dma_wait3A_20 : memref<10240x128xf32, #tpu.memory_space<vmem_shared>>)
        tpu.yield
      }) : () -> ()
    }
    %scan3A_9 = arith.constant 78 : i32
    %add3A_10 = arith.constant 9984 : i32
    %add3A_11 = arith.addi %mul3A_2, %add3A_10 : i32
    "tpu.region"() ({
      %run_scoped3A = tpu.sem_alloc : memref<!tpu.dma_semaphore, #tpu.memory_space<semaphore_mem>>
      %dma_start3A = tpu.memref_slice %arg2[%add3A_11] : memref<320000xi32, #tpu.memory_space<hbm>> -> memref<16xi32, #tpu.memory_space<hbm>>
      %dma_start3A_13 = tpu.memref_slice %arg2[%add3A_11] : memref<320000xi32, #tpu.memory_space<hbm>> -> memref<16xi32, #tpu.memory_space<hbm>>
      tpu.enqueue_dma source(%dma_start3A_13 : memref<16xi32, #tpu.memory_space<hbm>>) target(%arg7 : memref<16xi32, #tpu.memory_space<vmem>>) target_semaphore(%run_scoped3A : memref<!tpu.dma_semaphore, #tpu.memory_space<semaphore_mem>>)
      %dma_wait3A = tpu.memref_slice %arg2[%add3A_11] : memref<320000xi32, #tpu.memory_space<hbm>> -> memref<16xi32, #tpu.memory_space<hbm>>
      %dma_wait3A_14 = tpu.memref_slice %arg2[%add3A_11] : memref<320000xi32, #tpu.memory_space<hbm>> -> memref<16xi32, #tpu.memory_space<hbm>>
      tpu.wait_dma2 semaphore(%run_scoped3A : memref<!tpu.dma_semaphore, #tpu.memory_space<semaphore_mem>>) src(%dma_wait3A_14 : memref<16xi32, #tpu.memory_space<hbm>>) dst(%arg7 : memref<16xi32, #tpu.memory_space<vmem>>)
      tpu.yield
    }) : () -> ()
    "tpu.region"() ({
      %run_scoped3A = tpu.sem_alloc : memref<!tpu.dma_semaphore, #tpu.memory_space<semaphore_mem>>
      %dma_start3A = arith.constant 0 : i32
      %dma_start3A_13 = arith.constant 0 : i32
      %dma_start3A_14 = tpu.memref_slice %arg10[%dma_start3A, %dma_start3A_13] : memref<10240x128xf32, #tpu.memory_space<vmem_shared>> -> memref<10240x128xf32, #tpu.memory_space<vmem_shared>>
      tpu.enqueue_indirect_dma source(%arg9 : memref<16x128xf32, #tpu.memory_space<vmem>>) target(%dma_start3A_14 : memref<10240x128xf32, #tpu.memory_space<vmem_shared>>) offsets(%arg7 : memref<16xi32, #tpu.memory_space<vmem>>) semaphore(%run_scoped3A : memref<!tpu.dma_semaphore, #tpu.memory_space<semaphore_mem>>) {add = true}
      %dma_wait3A = arith.constant 0 : i32
      %dma_wait3A_15 = arith.constant 0 : i32
      %dma_wait3A_16 = tpu.memref_slice %arg10[%dma_wait3A, %dma_wait3A_15] : memref<10240x128xf32, #tpu.memory_space<vmem_shared>> -> memref<10240x128xf32, #tpu.memory_space<vmem_shared>>
      tpu.wait_indirect_dma semaphore(%run_scoped3A : memref<!tpu.dma_semaphore, #tpu.memory_space<semaphore_mem>>) src(%arg9 : memref<16x128xf32, #tpu.memory_space<vmem>>) dst(%dma_wait3A_16 : memref<10240x128xf32, #tpu.memory_space<vmem_shared>>)
      tpu.yield
    }) : () -> ()
    %barrier3A_12 = arith.constant 0 : index
    tpu.barrier barrier_id(%barrier3A_12)
    "tpu.region"() ({
      %run_scoped3A = tpu.sem_alloc : memref<!tpu.dma_semaphore, #tpu.memory_space<semaphore_mem>>
      %dma_start3A = arith.constant 0 : i32
      %dma_start3A_13 = tpu.memref_slice %arg5[%arg0, %mul3A_4, %dma_start3A] : memref<2x10240x128xf32, #tpu.memory_space<hbm>> -> memref<1x640x128xf32, #tpu.memory_space<hbm>>
      %dma_start3A_14 = tpu.memref_squeeze %dma_start3A_13 : memref<1x640x128xf32, #tpu.memory_space<hbm>> -> memref<640x128xf32, #tpu.memory_space<hbm>>
      %dma_start3A_15 = arith.constant 0 : i32
      %dma_start3A_16 = tpu.memref_slice %arg10[%mul3A_4, %dma_start3A_15] : memref<10240x128xf32, #tpu.memory_space<vmem_shared>> -> memref<640x128xf32, #tpu.memory_space<vmem_shared>>
      tpu.enqueue_dma source(%dma_start3A_16 : memref<640x128xf32, #tpu.memory_space<vmem_shared>>) target(%dma_start3A_14 : memref<640x128xf32, #tpu.memory_space<hbm>>) target_semaphore(%run_scoped3A : memref<!tpu.dma_semaphore, #tpu.memory_space<semaphore_mem>>)
      %dma_wait3A = arith.constant 0 : i32
      %dma_wait3A_17 = tpu.memref_slice %arg5[%arg0, %mul3A_4, %dma_wait3A] : memref<2x10240x128xf32, #tpu.memory_space<hbm>> -> memref<1x640x128xf32, #tpu.memory_space<hbm>>
      %dma_wait3A_18 = tpu.memref_squeeze %dma_wait3A_17 : memref<1x640x128xf32, #tpu.memory_space<hbm>> -> memref<640x128xf32, #tpu.memory_space<hbm>>
      %dma_wait3A_19 = arith.constant 0 : i32
      %dma_wait3A_20 = tpu.memref_slice %arg10[%mul3A_4, %dma_wait3A_19] : memref<10240x128xf32, #tpu.memory_space<vmem_shared>> -> memref<640x128xf32, #tpu.memory_space<vmem_shared>>
      tpu.wait_dma2 semaphore(%run_scoped3A : memref<!tpu.dma_semaphore, #tpu.memory_space<semaphore_mem>>) src(%dma_wait3A_20 : memref<640x128xf32, #tpu.memory_space<vmem_shared>>) dst(%dma_wait3A_18 : memref<640x128xf32, #tpu.memory_space<hbm>>)
      tpu.yield
    }) : () -> ()
    return
  }
}

#map = affine_map<(d0, d1) -> (0, 0)>
#map1 = affine_map<(d0, d1) -> (0)>
#map2 = affine_map<(d0, d1) -> (0, 0, 0)>
module attributes {stable_mosaic.version = 14 : i64} {
  func.func @_scatter_body(%arg0: i32, %arg1: i32, %arg2: memref<320000x128xf32, #tpu.memory_space<hbm>>, %arg3: memref<320000xi32, #tpu.memory_space<hbm>>, %arg4: memref<10240x128xf32, #tpu.memory_space<hbm>>, %arg5: memref<2x10240x128xf32, #tpu.memory_space<hbm>>, %arg6: memref<128xi32, #tpu.memory_space<vmem>>, %arg7: memref<16xi32, #tpu.memory_space<vmem>>, %arg8: memref<128x128xf32, #tpu.memory_space<vmem>>, %arg9: memref<16x128xf32, #tpu.memory_space<vmem>>, %arg10: memref<10240x128xf32, #tpu.memory_space<vmem_shared>>) attributes {dimension_semantics = [#tpu.dimension_semantics<core_parallel>, #tpu.dimension_semantics<subcore_parallel>], iteration_bounds = array<i64: 2, 16>, scalar_prefetch = 0 : i64, scratch_operands = 5 : i64, tpu.core_type = #tpu.core_type<sc_vector_subcore>, window_params = [{transform_indices = #map}, {transform_indices = #map1}, {transform_indices = #map}, {transform_indices = #map2}]} {
    %mul3A = arith.constant 16 : i32
    %mul3A_0 = arith.muli %arg0, %mul3A : i32
    %add3A = arith.addi %mul3A_0, %arg1 : i32
    %mul3A_1 = arith.constant 10000 : i32
    %mul3A_2 = arith.muli %add3A, %mul3A_1 : i32
    %mul3A_3 = arith.constant 640 : i32
    %mul3A_4 = arith.muli %arg1, %mul3A_3 : i32
    "tpu.region"() ({
      %run_scoped3A = tpu.sem_alloc : memref<!tpu.dma_semaphore, #tpu.memory_space<semaphore_mem>>
      %dma_start3A = arith.constant 0 : i32
      %dma_start3A_13 = tpu.memref_slice %arg10[%mul3A_4, %dma_start3A] : memref<10240x128xf32, #tpu.memory_space<vmem_shared>> -> memref<640x128xf32, #tpu.memory_space<vmem_shared>>
      %dma_start3A_14 = arith.constant 0 : i32
      %dma_start3A_15 = tpu.memref_slice %arg4[%mul3A_4, %dma_start3A_14] : memref<10240x128xf32, #tpu.memory_space<hbm>> -> memref<640x128xf32, #tpu.memory_space<hbm>>
      tpu.enqueue_dma source(%dma_start3A_15 : memref<640x128xf32, #tpu.memory_space<hbm>>) target(%dma_start3A_13 : memref<640x128xf32, #tpu.memory_space<vmem_shared>>) target_semaphore(%run_scoped3A : memref<!tpu.dma_semaphore, #tpu.memory_space<semaphore_mem>>)
      %dma_wait3A = arith.constant 0 : i32
      %dma_wait3A_16 = tpu.memref_slice %arg10[%mul3A_4, %dma_wait3A] : memref<10240x128xf32, #tpu.memory_space<vmem_shared>> -> memref<640x128xf32, #tpu.memory_space<vmem_shared>>
      %dma_wait3A_17 = arith.constant 0 : i32
      %dma_wait3A_18 = tpu.memref_slice %arg4[%mul3A_4, %dma_wait3A_17] : memref<10240x128xf32, #tpu.memory_space<hbm>> -> memref<640x128xf32, #tpu.memory_space<hbm>>
      tpu.wait_dma2 semaphore(%run_scoped3A : memref<!tpu.dma_semaphore, #tpu.memory_space<semaphore_mem>>) src(%dma_wait3A_18 : memref<640x128xf32, #tpu.memory_space<hbm>>) dst(%dma_wait3A_16 : memref<640x128xf32, #tpu.memory_space<vmem_shared>>)
      tpu.yield
    }) : () -> ()
    %barrier3A = arith.constant 0 : index
    tpu.barrier barrier_id(%barrier3A)
    %scan3A = arith.constant 0 : i32
    %scan3A_5 = arith.constant 0 : i32
    %scan3A_6 = arith.constant 78 : i32
    %scan3A_7 = arith.addi %scan3A_5, %scan3A_6 : i32
    %scan3A_8 = arith.constant 1 : i32
    scf.for %scan3A_13 = %scan3A_5 to %scan3A_7 step %scan3A_8  : i32 {
      %mul3A_14 = arith.constant 128 : i32
      %mul3A_15 = arith.muli %scan3A_13, %mul3A_14 : i32
      %add3A_16 = arith.addi %mul3A_2, %mul3A_15 : i32
      "tpu.region"() ({
        %run_scoped3A = tpu.sem_alloc : memref<!tpu.dma_semaphore, #tpu.memory_space<semaphore_mem>>
        %dma_start3A = tpu.memref_slice %arg3[%add3A_16] : memref<320000xi32, #tpu.memory_space<hbm>> -> memref<128xi32, #tpu.memory_space<hbm>>
        %dma_start3A_17 = tpu.memref_slice %arg3[%add3A_16] : memref<320000xi32, #tpu.memory_space<hbm>> -> memref<128xi32, #tpu.memory_space<hbm>>
        tpu.enqueue_dma source(%dma_start3A_17 : memref<128xi32, #tpu.memory_space<hbm>>) target(%arg6 : memref<128xi32, #tpu.memory_space<vmem>>) target_semaphore(%run_scoped3A : memref<!tpu.dma_semaphore, #tpu.memory_space<semaphore_mem>>)
        %dma_wait3A = tpu.memref_slice %arg3[%add3A_16] : memref<320000xi32, #tpu.memory_space<hbm>> -> memref<128xi32, #tpu.memory_space<hbm>>
        %dma_wait3A_18 = tpu.memref_slice %arg3[%add3A_16] : memref<320000xi32, #tpu.memory_space<hbm>> -> memref<128xi32, #tpu.memory_space<hbm>>
        tpu.wait_dma2 semaphore(%run_scoped3A : memref<!tpu.dma_semaphore, #tpu.memory_space<semaphore_mem>>) src(%dma_wait3A_18 : memref<128xi32, #tpu.memory_space<hbm>>) dst(%arg6 : memref<128xi32, #tpu.memory_space<vmem>>)
        tpu.yield
      }) : () -> ()
      "tpu.region"() ({
        %run_scoped3A = tpu.sem_alloc : memref<!tpu.dma_semaphore, #tpu.memory_space<semaphore_mem>>
        %dma_start3A = arith.constant 0 : i32
        %dma_start3A_17 = tpu.memref_slice %arg2[%add3A_16, %dma_start3A] : memref<320000x128xf32, #tpu.memory_space<hbm>> -> memref<128x128xf32, #tpu.memory_space<hbm>>
        %dma_start3A_18 = arith.constant 0 : i32
        %dma_start3A_19 = tpu.memref_slice %arg2[%add3A_16, %dma_start3A_18] : memref<320000x128xf32, #tpu.memory_space<hbm>> -> memref<128x128xf32, #tpu.memory_space<hbm>>
        tpu.enqueue_dma source(%dma_start3A_19 : memref<128x128xf32, #tpu.memory_space<hbm>>) target(%arg8 : memref<128x128xf32, #tpu.memory_space<vmem>>) target_semaphore(%run_scoped3A : memref<!tpu.dma_semaphore, #tpu.memory_space<semaphore_mem>>)
        %dma_wait3A = arith.constant 0 : i32
        %dma_wait3A_20 = tpu.memref_slice %arg2[%add3A_16, %dma_wait3A] : memref<320000x128xf32, #tpu.memory_space<hbm>> -> memref<128x128xf32, #tpu.memory_space<hbm>>
        %dma_wait3A_21 = arith.constant 0 : i32
        %dma_wait3A_22 = tpu.memref_slice %arg2[%add3A_16, %dma_wait3A_21] : memref<320000x128xf32, #tpu.memory_space<hbm>> -> memref<128x128xf32, #tpu.memory_space<hbm>>
        tpu.wait_dma2 semaphore(%run_scoped3A : memref<!tpu.dma_semaphore, #tpu.memory_space<semaphore_mem>>) src(%dma_wait3A_22 : memref<128x128xf32, #tpu.memory_space<hbm>>) dst(%arg8 : memref<128x128xf32, #tpu.memory_space<vmem>>)
        tpu.yield
      }) : () -> ()
      "tpu.region"() ({
        %run_scoped3A = tpu.sem_alloc : memref<!tpu.dma_semaphore, #tpu.memory_space<semaphore_mem>>
        %dma_start3A = arith.constant 0 : i32
        %dma_start3A_17 = arith.constant 0 : i32
        %dma_start3A_18 = tpu.memref_slice %arg10[%dma_start3A, %dma_start3A_17] : memref<10240x128xf32, #tpu.memory_space<vmem_shared>> -> memref<10240x128xf32, #tpu.memory_space<vmem_shared>>
        tpu.enqueue_indirect_dma source(%arg8 : memref<128x128xf32, #tpu.memory_space<vmem>>) target(%dma_start3A_18 : memref<10240x128xf32, #tpu.memory_space<vmem_shared>>) offsets(%arg6 : memref<128xi32, #tpu.memory_space<vmem>>) semaphore(%run_scoped3A : memref<!tpu.dma_semaphore, #tpu.memory_space<semaphore_mem>>) {add = true}
        %dma_wait3A = arith.constant 0 : i32
        %dma_wait3A_19 = arith.constant 0 : i32
        %dma_wait3A_20 = tpu.memref_slice %arg10[%dma_wait3A, %dma_wait3A_19] : memref<10240x128xf32, #tpu.memory_space<vmem_shared>> -> memref<10240x128xf32, #tpu.memory_space<vmem_shared>>
        tpu.wait_indirect_dma semaphore(%run_scoped3A : memref<!tpu.dma_semaphore, #tpu.memory_space<semaphore_mem>>) src(%arg8 : memref<128x128xf32, #tpu.memory_space<vmem>>) dst(%dma_wait3A_20 : memref<10240x128xf32, #tpu.memory_space<vmem_shared>>)
        tpu.yield
      }) : () -> ()
    }
    %scan3A_9 = arith.constant 78 : i32
    %add3A_10 = arith.constant 9984 : i32
    %add3A_11 = arith.addi %mul3A_2, %add3A_10 : i32
    "tpu.region"() ({
      %run_scoped3A = tpu.sem_alloc : memref<!tpu.dma_semaphore, #tpu.memory_space<semaphore_mem>>
      %dma_start3A = tpu.memref_slice %arg3[%add3A_11] : memref<320000xi32, #tpu.memory_space<hbm>> -> memref<16xi32, #tpu.memory_space<hbm>>
      %dma_start3A_13 = tpu.memref_slice %arg3[%add3A_11] : memref<320000xi32, #tpu.memory_space<hbm>> -> memref<16xi32, #tpu.memory_space<hbm>>
      tpu.enqueue_dma source(%dma_start3A_13 : memref<16xi32, #tpu.memory_space<hbm>>) target(%arg7 : memref<16xi32, #tpu.memory_space<vmem>>) target_semaphore(%run_scoped3A : memref<!tpu.dma_semaphore, #tpu.memory_space<semaphore_mem>>)
      %dma_wait3A = tpu.memref_slice %arg3[%add3A_11] : memref<320000xi32, #tpu.memory_space<hbm>> -> memref<16xi32, #tpu.memory_space<hbm>>
      %dma_wait3A_14 = tpu.memref_slice %arg3[%add3A_11] : memref<320000xi32, #tpu.memory_space<hbm>> -> memref<16xi32, #tpu.memory_space<hbm>>
      tpu.wait_dma2 semaphore(%run_scoped3A : memref<!tpu.dma_semaphore, #tpu.memory_space<semaphore_mem>>) src(%dma_wait3A_14 : memref<16xi32, #tpu.memory_space<hbm>>) dst(%arg7 : memref<16xi32, #tpu.memory_space<vmem>>)
      tpu.yield
    }) : () -> ()
    "tpu.region"() ({
      %run_scoped3A = tpu.sem_alloc : memref<!tpu.dma_semaphore, #tpu.memory_space<semaphore_mem>>
      %dma_start3A = arith.constant 0 : i32
      %dma_start3A_13 = tpu.memref_slice %arg2[%add3A_11, %dma_start3A] : memref<320000x128xf32, #tpu.memory_space<hbm>> -> memref<16x128xf32, #tpu.memory_space<hbm>>
      %dma_start3A_14 = arith.constant 0 : i32
      %dma_start3A_15 = tpu.memref_slice %arg2[%add3A_11, %dma_start3A_14] : memref<320000x128xf32, #tpu.memory_space<hbm>> -> memref<16x128xf32, #tpu.memory_space<hbm>>
      tpu.enqueue_dma source(%dma_start3A_15 : memref<16x128xf32, #tpu.memory_space<hbm>>) target(%arg9 : memref<16x128xf32, #tpu.memory_space<vmem>>) target_semaphore(%run_scoped3A : memref<!tpu.dma_semaphore, #tpu.memory_space<semaphore_mem>>)
      %dma_wait3A = arith.constant 0 : i32
      %dma_wait3A_16 = tpu.memref_slice %arg2[%add3A_11, %dma_wait3A] : memref<320000x128xf32, #tpu.memory_space<hbm>> -> memref<16x128xf32, #tpu.memory_space<hbm>>
      %dma_wait3A_17 = arith.constant 0 : i32
      %dma_wait3A_18 = tpu.memref_slice %arg2[%add3A_11, %dma_wait3A_17] : memref<320000x128xf32, #tpu.memory_space<hbm>> -> memref<16x128xf32, #tpu.memory_space<hbm>>
      tpu.wait_dma2 semaphore(%run_scoped3A : memref<!tpu.dma_semaphore, #tpu.memory_space<semaphore_mem>>) src(%dma_wait3A_18 : memref<16x128xf32, #tpu.memory_space<hbm>>) dst(%arg9 : memref<16x128xf32, #tpu.memory_space<vmem>>)
      tpu.yield
    }) : () -> ()
    "tpu.region"() ({
      %run_scoped3A = tpu.sem_alloc : memref<!tpu.dma_semaphore, #tpu.memory_space<semaphore_mem>>
      %dma_start3A = arith.constant 0 : i32
      %dma_start3A_13 = arith.constant 0 : i32
      %dma_start3A_14 = tpu.memref_slice %arg10[%dma_start3A, %dma_start3A_13] : memref<10240x128xf32, #tpu.memory_space<vmem_shared>> -> memref<10240x128xf32, #tpu.memory_space<vmem_shared>>
      tpu.enqueue_indirect_dma source(%arg9 : memref<16x128xf32, #tpu.memory_space<vmem>>) target(%dma_start3A_14 : memref<10240x128xf32, #tpu.memory_space<vmem_shared>>) offsets(%arg7 : memref<16xi32, #tpu.memory_space<vmem>>) semaphore(%run_scoped3A : memref<!tpu.dma_semaphore, #tpu.memory_space<semaphore_mem>>) {add = true}
      %dma_wait3A = arith.constant 0 : i32
      %dma_wait3A_15 = arith.constant 0 : i32
      %dma_wait3A_16 = tpu.memref_slice %arg10[%dma_wait3A, %dma_wait3A_15] : memref<10240x128xf32, #tpu.memory_space<vmem_shared>> -> memref<10240x128xf32, #tpu.memory_space<vmem_shared>>
      tpu.wait_indirect_dma semaphore(%run_scoped3A : memref<!tpu.dma_semaphore, #tpu.memory_space<semaphore_mem>>) src(%arg9 : memref<16x128xf32, #tpu.memory_space<vmem>>) dst(%dma_wait3A_16 : memref<10240x128xf32, #tpu.memory_space<vmem_shared>>)
      tpu.yield
    }) : () -> ()
    %barrier3A_12 = arith.constant 0 : index
    tpu.barrier barrier_id(%barrier3A_12)
    "tpu.region"() ({
      %run_scoped3A = tpu.sem_alloc : memref<!tpu.dma_semaphore, #tpu.memory_space<semaphore_mem>>
      %dma_start3A = arith.constant 0 : i32
      %dma_start3A_13 = tpu.memref_slice %arg5[%arg0, %mul3A_4, %dma_start3A] : memref<2x10240x128xf32, #tpu.memory_space<hbm>> -> memref<1x640x128xf32, #tpu.memory_space<hbm>>
      %dma_start3A_14 = tpu.memref_squeeze %dma_start3A_13 : memref<1x640x128xf32, #tpu.memory_space<hbm>> -> memref<640x128xf32, #tpu.memory_space<hbm>>
      %dma_start3A_15 = arith.constant 0 : i32
      %dma_start3A_16 = tpu.memref_slice %arg10[%mul3A_4, %dma_start3A_15] : memref<10240x128xf32, #tpu.memory_space<vmem_shared>> -> memref<640x128xf32, #tpu.memory_space<vmem_shared>>
      tpu.enqueue_dma source(%dma_start3A_16 : memref<640x128xf32, #tpu.memory_space<vmem_shared>>) target(%dma_start3A_14 : memref<640x128xf32, #tpu.memory_space<hbm>>) target_semaphore(%run_scoped3A : memref<!tpu.dma_semaphore, #tpu.memory_space<semaphore_mem>>)
      %dma_wait3A = arith.constant 0 : i32
      %dma_wait3A_17 = tpu.memref_slice %arg5[%arg0, %mul3A_4, %dma_wait3A] : memref<2x10240x128xf32, #tpu.memory_space<hbm>> -> memref<1x640x128xf32, #tpu.memory_space<hbm>>
      %dma_wait3A_18 = tpu.memref_squeeze %dma_wait3A_17 : memref<1x640x128xf32, #tpu.memory_space<hbm>> -> memref<640x128xf32, #tpu.memory_space<hbm>>
      %dma_wait3A_19 = arith.constant 0 : i32
      %dma_wait3A_20 = tpu.memref_slice %arg10[%mul3A_4, %dma_wait3A_19] : memref<10240x128xf32, #tpu.memory_space<vmem_shared>> -> memref<640x128xf32, #tpu.memory_space<vmem_shared>>
      tpu.wait_dma2 semaphore(%run_scoped3A : memref<!tpu.dma_semaphore, #tpu.memory_space<semaphore_mem>>) src(%dma_wait3A_20 : memref<640x128xf32, #tpu.memory_space<vmem_shared>>) dst(%dma_wait3A_18 : memref<640x128xf32, #tpu.memory_space<hbm>>)
      tpu.yield
    }) : () -> ()
    return
  }
}

#map = affine_map<(d0, d1) -> (0, 0)>
#map1 = affine_map<(d0, d1) -> (0)>
#map2 = affine_map<(d0, d1) -> (0, 0, 0)>
module attributes {stable_mosaic.version = 14 : i64} {
  func.func @_scatter_body(%arg0: i32, %arg1: i32, %arg2: memref<320000x128xf32, #tpu.memory_space<hbm>>, %arg3: memref<320000xi32, #tpu.memory_space<hbm>>, %arg4: memref<10240x128xf32, #tpu.memory_space<hbm>>, %arg5: memref<2x10240x128xf32, #tpu.memory_space<hbm>>, %arg6: memref<128xi32, #tpu.memory_space<vmem>>, %arg7: memref<16xi32, #tpu.memory_space<vmem>>, %arg8: memref<128x128xf32, #tpu.memory_space<vmem>>, %arg9: memref<16x128xf32, #tpu.memory_space<vmem>>, %arg10: memref<10240x128xf32, #tpu.memory_space<vmem_shared>>) attributes {dimension_semantics = [#tpu.dimension_semantics<core_parallel>, #tpu.dimension_semantics<subcore_parallel>], iteration_bounds = array<i64: 2, 16>, scalar_prefetch = 0 : i64, scratch_operands = 5 : i64, tpu.core_type = #tpu.core_type<sc_vector_subcore>, window_params = [{transform_indices = #map}, {transform_indices = #map1}, {transform_indices = #map}, {transform_indices = #map2}]} {
    %mul3A = arith.constant 16 : i32
    %mul3A_0 = arith.muli %arg0, %mul3A : i32
    %add3A = arith.addi %mul3A_0, %arg1 : i32
    %mul3A_1 = arith.constant 10000 : i32
    %mul3A_2 = arith.muli %add3A, %mul3A_1 : i32
    %mul3A_3 = arith.constant 640 : i32
    %mul3A_4 = arith.muli %arg1, %mul3A_3 : i32
    "tpu.region"() ({
      %run_scoped3A = tpu.sem_alloc : memref<!tpu.dma_semaphore, #tpu.memory_space<semaphore_mem>>
      %dma_start3A = arith.constant 0 : i32
      %dma_start3A_13 = tpu.memref_slice %arg10[%mul3A_4, %dma_start3A] : memref<10240x128xf32, #tpu.memory_space<vmem_shared>> -> memref<640x128xf32, #tpu.memory_space<vmem_shared>>
      %dma_start3A_14 = arith.constant 0 : i32
      %dma_start3A_15 = tpu.memref_slice %arg4[%mul3A_4, %dma_start3A_14] : memref<10240x128xf32, #tpu.memory_space<hbm>> -> memref<640x128xf32, #tpu.memory_space<hbm>>
      tpu.enqueue_dma source(%dma_start3A_15 : memref<640x128xf32, #tpu.memory_space<hbm>>) target(%dma_start3A_13 : memref<640x128xf32, #tpu.memory_space<vmem_shared>>) target_semaphore(%run_scoped3A : memref<!tpu.dma_semaphore, #tpu.memory_space<semaphore_mem>>)
      %dma_wait3A = arith.constant 0 : i32
      %dma_wait3A_16 = tpu.memref_slice %arg10[%mul3A_4, %dma_wait3A] : memref<10240x128xf32, #tpu.memory_space<vmem_shared>> -> memref<640x128xf32, #tpu.memory_space<vmem_shared>>
      %dma_wait3A_17 = arith.constant 0 : i32
      %dma_wait3A_18 = tpu.memref_slice %arg4[%mul3A_4, %dma_wait3A_17] : memref<10240x128xf32, #tpu.memory_space<hbm>> -> memref<640x128xf32, #tpu.memory_space<hbm>>
      tpu.wait_dma2 semaphore(%run_scoped3A : memref<!tpu.dma_semaphore, #tpu.memory_space<semaphore_mem>>) src(%dma_wait3A_18 : memref<640x128xf32, #tpu.memory_space<hbm>>) dst(%dma_wait3A_16 : memref<640x128xf32, #tpu.memory_space<vmem_shared>>)
      tpu.yield
    }) : () -> ()
    %barrier3A = arith.constant 0 : index
    tpu.barrier barrier_id(%barrier3A)
    %scan3A = arith.constant 0 : i32
    %scan3A_5 = arith.constant 0 : i32
    %scan3A_6 = arith.constant 78 : i32
    %scan3A_7 = arith.addi %scan3A_5, %scan3A_6 : i32
    %scan3A_8 = arith.constant 1 : i32
    scf.for %scan3A_13 = %scan3A_5 to %scan3A_7 step %scan3A_8  : i32 {
      %mul3A_14 = arith.constant 128 : i32
      %mul3A_15 = arith.muli %scan3A_13, %mul3A_14 : i32
      %add3A_16 = arith.addi %mul3A_2, %mul3A_15 : i32
      "tpu.region"() ({
        %run_scoped3A = tpu.sem_alloc : memref<!tpu.dma_semaphore, #tpu.memory_space<semaphore_mem>>
        %dma_start3A = tpu.memref_slice %arg3[%add3A_16] : memref<320000xi32, #tpu.memory_space<hbm>> -> memref<128xi32, #tpu.memory_space<hbm>>
        %dma_start3A_17 = tpu.memref_slice %arg3[%add3A_16] : memref<320000xi32, #tpu.memory_space<hbm>> -> memref<128xi32, #tpu.memory_space<hbm>>
        tpu.enqueue_dma source(%dma_start3A_17 : memref<128xi32, #tpu.memory_space<hbm>>) target(%arg6 : memref<128xi32, #tpu.memory_space<vmem>>) target_semaphore(%run_scoped3A : memref<!tpu.dma_semaphore, #tpu.memory_space<semaphore_mem>>)
        %dma_wait3A = tpu.memref_slice %arg3[%add3A_16] : memref<320000xi32, #tpu.memory_space<hbm>> -> memref<128xi32, #tpu.memory_space<hbm>>
        %dma_wait3A_18 = tpu.memref_slice %arg3[%add3A_16] : memref<320000xi32, #tpu.memory_space<hbm>> -> memref<128xi32, #tpu.memory_space<hbm>>
        tpu.wait_dma2 semaphore(%run_scoped3A : memref<!tpu.dma_semaphore, #tpu.memory_space<semaphore_mem>>) src(%dma_wait3A_18 : memref<128xi32, #tpu.memory_space<hbm>>) dst(%arg6 : memref<128xi32, #tpu.memory_space<vmem>>)
        tpu.yield
      }) : () -> ()
      "tpu.region"() ({
        %run_scoped3A = tpu.sem_alloc : memref<!tpu.dma_semaphore, #tpu.memory_space<semaphore_mem>>
        %dma_start3A = arith.constant 0 : i32
        %dma_start3A_17 = tpu.memref_slice %arg2[%add3A_16, %dma_start3A] : memref<320000x128xf32, #tpu.memory_space<hbm>> -> memref<128x128xf32, #tpu.memory_space<hbm>>
        %dma_start3A_18 = arith.constant 0 : i32
        %dma_start3A_19 = tpu.memref_slice %arg2[%add3A_16, %dma_start3A_18] : memref<320000x128xf32, #tpu.memory_space<hbm>> -> memref<128x128xf32, #tpu.memory_space<hbm>>
        tpu.enqueue_dma source(%dma_start3A_19 : memref<128x128xf32, #tpu.memory_space<hbm>>) target(%arg8 : memref<128x128xf32, #tpu.memory_space<vmem>>) target_semaphore(%run_scoped3A : memref<!tpu.dma_semaphore, #tpu.memory_space<semaphore_mem>>)
        %dma_wait3A = arith.constant 0 : i32
        %dma_wait3A_20 = tpu.memref_slice %arg2[%add3A_16, %dma_wait3A] : memref<320000x128xf32, #tpu.memory_space<hbm>> -> memref<128x128xf32, #tpu.memory_space<hbm>>
        %dma_wait3A_21 = arith.constant 0 : i32
        %dma_wait3A_22 = tpu.memref_slice %arg2[%add3A_16, %dma_wait3A_21] : memref<320000x128xf32, #tpu.memory_space<hbm>> -> memref<128x128xf32, #tpu.memory_space<hbm>>
        tpu.wait_dma2 semaphore(%run_scoped3A : memref<!tpu.dma_semaphore, #tpu.memory_space<semaphore_mem>>) src(%dma_wait3A_22 : memref<128x128xf32, #tpu.memory_space<hbm>>) dst(%arg8 : memref<128x128xf32, #tpu.memory_space<vmem>>)
        tpu.yield
      }) : () -> ()
      "tpu.region"() ({
        %run_scoped3A = tpu.sem_alloc : memref<!tpu.dma_semaphore, #tpu.memory_space<semaphore_mem>>
        %dma_start3A = arith.constant 0 : i32
        %dma_start3A_17 = arith.constant 0 : i32
        %dma_start3A_18 = tpu.memref_slice %arg10[%dma_start3A, %dma_start3A_17] : memref<10240x128xf32, #tpu.memory_space<vmem_shared>> -> memref<10240x128xf32, #tpu.memory_space<vmem_shared>>
        tpu.enqueue_indirect_dma source(%arg8 : memref<128x128xf32, #tpu.memory_space<vmem>>) target(%dma_start3A_18 : memref<10240x128xf32, #tpu.memory_space<vmem_shared>>) offsets(%arg6 : memref<128xi32, #tpu.memory_space<vmem>>) semaphore(%run_scoped3A : memref<!tpu.dma_semaphore, #tpu.memory_space<semaphore_mem>>) {add = true}
        %dma_wait3A = arith.constant 0 : i32
        %dma_wait3A_19 = arith.constant 0 : i32
        %dma_wait3A_20 = tpu.memref_slice %arg10[%dma_wait3A, %dma_wait3A_19] : memref<10240x128xf32, #tpu.memory_space<vmem_shared>> -> memref<10240x128xf32, #tpu.memory_space<vmem_shared>>
        tpu.wait_indirect_dma semaphore(%run_scoped3A : memref<!tpu.dma_semaphore, #tpu.memory_space<semaphore_mem>>) src(%arg8 : memref<128x128xf32, #tpu.memory_space<vmem>>) dst(%dma_wait3A_20 : memref<10240x128xf32, #tpu.memory_space<vmem_shared>>)
        tpu.yield
      }) : () -> ()
    }
    %scan3A_9 = arith.constant 78 : i32
    %add3A_10 = arith.constant 9984 : i32
    %add3A_11 = arith.addi %mul3A_2, %add3A_10 : i32
    "tpu.region"() ({
      %run_scoped3A = tpu.sem_alloc : memref<!tpu.dma_semaphore, #tpu.memory_space<semaphore_mem>>
      %dma_start3A = tpu.memref_slice %arg3[%add3A_11] : memref<320000xi32, #tpu.memory_space<hbm>> -> memref<16xi32, #tpu.memory_space<hbm>>
      %dma_start3A_13 = tpu.memref_slice %arg3[%add3A_11] : memref<320000xi32, #tpu.memory_space<hbm>> -> memref<16xi32, #tpu.memory_space<hbm>>
      tpu.enqueue_dma source(%dma_start3A_13 : memref<16xi32, #tpu.memory_space<hbm>>) target(%arg7 : memref<16xi32, #tpu.memory_space<vmem>>) target_semaphore(%run_scoped3A : memref<!tpu.dma_semaphore, #tpu.memory_space<semaphore_mem>>)
      %dma_wait3A = tpu.memref_slice %arg3[%add3A_11] : memref<320000xi32, #tpu.memory_space<hbm>> -> memref<16xi32, #tpu.memory_space<hbm>>
      %dma_wait3A_14 = tpu.memref_slice %arg3[%add3A_11] : memref<320000xi32, #tpu.memory_space<hbm>> -> memref<16xi32, #tpu.memory_space<hbm>>
      tpu.wait_dma2 semaphore(%run_scoped3A : memref<!tpu.dma_semaphore, #tpu.memory_space<semaphore_mem>>) src(%dma_wait3A_14 : memref<16xi32, #tpu.memory_space<hbm>>) dst(%arg7 : memref<16xi32, #tpu.memory_space<vmem>>)
      tpu.yield
    }) : () -> ()
    "tpu.region"() ({
      %run_scoped3A = tpu.sem_alloc : memref<!tpu.dma_semaphore, #tpu.memory_space<semaphore_mem>>
      %dma_start3A = arith.constant 0 : i32
      %dma_start3A_13 = tpu.memref_slice %arg2[%add3A_11, %dma_start3A] : memref<320000x128xf32, #tpu.memory_space<hbm>> -> memref<16x128xf32, #tpu.memory_space<hbm>>
      %dma_start3A_14 = arith.constant 0 : i32
      %dma_start3A_15 = tpu.memref_slice %arg2[%add3A_11, %dma_start3A_14] : memref<320000x128xf32, #tpu.memory_space<hbm>> -> memref<16x128xf32, #tpu.memory_space<hbm>>
      tpu.enqueue_dma source(%dma_start3A_15 : memref<16x128xf32, #tpu.memory_space<hbm>>) target(%arg9 : memref<16x128xf32, #tpu.memory_space<vmem>>) target_semaphore(%run_scoped3A : memref<!tpu.dma_semaphore, #tpu.memory_space<semaphore_mem>>)
      %dma_wait3A = arith.constant 0 : i32
      %dma_wait3A_16 = tpu.memref_slice %arg2[%add3A_11, %dma_wait3A] : memref<320000x128xf32, #tpu.memory_space<hbm>> -> memref<16x128xf32, #tpu.memory_space<hbm>>
      %dma_wait3A_17 = arith.constant 0 : i32
      %dma_wait3A_18 = tpu.memref_slice %arg2[%add3A_11, %dma_wait3A_17] : memref<320000x128xf32, #tpu.memory_space<hbm>> -> memref<16x128xf32, #tpu.memory_space<hbm>>
      tpu.wait_dma2 semaphore(%run_scoped3A : memref<!tpu.dma_semaphore, #tpu.memory_space<semaphore_mem>>) src(%dma_wait3A_18 : memref<16x128xf32, #tpu.memory_space<hbm>>) dst(%arg9 : memref<16x128xf32, #tpu.memory_space<vmem>>)
      tpu.yield
    }) : () -> ()
    "tpu.region"() ({
      %run_scoped3A = tpu.sem_alloc : memref<!tpu.dma_semaphore, #tpu.memory_space<semaphore_mem>>
      %dma_start3A = arith.constant 0 : i32
      %dma_start3A_13 = arith.constant 0 : i32
      %dma_start3A_14 = tpu.memref_slice %arg10[%dma_start3A, %dma_start3A_13] : memref<10240x128xf32, #tpu.memory_space<vmem_shared>> -> memref<10240x128xf32, #tpu.memory_space<vmem_shared>>
      tpu.enqueue_indirect_dma source(%arg9 : memref<16x128xf32, #tpu.memory_space<vmem>>) target(%dma_start3A_14 : memref<10240x128xf32, #tpu.memory_space<vmem_shared>>) offsets(%arg7 : memref<16xi32, #tpu.memory_space<vmem>>) semaphore(%run_scoped3A : memref<!tpu.dma_semaphore, #tpu.memory_space<semaphore_mem>>) {add = true}
      %dma_wait3A = arith.constant 0 : i32
      %dma_wait3A_15 = arith.constant 0 : i32
      %dma_wait3A_16 = tpu.memref_slice %arg10[%dma_wait3A, %dma_wait3A_15] : memref<10240x128xf32, #tpu.memory_space<vmem_shared>> -> memref<10240x128xf32, #tpu.memory_space<vmem_shared>>
      tpu.wait_indirect_dma semaphore(%run_scoped3A : memref<!tpu.dma_semaphore, #tpu.memory_space<semaphore_mem>>) src(%arg9 : memref<16x128xf32, #tpu.memory_space<vmem>>) dst(%dma_wait3A_16 : memref<10240x128xf32, #tpu.memory_space<vmem_shared>>)
      tpu.yield
    }) : () -> ()
    %barrier3A_12 = arith.constant 0 : index
    tpu.barrier barrier_id(%barrier3A_12)
    "tpu.region"() ({
      %run_scoped3A = tpu.sem_alloc : memref<!tpu.dma_semaphore, #tpu.memory_space<semaphore_mem>>
      %dma_start3A = arith.constant 0 : i32
      %dma_start3A_13 = tpu.memref_slice %arg5[%arg0, %mul3A_4, %dma_start3A] : memref<2x10240x128xf32, #tpu.memory_space<hbm>> -> memref<1x640x128xf32, #tpu.memory_space<hbm>>
      %dma_start3A_14 = tpu.memref_squeeze %dma_start3A_13 : memref<1x640x128xf32, #tpu.memory_space<hbm>> -> memref<640x128xf32, #tpu.memory_space<hbm>>
      %dma_start3A_15 = arith.constant 0 : i32
      %dma_start3A_16 = tpu.memref_slice %arg10[%mul3A_4, %dma_start3A_15] : memref<10240x128xf32, #tpu.memory_space<vmem_shared>> -> memref<640x128xf32, #tpu.memory_space<vmem_shared>>
      tpu.enqueue_dma source(%dma_start3A_16 : memref<640x128xf32, #tpu.memory_space<vmem_shared>>) target(%dma_start3A_14 : memref<640x128xf32, #tpu.memory_space<hbm>>) target_semaphore(%run_scoped3A : memref<!tpu.dma_semaphore, #tpu.memory_space<semaphore_mem>>)
      %dma_wait3A = arith.constant 0 : i32
      %dma_wait3A_17 = tpu.memref_slice %arg5[%arg0, %mul3A_4, %dma_wait3A] : memref<2x10240x128xf32, #tpu.memory_space<hbm>> -> memref<1x640x128xf32, #tpu.memory_space<hbm>>
      %dma_wait3A_18 = tpu.memref_squeeze %dma_wait3A_17 : memref<1x640x128xf32, #tpu.memory_space<hbm>> -> memref<640x128xf32, #tpu.memory_space<hbm>>
      %dma_wait3A_19 = arith.constant 0 : i32
      %dma_wait3A_20 = tpu.memref_slice %arg10[%mul3A_4, %dma_wait3A_19] : memref<10240x128xf32, #tpu.memory_space<vmem_shared>> -> memref<640x128xf32, #tpu.memory_space<vmem_shared>>
      tpu.wait_dma2 semaphore(%run_scoped3A : memref<!tpu.dma_semaphore, #tpu.memory_space<semaphore_mem>>) src(%dma_wait3A_20 : memref<640x128xf32, #tpu.memory_space<vmem_shared>>) dst(%dma_wait3A_18 : memref<640x128xf32, #tpu.memory_space<hbm>>)
      tpu.yield
    }) : () -> ()
    return
  }
}

#map = affine_map<(d0, d1) -> (0, 0)>
#map1 = affine_map<(d0, d1) -> (0)>
module attributes {stable_mosaic.version = 14 : i64} {
  func.func @_gather_body(%arg0: i32, %arg1: i32, %arg2: memref<10000x128xf32, #tpu.memory_space<hbm>>, %arg3: memref<10000x128xf32, #tpu.memory_space<hbm>>, %arg4: memref<320000xi32, #tpu.memory_space<hbm>>, %arg5: memref<320000xi32, #tpu.memory_space<hbm>>, %arg6: memref<320000x128xf32, #tpu.memory_space<hbm>>, %arg7: memref<320000x128xf32, #tpu.memory_space<hbm>>, %arg8: memref<128xi32, #tpu.memory_space<vmem>>, %arg9: memref<16xi32, #tpu.memory_space<vmem>>, %arg10: memref<128x128xf32, #tpu.memory_space<vmem>>, %arg11: memref<16x128xf32, #tpu.memory_space<vmem>>, %arg12: memref<!tpu.dma_semaphore, #tpu.memory_space<semaphore_mem>>) attributes {dimension_semantics = [#tpu.dimension_semantics<core_parallel>, #tpu.dimension_semantics<subcore_parallel>], iteration_bounds = array<i64: 2, 16>, scalar_prefetch = 0 : i64, scratch_operands = 5 : i64, tpu.core_type = #tpu.core_type<sc_vector_subcore>, window_params = [{transform_indices = #map}, {transform_indices = #map}, {transform_indices = #map1}, {transform_indices = #map1}, {transform_indices = #map}, {transform_indices = #map}]} {
    %mul3A = arith.constant 16 : i32
    %mul3A_0 = arith.muli %arg0, %mul3A : i32
    %add3A = arith.addi %mul3A_0, %arg1 : i32
    %mul3A_1 = arith.constant 10000 : i32
    %mul3A_2 = arith.muli %add3A, %mul3A_1 : i32
    %scan3A = arith.constant 0 : i32
    %scan3A_3 = arith.constant 0 : i32
    %scan3A_4 = arith.constant 78 : i32
    %scan3A_5 = arith.addi %scan3A_3, %scan3A_4 : i32
    %scan3A_6 = arith.constant 1 : i32
    scf.for %scan3A_20 = %scan3A_3 to %scan3A_5 step %scan3A_6  : i32 {
      %mul3A_21 = arith.constant 128 : i32
      %mul3A_22 = arith.muli %scan3A_20, %mul3A_21 : i32
      %add3A_23 = arith.addi %mul3A_2, %mul3A_22 : i32
      "tpu.region"() ({
        %run_scoped3A = tpu.sem_alloc : memref<!tpu.dma_semaphore, #tpu.memory_space<semaphore_mem>>
        %dma_start3A_36 = tpu.memref_slice %arg4[%add3A_23] : memref<320000xi32, #tpu.memory_space<hbm>> -> memref<128xi32, #tpu.memory_space<hbm>>
        %dma_start3A_37 = tpu.memref_slice %arg4[%add3A_23] : memref<320000xi32, #tpu.memory_space<hbm>> -> memref<128xi32, #tpu.memory_space<hbm>>
        tpu.enqueue_dma source(%dma_start3A_37 : memref<128xi32, #tpu.memory_space<hbm>>) target(%arg8 : memref<128xi32, #tpu.memory_space<vmem>>) target_semaphore(%run_scoped3A : memref<!tpu.dma_semaphore, #tpu.memory_space<semaphore_mem>>)
        %dma_wait3A_38 = tpu.memref_slice %arg4[%add3A_23] : memref<320000xi32, #tpu.memory_space<hbm>> -> memref<128xi32, #tpu.memory_space<hbm>>
        %dma_wait3A_39 = tpu.memref_slice %arg4[%add3A_23] : memref<320000xi32, #tpu.memory_space<hbm>> -> memref<128xi32, #tpu.memory_space<hbm>>
        tpu.wait_dma2 semaphore(%run_scoped3A : memref<!tpu.dma_semaphore, #tpu.memory_space<semaphore_mem>>) src(%dma_wait3A_39 : memref<128xi32, #tpu.memory_space<hbm>>) dst(%arg8 : memref<128xi32, #tpu.memory_space<vmem>>)
        tpu.yield
      }) : () -> ()
      %dma_start3A_24 = arith.constant 0 : i32
      %dma_start3A_25 = arith.constant 0 : i32
      %dma_start3A_26 = tpu.memref_slice %arg2[%dma_start3A_24, %dma_start3A_25] : memref<10000x128xf32, #tpu.memory_space<hbm>> -> memref<10000x128xf32, #tpu.memory_space<hbm>>
      tpu.enqueue_indirect_dma source(%dma_start3A_26 : memref<10000x128xf32, #tpu.memory_space<hbm>>) target(%arg10 : memref<128x128xf32, #tpu.memory_space<vmem>>) offsets(%arg8 : memref<128xi32, #tpu.memory_space<vmem>>) semaphore(%arg12 : memref<!tpu.dma_semaphore, #tpu.memory_space<semaphore_mem>>)
      %dma_wait3A_27 = arith.constant 0 : i32
      %dma_wait3A_28 = arith.constant 0 : i32
      %dma_wait3A_29 = tpu.memref_slice %arg2[%dma_wait3A_27, %dma_wait3A_28] : memref<10000x128xf32, #tpu.memory_space<hbm>> -> memref<10000x128xf32, #tpu.memory_space<hbm>>
      tpu.wait_indirect_dma semaphore(%arg12 : memref<!tpu.dma_semaphore, #tpu.memory_space<semaphore_mem>>) src(%dma_wait3A_29 : memref<10000x128xf32, #tpu.memory_space<hbm>>) dst(%arg10 : memref<128x128xf32, #tpu.memory_space<vmem>>)
      "tpu.region"() ({
        %run_scoped3A = tpu.sem_alloc : memref<!tpu.dma_semaphore, #tpu.memory_space<semaphore_mem>>
        %dma_start3A_36 = arith.constant 0 : i32
        %dma_start3A_37 = tpu.memref_slice %arg6[%add3A_23, %dma_start3A_36] : memref<320000x128xf32, #tpu.memory_space<hbm>> -> memref<128x128xf32, #tpu.memory_space<hbm>>
        %dma_start3A_38 = arith.constant 0 : i32
        %dma_start3A_39 = tpu.memref_slice %arg6[%add3A_23, %dma_start3A_38] : memref<320000x128xf32, #tpu.memory_space<hbm>> -> memref<128x128xf32, #tpu.memory_space<hbm>>
        tpu.enqueue_dma source(%arg10 : memref<128x128xf32, #tpu.memory_space<vmem>>) target(%dma_start3A_39 : memref<128x128xf32, #tpu.memory_space<hbm>>) target_semaphore(%run_scoped3A : memref<!tpu.dma_semaphore, #tpu.memory_space<semaphore_mem>>)
        %dma_wait3A_40 = arith.constant 0 : i32
        %dma_wait3A_41 = tpu.memref_slice %arg6[%add3A_23, %dma_wait3A_40] : memref<320000x128xf32, #tpu.memory_space<hbm>> -> memref<128x128xf32, #tpu.memory_space<hbm>>
        %dma_wait3A_42 = arith.constant 0 : i32
        %dma_wait3A_43 = tpu.memref_slice %arg6[%add3A_23, %dma_wait3A_42] : memref<320000x128xf32, #tpu.memory_space<hbm>> -> memref<128x128xf32, #tpu.memory_space<hbm>>
        tpu.wait_dma2 semaphore(%run_scoped3A : memref<!tpu.dma_semaphore, #tpu.memory_space<semaphore_mem>>) src(%arg10 : memref<128x128xf32, #tpu.memory_space<vmem>>) dst(%dma_wait3A_43 : memref<128x128xf32, #tpu.memory_space<hbm>>)
        tpu.yield
      }) : () -> ()
      "tpu.region"() ({
        %run_scoped3A = tpu.sem_alloc : memref<!tpu.dma_semaphore, #tpu.memory_space<semaphore_mem>>
        %dma_start3A_36 = tpu.memref_slice %arg5[%add3A_23] : memref<320000xi32, #tpu.memory_space<hbm>> -> memref<128xi32, #tpu.memory_space<hbm>>
        %dma_start3A_37 = tpu.memref_slice %arg5[%add3A_23] : memref<320000xi32, #tpu.memory_space<hbm>> -> memref<128xi32, #tpu.memory_space<hbm>>
        tpu.enqueue_dma source(%dma_start3A_37 : memref<128xi32, #tpu.memory_space<hbm>>) target(%arg8 : memref<128xi32, #tpu.memory_space<vmem>>) target_semaphore(%run_scoped3A : memref<!tpu.dma_semaphore, #tpu.memory_space<semaphore_mem>>)
        %dma_wait3A_38 = tpu.memref_slice %arg5[%add3A_23] : memref<320000xi32, #tpu.memory_space<hbm>> -> memref<128xi32, #tpu.memory_space<hbm>>
        %dma_wait3A_39 = tpu.memref_slice %arg5[%add3A_23] : memref<320000xi32, #tpu.memory_space<hbm>> -> memref<128xi32, #tpu.memory_space<hbm>>
        tpu.wait_dma2 semaphore(%run_scoped3A : memref<!tpu.dma_semaphore, #tpu.memory_space<semaphore_mem>>) src(%dma_wait3A_39 : memref<128xi32, #tpu.memory_space<hbm>>) dst(%arg8 : memref<128xi32, #tpu.memory_space<vmem>>)
        tpu.yield
      }) : () -> ()
      %dma_start3A_30 = arith.constant 0 : i32
      %dma_start3A_31 = arith.constant 0 : i32
      %dma_start3A_32 = tpu.memref_slice %arg3[%dma_start3A_30, %dma_start3A_31] : memref<10000x128xf32, #tpu.memory_space<hbm>> -> memref<10000x128xf32, #tpu.memory_space<hbm>>
      tpu.enqueue_indirect_dma source(%dma_start3A_32 : memref<10000x128xf32, #tpu.memory_space<hbm>>) target(%arg10 : memref<128x128xf32, #tpu.memory_space<vmem>>) offsets(%arg8 : memref<128xi32, #tpu.memory_space<vmem>>) semaphore(%arg12 : memref<!tpu.dma_semaphore, #tpu.memory_space<semaphore_mem>>)
      %dma_wait3A_33 = arith.constant 0 : i32
      %dma_wait3A_34 = arith.constant 0 : i32
      %dma_wait3A_35 = tpu.memref_slice %arg3[%dma_wait3A_33, %dma_wait3A_34] : memref<10000x128xf32, #tpu.memory_space<hbm>> -> memref<10000x128xf32, #tpu.memory_space<hbm>>
      tpu.wait_indirect_dma semaphore(%arg12 : memref<!tpu.dma_semaphore, #tpu.memory_space<semaphore_mem>>) src(%dma_wait3A_35 : memref<10000x128xf32, #tpu.memory_space<hbm>>) dst(%arg10 : memref<128x128xf32, #tpu.memory_space<vmem>>)
      "tpu.region"() ({
        %run_scoped3A = tpu.sem_alloc : memref<!tpu.dma_semaphore, #tpu.memory_space<semaphore_mem>>
        %dma_start3A_36 = arith.constant 0 : i32
        %dma_start3A_37 = tpu.memref_slice %arg7[%add3A_23, %dma_start3A_36] : memref<320000x128xf32, #tpu.memory_space<hbm>> -> memref<128x128xf32, #tpu.memory_space<hbm>>
        %dma_start3A_38 = arith.constant 0 : i32
        %dma_start3A_39 = tpu.memref_slice %arg7[%add3A_23, %dma_start3A_38] : memref<320000x128xf32, #tpu.memory_space<hbm>> -> memref<128x128xf32, #tpu.memory_space<hbm>>
        tpu.enqueue_dma source(%arg10 : memref<128x128xf32, #tpu.memory_space<vmem>>) target(%dma_start3A_39 : memref<128x128xf32, #tpu.memory_space<hbm>>) target_semaphore(%run_scoped3A : memref<!tpu.dma_semaphore, #tpu.memory_space<semaphore_mem>>)
        %dma_wait3A_40 = arith.constant 0 : i32
        %dma_wait3A_41 = tpu.memref_slice %arg7[%add3A_23, %dma_wait3A_40] : memref<320000x128xf32, #tpu.memory_space<hbm>> -> memref<128x128xf32, #tpu.memory_space<hbm>>
        %dma_wait3A_42 = arith.constant 0 : i32
        %dma_wait3A_43 = tpu.memref_slice %arg7[%add3A_23, %dma_wait3A_42] : memref<320000x128xf32, #tpu.memory_space<hbm>> -> memref<128x128xf32, #tpu.memory_space<hbm>>
        tpu.wait_dma2 semaphore(%run_scoped3A : memref<!tpu.dma_semaphore, #tpu.memory_space<semaphore_mem>>) src(%arg10 : memref<128x128xf32, #tpu.memory_space<vmem>>) dst(%dma_wait3A_43 : memref<128x128xf32, #tpu.memory_space<hbm>>)
        tpu.yield
      }) : () -> ()
    }
    %scan3A_7 = arith.constant 78 : i32
    %add3A_8 = arith.constant 9984 : i32
    %add3A_9 = arith.addi %mul3A_2, %add3A_8 : i32
    "tpu.region"() ({
      %run_scoped3A = tpu.sem_alloc : memref<!tpu.dma_semaphore, #tpu.memory_space<semaphore_mem>>
      %dma_start3A_20 = tpu.memref_slice %arg4[%add3A_9] : memref<320000xi32, #tpu.memory_space<hbm>> -> memref<16xi32, #tpu.memory_space<hbm>>
      %dma_start3A_21 = tpu.memref_slice %arg4[%add3A_9] : memref<320000xi32, #tpu.memory_space<hbm>> -> memref<16xi32, #tpu.memory_space<hbm>>
      tpu.enqueue_dma source(%dma_start3A_21 : memref<16xi32, #tpu.memory_space<hbm>>) target(%arg9 : memref<16xi32, #tpu.memory_space<vmem>>) target_semaphore(%run_scoped3A : memref<!tpu.dma_semaphore, #tpu.memory_space<semaphore_mem>>)
      %dma_wait3A_22 = tpu.memref_slice %arg4[%add3A_9] : memref<320000xi32, #tpu.memory_space<hbm>> -> memref<16xi32, #tpu.memory_space<hbm>>
      %dma_wait3A_23 = tpu.memref_slice %arg4[%add3A_9] : memref<320000xi32, #tpu.memory_space<hbm>> -> memref<16xi32, #tpu.memory_space<hbm>>
      tpu.wait_dma2 semaphore(%run_scoped3A : memref<!tpu.dma_semaphore, #tpu.memory_space<semaphore_mem>>) src(%dma_wait3A_23 : memref<16xi32, #tpu.memory_space<hbm>>) dst(%arg9 : memref<16xi32, #tpu.memory_space<vmem>>)
      tpu.yield
    }) : () -> ()
    %dma_start3A = arith.constant 0 : i32
    %dma_start3A_10 = arith.constant 0 : i32
    %dma_start3A_11 = tpu.memref_slice %arg2[%dma_start3A, %dma_start3A_10] : memref<10000x128xf32, #tpu.memory_space<hbm>> -> memref<10000x128xf32, #tpu.memory_space<hbm>>
    tpu.enqueue_indirect_dma source(%dma_start3A_11 : memref<10000x128xf32, #tpu.memory_space<hbm>>) target(%arg11 : memref<16x128xf32, #tpu.memory_space<vmem>>) offsets(%arg9 : memref<16xi32, #tpu.memory_space<vmem>>) semaphore(%arg12 : memref<!tpu.dma_semaphore, #tpu.memory_space<semaphore_mem>>)
    %dma_wait3A = arith.constant 0 : i32
    %dma_wait3A_12 = arith.constant 0 : i32
    %dma_wait3A_13 = tpu.memref_slice %arg2[%dma_wait3A, %dma_wait3A_12] : memref<10000x128xf32, #tpu.memory_space<hbm>> -> memref<10000x128xf32, #tpu.memory_space<hbm>>
    tpu.wait_indirect_dma semaphore(%arg12 : memref<!tpu.dma_semaphore, #tpu.memory_space<semaphore_mem>>) src(%dma_wait3A_13 : memref<10000x128xf32, #tpu.memory_space<hbm>>) dst(%arg11 : memref<16x128xf32, #tpu.memory_space<vmem>>)
    "tpu.region"() ({
      %run_scoped3A = tpu.sem_alloc : memref<!tpu.dma_semaphore, #tpu.memory_space<semaphore_mem>>
      %dma_start3A_20 = arith.constant 0 : i32
      %dma_start3A_21 = tpu.memref_slice %arg6[%add3A_9, %dma_start3A_20] : memref<320000x128xf32, #tpu.memory_space<hbm>> -> memref<16x128xf32, #tpu.memory_space<hbm>>
      %dma_start3A_22 = arith.constant 0 : i32
      %dma_start3A_23 = tpu.memref_slice %arg6[%add3A_9, %dma_start3A_22] : memref<320000x128xf32, #tpu.memory_space<hbm>> -> memref<16x128xf32, #tpu.memory_space<hbm>>
      tpu.enqueue_dma source(%arg11 : memref<16x128xf32, #tpu.memory_space<vmem>>) target(%dma_start3A_23 : memref<16x128xf32, #tpu.memory_space<hbm>>) target_semaphore(%run_scoped3A : memref<!tpu.dma_semaphore, #tpu.memory_space<semaphore_mem>>)
      %dma_wait3A_24 = arith.constant 0 : i32
      %dma_wait3A_25 = tpu.memref_slice %arg6[%add3A_9, %dma_wait3A_24] : memref<320000x128xf32, #tpu.memory_space<hbm>> -> memref<16x128xf32, #tpu.memory_space<hbm>>
      %dma_wait3A_26 = arith.constant 0 : i32
      %dma_wait3A_27 = tpu.memref_slice %arg6[%add3A_9, %dma_wait3A_26] : memref<320000x128xf32, #tpu.memory_space<hbm>> -> memref<16x128xf32, #tpu.memory_space<hbm>>
      tpu.wait_dma2 semaphore(%run_scoped3A : memref<!tpu.dma_semaphore, #tpu.memory_space<semaphore_mem>>) src(%arg11 : memref<16x128xf32, #tpu.memory_space<vmem>>) dst(%dma_wait3A_27 : memref<16x128xf32, #tpu.memory_space<hbm>>)
      tpu.yield
    }) : () -> ()
    "tpu.region"() ({
      %run_scoped3A = tpu.sem_alloc : memref<!tpu.dma_semaphore, #tpu.memory_space<semaphore_mem>>
      %dma_start3A_20 = tpu.memref_slice %arg5[%add3A_9] : memref<320000xi32, #tpu.memory_space<hbm>> -> memref<16xi32, #tpu.memory_space<hbm>>
      %dma_start3A_21 = tpu.memref_slice %arg5[%add3A_9] : memref<320000xi32, #tpu.memory_space<hbm>> -> memref<16xi32, #tpu.memory_space<hbm>>
      tpu.enqueue_dma source(%dma_start3A_21 : memref<16xi32, #tpu.memory_space<hbm>>) target(%arg9 : memref<16xi32, #tpu.memory_space<vmem>>) target_semaphore(%run_scoped3A : memref<!tpu.dma_semaphore, #tpu.memory_space<semaphore_mem>>)
      %dma_wait3A_22 = tpu.memref_slice %arg5[%add3A_9] : memref<320000xi32, #tpu.memory_space<hbm>> -> memref<16xi32, #tpu.memory_space<hbm>>
      %dma_wait3A_23 = tpu.memref_slice %arg5[%add3A_9] : memref<320000xi32, #tpu.memory_space<hbm>> -> memref<16xi32, #tpu.memory_space<hbm>>
      tpu.wait_dma2 semaphore(%run_scoped3A : memref<!tpu.dma_semaphore, #tpu.memory_space<semaphore_mem>>) src(%dma_wait3A_23 : memref<16xi32, #tpu.memory_space<hbm>>) dst(%arg9 : memref<16xi32, #tpu.memory_space<vmem>>)
      tpu.yield
    }) : () -> ()
    %dma_start3A_14 = arith.constant 0 : i32
    %dma_start3A_15 = arith.constant 0 : i32
    %dma_start3A_16 = tpu.memref_slice %arg3[%dma_start3A_14, %dma_start3A_15] : memref<10000x128xf32, #tpu.memory_space<hbm>> -> memref<10000x128xf32, #tpu.memory_space<hbm>>
    tpu.enqueue_indirect_dma source(%dma_start3A_16 : memref<10000x128xf32, #tpu.memory_space<hbm>>) target(%arg11 : memref<16x128xf32, #tpu.memory_space<vmem>>) offsets(%arg9 : memref<16xi32, #tpu.memory_space<vmem>>) semaphore(%arg12 : memref<!tpu.dma_semaphore, #tpu.memory_space<semaphore_mem>>)
    %dma_wait3A_17 = arith.constant 0 : i32
    %dma_wait3A_18 = arith.constant 0 : i32
    %dma_wait3A_19 = tpu.memref_slice %arg3[%dma_wait3A_17, %dma_wait3A_18] : memref<10000x128xf32, #tpu.memory_space<hbm>> -> memref<10000x128xf32, #tpu.memory_space<hbm>>
    tpu.wait_indirect_dma semaphore(%arg12 : memref<!tpu.dma_semaphore, #tpu.memory_space<semaphore_mem>>) src(%dma_wait3A_19 : memref<10000x128xf32, #tpu.memory_space<hbm>>) dst(%arg11 : memref<16x128xf32, #tpu.memory_space<vmem>>)
    "tpu.region"() ({
      %run_scoped3A = tpu.sem_alloc : memref<!tpu.dma_semaphore, #tpu.memory_space<semaphore_mem>>
      %dma_start3A_20 = arith.constant 0 : i32
      %dma_start3A_21 = tpu.memref_slice %arg7[%add3A_9, %dma_start3A_20] : memref<320000x128xf32, #tpu.memory_space<hbm>> -> memref<16x128xf32, #tpu.memory_space<hbm>>
      %dma_start3A_22 = arith.constant 0 : i32
      %dma_start3A_23 = tpu.memref_slice %arg7[%add3A_9, %dma_start3A_22] : memref<320000x128xf32, #tpu.memory_space<hbm>> -> memref<16x128xf32, #tpu.memory_space<hbm>>
      tpu.enqueue_dma source(%arg11 : memref<16x128xf32, #tpu.memory_space<vmem>>) target(%dma_start3A_23 : memref<16x128xf32, #tpu.memory_space<hbm>>) target_semaphore(%run_scoped3A : memref<!tpu.dma_semaphore, #tpu.memory_space<semaphore_mem>>)
      %dma_wait3A_24 = arith.constant 0 : i32
      %dma_wait3A_25 = tpu.memref_slice %arg7[%add3A_9, %dma_wait3A_24] : memref<320000x128xf32, #tpu.memory_space<hbm>> -> memref<16x128xf32, #tpu.memory_space<hbm>>
      %dma_wait3A_26 = arith.constant 0 : i32
      %dma_wait3A_27 = tpu.memref_slice %arg7[%add3A_9, %dma_wait3A_26] : memref<320000x128xf32, #tpu.memory_space<hbm>> -> memref<16x128xf32, #tpu.memory_space<hbm>>
      tpu.wait_dma2 semaphore(%run_scoped3A : memref<!tpu.dma_semaphore, #tpu.memory_space<semaphore_mem>>) src(%arg11 : memref<16x128xf32, #tpu.memory_space<vmem>>) dst(%dma_wait3A_27 : memref<16x128xf32, #tpu.memory_space<hbm>>)
      tpu.yield
    }) : () -> ()
    return
  }
}

#map = affine_map<(d0, d1) -> (0, 0)>
#map1 = affine_map<(d0, d1) -> (0)>
module attributes {stable_mosaic.version = 14 : i64} {
  func.func @_gather_body(%arg0: i32, %arg1: i32, %arg2: memref<10000x128xf32, #tpu.memory_space<hbm>>, %arg3: memref<10000x128xf32, #tpu.memory_space<hbm>>, %arg4: memref<320000xi32, #tpu.memory_space<hbm>>, %arg5: memref<320000xi32, #tpu.memory_space<hbm>>, %arg6: memref<320000x128xf32, #tpu.memory_space<hbm>>, %arg7: memref<320000x128xf32, #tpu.memory_space<hbm>>, %arg8: memref<128xi32, #tpu.memory_space<vmem>>, %arg9: memref<16xi32, #tpu.memory_space<vmem>>, %arg10: memref<128x128xf32, #tpu.memory_space<vmem>>, %arg11: memref<16x128xf32, #tpu.memory_space<vmem>>, %arg12: memref<!tpu.dma_semaphore, #tpu.memory_space<semaphore_mem>>) attributes {dimension_semantics = [#tpu.dimension_semantics<core_parallel>, #tpu.dimension_semantics<subcore_parallel>], iteration_bounds = array<i64: 2, 16>, scalar_prefetch = 0 : i64, scratch_operands = 5 : i64, tpu.core_type = #tpu.core_type<sc_vector_subcore>, window_params = [{transform_indices = #map}, {transform_indices = #map}, {transform_indices = #map1}, {transform_indices = #map1}, {transform_indices = #map}, {transform_indices = #map}]} {
    %mul3A = arith.constant 16 : i32
    %mul3A_0 = arith.muli %arg0, %mul3A : i32
    %add3A = arith.addi %mul3A_0, %arg1 : i32
    %mul3A_1 = arith.constant 10000 : i32
    %mul3A_2 = arith.muli %add3A, %mul3A_1 : i32
    %scan3A = arith.constant 0 : i32
    %scan3A_3 = arith.constant 0 : i32
    %scan3A_4 = arith.constant 78 : i32
    %scan3A_5 = arith.addi %scan3A_3, %scan3A_4 : i32
    %scan3A_6 = arith.constant 1 : i32
    scf.for %scan3A_20 = %scan3A_3 to %scan3A_5 step %scan3A_6  : i32 {
      %mul3A_21 = arith.constant 128 : i32
      %mul3A_22 = arith.muli %scan3A_20, %mul3A_21 : i32
      %add3A_23 = arith.addi %mul3A_2, %mul3A_22 : i32
      "tpu.region"() ({
        %run_scoped3A = tpu.sem_alloc : memref<!tpu.dma_semaphore, #tpu.memory_space<semaphore_mem>>
        %dma_start3A_36 = tpu.memref_slice %arg4[%add3A_23] : memref<320000xi32, #tpu.memory_space<hbm>> -> memref<128xi32, #tpu.memory_space<hbm>>
        %dma_start3A_37 = tpu.memref_slice %arg4[%add3A_23] : memref<320000xi32, #tpu.memory_space<hbm>> -> memref<128xi32, #tpu.memory_space<hbm>>
        tpu.enqueue_dma source(%dma_start3A_37 : memref<128xi32, #tpu.memory_space<hbm>>) target(%arg8 : memref<128xi32, #tpu.memory_space<vmem>>) target_semaphore(%run_scoped3A : memref<!tpu.dma_semaphore, #tpu.memory_space<semaphore_mem>>)
        %dma_wait3A_38 = tpu.memref_slice %arg4[%add3A_23] : memref<320000xi32, #tpu.memory_space<hbm>> -> memref<128xi32, #tpu.memory_space<hbm>>
        %dma_wait3A_39 = tpu.memref_slice %arg4[%add3A_23] : memref<320000xi32, #tpu.memory_space<hbm>> -> memref<128xi32, #tpu.memory_space<hbm>>
        tpu.wait_dma2 semaphore(%run_scoped3A : memref<!tpu.dma_semaphore, #tpu.memory_space<semaphore_mem>>) src(%dma_wait3A_39 : memref<128xi32, #tpu.memory_space<hbm>>) dst(%arg8 : memref<128xi32, #tpu.memory_space<vmem>>)
        tpu.yield
      }) : () -> ()
      %dma_start3A_24 = arith.constant 0 : i32
      %dma_start3A_25 = arith.constant 0 : i32
      %dma_start3A_26 = tpu.memref_slice %arg2[%dma_start3A_24, %dma_start3A_25] : memref<10000x128xf32, #tpu.memory_space<hbm>> -> memref<10000x128xf32, #tpu.memory_space<hbm>>
      tpu.enqueue_indirect_dma source(%dma_start3A_26 : memref<10000x128xf32, #tpu.memory_space<hbm>>) target(%arg10 : memref<128x128xf32, #tpu.memory_space<vmem>>) offsets(%arg8 : memref<128xi32, #tpu.memory_space<vmem>>) semaphore(%arg12 : memref<!tpu.dma_semaphore, #tpu.memory_space<semaphore_mem>>)
      %dma_wait3A_27 = arith.constant 0 : i32
      %dma_wait3A_28 = arith.constant 0 : i32
      %dma_wait3A_29 = tpu.memref_slice %arg2[%dma_wait3A_27, %dma_wait3A_28] : memref<10000x128xf32, #tpu.memory_space<hbm>> -> memref<10000x128xf32, #tpu.memory_space<hbm>>
      tpu.wait_indirect_dma semaphore(%arg12 : memref<!tpu.dma_semaphore, #tpu.memory_space<semaphore_mem>>) src(%dma_wait3A_29 : memref<10000x128xf32, #tpu.memory_space<hbm>>) dst(%arg10 : memref<128x128xf32, #tpu.memory_space<vmem>>)
      "tpu.region"() ({
        %run_scoped3A = tpu.sem_alloc : memref<!tpu.dma_semaphore, #tpu.memory_space<semaphore_mem>>
        %dma_start3A_36 = arith.constant 0 : i32
        %dma_start3A_37 = tpu.memref_slice %arg6[%add3A_23, %dma_start3A_36] : memref<320000x128xf32, #tpu.memory_space<hbm>> -> memref<128x128xf32, #tpu.memory_space<hbm>>
        %dma_start3A_38 = arith.constant 0 : i32
        %dma_start3A_39 = tpu.memref_slice %arg6[%add3A_23, %dma_start3A_38] : memref<320000x128xf32, #tpu.memory_space<hbm>> -> memref<128x128xf32, #tpu.memory_space<hbm>>
        tpu.enqueue_dma source(%arg10 : memref<128x128xf32, #tpu.memory_space<vmem>>) target(%dma_start3A_39 : memref<128x128xf32, #tpu.memory_space<hbm>>) target_semaphore(%run_scoped3A : memref<!tpu.dma_semaphore, #tpu.memory_space<semaphore_mem>>)
        %dma_wait3A_40 = arith.constant 0 : i32
        %dma_wait3A_41 = tpu.memref_slice %arg6[%add3A_23, %dma_wait3A_40] : memref<320000x128xf32, #tpu.memory_space<hbm>> -> memref<128x128xf32, #tpu.memory_space<hbm>>
        %dma_wait3A_42 = arith.constant 0 : i32
        %dma_wait3A_43 = tpu.memref_slice %arg6[%add3A_23, %dma_wait3A_42] : memref<320000x128xf32, #tpu.memory_space<hbm>> -> memref<128x128xf32, #tpu.memory_space<hbm>>
        tpu.wait_dma2 semaphore(%run_scoped3A : memref<!tpu.dma_semaphore, #tpu.memory_space<semaphore_mem>>) src(%arg10 : memref<128x128xf32, #tpu.memory_space<vmem>>) dst(%dma_wait3A_43 : memref<128x128xf32, #tpu.memory_space<hbm>>)
        tpu.yield
      }) : () -> ()
      "tpu.region"() ({
        %run_scoped3A = tpu.sem_alloc : memref<!tpu.dma_semaphore, #tpu.memory_space<semaphore_mem>>
        %dma_start3A_36 = tpu.memref_slice %arg5[%add3A_23] : memref<320000xi32, #tpu.memory_space<hbm>> -> memref<128xi32, #tpu.memory_space<hbm>>
        %dma_start3A_37 = tpu.memref_slice %arg5[%add3A_23] : memref<320000xi32, #tpu.memory_space<hbm>> -> memref<128xi32, #tpu.memory_space<hbm>>
        tpu.enqueue_dma source(%dma_start3A_37 : memref<128xi32, #tpu.memory_space<hbm>>) target(%arg8 : memref<128xi32, #tpu.memory_space<vmem>>) target_semaphore(%run_scoped3A : memref<!tpu.dma_semaphore, #tpu.memory_space<semaphore_mem>>)
        %dma_wait3A_38 = tpu.memref_slice %arg5[%add3A_23] : memref<320000xi32, #tpu.memory_space<hbm>> -> memref<128xi32, #tpu.memory_space<hbm>>
        %dma_wait3A_39 = tpu.memref_slice %arg5[%add3A_23] : memref<320000xi32, #tpu.memory_space<hbm>> -> memref<128xi32, #tpu.memory_space<hbm>>
        tpu.wait_dma2 semaphore(%run_scoped3A : memref<!tpu.dma_semaphore, #tpu.memory_space<semaphore_mem>>) src(%dma_wait3A_39 : memref<128xi32, #tpu.memory_space<hbm>>) dst(%arg8 : memref<128xi32, #tpu.memory_space<vmem>>)
        tpu.yield
      }) : () -> ()
      %dma_start3A_30 = arith.constant 0 : i32
      %dma_start3A_31 = arith.constant 0 : i32
      %dma_start3A_32 = tpu.memref_slice %arg3[%dma_start3A_30, %dma_start3A_31] : memref<10000x128xf32, #tpu.memory_space<hbm>> -> memref<10000x128xf32, #tpu.memory_space<hbm>>
      tpu.enqueue_indirect_dma source(%dma_start3A_32 : memref<10000x128xf32, #tpu.memory_space<hbm>>) target(%arg10 : memref<128x128xf32, #tpu.memory_space<vmem>>) offsets(%arg8 : memref<128xi32, #tpu.memory_space<vmem>>) semaphore(%arg12 : memref<!tpu.dma_semaphore, #tpu.memory_space<semaphore_mem>>)
      %dma_wait3A_33 = arith.constant 0 : i32
      %dma_wait3A_34 = arith.constant 0 : i32
      %dma_wait3A_35 = tpu.memref_slice %arg3[%dma_wait3A_33, %dma_wait3A_34] : memref<10000x128xf32, #tpu.memory_space<hbm>> -> memref<10000x128xf32, #tpu.memory_space<hbm>>
      tpu.wait_indirect_dma semaphore(%arg12 : memref<!tpu.dma_semaphore, #tpu.memory_space<semaphore_mem>>) src(%dma_wait3A_35 : memref<10000x128xf32, #tpu.memory_space<hbm>>) dst(%arg10 : memref<128x128xf32, #tpu.memory_space<vmem>>)
      "tpu.region"() ({
        %run_scoped3A = tpu.sem_alloc : memref<!tpu.dma_semaphore, #tpu.memory_space<semaphore_mem>>
        %dma_start3A_36 = arith.constant 0 : i32
        %dma_start3A_37 = tpu.memref_slice %arg7[%add3A_23, %dma_start3A_36] : memref<320000x128xf32, #tpu.memory_space<hbm>> -> memref<128x128xf32, #tpu.memory_space<hbm>>
        %dma_start3A_38 = arith.constant 0 : i32
        %dma_start3A_39 = tpu.memref_slice %arg7[%add3A_23, %dma_start3A_38] : memref<320000x128xf32, #tpu.memory_space<hbm>> -> memref<128x128xf32, #tpu.memory_space<hbm>>
        tpu.enqueue_dma source(%arg10 : memref<128x128xf32, #tpu.memory_space<vmem>>) target(%dma_start3A_39 : memref<128x128xf32, #tpu.memory_space<hbm>>) target_semaphore(%run_scoped3A : memref<!tpu.dma_semaphore, #tpu.memory_space<semaphore_mem>>)
        %dma_wait3A_40 = arith.constant 0 : i32
        %dma_wait3A_41 = tpu.memref_slice %arg7[%add3A_23, %dma_wait3A_40] : memref<320000x128xf32, #tpu.memory_space<hbm>> -> memref<128x128xf32, #tpu.memory_space<hbm>>
        %dma_wait3A_42 = arith.constant 0 : i32
        %dma_wait3A_43 = tpu.memref_slice %arg7[%add3A_23, %dma_wait3A_42] : memref<320000x128xf32, #tpu.memory_space<hbm>> -> memref<128x128xf32, #tpu.memory_space<hbm>>
        tpu.wait_dma2 semaphore(%run_scoped3A : memref<!tpu.dma_semaphore, #tpu.memory_space<semaphore_mem>>) src(%arg10 : memref<128x128xf32, #tpu.memory_space<vmem>>) dst(%dma_wait3A_43 : memref<128x128xf32, #tpu.memory_space<hbm>>)
        tpu.yield
      }) : () -> ()
    }
    %scan3A_7 = arith.constant 78 : i32
    %add3A_8 = arith.constant 9984 : i32
    %add3A_9 = arith.addi %mul3A_2, %add3A_8 : i32
    "tpu.region"() ({
      %run_scoped3A = tpu.sem_alloc : memref<!tpu.dma_semaphore, #tpu.memory_space<semaphore_mem>>
      %dma_start3A_20 = tpu.memref_slice %arg4[%add3A_9] : memref<320000xi32, #tpu.memory_space<hbm>> -> memref<16xi32, #tpu.memory_space<hbm>>
      %dma_start3A_21 = tpu.memref_slice %arg4[%add3A_9] : memref<320000xi32, #tpu.memory_space<hbm>> -> memref<16xi32, #tpu.memory_space<hbm>>
      tpu.enqueue_dma source(%dma_start3A_21 : memref<16xi32, #tpu.memory_space<hbm>>) target(%arg9 : memref<16xi32, #tpu.memory_space<vmem>>) target_semaphore(%run_scoped3A : memref<!tpu.dma_semaphore, #tpu.memory_space<semaphore_mem>>)
      %dma_wait3A_22 = tpu.memref_slice %arg4[%add3A_9] : memref<320000xi32, #tpu.memory_space<hbm>> -> memref<16xi32, #tpu.memory_space<hbm>>
      %dma_wait3A_23 = tpu.memref_slice %arg4[%add3A_9] : memref<320000xi32, #tpu.memory_space<hbm>> -> memref<16xi32, #tpu.memory_space<hbm>>
      tpu.wait_dma2 semaphore(%run_scoped3A : memref<!tpu.dma_semaphore, #tpu.memory_space<semaphore_mem>>) src(%dma_wait3A_23 : memref<16xi32, #tpu.memory_space<hbm>>) dst(%arg9 : memref<16xi32, #tpu.memory_space<vmem>>)
      tpu.yield
    }) : () -> ()
    %dma_start3A = arith.constant 0 : i32
    %dma_start3A_10 = arith.constant 0 : i32
    %dma_start3A_11 = tpu.memref_slice %arg2[%dma_start3A, %dma_start3A_10] : memref<10000x128xf32, #tpu.memory_space<hbm>> -> memref<10000x128xf32, #tpu.memory_space<hbm>>
    tpu.enqueue_indirect_dma source(%dma_start3A_11 : memref<10000x128xf32, #tpu.memory_space<hbm>>) target(%arg11 : memref<16x128xf32, #tpu.memory_space<vmem>>) offsets(%arg9 : memref<16xi32, #tpu.memory_space<vmem>>) semaphore(%arg12 : memref<!tpu.dma_semaphore, #tpu.memory_space<semaphore_mem>>)
    %dma_wait3A = arith.constant 0 : i32
    %dma_wait3A_12 = arith.constant 0 : i32
    %dma_wait3A_13 = tpu.memref_slice %arg2[%dma_wait3A, %dma_wait3A_12] : memref<10000x128xf32, #tpu.memory_space<hbm>> -> memref<10000x128xf32, #tpu.memory_space<hbm>>
    tpu.wait_indirect_dma semaphore(%arg12 : memref<!tpu.dma_semaphore, #tpu.memory_space<semaphore_mem>>) src(%dma_wait3A_13 : memref<10000x128xf32, #tpu.memory_space<hbm>>) dst(%arg11 : memref<16x128xf32, #tpu.memory_space<vmem>>)
    "tpu.region"() ({
      %run_scoped3A = tpu.sem_alloc : memref<!tpu.dma_semaphore, #tpu.memory_space<semaphore_mem>>
      %dma_start3A_20 = arith.constant 0 : i32
      %dma_start3A_21 = tpu.memref_slice %arg6[%add3A_9, %dma_start3A_20] : memref<320000x128xf32, #tpu.memory_space<hbm>> -> memref<16x128xf32, #tpu.memory_space<hbm>>
      %dma_start3A_22 = arith.constant 0 : i32
      %dma_start3A_23 = tpu.memref_slice %arg6[%add3A_9, %dma_start3A_22] : memref<320000x128xf32, #tpu.memory_space<hbm>> -> memref<16x128xf32, #tpu.memory_space<hbm>>
      tpu.enqueue_dma source(%arg11 : memref<16x128xf32, #tpu.memory_space<vmem>>) target(%dma_start3A_23 : memref<16x128xf32, #tpu.memory_space<hbm>>) target_semaphore(%run_scoped3A : memref<!tpu.dma_semaphore, #tpu.memory_space<semaphore_mem>>)
      %dma_wait3A_24 = arith.constant 0 : i32
      %dma_wait3A_25 = tpu.memref_slice %arg6[%add3A_9, %dma_wait3A_24] : memref<320000x128xf32, #tpu.memory_space<hbm>> -> memref<16x128xf32, #tpu.memory_space<hbm>>
      %dma_wait3A_26 = arith.constant 0 : i32
      %dma_wait3A_27 = tpu.memref_slice %arg6[%add3A_9, %dma_wait3A_26] : memref<320000x128xf32, #tpu.memory_space<hbm>> -> memref<16x128xf32, #tpu.memory_space<hbm>>
      tpu.wait_dma2 semaphore(%run_scoped3A : memref<!tpu.dma_semaphore, #tpu.memory_space<semaphore_mem>>) src(%arg11 : memref<16x128xf32, #tpu.memory_space<vmem>>) dst(%dma_wait3A_27 : memref<16x128xf32, #tpu.memory_space<hbm>>)
      tpu.yield
    }) : () -> ()
    "tpu.region"() ({
      %run_scoped3A = tpu.sem_alloc : memref<!tpu.dma_semaphore, #tpu.memory_space<semaphore_mem>>
      %dma_start3A_20 = tpu.memref_slice %arg5[%add3A_9] : memref<320000xi32, #tpu.memory_space<hbm>> -> memref<16xi32, #tpu.memory_space<hbm>>
      %dma_start3A_21 = tpu.memref_slice %arg5[%add3A_9] : memref<320000xi32, #tpu.memory_space<hbm>> -> memref<16xi32, #tpu.memory_space<hbm>>
      tpu.enqueue_dma source(%dma_start3A_21 : memref<16xi32, #tpu.memory_space<hbm>>) target(%arg9 : memref<16xi32, #tpu.memory_space<vmem>>) target_semaphore(%run_scoped3A : memref<!tpu.dma_semaphore, #tpu.memory_space<semaphore_mem>>)
      %dma_wait3A_22 = tpu.memref_slice %arg5[%add3A_9] : memref<320000xi32, #tpu.memory_space<hbm>> -> memref<16xi32, #tpu.memory_space<hbm>>
      %dma_wait3A_23 = tpu.memref_slice %arg5[%add3A_9] : memref<320000xi32, #tpu.memory_space<hbm>> -> memref<16xi32, #tpu.memory_space<hbm>>
      tpu.wait_dma2 semaphore(%run_scoped3A : memref<!tpu.dma_semaphore, #tpu.memory_space<semaphore_mem>>) src(%dma_wait3A_23 : memref<16xi32, #tpu.memory_space<hbm>>) dst(%arg9 : memref<16xi32, #tpu.memory_space<vmem>>)
      tpu.yield
    }) : () -> ()
    %dma_start3A_14 = arith.constant 0 : i32
    %dma_start3A_15 = arith.constant 0 : i32
    %dma_start3A_16 = tpu.memref_slice %arg3[%dma_start3A_14, %dma_start3A_15] : memref<10000x128xf32, #tpu.memory_space<hbm>> -> memref<10000x128xf32, #tpu.memory_space<hbm>>
    tpu.enqueue_indirect_dma source(%dma_start3A_16 : memref<10000x128xf32, #tpu.memory_space<hbm>>) target(%arg11 : memref<16x128xf32, #tpu.memory_space<vmem>>) offsets(%arg9 : memref<16xi32, #tpu.memory_space<vmem>>) semaphore(%arg12 : memref<!tpu.dma_semaphore, #tpu.memory_space<semaphore_mem>>)
    %dma_wait3A_17 = arith.constant 0 : i32
    %dma_wait3A_18 = arith.constant 0 : i32
    %dma_wait3A_19 = tpu.memref_slice %arg3[%dma_wait3A_17, %dma_wait3A_18] : memref<10000x128xf32, #tpu.memory_space<hbm>> -> memref<10000x128xf32, #tpu.memory_space<hbm>>
    tpu.wait_indirect_dma semaphore(%arg12 : memref<!tpu.dma_semaphore, #tpu.memory_space<semaphore_mem>>) src(%dma_wait3A_19 : memref<10000x128xf32, #tpu.memory_space<hbm>>) dst(%arg11 : memref<16x128xf32, #tpu.memory_space<vmem>>)
    "tpu.region"() ({
      %run_scoped3A = tpu.sem_alloc : memref<!tpu.dma_semaphore, #tpu.memory_space<semaphore_mem>>
      %dma_start3A_20 = arith.constant 0 : i32
      %dma_start3A_21 = tpu.memref_slice %arg7[%add3A_9, %dma_start3A_20] : memref<320000x128xf32, #tpu.memory_space<hbm>> -> memref<16x128xf32, #tpu.memory_space<hbm>>
      %dma_start3A_22 = arith.constant 0 : i32
      %dma_start3A_23 = tpu.memref_slice %arg7[%add3A_9, %dma_start3A_22] : memref<320000x128xf32, #tpu.memory_space<hbm>> -> memref<16x128xf32, #tpu.memory_space<hbm>>
      tpu.enqueue_dma source(%arg11 : memref<16x128xf32, #tpu.memory_space<vmem>>) target(%dma_start3A_23 : memref<16x128xf32, #tpu.memory_space<hbm>>) target_semaphore(%run_scoped3A : memref<!tpu.dma_semaphore, #tpu.memory_space<semaphore_mem>>)
      %dma_wait3A_24 = arith.constant 0 : i32
      %dma_wait3A_25 = tpu.memref_slice %arg7[%add3A_9, %dma_wait3A_24] : memref<320000x128xf32, #tpu.memory_space<hbm>> -> memref<16x128xf32, #tpu.memory_space<hbm>>
      %dma_wait3A_26 = arith.constant 0 : i32
      %dma_wait3A_27 = tpu.memref_slice %arg7[%add3A_9, %dma_wait3A_26] : memref<320000x128xf32, #tpu.memory_space<hbm>> -> memref<16x128xf32, #tpu.memory_space<hbm>>
      tpu.wait_dma2 semaphore(%run_scoped3A : memref<!tpu.dma_semaphore, #tpu.memory_space<semaphore_mem>>) src(%arg11 : memref<16x128xf32, #tpu.memory_space<vmem>>) dst(%dma_wait3A_27 : memref<16x128xf32, #tpu.memory_space<hbm>>)
      tpu.yield
    }) : () -> ()
    return
  }
}

#map = affine_map<(d0, d1) -> (0, 0)>
#map1 = affine_map<(d0, d1) -> (0)>
#map2 = affine_map<(d0, d1) -> (0, 0, 0)>
module attributes {stable_mosaic.version = 14 : i64} {
  func.func @_scatter_body(%arg0: i32, %arg1: i32, %arg2: memref<320000x128xf32, #tpu.memory_space<hbm>>, %arg3: memref<320000xi32, #tpu.memory_space<hbm>>, %arg4: memref<10240x128xf32, #tpu.memory_space<hbm>>, %arg5: memref<2x10240x128xf32, #tpu.memory_space<hbm>>, %arg6: memref<128xi32, #tpu.memory_space<vmem>>, %arg7: memref<16xi32, #tpu.memory_space<vmem>>, %arg8: memref<128x128xf32, #tpu.memory_space<vmem>>, %arg9: memref<16x128xf32, #tpu.memory_space<vmem>>, %arg10: memref<10240x128xf32, #tpu.memory_space<vmem_shared>>) attributes {dimension_semantics = [#tpu.dimension_semantics<core_parallel>, #tpu.dimension_semantics<subcore_parallel>], iteration_bounds = array<i64: 2, 16>, scalar_prefetch = 0 : i64, scratch_operands = 5 : i64, tpu.core_type = #tpu.core_type<sc_vector_subcore>, window_params = [{transform_indices = #map}, {transform_indices = #map1}, {transform_indices = #map}, {transform_indices = #map2}]} {
    %mul3A = arith.constant 16 : i32
    %mul3A_0 = arith.muli %arg0, %mul3A : i32
    %add3A = arith.addi %mul3A_0, %arg1 : i32
    %mul3A_1 = arith.constant 10000 : i32
    %mul3A_2 = arith.muli %add3A, %mul3A_1 : i32
    %mul3A_3 = arith.constant 640 : i32
    %mul3A_4 = arith.muli %arg1, %mul3A_3 : i32
    "tpu.region"() ({
      %run_scoped3A = tpu.sem_alloc : memref<!tpu.dma_semaphore, #tpu.memory_space<semaphore_mem>>
      %dma_start3A = arith.constant 0 : i32
      %dma_start3A_13 = tpu.memref_slice %arg10[%mul3A_4, %dma_start3A] : memref<10240x128xf32, #tpu.memory_space<vmem_shared>> -> memref<640x128xf32, #tpu.memory_space<vmem_shared>>
      %dma_start3A_14 = arith.constant 0 : i32
      %dma_start3A_15 = tpu.memref_slice %arg4[%mul3A_4, %dma_start3A_14] : memref<10240x128xf32, #tpu.memory_space<hbm>> -> memref<640x128xf32, #tpu.memory_space<hbm>>
      tpu.enqueue_dma source(%dma_start3A_15 : memref<640x128xf32, #tpu.memory_space<hbm>>) target(%dma_start3A_13 : memref<640x128xf32, #tpu.memory_space<vmem_shared>>) target_semaphore(%run_scoped3A : memref<!tpu.dma_semaphore, #tpu.memory_space<semaphore_mem>>)
      %dma_wait3A = arith.constant 0 : i32
      %dma_wait3A_16 = tpu.memref_slice %arg10[%mul3A_4, %dma_wait3A] : memref<10240x128xf32, #tpu.memory_space<vmem_shared>> -> memref<640x128xf32, #tpu.memory_space<vmem_shared>>
      %dma_wait3A_17 = arith.constant 0 : i32
      %dma_wait3A_18 = tpu.memref_slice %arg4[%mul3A_4, %dma_wait3A_17] : memref<10240x128xf32, #tpu.memory_space<hbm>> -> memref<640x128xf32, #tpu.memory_space<hbm>>
      tpu.wait_dma2 semaphore(%run_scoped3A : memref<!tpu.dma_semaphore, #tpu.memory_space<semaphore_mem>>) src(%dma_wait3A_18 : memref<640x128xf32, #tpu.memory_space<hbm>>) dst(%dma_wait3A_16 : memref<640x128xf32, #tpu.memory_space<vmem_shared>>)
      tpu.yield
    }) : () -> ()
    %barrier3A = arith.constant 0 : index
    tpu.barrier barrier_id(%barrier3A)
    %scan3A = arith.constant 0 : i32
    %scan3A_5 = arith.constant 0 : i32
    %scan3A_6 = arith.constant 78 : i32
    %scan3A_7 = arith.addi %scan3A_5, %scan3A_6 : i32
    %scan3A_8 = arith.constant 1 : i32
    scf.for %scan3A_13 = %scan3A_5 to %scan3A_7 step %scan3A_8  : i32 {
      %mul3A_14 = arith.constant 128 : i32
      %mul3A_15 = arith.muli %scan3A_13, %mul3A_14 : i32
      %add3A_16 = arith.addi %mul3A_2, %mul3A_15 : i32
      "tpu.region"() ({
        %run_scoped3A = tpu.sem_alloc : memref<!tpu.dma_semaphore, #tpu.memory_space<semaphore_mem>>
        %dma_start3A = tpu.memref_slice %arg3[%add3A_16] : memref<320000xi32, #tpu.memory_space<hbm>> -> memref<128xi32, #tpu.memory_space<hbm>>
        %dma_start3A_17 = tpu.memref_slice %arg3[%add3A_16] : memref<320000xi32, #tpu.memory_space<hbm>> -> memref<128xi32, #tpu.memory_space<hbm>>
        tpu.enqueue_dma source(%dma_start3A_17 : memref<128xi32, #tpu.memory_space<hbm>>) target(%arg6 : memref<128xi32, #tpu.memory_space<vmem>>) target_semaphore(%run_scoped3A : memref<!tpu.dma_semaphore, #tpu.memory_space<semaphore_mem>>)
        %dma_wait3A = tpu.memref_slice %arg3[%add3A_16] : memref<320000xi32, #tpu.memory_space<hbm>> -> memref<128xi32, #tpu.memory_space<hbm>>
        %dma_wait3A_18 = tpu.memref_slice %arg3[%add3A_16] : memref<320000xi32, #tpu.memory_space<hbm>> -> memref<128xi32, #tpu.memory_space<hbm>>
        tpu.wait_dma2 semaphore(%run_scoped3A : memref<!tpu.dma_semaphore, #tpu.memory_space<semaphore_mem>>) src(%dma_wait3A_18 : memref<128xi32, #tpu.memory_space<hbm>>) dst(%arg6 : memref<128xi32, #tpu.memory_space<vmem>>)
        tpu.yield
      }) : () -> ()
      "tpu.region"() ({
        %run_scoped3A = tpu.sem_alloc : memref<!tpu.dma_semaphore, #tpu.memory_space<semaphore_mem>>
        %dma_start3A = arith.constant 0 : i32
        %dma_start3A_17 = tpu.memref_slice %arg2[%add3A_16, %dma_start3A] : memref<320000x128xf32, #tpu.memory_space<hbm>> -> memref<128x128xf32, #tpu.memory_space<hbm>>
        %dma_start3A_18 = arith.constant 0 : i32
        %dma_start3A_19 = tpu.memref_slice %arg2[%add3A_16, %dma_start3A_18] : memref<320000x128xf32, #tpu.memory_space<hbm>> -> memref<128x128xf32, #tpu.memory_space<hbm>>
        tpu.enqueue_dma source(%dma_start3A_19 : memref<128x128xf32, #tpu.memory_space<hbm>>) target(%arg8 : memref<128x128xf32, #tpu.memory_space<vmem>>) target_semaphore(%run_scoped3A : memref<!tpu.dma_semaphore, #tpu.memory_space<semaphore_mem>>)
        %dma_wait3A = arith.constant 0 : i32
        %dma_wait3A_20 = tpu.memref_slice %arg2[%add3A_16, %dma_wait3A] : memref<320000x128xf32, #tpu.memory_space<hbm>> -> memref<128x128xf32, #tpu.memory_space<hbm>>
        %dma_wait3A_21 = arith.constant 0 : i32
        %dma_wait3A_22 = tpu.memref_slice %arg2[%add3A_16, %dma_wait3A_21] : memref<320000x128xf32, #tpu.memory_space<hbm>> -> memref<128x128xf32, #tpu.memory_space<hbm>>
        tpu.wait_dma2 semaphore(%run_scoped3A : memref<!tpu.dma_semaphore, #tpu.memory_space<semaphore_mem>>) src(%dma_wait3A_22 : memref<128x128xf32, #tpu.memory_space<hbm>>) dst(%arg8 : memref<128x128xf32, #tpu.memory_space<vmem>>)
        tpu.yield
      }) : () -> ()
      "tpu.region"() ({
        %run_scoped3A = tpu.sem_alloc : memref<!tpu.dma_semaphore, #tpu.memory_space<semaphore_mem>>
        %dma_start3A = arith.constant 0 : i32
        %dma_start3A_17 = arith.constant 0 : i32
        %dma_start3A_18 = tpu.memref_slice %arg10[%dma_start3A, %dma_start3A_17] : memref<10240x128xf32, #tpu.memory_space<vmem_shared>> -> memref<10240x128xf32, #tpu.memory_space<vmem_shared>>
        tpu.enqueue_indirect_dma source(%arg8 : memref<128x128xf32, #tpu.memory_space<vmem>>) target(%dma_start3A_18 : memref<10240x128xf32, #tpu.memory_space<vmem_shared>>) offsets(%arg6 : memref<128xi32, #tpu.memory_space<vmem>>) semaphore(%run_scoped3A : memref<!tpu.dma_semaphore, #tpu.memory_space<semaphore_mem>>) {add = true}
        %dma_wait3A = arith.constant 0 : i32
        %dma_wait3A_19 = arith.constant 0 : i32
        %dma_wait3A_20 = tpu.memref_slice %arg10[%dma_wait3A, %dma_wait3A_19] : memref<10240x128xf32, #tpu.memory_space<vmem_shared>> -> memref<10240x128xf32, #tpu.memory_space<vmem_shared>>
        tpu.wait_indirect_dma semaphore(%run_scoped3A : memref<!tpu.dma_semaphore, #tpu.memory_space<semaphore_mem>>) src(%arg8 : memref<128x128xf32, #tpu.memory_space<vmem>>) dst(%dma_wait3A_20 : memref<10240x128xf32, #tpu.memory_space<vmem_shared>>)
        tpu.yield
      }) : () -> ()
    }
    %scan3A_9 = arith.constant 78 : i32
    %add3A_10 = arith.constant 9984 : i32
    %add3A_11 = arith.addi %mul3A_2, %add3A_10 : i32
    "tpu.region"() ({
      %run_scoped3A = tpu.sem_alloc : memref<!tpu.dma_semaphore, #tpu.memory_space<semaphore_mem>>
      %dma_start3A = tpu.memref_slice %arg3[%add3A_11] : memref<320000xi32, #tpu.memory_space<hbm>> -> memref<16xi32, #tpu.memory_space<hbm>>
      %dma_start3A_13 = tpu.memref_slice %arg3[%add3A_11] : memref<320000xi32, #tpu.memory_space<hbm>> -> memref<16xi32, #tpu.memory_space<hbm>>
      tpu.enqueue_dma source(%dma_start3A_13 : memref<16xi32, #tpu.memory_space<hbm>>) target(%arg7 : memref<16xi32, #tpu.memory_space<vmem>>) target_semaphore(%run_scoped3A : memref<!tpu.dma_semaphore, #tpu.memory_space<semaphore_mem>>)
      %dma_wait3A = tpu.memref_slice %arg3[%add3A_11] : memref<320000xi32, #tpu.memory_space<hbm>> -> memref<16xi32, #tpu.memory_space<hbm>>
      %dma_wait3A_14 = tpu.memref_slice %arg3[%add3A_11] : memref<320000xi32, #tpu.memory_space<hbm>> -> memref<16xi32, #tpu.memory_space<hbm>>
      tpu.wait_dma2 semaphore(%run_scoped3A : memref<!tpu.dma_semaphore, #tpu.memory_space<semaphore_mem>>) src(%dma_wait3A_14 : memref<16xi32, #tpu.memory_space<hbm>>) dst(%arg7 : memref<16xi32, #tpu.memory_space<vmem>>)
      tpu.yield
    }) : () -> ()
    "tpu.region"() ({
      %run_scoped3A = tpu.sem_alloc : memref<!tpu.dma_semaphore, #tpu.memory_space<semaphore_mem>>
      %dma_start3A = arith.constant 0 : i32
      %dma_start3A_13 = tpu.memref_slice %arg2[%add3A_11, %dma_start3A] : memref<320000x128xf32, #tpu.memory_space<hbm>> -> memref<16x128xf32, #tpu.memory_space<hbm>>
      %dma_start3A_14 = arith.constant 0 : i32
      %dma_start3A_15 = tpu.memref_slice %arg2[%add3A_11, %dma_start3A_14] : memref<320000x128xf32, #tpu.memory_space<hbm>> -> memref<16x128xf32, #tpu.memory_space<hbm>>
      tpu.enqueue_dma source(%dma_start3A_15 : memref<16x128xf32, #tpu.memory_space<hbm>>) target(%arg9 : memref<16x128xf32, #tpu.memory_space<vmem>>) target_semaphore(%run_scoped3A : memref<!tpu.dma_semaphore, #tpu.memory_space<semaphore_mem>>)
      %dma_wait3A = arith.constant 0 : i32
      %dma_wait3A_16 = tpu.memref_slice %arg2[%add3A_11, %dma_wait3A] : memref<320000x128xf32, #tpu.memory_space<hbm>> -> memref<16x128xf32, #tpu.memory_space<hbm>>
      %dma_wait3A_17 = arith.constant 0 : i32
      %dma_wait3A_18 = tpu.memref_slice %arg2[%add3A_11, %dma_wait3A_17] : memref<320000x128xf32, #tpu.memory_space<hbm>> -> memref<16x128xf32, #tpu.memory_space<hbm>>
      tpu.wait_dma2 semaphore(%run_scoped3A : memref<!tpu.dma_semaphore, #tpu.memory_space<semaphore_mem>>) src(%dma_wait3A_18 : memref<16x128xf32, #tpu.memory_space<hbm>>) dst(%arg9 : memref<16x128xf32, #tpu.memory_space<vmem>>)
      tpu.yield
    }) : () -> ()
    "tpu.region"() ({
      %run_scoped3A = tpu.sem_alloc : memref<!tpu.dma_semaphore, #tpu.memory_space<semaphore_mem>>
      %dma_start3A = arith.constant 0 : i32
      %dma_start3A_13 = arith.constant 0 : i32
      %dma_start3A_14 = tpu.memref_slice %arg10[%dma_start3A, %dma_start3A_13] : memref<10240x128xf32, #tpu.memory_space<vmem_shared>> -> memref<10240x128xf32, #tpu.memory_space<vmem_shared>>
      tpu.enqueue_indirect_dma source(%arg9 : memref<16x128xf32, #tpu.memory_space<vmem>>) target(%dma_start3A_14 : memref<10240x128xf32, #tpu.memory_space<vmem_shared>>) offsets(%arg7 : memref<16xi32, #tpu.memory_space<vmem>>) semaphore(%run_scoped3A : memref<!tpu.dma_semaphore, #tpu.memory_space<semaphore_mem>>) {add = true}
      %dma_wait3A = arith.constant 0 : i32
      %dma_wait3A_15 = arith.constant 0 : i32
      %dma_wait3A_16 = tpu.memref_slice %arg10[%dma_wait3A, %dma_wait3A_15] : memref<10240x128xf32, #tpu.memory_space<vmem_shared>> -> memref<10240x128xf32, #tpu.memory_space<vmem_shared>>
      tpu.wait_indirect_dma semaphore(%run_scoped3A : memref<!tpu.dma_semaphore, #tpu.memory_space<semaphore_mem>>) src(%arg9 : memref<16x128xf32, #tpu.memory_space<vmem>>) dst(%dma_wait3A_16 : memref<10240x128xf32, #tpu.memory_space<vmem_shared>>)
      tpu.yield
    }) : () -> ()
    %barrier3A_12 = arith.constant 0 : index
    tpu.barrier barrier_id(%barrier3A_12)
    "tpu.region"() ({
      %run_scoped3A = tpu.sem_alloc : memref<!tpu.dma_semaphore, #tpu.memory_space<semaphore_mem>>
      %dma_start3A = arith.constant 0 : i32
      %dma_start3A_13 = tpu.memref_slice %arg5[%arg0, %mul3A_4, %dma_start3A] : memref<2x10240x128xf32, #tpu.memory_space<hbm>> -> memref<1x640x128xf32, #tpu.memory_space<hbm>>
      %dma_start3A_14 = tpu.memref_squeeze %dma_start3A_13 : memref<1x640x128xf32, #tpu.memory_space<hbm>> -> memref<640x128xf32, #tpu.memory_space<hbm>>
      %dma_start3A_15 = arith.constant 0 : i32
      %dma_start3A_16 = tpu.memref_slice %arg10[%mul3A_4, %dma_start3A_15] : memref<10240x128xf32, #tpu.memory_space<vmem_shared>> -> memref<640x128xf32, #tpu.memory_space<vmem_shared>>
      tpu.enqueue_dma source(%dma_start3A_16 : memref<640x128xf32, #tpu.memory_space<vmem_shared>>) target(%dma_start3A_14 : memref<640x128xf32, #tpu.memory_space<hbm>>) target_semaphore(%run_scoped3A : memref<!tpu.dma_semaphore, #tpu.memory_space<semaphore_mem>>)
      %dma_wait3A = arith.constant 0 : i32
      %dma_wait3A_17 = tpu.memref_slice %arg5[%arg0, %mul3A_4, %dma_wait3A] : memref<2x10240x128xf32, #tpu.memory_space<hbm>> -> memref<1x640x128xf32, #tpu.memory_space<hbm>>
      %dma_wait3A_18 = tpu.memref_squeeze %dma_wait3A_17 : memref<1x640x128xf32, #tpu.memory_space<hbm>> -> memref<640x128xf32, #tpu.memory_space<hbm>>
      %dma_wait3A_19 = arith.constant 0 : i32
      %dma_wait3A_20 = tpu.memref_slice %arg10[%mul3A_4, %dma_wait3A_19] : memref<10240x128xf32, #tpu.memory_space<vmem_shared>> -> memref<640x128xf32, #tpu.memory_space<vmem_shared>>
      tpu.wait_dma2 semaphore(%run_scoped3A : memref<!tpu.dma_semaphore, #tpu.memory_space<semaphore_mem>>) src(%dma_wait3A_20 : memref<640x128xf32, #tpu.memory_space<vmem_shared>>) dst(%dma_wait3A_18 : memref<640x128xf32, #tpu.memory_space<hbm>>)
      tpu.yield
    }) : () -> ()
    return
  }
}

#map = affine_map<(d0, d1) -> (0, 0)>
#map1 = affine_map<(d0, d1) -> (0)>
#map2 = affine_map<(d0, d1) -> (0, 0, 0)>
module attributes {stable_mosaic.version = 14 : i64} {
  func.func @_scatter_body(%arg0: i32, %arg1: i32, %arg2: memref<320000x128xf32, #tpu.memory_space<hbm>>, %arg3: memref<320000xi32, #tpu.memory_space<hbm>>, %arg4: memref<10240x128xf32, #tpu.memory_space<hbm>>, %arg5: memref<2x10240x128xf32, #tpu.memory_space<hbm>>, %arg6: memref<128xi32, #tpu.memory_space<vmem>>, %arg7: memref<16xi32, #tpu.memory_space<vmem>>, %arg8: memref<128x128xf32, #tpu.memory_space<vmem>>, %arg9: memref<16x128xf32, #tpu.memory_space<vmem>>, %arg10: memref<10240x128xf32, #tpu.memory_space<vmem_shared>>) attributes {dimension_semantics = [#tpu.dimension_semantics<core_parallel>, #tpu.dimension_semantics<subcore_parallel>], iteration_bounds = array<i64: 2, 16>, scalar_prefetch = 0 : i64, scratch_operands = 5 : i64, tpu.core_type = #tpu.core_type<sc_vector_subcore>, window_params = [{transform_indices = #map}, {transform_indices = #map1}, {transform_indices = #map}, {transform_indices = #map2}]} {
    %mul3A = arith.constant 16 : i32
    %mul3A_0 = arith.muli %arg0, %mul3A : i32
    %add3A = arith.addi %mul3A_0, %arg1 : i32
    %mul3A_1 = arith.constant 10000 : i32
    %mul3A_2 = arith.muli %add3A, %mul3A_1 : i32
    %mul3A_3 = arith.constant 640 : i32
    %mul3A_4 = arith.muli %arg1, %mul3A_3 : i32
    "tpu.region"() ({
      %run_scoped3A = tpu.sem_alloc : memref<!tpu.dma_semaphore, #tpu.memory_space<semaphore_mem>>
      %dma_start3A = arith.constant 0 : i32
      %dma_start3A_13 = tpu.memref_slice %arg10[%mul3A_4, %dma_start3A] : memref<10240x128xf32, #tpu.memory_space<vmem_shared>> -> memref<640x128xf32, #tpu.memory_space<vmem_shared>>
      %dma_start3A_14 = arith.constant 0 : i32
      %dma_start3A_15 = tpu.memref_slice %arg4[%mul3A_4, %dma_start3A_14] : memref<10240x128xf32, #tpu.memory_space<hbm>> -> memref<640x128xf32, #tpu.memory_space<hbm>>
      tpu.enqueue_dma source(%dma_start3A_15 : memref<640x128xf32, #tpu.memory_space<hbm>>) target(%dma_start3A_13 : memref<640x128xf32, #tpu.memory_space<vmem_shared>>) target_semaphore(%run_scoped3A : memref<!tpu.dma_semaphore, #tpu.memory_space<semaphore_mem>>)
      %dma_wait3A = arith.constant 0 : i32
      %dma_wait3A_16 = tpu.memref_slice %arg10[%mul3A_4, %dma_wait3A] : memref<10240x128xf32, #tpu.memory_space<vmem_shared>> -> memref<640x128xf32, #tpu.memory_space<vmem_shared>>
      %dma_wait3A_17 = arith.constant 0 : i32
      %dma_wait3A_18 = tpu.memref_slice %arg4[%mul3A_4, %dma_wait3A_17] : memref<10240x128xf32, #tpu.memory_space<hbm>> -> memref<640x128xf32, #tpu.memory_space<hbm>>
      tpu.wait_dma2 semaphore(%run_scoped3A : memref<!tpu.dma_semaphore, #tpu.memory_space<semaphore_mem>>) src(%dma_wait3A_18 : memref<640x128xf32, #tpu.memory_space<hbm>>) dst(%dma_wait3A_16 : memref<640x128xf32, #tpu.memory_space<vmem_shared>>)
      tpu.yield
    }) : () -> ()
    %barrier3A = arith.constant 0 : index
    tpu.barrier barrier_id(%barrier3A)
    %scan3A = arith.constant 0 : i32
    %scan3A_5 = arith.constant 0 : i32
    %scan3A_6 = arith.constant 78 : i32
    %scan3A_7 = arith.addi %scan3A_5, %scan3A_6 : i32
    %scan3A_8 = arith.constant 1 : i32
    scf.for %scan3A_13 = %scan3A_5 to %scan3A_7 step %scan3A_8  : i32 {
      %mul3A_14 = arith.constant 128 : i32
      %mul3A_15 = arith.muli %scan3A_13, %mul3A_14 : i32
      %add3A_16 = arith.addi %mul3A_2, %mul3A_15 : i32
      "tpu.region"() ({
        %run_scoped3A = tpu.sem_alloc : memref<!tpu.dma_semaphore, #tpu.memory_space<semaphore_mem>>
        %dma_start3A = tpu.memref_slice %arg3[%add3A_16] : memref<320000xi32, #tpu.memory_space<hbm>> -> memref<128xi32, #tpu.memory_space<hbm>>
        %dma_start3A_17 = tpu.memref_slice %arg3[%add3A_16] : memref<320000xi32, #tpu.memory_space<hbm>> -> memref<128xi32, #tpu.memory_space<hbm>>
        tpu.enqueue_dma source(%dma_start3A_17 : memref<128xi32, #tpu.memory_space<hbm>>) target(%arg6 : memref<128xi32, #tpu.memory_space<vmem>>) target_semaphore(%run_scoped3A : memref<!tpu.dma_semaphore, #tpu.memory_space<semaphore_mem>>)
        %dma_wait3A = tpu.memref_slice %arg3[%add3A_16] : memref<320000xi32, #tpu.memory_space<hbm>> -> memref<128xi32, #tpu.memory_space<hbm>>
        %dma_wait3A_18 = tpu.memref_slice %arg3[%add3A_16] : memref<320000xi32, #tpu.memory_space<hbm>> -> memref<128xi32, #tpu.memory_space<hbm>>
        tpu.wait_dma2 semaphore(%run_scoped3A : memref<!tpu.dma_semaphore, #tpu.memory_space<semaphore_mem>>) src(%dma_wait3A_18 : memref<128xi32, #tpu.memory_space<hbm>>) dst(%arg6 : memref<128xi32, #tpu.memory_space<vmem>>)
        tpu.yield
      }) : () -> ()
      "tpu.region"() ({
        %run_scoped3A = tpu.sem_alloc : memref<!tpu.dma_semaphore, #tpu.memory_space<semaphore_mem>>
        %dma_start3A = arith.constant 0 : i32
        %dma_start3A_17 = tpu.memref_slice %arg2[%add3A_16, %dma_start3A] : memref<320000x128xf32, #tpu.memory_space<hbm>> -> memref<128x128xf32, #tpu.memory_space<hbm>>
        %dma_start3A_18 = arith.constant 0 : i32
        %dma_start3A_19 = tpu.memref_slice %arg2[%add3A_16, %dma_start3A_18] : memref<320000x128xf32, #tpu.memory_space<hbm>> -> memref<128x128xf32, #tpu.memory_space<hbm>>
        tpu.enqueue_dma source(%dma_start3A_19 : memref<128x128xf32, #tpu.memory_space<hbm>>) target(%arg8 : memref<128x128xf32, #tpu.memory_space<vmem>>) target_semaphore(%run_scoped3A : memref<!tpu.dma_semaphore, #tpu.memory_space<semaphore_mem>>)
        %dma_wait3A = arith.constant 0 : i32
        %dma_wait3A_20 = tpu.memref_slice %arg2[%add3A_16, %dma_wait3A] : memref<320000x128xf32, #tpu.memory_space<hbm>> -> memref<128x128xf32, #tpu.memory_space<hbm>>
        %dma_wait3A_21 = arith.constant 0 : i32
        %dma_wait3A_22 = tpu.memref_slice %arg2[%add3A_16, %dma_wait3A_21] : memref<320000x128xf32, #tpu.memory_space<hbm>> -> memref<128x128xf32, #tpu.memory_space<hbm>>
        tpu.wait_dma2 semaphore(%run_scoped3A : memref<!tpu.dma_semaphore, #tpu.memory_space<semaphore_mem>>) src(%dma_wait3A_22 : memref<128x128xf32, #tpu.memory_space<hbm>>) dst(%arg8 : memref<128x128xf32, #tpu.memory_space<vmem>>)
        tpu.yield
      }) : () -> ()
      "tpu.region"() ({
        %run_scoped3A = tpu.sem_alloc : memref<!tpu.dma_semaphore, #tpu.memory_space<semaphore_mem>>
        %dma_start3A = arith.constant 0 : i32
        %dma_start3A_17 = arith.constant 0 : i32
        %dma_start3A_18 = tpu.memref_slice %arg10[%dma_start3A, %dma_start3A_17] : memref<10240x128xf32, #tpu.memory_space<vmem_shared>> -> memref<10240x128xf32, #tpu.memory_space<vmem_shared>>
        tpu.enqueue_indirect_dma source(%arg8 : memref<128x128xf32, #tpu.memory_space<vmem>>) target(%dma_start3A_18 : memref<10240x128xf32, #tpu.memory_space<vmem_shared>>) offsets(%arg6 : memref<128xi32, #tpu.memory_space<vmem>>) semaphore(%run_scoped3A : memref<!tpu.dma_semaphore, #tpu.memory_space<semaphore_mem>>) {add = true}
        %dma_wait3A = arith.constant 0 : i32
        %dma_wait3A_19 = arith.constant 0 : i32
        %dma_wait3A_20 = tpu.memref_slice %arg10[%dma_wait3A, %dma_wait3A_19] : memref<10240x128xf32, #tpu.memory_space<vmem_shared>> -> memref<10240x128xf32, #tpu.memory_space<vmem_shared>>
        tpu.wait_indirect_dma semaphore(%run_scoped3A : memref<!tpu.dma_semaphore, #tpu.memory_space<semaphore_mem>>) src(%arg8 : memref<128x128xf32, #tpu.memory_space<vmem>>) dst(%dma_wait3A_20 : memref<10240x128xf32, #tpu.memory_space<vmem_shared>>)
        tpu.yield
      }) : () -> ()
    }
    %scan3A_9 = arith.constant 78 : i32
    %add3A_10 = arith.constant 9984 : i32
    %add3A_11 = arith.addi %mul3A_2, %add3A_10 : i32
    "tpu.region"() ({
      %run_scoped3A = tpu.sem_alloc : memref<!tpu.dma_semaphore, #tpu.memory_space<semaphore_mem>>
      %dma_start3A = tpu.memref_slice %arg3[%add3A_11] : memref<320000xi32, #tpu.memory_space<hbm>> -> memref<16xi32, #tpu.memory_space<hbm>>
      %dma_start3A_13 = tpu.memref_slice %arg3[%add3A_11] : memref<320000xi32, #tpu.memory_space<hbm>> -> memref<16xi32, #tpu.memory_space<hbm>>
      tpu.enqueue_dma source(%dma_start3A_13 : memref<16xi32, #tpu.memory_space<hbm>>) target(%arg7 : memref<16xi32, #tpu.memory_space<vmem>>) target_semaphore(%run_scoped3A : memref<!tpu.dma_semaphore, #tpu.memory_space<semaphore_mem>>)
      %dma_wait3A = tpu.memref_slice %arg3[%add3A_11] : memref<320000xi32, #tpu.memory_space<hbm>> -> memref<16xi32, #tpu.memory_space<hbm>>
      %dma_wait3A_14 = tpu.memref_slice %arg3[%add3A_11] : memref<320000xi32, #tpu.memory_space<hbm>> -> memref<16xi32, #tpu.memory_space<hbm>>
      tpu.wait_dma2 semaphore(%run_scoped3A : memref<!tpu.dma_semaphore, #tpu.memory_space<semaphore_mem>>) src(%dma_wait3A_14 : memref<16xi32, #tpu.memory_space<hbm>>) dst(%arg7 : memref<16xi32, #tpu.memory_space<vmem>>)
      tpu.yield
    }) : () -> ()
    "tpu.region"() ({
      %run_scoped3A = tpu.sem_alloc : memref<!tpu.dma_semaphore, #tpu.memory_space<semaphore_mem>>
      %dma_start3A = arith.constant 0 : i32
      %dma_start3A_13 = tpu.memref_slice %arg2[%add3A_11, %dma_start3A] : memref<320000x128xf32, #tpu.memory_space<hbm>> -> memref<16x128xf32, #tpu.memory_space<hbm>>
      %dma_start3A_14 = arith.constant 0 : i32
      %dma_start3A_15 = tpu.memref_slice %arg2[%add3A_11, %dma_start3A_14] : memref<320000x128xf32, #tpu.memory_space<hbm>> -> memref<16x128xf32, #tpu.memory_space<hbm>>
      tpu.enqueue_dma source(%dma_start3A_15 : memref<16x128xf32, #tpu.memory_space<hbm>>) target(%arg9 : memref<16x128xf32, #tpu.memory_space<vmem>>) target_semaphore(%run_scoped3A : memref<!tpu.dma_semaphore, #tpu.memory_space<semaphore_mem>>)
      %dma_wait3A = arith.constant 0 : i32
      %dma_wait3A_16 = tpu.memref_slice %arg2[%add3A_11, %dma_wait3A] : memref<320000x128xf32, #tpu.memory_space<hbm>> -> memref<16x128xf32, #tpu.memory_space<hbm>>
      %dma_wait3A_17 = arith.constant 0 : i32
      %dma_wait3A_18 = tpu.memref_slice %arg2[%add3A_11, %dma_wait3A_17] : memref<320000x128xf32, #tpu.memory_space<hbm>> -> memref<16x128xf32, #tpu.memory_space<hbm>>
      tpu.wait_dma2 semaphore(%run_scoped3A : memref<!tpu.dma_semaphore, #tpu.memory_space<semaphore_mem>>) src(%dma_wait3A_18 : memref<16x128xf32, #tpu.memory_space<hbm>>) dst(%arg9 : memref<16x128xf32, #tpu.memory_space<vmem>>)
      tpu.yield
    }) : () -> ()
    "tpu.region"() ({
      %run_scoped3A = tpu.sem_alloc : memref<!tpu.dma_semaphore, #tpu.memory_space<semaphore_mem>>
      %dma_start3A = arith.constant 0 : i32
      %dma_start3A_13 = arith.constant 0 : i32
      %dma_start3A_14 = tpu.memref_slice %arg10[%dma_start3A, %dma_start3A_13] : memref<10240x128xf32, #tpu.memory_space<vmem_shared>> -> memref<10240x128xf32, #tpu.memory_space<vmem_shared>>
      tpu.enqueue_indirect_dma source(%arg9 : memref<16x128xf32, #tpu.memory_space<vmem>>) target(%dma_start3A_14 : memref<10240x128xf32, #tpu.memory_space<vmem_shared>>) offsets(%arg7 : memref<16xi32, #tpu.memory_space<vmem>>) semaphore(%run_scoped3A : memref<!tpu.dma_semaphore, #tpu.memory_space<semaphore_mem>>) {add = true}
      %dma_wait3A = arith.constant 0 : i32
      %dma_wait3A_15 = arith.constant 0 : i32
      %dma_wait3A_16 = tpu.memref_slice %arg10[%dma_wait3A, %dma_wait3A_15] : memref<10240x128xf32, #tpu.memory_space<vmem_shared>> -> memref<10240x128xf32, #tpu.memory_space<vmem_shared>>
      tpu.wait_indirect_dma semaphore(%run_scoped3A : memref<!tpu.dma_semaphore, #tpu.memory_space<semaphore_mem>>) src(%arg9 : memref<16x128xf32, #tpu.memory_space<vmem>>) dst(%dma_wait3A_16 : memref<10240x128xf32, #tpu.memory_space<vmem_shared>>)
      tpu.yield
    }) : () -> ()
    %barrier3A_12 = arith.constant 0 : index
    tpu.barrier barrier_id(%barrier3A_12)
    "tpu.region"() ({
      %run_scoped3A = tpu.sem_alloc : memref<!tpu.dma_semaphore, #tpu.memory_space<semaphore_mem>>
      %dma_start3A = arith.constant 0 : i32
      %dma_start3A_13 = tpu.memref_slice %arg5[%arg0, %mul3A_4, %dma_start3A] : memref<2x10240x128xf32, #tpu.memory_space<hbm>> -> memref<1x640x128xf32, #tpu.memory_space<hbm>>
      %dma_start3A_14 = tpu.memref_squeeze %dma_start3A_13 : memref<1x640x128xf32, #tpu.memory_space<hbm>> -> memref<640x128xf32, #tpu.memory_space<hbm>>
      %dma_start3A_15 = arith.constant 0 : i32
      %dma_start3A_16 = tpu.memref_slice %arg10[%mul3A_4, %dma_start3A_15] : memref<10240x128xf32, #tpu.memory_space<vmem_shared>> -> memref<640x128xf32, #tpu.memory_space<vmem_shared>>
      tpu.enqueue_dma source(%dma_start3A_16 : memref<640x128xf32, #tpu.memory_space<vmem_shared>>) target(%dma_start3A_14 : memref<640x128xf32, #tpu.memory_space<hbm>>) target_semaphore(%run_scoped3A : memref<!tpu.dma_semaphore, #tpu.memory_space<semaphore_mem>>)
      %dma_wait3A = arith.constant 0 : i32
      %dma_wait3A_17 = tpu.memref_slice %arg5[%arg0, %mul3A_4, %dma_wait3A] : memref<2x10240x128xf32, #tpu.memory_space<hbm>> -> memref<1x640x128xf32, #tpu.memory_space<hbm>>
      %dma_wait3A_18 = tpu.memref_squeeze %dma_wait3A_17 : memref<1x640x128xf32, #tpu.memory_space<hbm>> -> memref<640x128xf32, #tpu.memory_space<hbm>>
      %dma_wait3A_19 = arith.constant 0 : i32
      %dma_wait3A_20 = tpu.memref_slice %arg10[%mul3A_4, %dma_wait3A_19] : memref<10240x128xf32, #tpu.memory_space<vmem_shared>> -> memref<640x128xf32, #tpu.memory_space<vmem_shared>>
      tpu.wait_dma2 semaphore(%run_scoped3A : memref<!tpu.dma_semaphore, #tpu.memory_space<semaphore_mem>>) src(%dma_wait3A_20 : memref<640x128xf32, #tpu.memory_space<vmem_shared>>) dst(%dma_wait3A_18 : memref<640x128xf32, #tpu.memory_space<hbm>>)
      tpu.yield
    }) : () -> ()
    return
  }
}

module attributes {stable_mosaic.version = 14 : i64} {
  func.func @_init_body(%arg0: i32, %arg1: memref<2000x1xi32, #tpu.memory_space<vmem>>, %arg2: memref<2000x1xf32, #tpu.memory_space<vmem>>, %arg3: memref<2000x1xi32, #tpu.memory_space<vmem>>, %arg4: memref<256x16xf32, #tpu.memory_space<vmem>>, %arg5: memref<128x128xf32, #tpu.memory_space<vmem>>, %arg6: memref<128x128xf32, #tpu.memory_space<vmem>>, %arg7: memref<128x128xf32, #tpu.memory_space<vmem>>, %arg8: memref<1x128xf32, #tpu.memory_space<vmem>>, %arg9: memref<128x128xf32, #tpu.memory_space<vmem>>, %arg10: memref<128x128xf32, #tpu.memory_space<vmem>>, %arg11: memref<16x128xf32, #tpu.memory_space<vmem>>, %arg12: memref<1x128xf32, #tpu.memory_space<vmem>>, %arg13: memref<2000x128xf32, #tpu.memory_space<vmem>>, %arg14: memref<2000x16xf32, #tpu.memory_space<vmem>>, %arg15: memref<2000x128xf32, #tpu.memory_space<vmem>>, %arg16: memref<2000x128xf32, #tpu.memory_space<vmem>>) attributes {dimension_semantics = [#tpu.dimension_semantics<arbitrary>], iteration_bounds = array<i64: 5>, scalar_prefetch = 0 : i64, scratch_operands = 0 : i64, tpu.core_type = #tpu.core_type<tc>, window_params = [{transform_indices = @transform_0, window_bounds = array<i64: 2000, 1>}, {transform_indices = @transform_1, window_bounds = array<i64: 2000, 1>}, {transform_indices = @transform_2, window_bounds = array<i64: 2000, 1>}, {pipeline_mode = #tpu.pipeline_mode<synchronous>, transform_indices = @transform_3, window_bounds = array<i64: 256, 16>}, {pipeline_mode = #tpu.pipeline_mode<synchronous>, transform_indices = @transform_4, window_bounds = array<i64: 128, 128>}, {pipeline_mode = #tpu.pipeline_mode<synchronous>, transform_indices = @transform_5, window_bounds = array<i64: 128, 128>}, {pipeline_mode = #tpu.pipeline_mode<synchronous>, transform_indices = @transform_6, window_bounds = array<i64: 128, 128>}, {pipeline_mode = #tpu.pipeline_mode<synchronous>, transform_indices = @transform_7, window_bounds = array<i64: 1, 128>}, {pipeline_mode = #tpu.pipeline_mode<synchronous>, transform_indices = @transform_8, window_bounds = array<i64: 128, 128>}, {pipeline_mode = #tpu.pipeline_mode<synchronous>, transform_indices = @transform_9, window_bounds = array<i64: 128, 128>}, {pipeline_mode = #tpu.pipeline_mode<synchronous>, transform_indices = @transform_10, window_bounds = array<i64: 16, 128>}, {pipeline_mode = #tpu.pipeline_mode<synchronous>, transform_indices = @transform_11, window_bounds = array<i64: 1, 128>}, {transform_indices = @transform_12, window_bounds = array<i64: 2000, 128>}, {transform_indices = @transform_13, window_bounds = array<i64: 2000, 16>}, {transform_indices = @transform_14, window_bounds = array<i64: 2000, 128>}, {transform_indices = @transform_15, window_bounds = array<i64: 2000, 128>}]} {
    %get3A = arith.constant 0 : index
    %get3A_0 = arith.constant 0 : index
    %get3A_1 = vector.load %arg1[%get3A, %get3A_0] : memref<2000x1xi32, #tpu.memory_space<vmem>>, vector<2000x1xi32>
    %sub3A = arith.constant 1 : i32
    %sub3A_2 = vector.broadcast %sub3A : i32 to vector<2000x1xi32>
    %sub3A_3 = arith.subi %get3A_1, %sub3A_2 : vector<2000x1xi32>
    %iota3A = tpu.iota {dimensions = array<i32: 1>} : vector<2000x128xi32>
    %eq3A = vector.broadcast %sub3A_3 : vector<2000x1xi32> to vector<2000x128xi32>
    %eq3A_4 = arith.cmpi eq, %eq3A, %iota3A : vector<2000x128xi32>
    %convert_element_type3A = arith.extui %eq3A_4 : vector<2000x128xi1> to vector<2000x128xi32>
    %convert_element_type3A_5 = arith.sitofp %convert_element_type3A : vector<2000x128xi32> to vector<2000x128xf32>
    %get3A_6 = arith.constant 0 : index
    %get3A_7 = arith.constant 0 : index
    %get3A_8 = vector.load %arg3[%get3A_6, %get3A_7] : memref<2000x1xi32, #tpu.memory_space<vmem>>, vector<2000x1xi32>
    %iota3A_9 = tpu.iota {dimensions = array<i32: 1>} : vector<2000x256xi32>
    %eq3A_10 = vector.broadcast %get3A_8 : vector<2000x1xi32> to vector<2000x256xi32>
    %eq3A_11 = arith.cmpi eq, %eq3A_10, %iota3A_9 : vector<2000x256xi32>
    %convert_element_type3A_12 = arith.extui %eq3A_11 : vector<2000x256xi1> to vector<2000x256xi32>
    %convert_element_type3A_13 = arith.sitofp %convert_element_type3A_12 : vector<2000x256xi32> to vector<2000x256xf32>
    %get3A_14 = arith.constant 0 : index
    %get3A_15 = arith.constant 0 : index
    %get3A_16 = vector.load %arg4[%get3A_14, %get3A_15] : memref<256x16xf32, #tpu.memory_space<vmem>>, vector<256x16xf32>
    %dot_general3A = arith.constant dense<0.000000e+00> : vector<2000x16xf32>
    %dot_general3A_17 = tpu.matmul %convert_element_type3A_13, %get3A_16, %dot_general3A {dimension_numbers = #tpu.dot_dimension_numbers<[1], [0], [0], [1], [0, 0, 1, 1], [], []>, transpose_lhs_hint = false} : vector<2000x256xf32>, vector<256x16xf32>, vector<2000x16xf32> -> vector<2000x16xf32>
    %iota3A_18 = tpu.iota {dimensions = array<i32: 1>} : vector<2000x128xi32>
    %convert_element_type3A_19 = arith.sitofp %iota3A_18 : vector<2000x128xi32> to vector<2000x128xf32>
    %get3A_20 = arith.constant 0 : index
    %get3A_21 = arith.constant 0 : index
    %get3A_22 = vector.load %arg2[%get3A_20, %get3A_21] : memref<2000x1xf32, #tpu.memory_space<vmem>>, vector<2000x1xf32>
    %mul3A = arith.constant -0.0725223646 : f32
    %mul3A_23 = vector.broadcast %mul3A : f32 to vector<2000x128xf32>
    %mul3A_24 = arith.mulf %convert_element_type3A_19, %mul3A_23 : vector<2000x128xf32>
    %exp3A = math.exp %mul3A_24 : vector<2000x128xf32>
    %mul3A_25 = vector.broadcast %get3A_22 : vector<2000x1xf32> to vector<2000x128xf32>
    %mul3A_26 = arith.mulf %mul3A_25, %exp3A : vector<2000x128xf32>
    %get3A_27 = arith.constant 0 : index
    %get3A_28 = arith.constant 0 : index
    %get3A_29 = vector.load %arg5[%get3A_27, %get3A_28] : memref<128x128xf32, #tpu.memory_space<vmem>>, vector<128x128xf32>
    %dot_general3A_30 = arith.constant dense<0.000000e+00> : vector<2000x128xf32>
    %dot_general3A_31 = tpu.matmul %convert_element_type3A_5, %get3A_29, %dot_general3A_30 {dimension_numbers = #tpu.dot_dimension_numbers<[1], [0], [0], [1], [0, 0, 1, 1], [], []>, transpose_lhs_hint = false} : vector<2000x128xf32>, vector<128x128xf32>, vector<2000x128xf32> -> vector<2000x128xf32>
    %sin3A = math.sin %mul3A_26 : vector<2000x128xf32>
    %get3A_32 = arith.constant 0 : index
    %get3A_33 = arith.constant 0 : index
    %get3A_34 = vector.load %arg6[%get3A_32, %get3A_33] : memref<128x128xf32, #tpu.memory_space<vmem>>, vector<128x128xf32>
    %dot_general3A_35 = arith.constant dense<0.000000e+00> : vector<2000x128xf32>
    %dot_general3A_36 = tpu.matmul %sin3A, %get3A_34, %dot_general3A_35 {dimension_numbers = #tpu.dot_dimension_numbers<[1], [0], [0], [1], [0, 0, 1, 1], [], []>, transpose_lhs_hint = false} : vector<2000x128xf32>, vector<128x128xf32>, vector<2000x128xf32> -> vector<2000x128xf32>
    %add3A = arith.addf %dot_general3A_31, %dot_general3A_36 : vector<2000x128xf32>
    %cos3A = math.cos %mul3A_26 : vector<2000x128xf32>
    %get3A_37 = arith.constant 0 : index
    %get3A_38 = arith.constant 0 : index
    %get3A_39 = vector.load %arg7[%get3A_37, %get3A_38] : memref<128x128xf32, #tpu.memory_space<vmem>>, vector<128x128xf32>
    %dot_general3A_40 = arith.constant dense<0.000000e+00> : vector<2000x128xf32>
    %dot_general3A_41 = tpu.matmul %cos3A, %get3A_39, %dot_general3A_40 {dimension_numbers = #tpu.dot_dimension_numbers<[1], [0], [0], [1], [0, 0, 1, 1], [], []>, transpose_lhs_hint = false} : vector<2000x128xf32>, vector<128x128xf32>, vector<2000x128xf32> -> vector<2000x128xf32>
    %add3A_42 = arith.addf %add3A, %dot_general3A_41 : vector<2000x128xf32>
    %get3A_43 = arith.constant 0 : index
    %get3A_44 = arith.constant 0 : index
    %get3A_45 = vector.load %arg8[%get3A_43, %get3A_44] : memref<1x128xf32, #tpu.memory_space<vmem>>, vector<1x128xf32>
    %add3A_46 = vector.broadcast %get3A_45 : vector<1x128xf32> to vector<2000x128xf32>
    %add3A_47 = arith.addf %add3A_42, %add3A_46 : vector<2000x128xf32>
    %swap3A = arith.constant 0 : index
    %swap3A_48 = arith.constant 0 : index
    %swap3A_49 = vector.load %arg13[%swap3A, %swap3A_48] : memref<2000x128xf32, #tpu.memory_space<vmem>>, vector<2000x128xf32>
    tpu.vector_store %arg13[%swap3A, %swap3A_48], %add3A_47 {strides = array<i32>} : memref<2000x128xf32, #tpu.memory_space<vmem>>, vector<2000x128xf32>,
    %swap3A_50 = arith.constant 0 : index
    %swap3A_51 = arith.constant 0 : index
    %swap3A_52 = vector.load %arg14[%swap3A_50, %swap3A_51] : memref<2000x16xf32, #tpu.memory_space<vmem>>, vector<2000x16xf32>
    tpu.vector_store %arg14[%swap3A_50, %swap3A_51], %dot_general3A_17 {strides = array<i32>} : memref<2000x16xf32, #tpu.memory_space<vmem>>, vector<2000x16xf32>,
    %get3A_53 = arith.constant 0 : index
    %get3A_54 = arith.constant 0 : index
    %get3A_55 = vector.load %arg9[%get3A_53, %get3A_54] : memref<128x128xf32, #tpu.memory_space<vmem>>, vector<128x128xf32>
    %dot_general3A_56 = arith.constant dense<0.000000e+00> : vector<2000x128xf32>
    %dot_general3A_57 = tpu.matmul %add3A_47, %get3A_55, %dot_general3A_56 {dimension_numbers = #tpu.dot_dimension_numbers<[1], [0], [0], [1], [0, 0, 1, 1], [], []>, transpose_lhs_hint = false} : vector<2000x128xf32>, vector<128x128xf32>, vector<2000x128xf32> -> vector<2000x128xf32>
    %get3A_58 = arith.constant 0 : index
    %get3A_59 = arith.constant 0 : index
    %get3A_60 = vector.load %arg11[%get3A_58, %get3A_59] : memref<16x128xf32, #tpu.memory_space<vmem>>, vector<16x128xf32>
    %dot_general3A_61 = arith.constant dense<0.000000e+00> : vector<2000x128xf32>
    %dot_general3A_62 = tpu.matmul %dot_general3A_17, %get3A_60, %dot_general3A_61 {dimension_numbers = #tpu.dot_dimension_numbers<[1], [0], [0], [1], [0, 0, 1, 1], [], []>, transpose_lhs_hint = false} : vector<2000x16xf32>, vector<16x128xf32>, vector<2000x128xf32> -> vector<2000x128xf32>
    %add3A_63 = arith.addf %dot_general3A_57, %dot_general3A_62 : vector<2000x128xf32>
    %get3A_64 = arith.constant 0 : index
    %get3A_65 = arith.constant 0 : index
    %get3A_66 = vector.load %arg12[%get3A_64, %get3A_65] : memref<1x128xf32, #tpu.memory_space<vmem>>, vector<1x128xf32>
    %add3A_67 = vector.broadcast %get3A_66 : vector<1x128xf32> to vector<2000x128xf32>
    %add3A_68 = arith.addf %add3A_63, %add3A_67 : vector<2000x128xf32>
    %swap3A_69 = arith.constant 0 : index
    %swap3A_70 = arith.constant 0 : index
    %swap3A_71 = vector.load %arg15[%swap3A_69, %swap3A_70] : memref<2000x128xf32, #tpu.memory_space<vmem>>, vector<2000x128xf32>
    tpu.vector_store %arg15[%swap3A_69, %swap3A_70], %add3A_68 {strides = array<i32>} : memref<2000x128xf32, #tpu.memory_space<vmem>>, vector<2000x128xf32>,
    %get3A_72 = arith.constant 0 : index
    %get3A_73 = arith.constant 0 : index
    %get3A_74 = vector.load %arg10[%get3A_72, %get3A_73] : memref<128x128xf32, #tpu.memory_space<vmem>>, vector<128x128xf32>
    %dot_general3A_75 = arith.constant dense<0.000000e+00> : vector<2000x128xf32>
    %dot_general3A_76 = tpu.matmul %add3A_47, %get3A_74, %dot_general3A_75 {dimension_numbers = #tpu.dot_dimension_numbers<[1], [0], [0], [1], [0, 0, 1, 1], [], []>, transpose_lhs_hint = false} : vector<2000x128xf32>, vector<128x128xf32>, vector<2000x128xf32> -> vector<2000x128xf32>
    %swap3A_77 = arith.constant 0 : index
    %swap3A_78 = arith.constant 0 : index
    %swap3A_79 = vector.load %arg16[%swap3A_77, %swap3A_78] : memref<2000x128xf32, #tpu.memory_space<vmem>>, vector<2000x128xf32>
    tpu.vector_store %arg16[%swap3A_77, %swap3A_78], %dot_general3A_76 {strides = array<i32>} : memref<2000x128xf32, #tpu.memory_space<vmem>>, vector<2000x128xf32>,
    return
  }
  func.func @transform_0(%arg0: i32) -> (i32, i32) {
    %c0_i32 = arith.constant 0 : i32
    %c0_i32_0 = arith.constant 0 : i32
    return %arg0, %c0_i32 : i32, i32
  }
  func.func @transform_1(%arg0: i32) -> (i32, i32) {
    %c0_i32 = arith.constant 0 : i32
    %c0_i32_0 = arith.constant 0 : i32
    return %arg0, %c0_i32 : i32, i32
  }
  func.func @transform_2(%arg0: i32) -> (i32, i32) {
    %c0_i32 = arith.constant 0 : i32
    %c0_i32_0 = arith.constant 0 : i32
    return %arg0, %c0_i32 : i32, i32
  }
  func.func @transform_3(%arg0: i32) -> (i32, i32) {
    %c0_i32 = arith.constant 0 : i32
    %c0_i32_0 = arith.constant 0 : i32
    %c0_i32_1 = arith.constant 0 : i32
    return %c0_i32, %c0_i32_0 : i32, i32
  }
  func.func @transform_4(%arg0: i32) -> (i32, i32) {
    %c0_i32 = arith.constant 0 : i32
    %c0_i32_0 = arith.constant 0 : i32
    %c0_i32_1 = arith.constant 0 : i32
    return %c0_i32, %c0_i32_0 : i32, i32
  }
  func.func @transform_5(%arg0: i32) -> (i32, i32) {
    %c0_i32 = arith.constant 0 : i32
    %c0_i32_0 = arith.constant 0 : i32
    %c0_i32_1 = arith.constant 0 : i32
    return %c0_i32, %c0_i32_0 : i32, i32
  }
  func.func @transform_6(%arg0: i32) -> (i32, i32) {
    %c0_i32 = arith.constant 0 : i32
    %c0_i32_0 = arith.constant 0 : i32
    %c0_i32_1 = arith.constant 0 : i32
    return %c0_i32, %c0_i32_0 : i32, i32
  }
  func.func @transform_7(%arg0: i32) -> (i32, i32) {
    %c0_i32 = arith.constant 0 : i32
    %c0_i32_0 = arith.constant 0 : i32
    %c0_i32_1 = arith.constant 0 : i32
    return %c0_i32, %c0_i32_0 : i32, i32
  }
  func.func @transform_8(%arg0: i32) -> (i32, i32) {
    %c0_i32 = arith.constant 0 : i32
    %c0_i32_0 = arith.constant 0 : i32
    %c0_i32_1 = arith.constant 0 : i32
    return %c0_i32, %c0_i32_0 : i32, i32
  }
  func.func @transform_9(%arg0: i32) -> (i32, i32) {
    %c0_i32 = arith.constant 0 : i32
    %c0_i32_0 = arith.constant 0 : i32
    %c0_i32_1 = arith.constant 0 : i32
    return %c0_i32, %c0_i32_0 : i32, i32
  }
  func.func @transform_10(%arg0: i32) -> (i32, i32) {
    %c0_i32 = arith.constant 0 : i32
    %c0_i32_0 = arith.constant 0 : i32
    %c0_i32_1 = arith.constant 0 : i32
    return %c0_i32, %c0_i32_0 : i32, i32
  }
  func.func @transform_11(%arg0: i32) -> (i32, i32) {
    %c0_i32 = arith.constant 0 : i32
    %c0_i32_0 = arith.constant 0 : i32
    %c0_i32_1 = arith.constant 0 : i32
    return %c0_i32, %c0_i32_0 : i32, i32
  }
  func.func @transform_12(%arg0: i32) -> (i32, i32) {
    %c0_i32 = arith.constant 0 : i32
    %c0_i32_0 = arith.constant 0 : i32
    return %arg0, %c0_i32 : i32, i32
  }
  func.func @transform_13(%arg0: i32) -> (i32, i32) {
    %c0_i32 = arith.constant 0 : i32
    %c0_i32_0 = arith.constant 0 : i32
    return %arg0, %c0_i32 : i32, i32
  }
  func.func @transform_14(%arg0: i32) -> (i32, i32) {
    %c0_i32 = arith.constant 0 : i32
    %c0_i32_0 = arith.constant 0 : i32
    return %arg0, %c0_i32 : i32, i32
  }
  func.func @transform_15(%arg0: i32) -> (i32, i32) {
    %c0_i32 = arith.constant 0 : i32
    %c0_i32_0 = arith.constant 0 : i32
    return %arg0, %c0_i32 : i32, i32
  }
}

module attributes {stable_mosaic.version = 14 : i64} {
  func.func @_edge0_body(%arg0: i32, %arg1: memref<2000x128xf32, #tpu.memory_space<vmem>>, %arg2: memref<2000x128xf32, #tpu.memory_space<vmem>>, %arg3: memref<2000x128xf32, #tpu.memory_space<vmem>>, %arg4: memref<2000x128xf32, #tpu.memory_space<vmem>>, %arg5: memref<32x128xf32, #tpu.memory_space<vmem>>, %arg6: memref<32x128xf32, #tpu.memory_space<vmem>>, %arg7: memref<128x128xf32, #tpu.memory_space<vmem>>, %arg8: memref<1x128xf32, #tpu.memory_space<vmem>>, %arg9: memref<2000x128xf32, #tpu.memory_space<vmem>>, %arg10: memref<2000x16xf32, #tpu.memory_space<vmem>>) attributes {dimension_semantics = [#tpu.dimension_semantics<arbitrary>], iteration_bounds = array<i64: 160>, scalar_prefetch = 0 : i64, scratch_operands = 0 : i64, tpu.core_type = #tpu.core_type<tc>, window_params = [{transform_indices = @transform_0, window_bounds = array<i64: 2000, 128>}, {transform_indices = @transform_1, window_bounds = array<i64: 2000, 128>}, {transform_indices = @transform_2, window_bounds = array<i64: 2000, 128>}, {transform_indices = @transform_3, window_bounds = array<i64: 2000, 128>}, {pipeline_mode = #tpu.pipeline_mode<synchronous>, transform_indices = @transform_4, window_bounds = array<i64: 32, 128>}, {pipeline_mode = #tpu.pipeline_mode<synchronous>, transform_indices = @transform_5, window_bounds = array<i64: 32, 128>}, {pipeline_mode = #tpu.pipeline_mode<synchronous>, transform_indices = @transform_6, window_bounds = array<i64: 128, 128>}, {pipeline_mode = #tpu.pipeline_mode<synchronous>, transform_indices = @transform_7, window_bounds = array<i64: 1, 128>}, {transform_indices = @transform_8, window_bounds = array<i64: 2000, 128>}, {transform_indices = @transform_9, window_bounds = array<i64: 2000, 16>}]} {
    %get3A = arith.constant 0 : index
    %get3A_0 = arith.constant 0 : index
    %get3A_1 = vector.load %arg4[%get3A, %get3A_0] : memref<2000x128xf32, #tpu.memory_space<vmem>>, vector<2000x128xf32>
    %slice3A = vector.extract_strided_slice %get3A_1 {offsets = [0, 0], sizes = [2000, 16], strides = [1, 1]} : vector<2000x128xf32> to vector<2000x16xf32>
    %get3A_2 = arith.constant 0 : index
    %get3A_3 = arith.constant 0 : index
    %get3A_4 = vector.load %arg3[%get3A_2, %get3A_3] : memref<2000x128xf32, #tpu.memory_space<vmem>>, vector<2000x128xf32>
    %slice3A_5 = vector.extract_strided_slice %get3A_4 {offsets = [0, 0], sizes = [2000, 16], strides = [1, 1]} : vector<2000x128xf32> to vector<2000x16xf32>
    %sub3A = arith.subf %slice3A, %slice3A_5 : vector<2000x16xf32>
    %add3A = arith.constant 5.000000e-01 : f32
    %add3A_6 = vector.broadcast %add3A : f32 to vector<2000x16xf32>
    %add3A_7 = arith.addf %sub3A, %add3A_6 : vector<2000x16xf32>
    %add3A_8 = arith.constant 9.99999974E-5 : f32
    %add3A_9 = vector.broadcast %add3A_8 : f32 to vector<2000x16xf32>
    %add3A_10 = arith.addf %add3A_7, %add3A_9 : vector<2000x16xf32>
    %floor3A = math.floor %add3A_10 : vector<2000x16xf32>
    %sub3A_11 = arith.subf %sub3A, %floor3A : vector<2000x16xf32>
    %swap3A = arith.constant 0 : index
    %swap3A_12 = arith.constant 0 : index
    %swap3A_13 = vector.load %arg10[%swap3A, %swap3A_12] : memref<2000x16xf32, #tpu.memory_space<vmem>>, vector<2000x16xf32>
    tpu.vector_store %arg10[%swap3A, %swap3A_12], %sub3A_11 {strides = array<i32>} : memref<2000x16xf32, #tpu.memory_space<vmem>>, vector<2000x16xf32>,
    %get3A_14 = arith.constant 0 : index
    %get3A_15 = arith.constant 0 : index
    %get3A_16 = vector.load %arg1[%get3A_14, %get3A_15] : memref<2000x128xf32, #tpu.memory_space<vmem>>, vector<2000x128xf32>
    %get3A_17 = arith.constant 0 : index
    %get3A_18 = arith.constant 0 : index
    %get3A_19 = vector.load %arg2[%get3A_17, %get3A_18] : memref<2000x128xf32, #tpu.memory_space<vmem>>, vector<2000x128xf32>
    %add3A_20 = arith.addf %get3A_16, %get3A_19 : vector<2000x128xf32>
    %iota3A = tpu.iota {dimensions = array<i32: 1>} : vector<2000x32xi32>
    %jit3A = arith.constant 10 : i32
    %eq3A = arith.constant 0 : i32
    %eq3A_21 = arith.cmpi eq, %jit3A, %eq3A : i32
    %jit3A_22 = arith.constant 1 : i32
    %select_n3A = arith.select %eq3A_21, %jit3A_22, %jit3A : i32
    %rem3A = vector.broadcast %select_n3A : i32 to vector<2000x32xi32>
    %rem3A_23 = arith.remsi %iota3A, %rem3A : vector<2000x32xi32>
    %ne3A = arith.constant 0 : i32
    %ne3A_24 = vector.broadcast %ne3A : i32 to vector<2000x32xi32>
    %ne3A_25 = arith.cmpi ne, %rem3A_23, %ne3A_24 : vector<2000x32xi32>
    %lt3A = arith.constant 0 : i32
    %lt3A_26 = vector.broadcast %lt3A : i32 to vector<2000x32xi32>
    %lt3A_27 = arith.cmpi slt, %rem3A_23, %lt3A_26 : vector<2000x32xi32>
    %lt3A_28 = arith.constant 0 : i32
    %lt3A_29 = arith.cmpi slt, %select_n3A, %lt3A_28 : i32
    %ne3A_30 = vector.broadcast %lt3A_29 : i1 to vector<2000x32xi1>
    %ne3A_31 = vector.broadcast %ne3A_30 : vector<2000x32xi1> to vector<2000x32xi1>
    %ne3A_32 = arith.xori %lt3A_27, %ne3A_31 : vector<2000x32xi1>
    %and3A = arith.andi %ne3A_32, %ne3A_25 : vector<2000x32xi1>
    %add3A_33 = vector.broadcast %select_n3A : i32 to vector<2000x32xi32>
    %add3A_34 = arith.addi %rem3A_23, %add3A_33 : vector<2000x32xi32>
    %select_n3A_35 = arith.select %and3A, %add3A_34, %rem3A_23 : vector<2000x32xi1>, vector<2000x32xi32>
    %convert_element_type3A = arith.sitofp %select_n3A_35 : vector<2000x32xi32> to vector<2000x32xf32>
    %lt3A_36 = arith.constant 10 : i32
    %lt3A_37 = vector.broadcast %lt3A_36 : i32 to vector<2000x32xi32>
    %lt3A_38 = arith.cmpi slt, %iota3A, %lt3A_37 : vector<2000x32xi32>
    %slice3A_39 = vector.extract_strided_slice %sub3A_11 {offsets = [0, 0], sizes = [2000, 1], strides = [1, 1]} : vector<2000x16xf32> to vector<2000x1xf32>
    %lt3A_40 = arith.constant 20 : i32
    %lt3A_41 = vector.broadcast %lt3A_40 : i32 to vector<2000x32xi32>
    %lt3A_42 = arith.cmpi slt, %iota3A, %lt3A_41 : vector<2000x32xi32>
    %slice3A_43 = vector.extract_strided_slice %sub3A_11 {offsets = [0, 1], sizes = [2000, 1], strides = [1, 1]} : vector<2000x16xf32> to vector<2000x1xf32>
    %slice3A_44 = vector.extract_strided_slice %sub3A_11 {offsets = [0, 2], sizes = [2000, 1], strides = [1, 1]} : vector<2000x16xf32> to vector<2000x1xf32>
    %broadcast_in_dim3A = vector.shape_cast %slice3A_43 : vector<2000x1xf32> to vector<2000x1xf32>
    %broadcast_in_dim3A_45 = vector.broadcast %broadcast_in_dim3A : vector<2000x1xf32> to vector<2000x32xf32>
    %broadcast_in_dim3A_46 = vector.shape_cast %slice3A_44 : vector<2000x1xf32> to vector<2000x1xf32>
    %broadcast_in_dim3A_47 = vector.broadcast %broadcast_in_dim3A_46 : vector<2000x1xf32> to vector<2000x32xf32>
    %select_n3A_48 = arith.select %lt3A_42, %broadcast_in_dim3A_45, %broadcast_in_dim3A_47 : vector<2000x32xi1>, vector<2000x32xf32>
    %broadcast_in_dim3A_49 = vector.shape_cast %slice3A_39 : vector<2000x1xf32> to vector<2000x1xf32>
    %broadcast_in_dim3A_50 = vector.broadcast %broadcast_in_dim3A_49 : vector<2000x1xf32> to vector<2000x32xf32>
    %select_n3A_51 = arith.select %lt3A_38, %broadcast_in_dim3A_50, %select_n3A_48 : vector<2000x32xi1>, vector<2000x32xf32>
    %mul3A = arith.constant 6.28318548 : f32
    %mul3A_52 = vector.broadcast %mul3A : f32 to vector<2000x32xf32>
    %mul3A_53 = arith.mulf %mul3A_52, %convert_element_type3A : vector<2000x32xf32>
    %mul3A_54 = arith.mulf %mul3A_53, %select_n3A_51 : vector<2000x32xf32>
    %sin3A = math.sin %mul3A_54 : vector<2000x32xf32>
    %get3A_55 = arith.constant 0 : index
    %get3A_56 = arith.constant 0 : index
    %get3A_57 = vector.load %arg5[%get3A_55, %get3A_56] : memref<32x128xf32, #tpu.memory_space<vmem>>, vector<32x128xf32>
    %dot_general3A = arith.constant dense<0.000000e+00> : vector<2000x128xf32>
    %dot_general3A_58 = tpu.matmul %sin3A, %get3A_57, %dot_general3A {dimension_numbers = #tpu.dot_dimension_numbers<[1], [0], [0], [1], [0, 0, 1, 1], [], []>, transpose_lhs_hint = false} : vector<2000x32xf32>, vector<32x128xf32>, vector<2000x128xf32> -> vector<2000x128xf32>
    %cos3A = math.cos %mul3A_54 : vector<2000x32xf32>
    %get3A_59 = arith.constant 0 : index
    %get3A_60 = arith.constant 0 : index
    %get3A_61 = vector.load %arg6[%get3A_59, %get3A_60] : memref<32x128xf32, #tpu.memory_space<vmem>>, vector<32x128xf32>
    %dot_general3A_62 = arith.constant dense<0.000000e+00> : vector<2000x128xf32>
    %dot_general3A_63 = tpu.matmul %cos3A, %get3A_61, %dot_general3A_62 {dimension_numbers = #tpu.dot_dimension_numbers<[1], [0], [0], [1], [0, 0, 1, 1], [], []>, transpose_lhs_hint = false} : vector<2000x32xf32>, vector<32x128xf32>, vector<2000x128xf32> -> vector<2000x128xf32>
    %add3A_64 = arith.addf %dot_general3A_58, %dot_general3A_63 : vector<2000x128xf32>
    %add3A_65 = arith.addf %add3A_20, %add3A_64 : vector<2000x128xf32>
    %logistic3A = arith.negf %add3A_65 : vector<2000x128xf32>
    %logistic3A_66 = math.exp %logistic3A : vector<2000x128xf32>
    %logistic3A_67 = arith.constant 1.000000e+00 : f32
    %logistic3A_68 = vector.broadcast %logistic3A_67 : f32 to vector<2000x128xf32>
    %logistic3A_69 = arith.addf %logistic3A_68, %logistic3A_66 : vector<2000x128xf32>
    %logistic3A_70 = arith.divf %logistic3A_68, %logistic3A_69 : vector<2000x128xf32>
    %mul3A_71 = arith.mulf %add3A_65, %logistic3A_70 : vector<2000x128xf32>
    %get3A_72 = arith.constant 0 : index
    %get3A_73 = arith.constant 0 : index
    %get3A_74 = vector.load %arg7[%get3A_72, %get3A_73] : memref<128x128xf32, #tpu.memory_space<vmem>>, vector<128x128xf32>
    %dot_general3A_75 = arith.constant dense<0.000000e+00> : vector<2000x128xf32>
    %dot_general3A_76 = tpu.matmul %mul3A_71, %get3A_74, %dot_general3A_75 {dimension_numbers = #tpu.dot_dimension_numbers<[1], [0], [0], [1], [0, 0, 1, 1], [], []>, transpose_lhs_hint = false} : vector<2000x128xf32>, vector<128x128xf32>, vector<2000x128xf32> -> vector<2000x128xf32>
    %get3A_77 = arith.constant 0 : index
    %get3A_78 = arith.constant 0 : index
    %get3A_79 = vector.load %arg8[%get3A_77, %get3A_78] : memref<1x128xf32, #tpu.memory_space<vmem>>, vector<1x128xf32>
    %add3A_80 = vector.broadcast %get3A_79 : vector<1x128xf32> to vector<2000x128xf32>
    %add3A_81 = arith.addf %dot_general3A_76, %add3A_80 : vector<2000x128xf32>
    %logistic3A_82 = arith.negf %add3A_81 : vector<2000x128xf32>
    %logistic3A_83 = math.exp %logistic3A_82 : vector<2000x128xf32>
    %logistic3A_84 = arith.constant 1.000000e+00 : f32
    %logistic3A_85 = vector.broadcast %logistic3A_84 : f32 to vector<2000x128xf32>
    %logistic3A_86 = arith.addf %logistic3A_85, %logistic3A_83 : vector<2000x128xf32>
    %logistic3A_87 = arith.divf %logistic3A_85, %logistic3A_86 : vector<2000x128xf32>
    %mul3A_88 = arith.mulf %add3A_81, %logistic3A_87 : vector<2000x128xf32>
    %swap3A_89 = arith.constant 0 : index
    %swap3A_90 = arith.constant 0 : index
    %swap3A_91 = vector.load %arg9[%swap3A_89, %swap3A_90] : memref<2000x128xf32, #tpu.memory_space<vmem>>, vector<2000x128xf32>
    tpu.vector_store %arg9[%swap3A_89, %swap3A_90], %mul3A_88 {strides = array<i32>} : memref<2000x128xf32, #tpu.memory_space<vmem>>, vector<2000x128xf32>,
    return
  }
  func.func @transform_0(%arg0: i32) -> (i32, i32) {
    %c0_i32 = arith.constant 0 : i32
    %c0_i32_0 = arith.constant 0 : i32
    return %arg0, %c0_i32 : i32, i32
  }
  func.func @transform_1(%arg0: i32) -> (i32, i32) {
    %c0_i32 = arith.constant 0 : i32
    %c0_i32_0 = arith.constant 0 : i32
    return %arg0, %c0_i32 : i32, i32
  }
  func.func @transform_2(%arg0: i32) -> (i32, i32) {
    %c0_i32 = arith.constant 0 : i32
    %c0_i32_0 = arith.constant 0 : i32
    return %arg0, %c0_i32 : i32, i32
  }
  func.func @transform_3(%arg0: i32) -> (i32, i32) {
    %c0_i32 = arith.constant 0 : i32
    %c0_i32_0 = arith.constant 0 : i32
    return %arg0, %c0_i32 : i32, i32
  }
  func.func @transform_4(%arg0: i32) -> (i32, i32) {
    %c0_i32 = arith.constant 0 : i32
    %c0_i32_0 = arith.constant 0 : i32
    %c0_i32_1 = arith.constant 0 : i32
    return %c0_i32, %c0_i32_0 : i32, i32
  }
  func.func @transform_5(%arg0: i32) -> (i32, i32) {
    %c0_i32 = arith.constant 0 : i32
    %c0_i32_0 = arith.constant 0 : i32
    %c0_i32_1 = arith.constant 0 : i32
    return %c0_i32, %c0_i32_0 : i32, i32
  }
  func.func @transform_6(%arg0: i32) -> (i32, i32) {
    %c0_i32 = arith.constant 0 : i32
    %c0_i32_0 = arith.constant 0 : i32
    %c0_i32_1 = arith.constant 0 : i32
    return %c0_i32, %c0_i32_0 : i32, i32
  }
  func.func @transform_7(%arg0: i32) -> (i32, i32) {
    %c0_i32 = arith.constant 0 : i32
    %c0_i32_0 = arith.constant 0 : i32
    %c0_i32_1 = arith.constant 0 : i32
    return %c0_i32, %c0_i32_0 : i32, i32
  }
  func.func @transform_8(%arg0: i32) -> (i32, i32) {
    %c0_i32 = arith.constant 0 : i32
    %c0_i32_0 = arith.constant 0 : i32
    return %arg0, %c0_i32 : i32, i32
  }
  func.func @transform_9(%arg0: i32) -> (i32, i32) {
    %c0_i32 = arith.constant 0 : i32
    %c0_i32_0 = arith.constant 0 : i32
    return %arg0, %c0_i32 : i32, i32
  }
}

module attributes {stable_mosaic.version = 14 : i64} {
  func.func @_node_body(%arg0: i32, %arg1: memref<2000x128xf32, #tpu.memory_space<vmem>>, %arg2: memref<2000x16xf32, #tpu.memory_space<vmem>>, %arg3: memref<2000x128xf32, #tpu.memory_space<vmem>>, %arg4: memref<2000x128xf32, #tpu.memory_space<vmem>>, %arg5: memref<2000x128xf32, #tpu.memory_space<vmem>>, %arg6: memref<2000x128xf32, #tpu.memory_space<vmem>>, %arg7: memref<128x128xf32, #tpu.memory_space<vmem>>, %arg8: memref<128x128xf32, #tpu.memory_space<vmem>>, %arg9: memref<1x128xf32, #tpu.memory_space<vmem>>, %arg10: memref<128x128xf32, #tpu.memory_space<vmem>>, %arg11: memref<1x128xf32, #tpu.memory_space<vmem>>, %arg12: memref<128x128xf32, #tpu.memory_space<vmem>>, %arg13: memref<128x128xf32, #tpu.memory_space<vmem>>, %arg14: memref<16x128xf32, #tpu.memory_space<vmem>>, %arg15: memref<1x128xf32, #tpu.memory_space<vmem>>, %arg16: memref<2000x128xf32, #tpu.memory_space<vmem>>, %arg17: memref<2000x128xf32, #tpu.memory_space<vmem>>, %arg18: memref<2000x128xf32, #tpu.memory_space<vmem>>) attributes {dimension_semantics = [#tpu.dimension_semantics<arbitrary>], iteration_bounds = array<i64: 5>, scalar_prefetch = 0 : i64, scratch_operands = 0 : i64, tpu.core_type = #tpu.core_type<tc>, window_params = [{transform_indices = @transform_0, window_bounds = array<i64: 2000, 128>}, {transform_indices = @transform_1, window_bounds = array<i64: 2000, 16>}, {transform_indices = @transform_2, window_bounds = array<i64: 2000, 128>}, {transform_indices = @transform_3, window_bounds = array<i64: 2000, 128>}, {transform_indices = @transform_4, window_bounds = array<i64: 2000, 128>}, {transform_indices = @transform_5, window_bounds = array<i64: 2000, 128>}, {pipeline_mode = #tpu.pipeline_mode<synchronous>, transform_indices = @transform_6, window_bounds = array<i64: 128, 128>}, {pipeline_mode = #tpu.pipeline_mode<synchronous>, transform_indices = @transform_7, window_bounds = array<i64: 128, 128>}, {pipeline_mode = #tpu.pipeline_mode<synchronous>, transform_indices = @transform_8, window_bounds = array<i64: 1, 128>}, {pipeline_mode = #tpu.pipeline_mode<synchronous>, transform_indices = @transform_9, window_bounds = array<i64: 128, 128>}, {pipeline_mode = #tpu.pipeline_mode<synchronous>, transform_indices = @transform_10, window_bounds = array<i64: 1, 128>}, {pipeline_mode = #tpu.pipeline_mode<synchronous>, transform_indices = @transform_11, window_bounds = array<i64: 128, 128>}, {pipeline_mode = #tpu.pipeline_mode<synchronous>, transform_indices = @transform_12, window_bounds = array<i64: 128, 128>}, {pipeline_mode = #tpu.pipeline_mode<synchronous>, transform_indices = @transform_13, window_bounds = array<i64: 16, 128>}, {pipeline_mode = #tpu.pipeline_mode<synchronous>, transform_indices = @transform_14, window_bounds = array<i64: 1, 128>}, {transform_indices = @transform_15, window_bounds = array<i64: 2000, 128>}, {transform_indices = @transform_16, window_bounds = array<i64: 2000, 128>}, {transform_indices = @transform_17, window_bounds = array<i64: 2000, 128>}]} {
    %get3A = arith.constant 0 : index
    %get3A_0 = arith.constant 0 : index
    %get3A_1 = vector.load %arg5[%get3A, %get3A_0] : memref<2000x128xf32, #tpu.memory_space<vmem>>, vector<2000x128xf32>
    %slice3A = vector.extract_strided_slice %get3A_1 {offsets = [0, 0], sizes = [2000, 1], strides = [1, 1]} : vector<2000x128xf32> to vector<2000x1xf32>
    %get3A_2 = arith.constant 0 : index
    %get3A_3 = arith.constant 0 : index
    %get3A_4 = vector.load %arg6[%get3A_2, %get3A_3] : memref<2000x128xf32, #tpu.memory_space<vmem>>, vector<2000x128xf32>
    %slice3A_5 = vector.extract_strided_slice %get3A_4 {offsets = [0, 0], sizes = [2000, 1], strides = [1, 1]} : vector<2000x128xf32> to vector<2000x1xf32>
    %add3A = arith.addf %slice3A, %slice3A_5 : vector<2000x1xf32>
    %max3A = arith.constant 1.000000e+00 : f32
    %max3A_6 = vector.broadcast %max3A : f32 to vector<2000x1xf32>
    %max3A_7 = arith.maximumf %add3A, %max3A_6 : vector<2000x1xf32>
    %div3A = arith.constant 1.000000e+00 : f32
    %div3A_8 = vector.broadcast %div3A : f32 to vector<2000x1xf32>
    %div3A_9 = arith.divf %div3A_8, %max3A_7 : vector<2000x1xf32>
    %get3A_10 = arith.constant 0 : index
    %get3A_11 = arith.constant 0 : index
    %get3A_12 = vector.load %arg3[%get3A_10, %get3A_11] : memref<2000x128xf32, #tpu.memory_space<vmem>>, vector<2000x128xf32>
    %get3A_13 = arith.constant 0 : index
    %get3A_14 = arith.constant 0 : index
    %get3A_15 = vector.load %arg4[%get3A_13, %get3A_14] : memref<2000x128xf32, #tpu.memory_space<vmem>>, vector<2000x128xf32>
    %add3A_16 = arith.addf %get3A_12, %get3A_15 : vector<2000x128xf32>
    %mul3A = vector.broadcast %div3A_9 : vector<2000x1xf32> to vector<2000x128xf32>
    %mul3A_17 = arith.mulf %add3A_16, %mul3A : vector<2000x128xf32>
    %get3A_18 = arith.constant 0 : index
    %get3A_19 = arith.constant 0 : index
    %get3A_20 = vector.load %arg1[%get3A_18, %get3A_19] : memref<2000x128xf32, #tpu.memory_space<vmem>>, vector<2000x128xf32>
    %get3A_21 = arith.constant 0 : index
    %get3A_22 = arith.constant 0 : index
    %get3A_23 = vector.load %arg7[%get3A_21, %get3A_22] : memref<128x128xf32, #tpu.memory_space<vmem>>, vector<128x128xf32>
    %dot_general3A = arith.constant dense<0.000000e+00> : vector<2000x128xf32>
    %dot_general3A_24 = tpu.matmul %get3A_20, %get3A_23, %dot_general3A {dimension_numbers = #tpu.dot_dimension_numbers<[1], [0], [0], [1], [0, 0, 1, 1], [], []>, transpose_lhs_hint = false} : vector<2000x128xf32>, vector<128x128xf32>, vector<2000x128xf32> -> vector<2000x128xf32>
    %get3A_25 = arith.constant 0 : index
    %get3A_26 = arith.constant 0 : index
    %get3A_27 = vector.load %arg8[%get3A_25, %get3A_26] : memref<128x128xf32, #tpu.memory_space<vmem>>, vector<128x128xf32>
    %dot_general3A_28 = arith.constant dense<0.000000e+00> : vector<2000x128xf32>
    %dot_general3A_29 = tpu.matmul %mul3A_17, %get3A_27, %dot_general3A_28 {dimension_numbers = #tpu.dot_dimension_numbers<[1], [0], [0], [1], [0, 0, 1, 1], [], []>, transpose_lhs_hint = false} : vector<2000x128xf32>, vector<128x128xf32>, vector<2000x128xf32> -> vector<2000x128xf32>
    %add3A_30 = arith.addf %dot_general3A_24, %dot_general3A_29 : vector<2000x128xf32>
    %get3A_31 = arith.constant 0 : index
    %get3A_32 = arith.constant 0 : index
    %get3A_33 = vector.load %arg9[%get3A_31, %get3A_32] : memref<1x128xf32, #tpu.memory_space<vmem>>, vector<1x128xf32>
    %add3A_34 = vector.broadcast %get3A_33 : vector<1x128xf32> to vector<2000x128xf32>
    %add3A_35 = arith.addf %add3A_30, %add3A_34 : vector<2000x128xf32>
    %logistic3A = arith.negf %add3A_35 : vector<2000x128xf32>
    %logistic3A_36 = math.exp %logistic3A : vector<2000x128xf32>
    %logistic3A_37 = arith.constant 1.000000e+00 : f32
    %logistic3A_38 = vector.broadcast %logistic3A_37 : f32 to vector<2000x128xf32>
    %logistic3A_39 = arith.addf %logistic3A_38, %logistic3A_36 : vector<2000x128xf32>
    %logistic3A_40 = arith.divf %logistic3A_38, %logistic3A_39 : vector<2000x128xf32>
    %mul3A_41 = arith.mulf %add3A_35, %logistic3A_40 : vector<2000x128xf32>
    %get3A_42 = arith.constant 0 : index
    %get3A_43 = arith.constant 0 : index
    %get3A_44 = vector.load %arg10[%get3A_42, %get3A_43] : memref<128x128xf32, #tpu.memory_space<vmem>>, vector<128x128xf32>
    %dot_general3A_45 = arith.constant dense<0.000000e+00> : vector<2000x128xf32>
    %dot_general3A_46 = tpu.matmul %mul3A_41, %get3A_44, %dot_general3A_45 {dimension_numbers = #tpu.dot_dimension_numbers<[1], [0], [0], [1], [0, 0, 1, 1], [], []>, transpose_lhs_hint = false} : vector<2000x128xf32>, vector<128x128xf32>, vector<2000x128xf32> -> vector<2000x128xf32>
    %get3A_47 = arith.constant 0 : index
    %get3A_48 = arith.constant 0 : index
    %get3A_49 = vector.load %arg11[%get3A_47, %get3A_48] : memref<1x128xf32, #tpu.memory_space<vmem>>, vector<1x128xf32>
    %add3A_50 = vector.broadcast %get3A_49 : vector<1x128xf32> to vector<2000x128xf32>
    %add3A_51 = arith.addf %dot_general3A_46, %add3A_50 : vector<2000x128xf32>
    %logistic3A_52 = arith.negf %add3A_51 : vector<2000x128xf32>
    %logistic3A_53 = math.exp %logistic3A_52 : vector<2000x128xf32>
    %logistic3A_54 = arith.constant 1.000000e+00 : f32
    %logistic3A_55 = vector.broadcast %logistic3A_54 : f32 to vector<2000x128xf32>
    %logistic3A_56 = arith.addf %logistic3A_55, %logistic3A_53 : vector<2000x128xf32>
    %logistic3A_57 = arith.divf %logistic3A_55, %logistic3A_56 : vector<2000x128xf32>
    %mul3A_58 = arith.mulf %add3A_51, %logistic3A_57 : vector<2000x128xf32>
    %add3A_59 = arith.addf %get3A_20, %mul3A_58 : vector<2000x128xf32>
    %swap3A = arith.constant 0 : index
    %swap3A_60 = arith.constant 0 : index
    %swap3A_61 = vector.load %arg16[%swap3A, %swap3A_60] : memref<2000x128xf32, #tpu.memory_space<vmem>>, vector<2000x128xf32>
    tpu.vector_store %arg16[%swap3A, %swap3A_60], %add3A_59 {strides = array<i32>} : memref<2000x128xf32, #tpu.memory_space<vmem>>, vector<2000x128xf32>,
    %get3A_62 = arith.constant 0 : index
    %get3A_63 = arith.constant 0 : index
    %get3A_64 = vector.load %arg2[%get3A_62, %get3A_63] : memref<2000x16xf32, #tpu.memory_space<vmem>>, vector<2000x16xf32>
    %get3A_65 = arith.constant 0 : index
    %get3A_66 = arith.constant 0 : index
    %get3A_67 = vector.load %arg12[%get3A_65, %get3A_66] : memref<128x128xf32, #tpu.memory_space<vmem>>, vector<128x128xf32>
    %dot_general3A_68 = arith.constant dense<0.000000e+00> : vector<2000x128xf32>
    %dot_general3A_69 = tpu.matmul %add3A_59, %get3A_67, %dot_general3A_68 {dimension_numbers = #tpu.dot_dimension_numbers<[1], [0], [0], [1], [0, 0, 1, 1], [], []>, transpose_lhs_hint = false} : vector<2000x128xf32>, vector<128x128xf32>, vector<2000x128xf32> -> vector<2000x128xf32>
    %get3A_70 = arith.constant 0 : index
    %get3A_71 = arith.constant 0 : index
    %get3A_72 = vector.load %arg14[%get3A_70, %get3A_71] : memref<16x128xf32, #tpu.memory_space<vmem>>, vector<16x128xf32>
    %dot_general3A_73 = arith.constant dense<0.000000e+00> : vector<2000x128xf32>
    %dot_general3A_74 = tpu.matmul %get3A_64, %get3A_72, %dot_general3A_73 {dimension_numbers = #tpu.dot_dimension_numbers<[1], [0], [0], [1], [0, 0, 1, 1], [], []>, transpose_lhs_hint = false} : vector<2000x16xf32>, vector<16x128xf32>, vector<2000x128xf32> -> vector<2000x128xf32>
    %add3A_75 = arith.addf %dot_general3A_69, %dot_general3A_74 : vector<2000x128xf32>
    %get3A_76 = arith.constant 0 : index
    %get3A_77 = arith.constant 0 : index
    %get3A_78 = vector.load %arg15[%get3A_76, %get3A_77] : memref<1x128xf32, #tpu.memory_space<vmem>>, vector<1x128xf32>
    %add3A_79 = vector.broadcast %get3A_78 : vector<1x128xf32> to vector<2000x128xf32>
    %add3A_80 = arith.addf %add3A_75, %add3A_79 : vector<2000x128xf32>
    %swap3A_81 = arith.constant 0 : index
    %swap3A_82 = arith.constant 0 : index
    %swap3A_83 = vector.load %arg17[%swap3A_81, %swap3A_82] : memref<2000x128xf32, #tpu.memory_space<vmem>>, vector<2000x128xf32>
    tpu.vector_store %arg17[%swap3A_81, %swap3A_82], %add3A_80 {strides = array<i32>} : memref<2000x128xf32, #tpu.memory_space<vmem>>, vector<2000x128xf32>,
    %get3A_84 = arith.constant 0 : index
    %get3A_85 = arith.constant 0 : index
    %get3A_86 = vector.load %arg13[%get3A_84, %get3A_85] : memref<128x128xf32, #tpu.memory_space<vmem>>, vector<128x128xf32>
    %dot_general3A_87 = arith.constant dense<0.000000e+00> : vector<2000x128xf32>
    %dot_general3A_88 = tpu.matmul %add3A_59, %get3A_86, %dot_general3A_87 {dimension_numbers = #tpu.dot_dimension_numbers<[1], [0], [0], [1], [0, 0, 1, 1], [], []>, transpose_lhs_hint = false} : vector<2000x128xf32>, vector<128x128xf32>, vector<2000x128xf32> -> vector<2000x128xf32>
    %swap3A_89 = arith.constant 0 : index
    %swap3A_90 = arith.constant 0 : index
    %swap3A_91 = vector.load %arg18[%swap3A_89, %swap3A_90] : memref<2000x128xf32, #tpu.memory_space<vmem>>, vector<2000x128xf32>
    tpu.vector_store %arg18[%swap3A_89, %swap3A_90], %dot_general3A_88 {strides = array<i32>} : memref<2000x128xf32, #tpu.memory_space<vmem>>, vector<2000x128xf32>,
    return
  }
  func.func @transform_0(%arg0: i32) -> (i32, i32) {
    %c0_i32 = arith.constant 0 : i32
    %c0_i32_0 = arith.constant 0 : i32
    return %arg0, %c0_i32 : i32, i32
  }
  func.func @transform_1(%arg0: i32) -> (i32, i32) {
    %c0_i32 = arith.constant 0 : i32
    %c0_i32_0 = arith.constant 0 : i32
    return %arg0, %c0_i32 : i32, i32
  }
  func.func @transform_2(%arg0: i32) -> (i32, i32) {
    %c0_i32 = arith.constant 0 : i32
    %c0_i32_0 = arith.constant 0 : i32
    return %arg0, %c0_i32 : i32, i32
  }
  func.func @transform_3(%arg0: i32) -> (i32, i32) {
    %c0_i32 = arith.constant 0 : i32
    %c0_i32_0 = arith.constant 0 : i32
    return %arg0, %c0_i32 : i32, i32
  }
  func.func @transform_4(%arg0: i32) -> (i32, i32) {
    %c0_i32 = arith.constant 0 : i32
    %c0_i32_0 = arith.constant 0 : i32
    return %arg0, %c0_i32 : i32, i32
  }
  func.func @transform_5(%arg0: i32) -> (i32, i32) {
    %c0_i32 = arith.constant 0 : i32
    %c0_i32_0 = arith.constant 0 : i32
    return %arg0, %c0_i32 : i32, i32
  }
  func.func @transform_6(%arg0: i32) -> (i32, i32) {
    %c0_i32 = arith.constant 0 : i32
    %c0_i32_0 = arith.constant 0 : i32
    %c0_i32_1 = arith.constant 0 : i32
    return %c0_i32, %c0_i32_0 : i32, i32
  }
  func.func @transform_7(%arg0: i32) -> (i32, i32) {
    %c0_i32 = arith.constant 0 : i32
    %c0_i32_0 = arith.constant 0 : i32
    %c0_i32_1 = arith.constant 0 : i32
    return %c0_i32, %c0_i32_0 : i32, i32
  }
  func.func @transform_8(%arg0: i32) -> (i32, i32) {
    %c0_i32 = arith.constant 0 : i32
    %c0_i32_0 = arith.constant 0 : i32
    %c0_i32_1 = arith.constant 0 : i32
    return %c0_i32, %c0_i32_0 : i32, i32
  }
  func.func @transform_9(%arg0: i32) -> (i32, i32) {
    %c0_i32 = arith.constant 0 : i32
    %c0_i32_0 = arith.constant 0 : i32
    %c0_i32_1 = arith.constant 0 : i32
    return %c0_i32, %c0_i32_0 : i32, i32
  }
  func.func @transform_10(%arg0: i32) -> (i32, i32) {
    %c0_i32 = arith.constant 0 : i32
    %c0_i32_0 = arith.constant 0 : i32
    %c0_i32_1 = arith.constant 0 : i32
    return %c0_i32, %c0_i32_0 : i32, i32
  }
  func.func @transform_11(%arg0: i32) -> (i32, i32) {
    %c0_i32 = arith.constant 0 : i32
    %c0_i32_0 = arith.constant 0 : i32
    %c0_i32_1 = arith.constant 0 : i32
    return %c0_i32, %c0_i32_0 : i32, i32
  }
  func.func @transform_12(%arg0: i32) -> (i32, i32) {
    %c0_i32 = arith.constant 0 : i32
    %c0_i32_0 = arith.constant 0 : i32
    %c0_i32_1 = arith.constant 0 : i32
    return %c0_i32, %c0_i32_0 : i32, i32
  }
  func.func @transform_13(%arg0: i32) -> (i32, i32) {
    %c0_i32 = arith.constant 0 : i32
    %c0_i32_0 = arith.constant 0 : i32
    %c0_i32_1 = arith.constant 0 : i32
    return %c0_i32, %c0_i32_0 : i32, i32
  }
  func.func @transform_14(%arg0: i32) -> (i32, i32) {
    %c0_i32 = arith.constant 0 : i32
    %c0_i32_0 = arith.constant 0 : i32
    %c0_i32_1 = arith.constant 0 : i32
    return %c0_i32, %c0_i32_0 : i32, i32
  }
  func.func @transform_15(%arg0: i32) -> (i32, i32) {
    %c0_i32 = arith.constant 0 : i32
    %c0_i32_0 = arith.constant 0 : i32
    return %arg0, %c0_i32 : i32, i32
  }
  func.func @transform_16(%arg0: i32) -> (i32, i32) {
    %c0_i32 = arith.constant 0 : i32
    %c0_i32_0 = arith.constant 0 : i32
    return %arg0, %c0_i32 : i32, i32
  }
  func.func @transform_17(%arg0: i32) -> (i32, i32) {
    %c0_i32 = arith.constant 0 : i32
    %c0_i32_0 = arith.constant 0 : i32
    return %arg0, %c0_i32 : i32, i32
  }
}

module attributes {stable_mosaic.version = 14 : i64} {
  func.func @_edge_body(%arg0: i32, %arg1: memref<2000x128xf32, #tpu.memory_space<vmem>>, %arg2: memref<2000x128xf32, #tpu.memory_space<vmem>>, %arg3: memref<2000x16xf32, #tpu.memory_space<vmem>>, %arg4: memref<32x128xf32, #tpu.memory_space<vmem>>, %arg5: memref<32x128xf32, #tpu.memory_space<vmem>>, %arg6: memref<128x128xf32, #tpu.memory_space<vmem>>, %arg7: memref<1x128xf32, #tpu.memory_space<vmem>>, %arg8: memref<2000x128xf32, #tpu.memory_space<vmem>>) attributes {dimension_semantics = [#tpu.dimension_semantics<arbitrary>], iteration_bounds = array<i64: 160>, scalar_prefetch = 0 : i64, scratch_operands = 0 : i64, tpu.core_type = #tpu.core_type<tc>, window_params = [{transform_indices = @transform_0, window_bounds = array<i64: 2000, 128>}, {transform_indices = @transform_1, window_bounds = array<i64: 2000, 128>}, {transform_indices = @transform_2, window_bounds = array<i64: 2000, 16>}, {pipeline_mode = #tpu.pipeline_mode<synchronous>, transform_indices = @transform_3, window_bounds = array<i64: 32, 128>}, {pipeline_mode = #tpu.pipeline_mode<synchronous>, transform_indices = @transform_4, window_bounds = array<i64: 32, 128>}, {pipeline_mode = #tpu.pipeline_mode<synchronous>, transform_indices = @transform_5, window_bounds = array<i64: 128, 128>}, {pipeline_mode = #tpu.pipeline_mode<synchronous>, transform_indices = @transform_6, window_bounds = array<i64: 1, 128>}, {transform_indices = @transform_7, window_bounds = array<i64: 2000, 128>}]} {
    %get3A = arith.constant 0 : index
    %get3A_0 = arith.constant 0 : index
    %get3A_1 = vector.load %arg1[%get3A, %get3A_0] : memref<2000x128xf32, #tpu.memory_space<vmem>>, vector<2000x128xf32>
    %get3A_2 = arith.constant 0 : index
    %get3A_3 = arith.constant 0 : index
    %get3A_4 = vector.load %arg2[%get3A_2, %get3A_3] : memref<2000x128xf32, #tpu.memory_space<vmem>>, vector<2000x128xf32>
    %add3A = arith.addf %get3A_1, %get3A_4 : vector<2000x128xf32>
    %get3A_5 = arith.constant 0 : index
    %get3A_6 = arith.constant 0 : index
    %get3A_7 = vector.load %arg3[%get3A_5, %get3A_6] : memref<2000x16xf32, #tpu.memory_space<vmem>>, vector<2000x16xf32>
    %iota3A = tpu.iota {dimensions = array<i32: 1>} : vector<2000x32xi32>
    %jit3A = arith.constant 10 : i32
    %eq3A = arith.constant 0 : i32
    %eq3A_8 = arith.cmpi eq, %jit3A, %eq3A : i32
    %jit3A_9 = arith.constant 1 : i32
    %select_n3A = arith.select %eq3A_8, %jit3A_9, %jit3A : i32
    %rem3A = vector.broadcast %select_n3A : i32 to vector<2000x32xi32>
    %rem3A_10 = arith.remsi %iota3A, %rem3A : vector<2000x32xi32>
    %ne3A = arith.constant 0 : i32
    %ne3A_11 = vector.broadcast %ne3A : i32 to vector<2000x32xi32>
    %ne3A_12 = arith.cmpi ne, %rem3A_10, %ne3A_11 : vector<2000x32xi32>
    %lt3A = arith.constant 0 : i32
    %lt3A_13 = vector.broadcast %lt3A : i32 to vector<2000x32xi32>
    %lt3A_14 = arith.cmpi slt, %rem3A_10, %lt3A_13 : vector<2000x32xi32>
    %lt3A_15 = arith.constant 0 : i32
    %lt3A_16 = arith.cmpi slt, %select_n3A, %lt3A_15 : i32
    %ne3A_17 = vector.broadcast %lt3A_16 : i1 to vector<2000x32xi1>
    %ne3A_18 = vector.broadcast %ne3A_17 : vector<2000x32xi1> to vector<2000x32xi1>
    %ne3A_19 = arith.xori %lt3A_14, %ne3A_18 : vector<2000x32xi1>
    %and3A = arith.andi %ne3A_19, %ne3A_12 : vector<2000x32xi1>
    %add3A_20 = vector.broadcast %select_n3A : i32 to vector<2000x32xi32>
    %add3A_21 = arith.addi %rem3A_10, %add3A_20 : vector<2000x32xi32>
    %select_n3A_22 = arith.select %and3A, %add3A_21, %rem3A_10 : vector<2000x32xi1>, vector<2000x32xi32>
    %convert_element_type3A = arith.sitofp %select_n3A_22 : vector<2000x32xi32> to vector<2000x32xf32>
    %lt3A_23 = arith.constant 10 : i32
    %lt3A_24 = vector.broadcast %lt3A_23 : i32 to vector<2000x32xi32>
    %lt3A_25 = arith.cmpi slt, %iota3A, %lt3A_24 : vector<2000x32xi32>
    %slice3A = vector.extract_strided_slice %get3A_7 {offsets = [0, 0], sizes = [2000, 1], strides = [1, 1]} : vector<2000x16xf32> to vector<2000x1xf32>
    %lt3A_26 = arith.constant 20 : i32
    %lt3A_27 = vector.broadcast %lt3A_26 : i32 to vector<2000x32xi32>
    %lt3A_28 = arith.cmpi slt, %iota3A, %lt3A_27 : vector<2000x32xi32>
    %slice3A_29 = vector.extract_strided_slice %get3A_7 {offsets = [0, 1], sizes = [2000, 1], strides = [1, 1]} : vector<2000x16xf32> to vector<2000x1xf32>
    %slice3A_30 = vector.extract_strided_slice %get3A_7 {offsets = [0, 2], sizes = [2000, 1], strides = [1, 1]} : vector<2000x16xf32> to vector<2000x1xf32>
    %broadcast_in_dim3A = vector.shape_cast %slice3A_29 : vector<2000x1xf32> to vector<2000x1xf32>
    %broadcast_in_dim3A_31 = vector.broadcast %broadcast_in_dim3A : vector<2000x1xf32> to vector<2000x32xf32>
    %broadcast_in_dim3A_32 = vector.shape_cast %slice3A_30 : vector<2000x1xf32> to vector<2000x1xf32>
    %broadcast_in_dim3A_33 = vector.broadcast %broadcast_in_dim3A_32 : vector<2000x1xf32> to vector<2000x32xf32>
    %select_n3A_34 = arith.select %lt3A_28, %broadcast_in_dim3A_31, %broadcast_in_dim3A_33 : vector<2000x32xi1>, vector<2000x32xf32>
    %broadcast_in_dim3A_35 = vector.shape_cast %slice3A : vector<2000x1xf32> to vector<2000x1xf32>
    %broadcast_in_dim3A_36 = vector.broadcast %broadcast_in_dim3A_35 : vector<2000x1xf32> to vector<2000x32xf32>
    %select_n3A_37 = arith.select %lt3A_25, %broadcast_in_dim3A_36, %select_n3A_34 : vector<2000x32xi1>, vector<2000x32xf32>
    %mul3A = arith.constant 6.28318548 : f32
    %mul3A_38 = vector.broadcast %mul3A : f32 to vector<2000x32xf32>
    %mul3A_39 = arith.mulf %mul3A_38, %convert_element_type3A : vector<2000x32xf32>
    %mul3A_40 = arith.mulf %mul3A_39, %select_n3A_37 : vector<2000x32xf32>
    %sin3A = math.sin %mul3A_40 : vector<2000x32xf32>
    %get3A_41 = arith.constant 0 : index
    %get3A_42 = arith.constant 0 : index
    %get3A_43 = vector.load %arg4[%get3A_41, %get3A_42] : memref<32x128xf32, #tpu.memory_space<vmem>>, vector<32x128xf32>
    %dot_general3A = arith.constant dense<0.000000e+00> : vector<2000x128xf32>
    %dot_general3A_44 = tpu.matmul %sin3A, %get3A_43, %dot_general3A {dimension_numbers = #tpu.dot_dimension_numbers<[1], [0], [0], [1], [0, 0, 1, 1], [], []>, transpose_lhs_hint = false} : vector<2000x32xf32>, vector<32x128xf32>, vector<2000x128xf32> -> vector<2000x128xf32>
    %cos3A = math.cos %mul3A_40 : vector<2000x32xf32>
    %get3A_45 = arith.constant 0 : index
    %get3A_46 = arith.constant 0 : index
    %get3A_47 = vector.load %arg5[%get3A_45, %get3A_46] : memref<32x128xf32, #tpu.memory_space<vmem>>, vector<32x128xf32>
    %dot_general3A_48 = arith.constant dense<0.000000e+00> : vector<2000x128xf32>
    %dot_general3A_49 = tpu.matmul %cos3A, %get3A_47, %dot_general3A_48 {dimension_numbers = #tpu.dot_dimension_numbers<[1], [0], [0], [1], [0, 0, 1, 1], [], []>, transpose_lhs_hint = false} : vector<2000x32xf32>, vector<32x128xf32>, vector<2000x128xf32> -> vector<2000x128xf32>
    %add3A_50 = arith.addf %dot_general3A_44, %dot_general3A_49 : vector<2000x128xf32>
    %add3A_51 = arith.addf %add3A, %add3A_50 : vector<2000x128xf32>
    %logistic3A = arith.negf %add3A_51 : vector<2000x128xf32>
    %logistic3A_52 = math.exp %logistic3A : vector<2000x128xf32>
    %logistic3A_53 = arith.constant 1.000000e+00 : f32
    %logistic3A_54 = vector.broadcast %logistic3A_53 : f32 to vector<2000x128xf32>
    %logistic3A_55 = arith.addf %logistic3A_54, %logistic3A_52 : vector<2000x128xf32>
    %logistic3A_56 = arith.divf %logistic3A_54, %logistic3A_55 : vector<2000x128xf32>
    %mul3A_57 = arith.mulf %add3A_51, %logistic3A_56 : vector<2000x128xf32>
    %get3A_58 = arith.constant 0 : index
    %get3A_59 = arith.constant 0 : index
    %get3A_60 = vector.load %arg6[%get3A_58, %get3A_59] : memref<128x128xf32, #tpu.memory_space<vmem>>, vector<128x128xf32>
    %dot_general3A_61 = arith.constant dense<0.000000e+00> : vector<2000x128xf32>
    %dot_general3A_62 = tpu.matmul %mul3A_57, %get3A_60, %dot_general3A_61 {dimension_numbers = #tpu.dot_dimension_numbers<[1], [0], [0], [1], [0, 0, 1, 1], [], []>, transpose_lhs_hint = false} : vector<2000x128xf32>, vector<128x128xf32>, vector<2000x128xf32> -> vector<2000x128xf32>
    %get3A_63 = arith.constant 0 : index
    %get3A_64 = arith.constant 0 : index
    %get3A_65 = vector.load %arg7[%get3A_63, %get3A_64] : memref<1x128xf32, #tpu.memory_space<vmem>>, vector<1x128xf32>
    %add3A_66 = vector.broadcast %get3A_65 : vector<1x128xf32> to vector<2000x128xf32>
    %add3A_67 = arith.addf %dot_general3A_62, %add3A_66 : vector<2000x128xf32>
    %logistic3A_68 = arith.negf %add3A_67 : vector<2000x128xf32>
    %logistic3A_69 = math.exp %logistic3A_68 : vector<2000x128xf32>
    %logistic3A_70 = arith.constant 1.000000e+00 : f32
    %logistic3A_71 = vector.broadcast %logistic3A_70 : f32 to vector<2000x128xf32>
    %logistic3A_72 = arith.addf %logistic3A_71, %logistic3A_69 : vector<2000x128xf32>
    %logistic3A_73 = arith.divf %logistic3A_71, %logistic3A_72 : vector<2000x128xf32>
    %mul3A_74 = arith.mulf %add3A_67, %logistic3A_73 : vector<2000x128xf32>
    %swap3A = arith.constant 0 : index
    %swap3A_75 = arith.constant 0 : index
    %swap3A_76 = vector.load %arg8[%swap3A, %swap3A_75] : memref<2000x128xf32, #tpu.memory_space<vmem>>, vector<2000x128xf32>
    tpu.vector_store %arg8[%swap3A, %swap3A_75], %mul3A_74 {strides = array<i32>} : memref<2000x128xf32, #tpu.memory_space<vmem>>, vector<2000x128xf32>,
    return
  }
  func.func @transform_0(%arg0: i32) -> (i32, i32) {
    %c0_i32 = arith.constant 0 : i32
    %c0_i32_0 = arith.constant 0 : i32
    return %arg0, %c0_i32 : i32, i32
  }
  func.func @transform_1(%arg0: i32) -> (i32, i32) {
    %c0_i32 = arith.constant 0 : i32
    %c0_i32_0 = arith.constant 0 : i32
    return %arg0, %c0_i32 : i32, i32
  }
  func.func @transform_2(%arg0: i32) -> (i32, i32) {
    %c0_i32 = arith.constant 0 : i32
    %c0_i32_0 = arith.constant 0 : i32
    return %arg0, %c0_i32 : i32, i32
  }
  func.func @transform_3(%arg0: i32) -> (i32, i32) {
    %c0_i32 = arith.constant 0 : i32
    %c0_i32_0 = arith.constant 0 : i32
    %c0_i32_1 = arith.constant 0 : i32
    return %c0_i32, %c0_i32_0 : i32, i32
  }
  func.func @transform_4(%arg0: i32) -> (i32, i32) {
    %c0_i32 = arith.constant 0 : i32
    %c0_i32_0 = arith.constant 0 : i32
    %c0_i32_1 = arith.constant 0 : i32
    return %c0_i32, %c0_i32_0 : i32, i32
  }
  func.func @transform_5(%arg0: i32) -> (i32, i32) {
    %c0_i32 = arith.constant 0 : i32
    %c0_i32_0 = arith.constant 0 : i32
    %c0_i32_1 = arith.constant 0 : i32
    return %c0_i32, %c0_i32_0 : i32, i32
  }
  func.func @transform_6(%arg0: i32) -> (i32, i32) {
    %c0_i32 = arith.constant 0 : i32
    %c0_i32_0 = arith.constant 0 : i32
    %c0_i32_1 = arith.constant 0 : i32
    return %c0_i32, %c0_i32_0 : i32, i32
  }
  func.func @transform_7(%arg0: i32) -> (i32, i32) {
    %c0_i32 = arith.constant 0 : i32
    %c0_i32_0 = arith.constant 0 : i32
    return %arg0, %c0_i32 : i32, i32
  }
}

module attributes {stable_mosaic.version = 14 : i64} {
  func.func @_node_body(%arg0: i32, %arg1: memref<2000x128xf32, #tpu.memory_space<vmem>>, %arg2: memref<2000x16xf32, #tpu.memory_space<vmem>>, %arg3: memref<2000x128xf32, #tpu.memory_space<vmem>>, %arg4: memref<2000x128xf32, #tpu.memory_space<vmem>>, %arg5: memref<2000x128xf32, #tpu.memory_space<vmem>>, %arg6: memref<2000x128xf32, #tpu.memory_space<vmem>>, %arg7: memref<128x128xf32, #tpu.memory_space<vmem>>, %arg8: memref<128x128xf32, #tpu.memory_space<vmem>>, %arg9: memref<1x128xf32, #tpu.memory_space<vmem>>, %arg10: memref<128x128xf32, #tpu.memory_space<vmem>>, %arg11: memref<1x128xf32, #tpu.memory_space<vmem>>, %arg12: memref<128x128xf32, #tpu.memory_space<vmem>>, %arg13: memref<128x128xf32, #tpu.memory_space<vmem>>, %arg14: memref<16x128xf32, #tpu.memory_space<vmem>>, %arg15: memref<1x128xf32, #tpu.memory_space<vmem>>, %arg16: memref<2000x128xf32, #tpu.memory_space<vmem>>, %arg17: memref<2000x128xf32, #tpu.memory_space<vmem>>, %arg18: memref<2000x128xf32, #tpu.memory_space<vmem>>) attributes {dimension_semantics = [#tpu.dimension_semantics<arbitrary>], iteration_bounds = array<i64: 5>, scalar_prefetch = 0 : i64, scratch_operands = 0 : i64, tpu.core_type = #tpu.core_type<tc>, window_params = [{transform_indices = @transform_0, window_bounds = array<i64: 2000, 128>}, {transform_indices = @transform_1, window_bounds = array<i64: 2000, 16>}, {transform_indices = @transform_2, window_bounds = array<i64: 2000, 128>}, {transform_indices = @transform_3, window_bounds = array<i64: 2000, 128>}, {transform_indices = @transform_4, window_bounds = array<i64: 2000, 128>}, {transform_indices = @transform_5, window_bounds = array<i64: 2000, 128>}, {pipeline_mode = #tpu.pipeline_mode<synchronous>, transform_indices = @transform_6, window_bounds = array<i64: 128, 128>}, {pipeline_mode = #tpu.pipeline_mode<synchronous>, transform_indices = @transform_7, window_bounds = array<i64: 128, 128>}, {pipeline_mode = #tpu.pipeline_mode<synchronous>, transform_indices = @transform_8, window_bounds = array<i64: 1, 128>}, {pipeline_mode = #tpu.pipeline_mode<synchronous>, transform_indices = @transform_9, window_bounds = array<i64: 128, 128>}, {pipeline_mode = #tpu.pipeline_mode<synchronous>, transform_indices = @transform_10, window_bounds = array<i64: 1, 128>}, {pipeline_mode = #tpu.pipeline_mode<synchronous>, transform_indices = @transform_11, window_bounds = array<i64: 128, 128>}, {pipeline_mode = #tpu.pipeline_mode<synchronous>, transform_indices = @transform_12, window_bounds = array<i64: 128, 128>}, {pipeline_mode = #tpu.pipeline_mode<synchronous>, transform_indices = @transform_13, window_bounds = array<i64: 16, 128>}, {pipeline_mode = #tpu.pipeline_mode<synchronous>, transform_indices = @transform_14, window_bounds = array<i64: 1, 128>}, {transform_indices = @transform_15, window_bounds = array<i64: 2000, 128>}, {transform_indices = @transform_16, window_bounds = array<i64: 2000, 128>}, {transform_indices = @transform_17, window_bounds = array<i64: 2000, 128>}]} {
    %get3A = arith.constant 0 : index
    %get3A_0 = arith.constant 0 : index
    %get3A_1 = vector.load %arg5[%get3A, %get3A_0] : memref<2000x128xf32, #tpu.memory_space<vmem>>, vector<2000x128xf32>
    %slice3A = vector.extract_strided_slice %get3A_1 {offsets = [0, 0], sizes = [2000, 1], strides = [1, 1]} : vector<2000x128xf32> to vector<2000x1xf32>
    %get3A_2 = arith.constant 0 : index
    %get3A_3 = arith.constant 0 : index
    %get3A_4 = vector.load %arg6[%get3A_2, %get3A_3] : memref<2000x128xf32, #tpu.memory_space<vmem>>, vector<2000x128xf32>
    %slice3A_5 = vector.extract_strided_slice %get3A_4 {offsets = [0, 0], sizes = [2000, 1], strides = [1, 1]} : vector<2000x128xf32> to vector<2000x1xf32>
    %add3A = arith.addf %slice3A, %slice3A_5 : vector<2000x1xf32>
    %max3A = arith.constant 1.000000e+00 : f32
    %max3A_6 = vector.broadcast %max3A : f32 to vector<2000x1xf32>
    %max3A_7 = arith.maximumf %add3A, %max3A_6 : vector<2000x1xf32>
    %div3A = arith.constant 1.000000e+00 : f32
    %div3A_8 = vector.broadcast %div3A : f32 to vector<2000x1xf32>
    %div3A_9 = arith.divf %div3A_8, %max3A_7 : vector<2000x1xf32>
    %get3A_10 = arith.constant 0 : index
    %get3A_11 = arith.constant 0 : index
    %get3A_12 = vector.load %arg3[%get3A_10, %get3A_11] : memref<2000x128xf32, #tpu.memory_space<vmem>>, vector<2000x128xf32>
    %get3A_13 = arith.constant 0 : index
    %get3A_14 = arith.constant 0 : index
    %get3A_15 = vector.load %arg4[%get3A_13, %get3A_14] : memref<2000x128xf32, #tpu.memory_space<vmem>>, vector<2000x128xf32>
    %add3A_16 = arith.addf %get3A_12, %get3A_15 : vector<2000x128xf32>
    %mul3A = vector.broadcast %div3A_9 : vector<2000x1xf32> to vector<2000x128xf32>
    %mul3A_17 = arith.mulf %add3A_16, %mul3A : vector<2000x128xf32>
    %get3A_18 = arith.constant 0 : index
    %get3A_19 = arith.constant 0 : index
    %get3A_20 = vector.load %arg1[%get3A_18, %get3A_19] : memref<2000x128xf32, #tpu.memory_space<vmem>>, vector<2000x128xf32>
    %get3A_21 = arith.constant 0 : index
    %get3A_22 = arith.constant 0 : index
    %get3A_23 = vector.load %arg7[%get3A_21, %get3A_22] : memref<128x128xf32, #tpu.memory_space<vmem>>, vector<128x128xf32>
    %dot_general3A = arith.constant dense<0.000000e+00> : vector<2000x128xf32>
    %dot_general3A_24 = tpu.matmul %get3A_20, %get3A_23, %dot_general3A {dimension_numbers = #tpu.dot_dimension_numbers<[1], [0], [0], [1], [0, 0, 1, 1], [], []>, transpose_lhs_hint = false} : vector<2000x128xf32>, vector<128x128xf32>, vector<2000x128xf32> -> vector<2000x128xf32>
    %get3A_25 = arith.constant 0 : index
    %get3A_26 = arith.constant 0 : index
    %get3A_27 = vector.load %arg8[%get3A_25, %get3A_26] : memref<128x128xf32, #tpu.memory_space<vmem>>, vector<128x128xf32>
    %dot_general3A_28 = arith.constant dense<0.000000e+00> : vector<2000x128xf32>
    %dot_general3A_29 = tpu.matmul %mul3A_17, %get3A_27, %dot_general3A_28 {dimension_numbers = #tpu.dot_dimension_numbers<[1], [0], [0], [1], [0, 0, 1, 1], [], []>, transpose_lhs_hint = false} : vector<2000x128xf32>, vector<128x128xf32>, vector<2000x128xf32> -> vector<2000x128xf32>
    %add3A_30 = arith.addf %dot_general3A_24, %dot_general3A_29 : vector<2000x128xf32>
    %get3A_31 = arith.constant 0 : index
    %get3A_32 = arith.constant 0 : index
    %get3A_33 = vector.load %arg9[%get3A_31, %get3A_32] : memref<1x128xf32, #tpu.memory_space<vmem>>, vector<1x128xf32>
    %add3A_34 = vector.broadcast %get3A_33 : vector<1x128xf32> to vector<2000x128xf32>
    %add3A_35 = arith.addf %add3A_30, %add3A_34 : vector<2000x128xf32>
    %logistic3A = arith.negf %add3A_35 : vector<2000x128xf32>
    %logistic3A_36 = math.exp %logistic3A : vector<2000x128xf32>
    %logistic3A_37 = arith.constant 1.000000e+00 : f32
    %logistic3A_38 = vector.broadcast %logistic3A_37 : f32 to vector<2000x128xf32>
    %logistic3A_39 = arith.addf %logistic3A_38, %logistic3A_36 : vector<2000x128xf32>
    %logistic3A_40 = arith.divf %logistic3A_38, %logistic3A_39 : vector<2000x128xf32>
    %mul3A_41 = arith.mulf %add3A_35, %logistic3A_40 : vector<2000x128xf32>
    %get3A_42 = arith.constant 0 : index
    %get3A_43 = arith.constant 0 : index
    %get3A_44 = vector.load %arg10[%get3A_42, %get3A_43] : memref<128x128xf32, #tpu.memory_space<vmem>>, vector<128x128xf32>
    %dot_general3A_45 = arith.constant dense<0.000000e+00> : vector<2000x128xf32>
    %dot_general3A_46 = tpu.matmul %mul3A_41, %get3A_44, %dot_general3A_45 {dimension_numbers = #tpu.dot_dimension_numbers<[1], [0], [0], [1], [0, 0, 1, 1], [], []>, transpose_lhs_hint = false} : vector<2000x128xf32>, vector<128x128xf32>, vector<2000x128xf32> -> vector<2000x128xf32>
    %get3A_47 = arith.constant 0 : index
    %get3A_48 = arith.constant 0 : index
    %get3A_49 = vector.load %arg11[%get3A_47, %get3A_48] : memref<1x128xf32, #tpu.memory_space<vmem>>, vector<1x128xf32>
    %add3A_50 = vector.broadcast %get3A_49 : vector<1x128xf32> to vector<2000x128xf32>
    %add3A_51 = arith.addf %dot_general3A_46, %add3A_50 : vector<2000x128xf32>
    %logistic3A_52 = arith.negf %add3A_51 : vector<2000x128xf32>
    %logistic3A_53 = math.exp %logistic3A_52 : vector<2000x128xf32>
    %logistic3A_54 = arith.constant 1.000000e+00 : f32
    %logistic3A_55 = vector.broadcast %logistic3A_54 : f32 to vector<2000x128xf32>
    %logistic3A_56 = arith.addf %logistic3A_55, %logistic3A_53 : vector<2000x128xf32>
    %logistic3A_57 = arith.divf %logistic3A_55, %logistic3A_56 : vector<2000x128xf32>
    %mul3A_58 = arith.mulf %add3A_51, %logistic3A_57 : vector<2000x128xf32>
    %add3A_59 = arith.addf %get3A_20, %mul3A_58 : vector<2000x128xf32>
    %swap3A = arith.constant 0 : index
    %swap3A_60 = arith.constant 0 : index
    %swap3A_61 = vector.load %arg16[%swap3A, %swap3A_60] : memref<2000x128xf32, #tpu.memory_space<vmem>>, vector<2000x128xf32>
    tpu.vector_store %arg16[%swap3A, %swap3A_60], %add3A_59 {strides = array<i32>} : memref<2000x128xf32, #tpu.memory_space<vmem>>, vector<2000x128xf32>,
    %get3A_62 = arith.constant 0 : index
    %get3A_63 = arith.constant 0 : index
    %get3A_64 = vector.load %arg2[%get3A_62, %get3A_63] : memref<2000x16xf32, #tpu.memory_space<vmem>>, vector<2000x16xf32>
    %get3A_65 = arith.constant 0 : index
    %get3A_66 = arith.constant 0 : index
    %get3A_67 = vector.load %arg12[%get3A_65, %get3A_66] : memref<128x128xf32, #tpu.memory_space<vmem>>, vector<128x128xf32>
    %dot_general3A_68 = arith.constant dense<0.000000e+00> : vector<2000x128xf32>
    %dot_general3A_69 = tpu.matmul %add3A_59, %get3A_67, %dot_general3A_68 {dimension_numbers = #tpu.dot_dimension_numbers<[1], [0], [0], [1], [0, 0, 1, 1], [], []>, transpose_lhs_hint = false} : vector<2000x128xf32>, vector<128x128xf32>, vector<2000x128xf32> -> vector<2000x128xf32>
    %get3A_70 = arith.constant 0 : index
    %get3A_71 = arith.constant 0 : index
    %get3A_72 = vector.load %arg14[%get3A_70, %get3A_71] : memref<16x128xf32, #tpu.memory_space<vmem>>, vector<16x128xf32>
    %dot_general3A_73 = arith.constant dense<0.000000e+00> : vector<2000x128xf32>
    %dot_general3A_74 = tpu.matmul %get3A_64, %get3A_72, %dot_general3A_73 {dimension_numbers = #tpu.dot_dimension_numbers<[1], [0], [0], [1], [0, 0, 1, 1], [], []>, transpose_lhs_hint = false} : vector<2000x16xf32>, vector<16x128xf32>, vector<2000x128xf32> -> vector<2000x128xf32>
    %add3A_75 = arith.addf %dot_general3A_69, %dot_general3A_74 : vector<2000x128xf32>
    %get3A_76 = arith.constant 0 : index
    %get3A_77 = arith.constant 0 : index
    %get3A_78 = vector.load %arg15[%get3A_76, %get3A_77] : memref<1x128xf32, #tpu.memory_space<vmem>>, vector<1x128xf32>
    %add3A_79 = vector.broadcast %get3A_78 : vector<1x128xf32> to vector<2000x128xf32>
    %add3A_80 = arith.addf %add3A_75, %add3A_79 : vector<2000x128xf32>
    %swap3A_81 = arith.constant 0 : index
    %swap3A_82 = arith.constant 0 : index
    %swap3A_83 = vector.load %arg17[%swap3A_81, %swap3A_82] : memref<2000x128xf32, #tpu.memory_space<vmem>>, vector<2000x128xf32>
    tpu.vector_store %arg17[%swap3A_81, %swap3A_82], %add3A_80 {strides = array<i32>} : memref<2000x128xf32, #tpu.memory_space<vmem>>, vector<2000x128xf32>,
    %get3A_84 = arith.constant 0 : index
    %get3A_85 = arith.constant 0 : index
    %get3A_86 = vector.load %arg13[%get3A_84, %get3A_85] : memref<128x128xf32, #tpu.memory_space<vmem>>, vector<128x128xf32>
    %dot_general3A_87 = arith.constant dense<0.000000e+00> : vector<2000x128xf32>
    %dot_general3A_88 = tpu.matmul %add3A_59, %get3A_86, %dot_general3A_87 {dimension_numbers = #tpu.dot_dimension_numbers<[1], [0], [0], [1], [0, 0, 1, 1], [], []>, transpose_lhs_hint = false} : vector<2000x128xf32>, vector<128x128xf32>, vector<2000x128xf32> -> vector<2000x128xf32>
    %swap3A_89 = arith.constant 0 : index
    %swap3A_90 = arith.constant 0 : index
    %swap3A_91 = vector.load %arg18[%swap3A_89, %swap3A_90] : memref<2000x128xf32, #tpu.memory_space<vmem>>, vector<2000x128xf32>
    tpu.vector_store %arg18[%swap3A_89, %swap3A_90], %dot_general3A_88 {strides = array<i32>} : memref<2000x128xf32, #tpu.memory_space<vmem>>, vector<2000x128xf32>,
    return
  }
  func.func @transform_0(%arg0: i32) -> (i32, i32) {
    %c0_i32 = arith.constant 0 : i32
    %c0_i32_0 = arith.constant 0 : i32
    return %arg0, %c0_i32 : i32, i32
  }
  func.func @transform_1(%arg0: i32) -> (i32, i32) {
    %c0_i32 = arith.constant 0 : i32
    %c0_i32_0 = arith.constant 0 : i32
    return %arg0, %c0_i32 : i32, i32
  }
  func.func @transform_2(%arg0: i32) -> (i32, i32) {
    %c0_i32 = arith.constant 0 : i32
    %c0_i32_0 = arith.constant 0 : i32
    return %arg0, %c0_i32 : i32, i32
  }
  func.func @transform_3(%arg0: i32) -> (i32, i32) {
    %c0_i32 = arith.constant 0 : i32
    %c0_i32_0 = arith.constant 0 : i32
    return %arg0, %c0_i32 : i32, i32
  }
  func.func @transform_4(%arg0: i32) -> (i32, i32) {
    %c0_i32 = arith.constant 0 : i32
    %c0_i32_0 = arith.constant 0 : i32
    return %arg0, %c0_i32 : i32, i32
  }
  func.func @transform_5(%arg0: i32) -> (i32, i32) {
    %c0_i32 = arith.constant 0 : i32
    %c0_i32_0 = arith.constant 0 : i32
    return %arg0, %c0_i32 : i32, i32
  }
  func.func @transform_6(%arg0: i32) -> (i32, i32) {
    %c0_i32 = arith.constant 0 : i32
    %c0_i32_0 = arith.constant 0 : i32
    %c0_i32_1 = arith.constant 0 : i32
    return %c0_i32, %c0_i32_0 : i32, i32
  }
  func.func @transform_7(%arg0: i32) -> (i32, i32) {
    %c0_i32 = arith.constant 0 : i32
    %c0_i32_0 = arith.constant 0 : i32
    %c0_i32_1 = arith.constant 0 : i32
    return %c0_i32, %c0_i32_0 : i32, i32
  }
  func.func @transform_8(%arg0: i32) -> (i32, i32) {
    %c0_i32 = arith.constant 0 : i32
    %c0_i32_0 = arith.constant 0 : i32
    %c0_i32_1 = arith.constant 0 : i32
    return %c0_i32, %c0_i32_0 : i32, i32
  }
  func.func @transform_9(%arg0: i32) -> (i32, i32) {
    %c0_i32 = arith.constant 0 : i32
    %c0_i32_0 = arith.constant 0 : i32
    %c0_i32_1 = arith.constant 0 : i32
    return %c0_i32, %c0_i32_0 : i32, i32
  }
  func.func @transform_10(%arg0: i32) -> (i32, i32) {
    %c0_i32 = arith.constant 0 : i32
    %c0_i32_0 = arith.constant 0 : i32
    %c0_i32_1 = arith.constant 0 : i32
    return %c0_i32, %c0_i32_0 : i32, i32
  }
  func.func @transform_11(%arg0: i32) -> (i32, i32) {
    %c0_i32 = arith.constant 0 : i32
    %c0_i32_0 = arith.constant 0 : i32
    %c0_i32_1 = arith.constant 0 : i32
    return %c0_i32, %c0_i32_0 : i32, i32
  }
  func.func @transform_12(%arg0: i32) -> (i32, i32) {
    %c0_i32 = arith.constant 0 : i32
    %c0_i32_0 = arith.constant 0 : i32
    %c0_i32_1 = arith.constant 0 : i32
    return %c0_i32, %c0_i32_0 : i32, i32
  }
  func.func @transform_13(%arg0: i32) -> (i32, i32) {
    %c0_i32 = arith.constant 0 : i32
    %c0_i32_0 = arith.constant 0 : i32
    %c0_i32_1 = arith.constant 0 : i32
    return %c0_i32, %c0_i32_0 : i32, i32
  }
  func.func @transform_14(%arg0: i32) -> (i32, i32) {
    %c0_i32 = arith.constant 0 : i32
    %c0_i32_0 = arith.constant 0 : i32
    %c0_i32_1 = arith.constant 0 : i32
    return %c0_i32, %c0_i32_0 : i32, i32
  }
  func.func @transform_15(%arg0: i32) -> (i32, i32) {
    %c0_i32 = arith.constant 0 : i32
    %c0_i32_0 = arith.constant 0 : i32
    return %arg0, %c0_i32 : i32, i32
  }
  func.func @transform_16(%arg0: i32) -> (i32, i32) {
    %c0_i32 = arith.constant 0 : i32
    %c0_i32_0 = arith.constant 0 : i32
    return %arg0, %c0_i32 : i32, i32
  }
  func.func @transform_17(%arg0: i32) -> (i32, i32) {
    %c0_i32 = arith.constant 0 : i32
    %c0_i32_0 = arith.constant 0 : i32
    return %arg0, %c0_i32 : i32, i32
  }
}

module attributes {stable_mosaic.version = 14 : i64} {
  func.func @_final_body(%arg0: i32, %arg1: memref<2000x128xf32, #tpu.memory_space<vmem>>, %arg2: memref<2000x16xf32, #tpu.memory_space<vmem>>, %arg3: memref<128x128xf32, #tpu.memory_space<vmem>>, %arg4: memref<1x128xf32, #tpu.memory_space<vmem>>, %arg5: memref<128x1xf32, #tpu.memory_space<vmem>>, %arg6: memref<2000x128xf32, #tpu.memory_space<vmem>>) attributes {dimension_semantics = [#tpu.dimension_semantics<arbitrary>], iteration_bounds = array<i64: 160>, scalar_prefetch = 0 : i64, scratch_operands = 0 : i64, tpu.core_type = #tpu.core_type<tc>, window_params = [{transform_indices = @transform_0, window_bounds = array<i64: 2000, 128>}, {transform_indices = @transform_1, window_bounds = array<i64: 2000, 16>}, {pipeline_mode = #tpu.pipeline_mode<synchronous>, transform_indices = @transform_2, window_bounds = array<i64: 128, 128>}, {pipeline_mode = #tpu.pipeline_mode<synchronous>, transform_indices = @transform_3, window_bounds = array<i64: 1, 128>}, {pipeline_mode = #tpu.pipeline_mode<synchronous>, transform_indices = @transform_4, window_bounds = array<i64: 128, 1>}, {transform_indices = @transform_5, window_bounds = array<i64: 2000, 128>}]} {
    %get3A = arith.constant 0 : index
    %get3A_0 = arith.constant 0 : index
    %get3A_1 = vector.load %arg2[%get3A, %get3A_0] : memref<2000x16xf32, #tpu.memory_space<vmem>>, vector<2000x16xf32>
    %get3A_2 = arith.constant 0 : index
    %get3A_3 = arith.constant 0 : index
    %get3A_4 = vector.load %arg1[%get3A_2, %get3A_3] : memref<2000x128xf32, #tpu.memory_space<vmem>>, vector<2000x128xf32>
    %get3A_5 = arith.constant 0 : index
    %get3A_6 = arith.constant 0 : index
    %get3A_7 = vector.load %arg3[%get3A_5, %get3A_6] : memref<128x128xf32, #tpu.memory_space<vmem>>, vector<128x128xf32>
    %dot_general3A = arith.constant dense<0.000000e+00> : vector<2000x128xf32>
    %dot_general3A_8 = tpu.matmul %get3A_4, %get3A_7, %dot_general3A {dimension_numbers = #tpu.dot_dimension_numbers<[1], [0], [0], [1], [0, 0, 1, 1], [], []>, transpose_lhs_hint = false} : vector<2000x128xf32>, vector<128x128xf32>, vector<2000x128xf32> -> vector<2000x128xf32>
    %get3A_9 = arith.constant 0 : index
    %get3A_10 = arith.constant 0 : index
    %get3A_11 = vector.load %arg4[%get3A_9, %get3A_10] : memref<1x128xf32, #tpu.memory_space<vmem>>, vector<1x128xf32>
    %add3A = vector.broadcast %get3A_11 : vector<1x128xf32> to vector<2000x128xf32>
    %add3A_12 = arith.addf %dot_general3A_8, %add3A : vector<2000x128xf32>
    %logistic3A = arith.negf %add3A_12 : vector<2000x128xf32>
    %logistic3A_13 = math.exp %logistic3A : vector<2000x128xf32>
    %logistic3A_14 = arith.constant 1.000000e+00 : f32
    %logistic3A_15 = vector.broadcast %logistic3A_14 : f32 to vector<2000x128xf32>
    %logistic3A_16 = arith.addf %logistic3A_15, %logistic3A_13 : vector<2000x128xf32>
    %logistic3A_17 = arith.divf %logistic3A_15, %logistic3A_16 : vector<2000x128xf32>
    %mul3A = arith.mulf %add3A_12, %logistic3A_17 : vector<2000x128xf32>
    %get3A_18 = arith.constant 0 : index
    %get3A_19 = arith.constant 0 : index
    %get3A_20 = vector.load %arg5[%get3A_18, %get3A_19] : memref<128x1xf32, #tpu.memory_space<vmem>>, vector<128x1xf32>
    %dot_general3A_21 = arith.constant dense<0.000000e+00> : vector<2000x1xf32>
    %dot_general3A_22 = tpu.matmul %mul3A, %get3A_20, %dot_general3A_21 {dimension_numbers = #tpu.dot_dimension_numbers<[1], [0], [0], [1], [0, 0, 1, 1], [], []>, transpose_lhs_hint = false} : vector<2000x128xf32>, vector<128x1xf32>, vector<2000x1xf32> -> vector<2000x1xf32>
    %mul3A_23 = vector.broadcast %dot_general3A_22 : vector<2000x1xf32> to vector<2000x16xf32>
    %mul3A_24 = arith.mulf %get3A_1, %mul3A_23 : vector<2000x16xf32>
    %broadcast_in_dim3A = arith.constant 0.000000e+00 : f32
    %broadcast_in_dim3A_25 = vector.broadcast %broadcast_in_dim3A : f32 to vector<2000x112xf32>
    %concatenate3A = tpu.concatenate %mul3A_24, %broadcast_in_dim3A_25 in 1 : vector<2000x16xf32>, vector<2000x112xf32> -> vector<2000x128xf32>
    %swap3A = arith.constant 0 : index
    %swap3A_26 = arith.constant 0 : index
    %swap3A_27 = vector.load %arg6[%swap3A, %swap3A_26] : memref<2000x128xf32, #tpu.memory_space<vmem>>, vector<2000x128xf32>
    tpu.vector_store %arg6[%swap3A, %swap3A_26], %concatenate3A {strides = array<i32>} : memref<2000x128xf32, #tpu.memory_space<vmem>>, vector<2000x128xf32>,
    return
  }
  func.func @transform_0(%arg0: i32) -> (i32, i32) {
    %c0_i32 = arith.constant 0 : i32
    %c0_i32_0 = arith.constant 0 : i32
    return %arg0, %c0_i32 : i32, i32
  }
  func.func @transform_1(%arg0: i32) -> (i32, i32) {
    %c0_i32 = arith.constant 0 : i32
    %c0_i32_0 = arith.constant 0 : i32
    return %arg0, %c0_i32 : i32, i32
  }
  func.func @transform_2(%arg0: i32) -> (i32, i32) {
    %c0_i32 = arith.constant 0 : i32
    %c0_i32_0 = arith.constant 0 : i32
    %c0_i32_1 = arith.constant 0 : i32
    return %c0_i32, %c0_i32_0 : i32, i32
  }
  func.func @transform_3(%arg0: i32) -> (i32, i32) {
    %c0_i32 = arith.constant 0 : i32
    %c0_i32_0 = arith.constant 0 : i32
    %c0_i32_1 = arith.constant 0 : i32
    return %c0_i32, %c0_i32_0 : i32, i32
  }
  func.func @transform_4(%arg0: i32) -> (i32, i32) {
    %c0_i32 = arith.constant 0 : i32
    %c0_i32_0 = arith.constant 0 : i32
    %c0_i32_1 = arith.constant 0 : i32
    return %c0_i32, %c0_i32_0 : i32, i32
  }
  func.func @transform_5(%arg0: i32) -> (i32, i32) {
    %c0_i32 = arith.constant 0 : i32
    %c0_i32_0 = arith.constant 0 : i32
    return %arg0, %c0_i32 : i32, i32
  }
}

module attributes {stable_mosaic.version = 14 : i64} {
  func.func @_out_body(%arg0: i32, %arg1: memref<10000x128xf32, #tpu.memory_space<vmem>>, %arg2: memref<10000x128xf32, #tpu.memory_space<vmem>>, %arg3: memref<10000x128xf32, #tpu.memory_space<vmem>>, %arg4: memref<10000x128xf32, #tpu.memory_space<vmem>>, %arg5: memref<10000x3xf32, #tpu.memory_space<vmem>>) attributes {dimension_semantics = [#tpu.dimension_semantics<arbitrary>], iteration_bounds = array<i64: 1>, scalar_prefetch = 0 : i64, scratch_operands = 0 : i64, tpu.core_type = #tpu.core_type<tc>, window_params = [{transform_indices = @transform_0, window_bounds = array<i64: 10000, 128>}, {transform_indices = @transform_1, window_bounds = array<i64: 10000, 128>}, {transform_indices = @transform_2, window_bounds = array<i64: 10000, 128>}, {transform_indices = @transform_3, window_bounds = array<i64: 10000, 128>}, {pipeline_mode = #tpu.pipeline_mode<synchronous>, transform_indices = @transform_4, window_bounds = array<i64: 10000, 3>}]} {
    %get3A = arith.constant 0 : index
    %get3A_0 = arith.constant 0 : index
    %get3A_1 = vector.load %arg3[%get3A, %get3A_0] : memref<10000x128xf32, #tpu.memory_space<vmem>>, vector<10000x128xf32>
    %slice3A = vector.extract_strided_slice %get3A_1 {offsets = [0, 0], sizes = [10000, 1], strides = [1, 1]} : vector<10000x128xf32> to vector<10000x1xf32>
    %get3A_2 = arith.constant 0 : index
    %get3A_3 = arith.constant 0 : index
    %get3A_4 = vector.load %arg4[%get3A_2, %get3A_3] : memref<10000x128xf32, #tpu.memory_space<vmem>>, vector<10000x128xf32>
    %slice3A_5 = vector.extract_strided_slice %get3A_4 {offsets = [0, 0], sizes = [10000, 1], strides = [1, 1]} : vector<10000x128xf32> to vector<10000x1xf32>
    %add3A = arith.addf %slice3A, %slice3A_5 : vector<10000x1xf32>
    %max3A = arith.constant 1.000000e+00 : f32
    %max3A_6 = vector.broadcast %max3A : f32 to vector<10000x1xf32>
    %max3A_7 = arith.maximumf %add3A, %max3A_6 : vector<10000x1xf32>
    %div3A = arith.constant 1.000000e+00 : f32
    %div3A_8 = vector.broadcast %div3A : f32 to vector<10000x1xf32>
    %div3A_9 = arith.divf %div3A_8, %max3A_7 : vector<10000x1xf32>
    %get3A_10 = arith.constant 0 : index
    %get3A_11 = arith.constant 0 : index
    %get3A_12 = vector.load %arg1[%get3A_10, %get3A_11] : memref<10000x128xf32, #tpu.memory_space<vmem>>, vector<10000x128xf32>
    %slice3A_13 = vector.extract_strided_slice %get3A_12 {offsets = [0, 0], sizes = [10000, 3], strides = [1, 1]} : vector<10000x128xf32> to vector<10000x3xf32>
    %get3A_14 = arith.constant 0 : index
    %get3A_15 = arith.constant 0 : index
    %get3A_16 = vector.load %arg2[%get3A_14, %get3A_15] : memref<10000x128xf32, #tpu.memory_space<vmem>>, vector<10000x128xf32>
    %slice3A_17 = vector.extract_strided_slice %get3A_16 {offsets = [0, 0], sizes = [10000, 3], strides = [1, 1]} : vector<10000x128xf32> to vector<10000x3xf32>
    %add3A_18 = arith.addf %slice3A_13, %slice3A_17 : vector<10000x3xf32>
    %mul3A = vector.broadcast %div3A_9 : vector<10000x1xf32> to vector<10000x3xf32>
    %mul3A_19 = arith.mulf %add3A_18, %mul3A : vector<10000x3xf32>
    %swap3A = arith.constant 0 : index
    %swap3A_20 = arith.constant 0 : index
    %swap3A_21 = vector.load %arg5[%swap3A, %swap3A_20] : memref<10000x3xf32, #tpu.memory_space<vmem>>, vector<10000x3xf32>
    tpu.vector_store %arg5[%swap3A, %swap3A_20], %mul3A_19 {strides = array<i32>} : memref<10000x3xf32, #tpu.memory_space<vmem>>, vector<10000x3xf32>,
    return
  }
  func.func @transform_0(%arg0: i32) -> (i32, i32) {
    %c0_i32 = arith.constant 0 : i32
    %c0_i32_0 = arith.constant 0 : i32
    %c0_i32_1 = arith.constant 0 : i32
    return %c0_i32, %c0_i32_0 : i32, i32
  }
  func.func @transform_1(%arg0: i32) -> (i32, i32) {
    %c0_i32 = arith.constant 0 : i32
    %c0_i32_0 = arith.constant 0 : i32
    %c0_i32_1 = arith.constant 0 : i32
    return %c0_i32, %c0_i32_0 : i32, i32
  }
  func.func @transform_2(%arg0: i32) -> (i32, i32) {
    %c0_i32 = arith.constant 0 : i32
    %c0_i32_0 = arith.constant 0 : i32
    %c0_i32_1 = arith.constant 0 : i32
    return %c0_i32, %c0_i32_0 : i32, i32
  }
  func.func @transform_3(%arg0: i32) -> (i32, i32) {
    %c0_i32 = arith.constant 0 : i32
    %c0_i32_0 = arith.constant 0 : i32
    %c0_i32_1 = arith.constant 0 : i32
    return %c0_i32, %c0_i32_0 : i32, i32
  }
  func.func @transform_4(%arg0: i32) -> (i32, i32) {
    %c0_i32 = arith.constant 0 : i32
    %c0_i32_0 = arith.constant 0 : i32
    %c0_i32_1 = arith.constant 0 : i32
    return %c0_i32, %c0_i32_0 : i32, i32
  }
}

</mosaic_0001>

<sc_bundles>
// kernel: kernel.21.cloned.1.call-start
scs
__scs_entry_jumppad:
0x0: {  	(pc) =	sbr.rel $0x88, $3  }
0x1: {  	(tag) =	ssettag $0x0;
	lr =	simm.s32 $0x1  }
0x2: {  	[smem:$0x3F79] =	sst lr;
	_ =	strace $0xD0000000  }
0x3: {  	_ = 	snop  }
0x4: {  	_ = 	snop  }
0x5: {  	_ = 	snop  }
0x6: {  	_ = 	snop  }
0x7: {  	_ = 	snop  }
__scs_overlays_trampoline_lowered:
0x8: {  	[smem:$0x3F88] =	sst s0  }
0x9: {  	[smem:$0x3F89] =	sst s1  }
0xa: {  	[smem:$0x3F8A] =	sst s2  }
0xb: {  	[smem:$0x3F8B] =	sst s3  }
0xc: {  	[smem:$0x3F8C] =	sst s4  }
0xd: {  	[smem:$0x3F8D] =	sst s5  }
0xe: {  	[smem:$0x3F8E] =	sst s6  }
0xf: {  	[smem:$0x3F8F] =	sst s7  }
0x10: {  	[smem:$0x3F90] =	sst s8  }
0x11: {  	[smem:$0x3F91] =	sst s9;
	s0 =	simm.s32 @!p0 $0x0  }
0x12: {  	s1 =	sld [smem:$0x3F77];
	s0 =	simm.s32 @p0 $0x1  }
0x13: {  	[smem:$0x3F92] =	sst s0;
	s0 =	simm.s32 @!p1 $0x0  }
0x14: {  	s2 =	sld [smem:$0x3F76];
	s0 =	simm.s32 @p1 $0x1  }
0x15: {  	[smem:$0x3F93] =	sst s0;
	s0 =	simm.s32 @!p2 $0x0  }
0x16: {  	s3 =	sld [smem:$0x3FDB];
	s0 =	simm.s32 @p2 $0x1  }
0x17: {  	s4 =	simm.s32 $0x1BF5;
	[smem:$0x3F95] =	sst s0  }
0x18: {  	s0 =	sld [smem:$0x3F78];
	_ =	swait.ge [sflag:s4], $0x0  }
0x19: {  	s7 =	sld [smem:$0x3F79]  }
0x1a: {  	s8 =	sadd.s32 $0xFFFFE003, lr  }
0x1b: {  	s9 =	sadd.s32 $0xFFFFFEF7, lr;
	s5 =	simm.s32 $0xFFFFFFFF;
	p2 =	slt.u32 s8, $0xFFFFF086  }
0x1c: {  	p1 =	slt.u32 s9, $0xF7A;
	s5 =	simm.s32 @!p2 $0x0  }
0x1d: {  	s5 =	simm.s32 @p1 $0x1;
	p0 =	seq.s32 s7, s2  }
0x1e: {  	s7 =	smul.u32 @!p0 $0xF7A, s2;
	p2 =	seq.s32 @!p0 s5, $0x0  }
0x1f: {  	s9 =	smul.u32 $0xF7A, s1;
	s8 =	simm.s32 @!p0 $0x1BF5;
	p2 =	por !p2, p0  }
0x20: {  	[sflag:s8] =	ssyncset.s32 @!p0 $0xFFFFF086;
	s6 =	sadd.s32 @!p0 s3, s7;
	s7 =	simm.s32 @!p0 $0x108  }
0x21: {  	s3 =	sadd.s32 s3, s9;
	s6 =	sadd.s32 @!p0 $0x88, s6;
	s7 =	simm.s32 @p2 $0x1082  }
0x22: {  	[simem:s7], [sflag:s8] =	dma.local @!p0 [hbm:s6], $0xF7A  }
0x23: {  	s9 =	sor.u32 $0xD0000000, s2;
	s6 =	simm.s32 $0x108;
	_ =	swait.ge @!p0 [sflag:s8], $0x0  }
0x24: {  	s3 =	sadd.s32 $0x88, s3;
	s6 =	simm.s32 @!p1 $0x1082;
	[sflag:s4] =	ssyncset.s32 $0xFFFFF086  }
0x25: {  	[simem:s6], [sflag:s4] =	dma.local [hbm:s3], $0xF7A  }
0x26: {  	[smem:$0x3F79] =	sst s1;
	(tag) =	ssettag s2;
	_ =	strace s9  }
0x27: {  	s1 =	sld [smem:$0x3F89]  }
0x28: {  	s2 =	sld [smem:$0x3F8A]  }
0x29: {  	s4 =	sld [smem:$0x3F8C]  }
0x2a: {  	p0 =	seq.s32 s5, $0x0;
	s5 =	sld [smem:$0x3F8D]  }
0x2b: {  	s6 =	sld [smem:$0x3F8E]  }
0x2c: {  	s7 =	sld [smem:$0x3F8F]  }
0x2d: {  	s3 =	simm.s32 $0x108;
	s8 =	sld [smem:$0x3F90]  }
0x2e: {  	s3 =	simm.s32 @!p0 $0x1082;
	s9 =	sld [smem:$0x3F91]  }
0x2f: {  	lr =	sadd.s32 s0, s3;
	s0 =	sld [smem:$0x3F88]  }
0x30: {  	s3 =	sld [smem:$0x3F8B]  }
0x31: {  	[smem:$0x3F94] =	sst s10  }
0x32: {  	s10 =	sld [smem:$0x3F92];
	_ =	sdelay $0x3  }
0x33: {  	p0 =	seq.s32 s10, $0x1;
	s10 =	sld [smem:$0x3F94];
	_ =	sdelay $0x3  }
0x34: {  	[smem:$0x3F94] =	sst s10  }
0x35: {  	s10 =	sld [smem:$0x3F93];
	_ =	sdelay $0x3  }
0x36: {  	p1 =	seq.s32 s10, $0x1;
	s10 =	sld [smem:$0x3F94];
	_ =	sdelay $0x3  }
0x37: {  	[smem:$0x3F94] =	sst s10  }
0x38: {  	s10 =	sld [smem:$0x3F95]  }
0x39: {  	_ = 	snop;
	(pc) =	sbr.ind lr, $3  }
0x3a: {  	_ = 	snop  }
0x3b: {  	_ = 	snop  }
0x3c: {  	p2 =	seq.s32 s10, $0x1;
	s10 =	sld [smem:$0x3F94]  }
0x3d: {  	_ =	shalt  }
0x3e: {  	_ =	shalt  }
0x3f: {  	_ =	shalt  }
0x40: {  	_ =	shalt  }
0x41: {  	_ =	shalt  }
0x42: {  	_ =	shalt  }
0x43: {  	_ =	shalt  }
0x44: {  	_ =	shalt  }
0x45: {  	_ =	shalt  }
0x46: {  	_ =	shalt  }
0x47: {  	_ =	shalt  }
0x48: {  	_ =	shalt  }
0x49: {  	_ =	shalt  }
0x4a: {  	_ =	shalt  }
0x4b: {  	_ =	shalt  }
0x4c: {  	_ =	shalt  }
0x4d: {  	_ =	shalt  }
0x4e: {  	_ =	shalt  }
0x4f: {  	_ =	shalt  }
0x50: {  	_ =	shalt  }
0x51: {  	_ =	shalt  }
0x52: {  	_ =	shalt  }
0x53: {  	_ =	shalt  }
0x54: {  	_ =	shalt  }
0x55: {  	_ =	shalt  }
0x56: {  	_ =	shalt  }
0x57: {  	_ =	shalt  }
0x58: {  	_ =	shalt  }
0x59: {  	_ =	shalt  }
0x5a: {  	_ =	shalt  }
0x5b: {  	_ =	shalt  }
0x5c: {  	_ =	shalt  }
0x5d: {  	_ =	shalt  }
0x5e: {  	_ =	shalt  }
0x5f: {  	_ =	shalt  }
0x60: {  	_ =	shalt  }
0x61: {  	_ =	shalt  }
0x62: {  	_ =	shalt  }
0x63: {  	_ =	shalt  }
0x64: {  	_ =	shalt  }
0x65: {  	_ =	shalt  }
0x66: {  	_ =	shalt  }
0x67: {  	_ =	shalt  }
0x68: {  	_ =	shalt  }
0x69: {  	_ =	shalt  }
0x6a: {  	_ =	shalt  }
0x6b: {  	_ =	shalt  }
0x6c: {  	_ =	shalt  }
0x6d: {  	_ =	shalt  }
0x6e: {  	_ =	shalt  }
0x6f: {  	_ =	shalt  }
0x70: {  	_ =	shalt  }
0x71: {  	_ =	shalt  }
0x72: {  	_ =	shalt  }
0x73: {  	_ =	shalt  }
0x74: {  	_ =	shalt  }
0x75: {  	_ =	shalt  }
0x76: {  	_ =	shalt  }
0x77: {  	_ =	shalt  }
0x78: {  	_ =	shalt  }
0x79: {  	_ =	shalt  }
0x7a: {  	_ =	shalt  }
0x7b: {  	_ =	shalt  }
0x7c: {  	_ =	shalt  }
0x7d: {  	_ =	shalt  }
0x7e: {  	_ =	shalt  }
0x7f: {  	_ =	shalt  }
0x80: {  	_ =	shalt  }
0x81: {  	_ =	shalt  }
0x82: {  	_ =	shalt  }
0x83: {  	_ =	shalt  }
0x84: {  	_ =	shalt  }
0x85: {  	_ =	shalt  }
0x86: {  	_ =	shalt  }
0x87: {  	_ =	shalt  }
.Lfunc_end0:
.L_simem_size_0:
called_computation_lowered:
.L_overlay_start_0:
0x88: {  	s2 =	sld [smem:$0x3FD9]  }
0x89: {  	s3 =	sld [smem:$0x3FFE];
	_ =	sdelay $0x1  }
0x8a: {  	s1 =	srdreg.scid  }
0x8b: {  	s0 =	sand.u32 $0x1, s1  }
0x8c: {  	s17 =	sshll.u32 s0, $0xA;
	s2 =	sadd.s32 s3, s2  }
0x8d: {  	s2 =	sadd.s32 s2, s17  }
0x8e: {  	[smem:$0x3FA0] =	sst s2  }
0x8f: {  	_ = 	snop  }
0x90: {  	s18 =	sld [smem:$0x3FD0];
	(tm) =	ssettm $0x1  }
0x91: {  	s19 =	sld [smem:$0x3FFB];
	_ =	sdelay $0x3  }
0x92: {  	_ =	strace s19  }
0x93: {  	s2 =	sld [smem:$0x3FFC];
	_ =	sdelay $0x3  }
0x94: {  	_ =	strace s2  }
0x95: {  	s2 =	sld [smem:$0x3FFD];
	_ =	sdelay $0x3  }
0x96: {  	_ =	strace s2  }
0x97: {  	_ =	strace $0x8FFFFFFF  }
0x98: {  	s20 =	sld [smem:$0x3FDB];
	_ =	sdelay $0x1  }
0x99: {  	s4 =	simm.s32 $_scs_section_size  }
0x9a: {  	s5 =	simm.s32 $_size__tile_overlayer_lowered;
	s6 =	simm.s32 $_tile_overlayer_lowered  }
0x9b: {  	s7 =	simm.s32 $0x1BFF;
	s21 =	sshll.u32 s6, $0x1;
	s4 =	sadd.s32 s4, s20  }
0x9c: {  	s22 =	simm.s32 $0x0;
	s5 =	sshll.u32 s5, $0x1;
	s6 =	sadd.s32 s21, s4  }
0x9d: {  	[timem:s22], [sflag:s7] =	dma.local [hbm:s6], s5  }
0x9e: {  	_ =	swait.ge [sflag:s7], s5  }
0x9f: {  	s5 =	ssub.s32 $0x0, s5;
	[sflag:s7] =	ssyncset.done $0x0  }
0xa0: {  	[sflag:s7] =	ssyncadd.s32 s5;
	_ =	sdelay $0x1  }
0xa1: {  	s23 =	simm.s32 $0x1B8B  }
0xa2: {  	_ =	swait.ge [sflag:s23], $0x1  }
0xa3: {  	[sflag:s23] =	ssyncset.done $0x0  }
0xa4: {  	[sflag:s23] =	ssyncadd.s32 $0xFFFFFFFF  }
0xa5: {  	s5 =	sld [smem:$0x0]  }
0xa6: {  	s6 =	sand.u32 $0xFFFFFFFE, s1  }
0xa7: {  	p0 =	sne.s32 s1, s6  }
0xa8: {  	s6 =	sshll.u32 @p0 s6, $0xE  }
0xa9: {  	s6 =	sadd.s32 @p0 $0x11B8D, s6;
	s7 =	sshll.u32 @p0 s5, $0x11  }
0xaa: {  	s6 =	sor.u32 @p0 s7, s6  }
0xab: {  	[sflag:s6] =	ssyncadd.remote.s32 @p0 $0x1;
	_ =	sdelay $0x1  }
0xac: {  	s6 =	simm.s32 @p0 $0x1B8D  }
0xad: {  	_ =	swait.eq @p0 [sflag:s6], $0x1  }
0xae: {  	[sflag:s6] =	ssyncadd.s32 @p0 $0xFFFFFFFF  }
0xaf: {  	s7 =	sshll.u32 @!p0 s1, $0xE  }
0xb0: {  	s7 =	sor.u32 @!p0 $0x4000, s7;
	s6 =	simm.s32 @!p0 $0x1B8D  }
0xb1: {  	s5 =	sshll.u32 @!p0 s5, $0x11;
	s7 =	sadd.s32 @!p0 $0x11B8D, s7;
	_ =	swait.eq @!p0 [sflag:s6], $0x1  }
0xb2: {  	s5 =	sor.u32 @!p0 s5, s7;
	[sflag:s6] =	ssyncadd.s32 @!p0 $0xFFFFFFFF  }
0xb3: {  	s25 =	simm.s32 $0x1B8E;
	s24 =	sld [smem:$0x3FFE];
	[sflag:s5] =	ssyncadd.remote.s32 @!p0 $0x1  }
0xb4: {  	s26 =	simm.s32 $execute0_lowered;
	[smem:$0x3FD2] =	sst s25  }
0xb5: {  	s6 =	sshll.u32 s26, $0x1;
	_ =	strace $0x80000049;
	[dreg:$0x1] =	wrdreg $0xFFFFFFFF  }
0xb6: {  	s28 =	simm.s32 $_size_execute0_lowered;
	s4 =	sadd.s32 s4, s6;
	[dreg:$0x0] =	wrdreg $0x0  }
0xb7: {  	s6 =	sshll.u32 s28, $0x1;
	[dreg:$0x2] =	wrdreg s4  }
0xb8: {  	[dreg:$0x3] =	wrdreg s6  }
0xb9: {  	[dreg:$0x4] =	wrdreg $0xC0  }
0xba: {  	_ =	task [dreg:s22], $0x5FFFF  }
0xbb: {  	[dreg:$0x1] =	wrdreg $0xFFFFFFFF  }
0xbc: {  	[dreg:$0x0] =	wrdreg $0x60  }
0xbd: {  	[dreg:$0x2] =	wrdreg s24  }
0xbe: {  	[dreg:$0x3] =	wrdreg s18  }
0xbf: {  	[dreg:$0x4] =	wrdreg $0x49000  }
0xc0: {  	[dreg:$0x5] =	wrdreg $0x9  }
0xc1: {  	_ =	task.clear_ibuf [dreg:s22], $0x6FFFF;
	_ =	strace $0x90000049  }
0xc2: {  	s29 =	simm.s32 $0x9;
	_ =	strace $0x8000004B  }
0xc3: {  	_ =	swait.ge [sflag:s29], $0x1  }
0xc4: {  	[sflag:s29] =	ssyncadd.s32 $0xFFFFFFFF  }
0xc5: {  	_ =	strace $0x9000004B  }
0xc6: {  	_ =	sfence  }
0xc7: {  	s30 =	sld [smem:$0x0];
	_ =	sdelay $0x2  }
0xc8: {  	s31 =	sshll.u32 s1, $0xD;
	s1 =	sshrl.u32 s1, $0x2  }
0xc9: {  	s4 =	sand.u32 $0x4000, s31;
	s1 =	sadd.s32 s1, s30  }
0xca: {  	s0 =	sor.u32 s4, s0;
	s1 =	sshll.u32 s1, $0x11  }
0xcb: {  	s0 =	sor.u32 s1, s0  }
0xcc: {  	s0 =	sadd.s32 $0x8F2B, s0  }
0xcd: {  	[sflag:s0] =	ssyncadd.remote.s32 $0x1  }
0xce: {  	_ =	sfence.sel $0xFFFF  }
0xcf: {  	[dreg:$0x0] =	wrdreg $0xFFFFFFFF;
	(pc) =	sbr.abs _section_cstart, $3  }
0xd0: {  	[dreg:$0x1] =	wrdreg $0xFFFFFFFF  }
0xd1: {  	_ =	task.clear_ibuf [dreg:s22], $0x2FFFF;
	_ =	strace $0x9FFFFFFF  }
0xd2: {  	(tm) =	ssettm $0x7FFFFFFF  }
0xd3: {  	_ =	shalt  }
tec
execute0_lowered:
.L_overlay_start_1:
0x0: {  	(tag) =	ssettag $0x1  }
0x1: {  	s5 =	rddreg [dreg:$0x0]  }
0x2: {  	s2 =	rddreg [dreg:$0x1]  }
0x3: {  	s3 =	rddreg [dreg:$0x2]  }
0x4: {  	s0 =	rddreg [dreg:$0x3];
	s1 =	stileid.u32  }
0x5: {  	s6 =	srdreg.scid;
	s4 =	simm.s32 $0x0;
	s15 =	simm.s32 $0x80  }
0x6: {  	s16 =	simm.s32 $0x10;
	s17 =	simm.s32 $0x0;
	s7 =	smul.u32 $0x14000, s1  }
0x7: {  	s6 =	sand.u32 $0x1, s6;
	[smem:$0x7FF] =	sst s4;
	s11 =	smul.u32 $0x50000, s1  }
0x8: {  	s10 =	sadd.s32 $0xB4600, s5;
	s28 =	smul.u32 $0x2710, s1;
	s29 =	sshll.u32 s1, $0x6  }
0x9: {  	s8 =	smul.u32 $0x140000, s6;
	_ =	strace $0x8000004A;
	s23 =	sshll.u32 s6, $0x4  }
0xa: {  	s24 =	ssub.s32 $0x2, s6;
	s13 =	smul.u32 $0x27100, s6;
	s6 =	sor.u32 $0x1C01, s29  }
0xb: {  	s9 =	sshrl.u32 s7, $0x3;
	s26 =	sshrl.u32 s24, $0x1;
	s11 =	sshrl.u32 s11, $0x2  }
0xc: {  	s9 =	sadd.s32 s9, s5;
	s7 =	sadd.s32 s7, s8;
	s8 =	sor.u32 s1, s23  }
0xd: {  	s14 =	ssub.s32 s24, s26;
	s11 =	sadd.s32 s11, s3;
	s30 =	sadd.s32 s28, s13  }
0xe: {  	s13 =	simm.s32 $0x100;
	s7 =	sshrl.u32 s7, $0x3;
	s25 =	smul.u32 $0x2710, s8  }
0xf: {  	s31 =	sshrl.u32 s30, $0x3;
	s11 =	sshrl.u32 s11, $0x3;
	s12 =	sadd.s32 s7, s5  }
0x10: {  	s5 =	sadd.s32 $0x146D600, s9;
	s9 =	smax.u32 s14, $0x1;
	s7 =	sshrl.u32 s25, $0x3  }
0x11: {  	s14 =	simm.s32 $0x4100;
	s8 =	sadd.s32 $0x1495600, s12;
	s7 =	sadd.s32 s10, s7  }
0x12: {  	s12 =	simm.s32 $0x1;
	s10 =	sadd.s32 s31, s10;
	s7 =	sadd.s32 $0x4E0, s7  }
.LBB2_1:
0x13: {  	[spmem:s11], [sflag:s6] =	dma.local [hbm:s5], $0x2800  }
0x14: {  	_ =	swait.ge [sflag:s12], $0x2800  }
0x15: {  	[sflag:s12] =	ssyncset.done $0x0  }
0x16: {  	[sflag:s12] =	ssyncadd.s32 $0xFFFFD800  }
0x17: {  	[tilespmem:s13], [sflag:$0x1] =	stream.linear.gather [hbm4b:s2+s4], $0x4000, $0x38;
	[tilespmem:$0x18900] =	vst v63  }
0x18: {  	_ =	swait.ge [sflag:s12], $0x4000  }
0x19: {  	[sflag:s12] =	ssyncset.done $0x0  }
0x1a: {  	[sflag:s12] =	ssyncadd.s32 $0xFFFFC000  }
0x1b: {  	[tilespmem:s14], [sflag:$0x1] =	stream.linear.gather [hbm4b:s2+s4], $0x800, $0x38;
	[tilespmem:$0x18900] =	vst v63  }
0x1c: {  	_ =	swait.ge [sflag:s12], $0x800  }
0x1d: {  	[sflag:s12] =	ssyncset.done $0x0  }
0x1e: {  	[sflag:s12] =	ssyncadd.s32 $0xFFFFF800  }
0x1f: {  	s18 =	sadd.s32 $0x0, s10;
	[bflag:$0x0] =	sbarrier.arrive $0xFFFF  }
0x20: {  	[tilespmem:s4], [sflag:$0x1] =	stream.linear.gather [hbm4b:s18+s4], $0x80, $0x38;
	[tilespmem:$0x18900] =	vst v63  }
0x21: {  	_ =	swait.ge [sflag:s12], $0x80  }
0x22: {  	[sflag:s12] =	ssyncset.done $0x0  }
0x23: {  	[sflag:s12] =	ssyncadd.s32 $0xFFFFFF80  }
0x24: {  	[spmem:s3] =	stream.indirect.scatter.add.f32 [tilespmem:s13], [sflag:$0x1], $0x80, s4, s15, $0xb8;
	[tilespmem:$0x18900] =	vst v63  }
0x25: {  	_ =	swait.ge [sflag:s12], $0x4000  }
0x26: {  	s19 =	simm.s32 $0x20;
	s18 =	simm.s32 $0x10;
	[sflag:s12] =	ssyncset.done $0x0  }
.LBB2_2:
0x27: {  	s20 =	sadd.s32 s18, s10  }
0x28: {  	[sflag:s12] =	ssyncadd.s32 $0xFFFFC000;
	s18 =	smov.u32 s19;
	s21 =	sadd.s32 $0x10, s19  }
0x29: {  	[tilespmem:s4], [sflag:$0x1] =	stream.linear.gather [hbm4b:s20+s4], $0x80, $0x38;
	[tilespmem:$0x18900] =	vst v63  }
0x2a: {  	p0 =	sne.s32 s19, $0x4D0;
	_ =	swait.ge [sflag:s12], $0x80  }
.Ltmp0:
0x2b: {  	[sflag:s12] =	ssyncset.done $0x0;
	(pc) =	sbr.rel @p0 .LBB2_2-.Ltmp0, $4  }
0x2c: {  	[sflag:s12] =	ssyncadd.s32 $0xFFFFFF80  }
0x2d: {  	[spmem:s3] =	stream.indirect.scatter.add.f32 [tilespmem:s13], [sflag:$0x1], $0x80, s4, s15, $0xb8;
	[tilespmem:$0x18900] =	vst v63  }
0x2e: {  	_ =	swait.ge [sflag:s12], $0x4000  }
0x2f: {  	s19 =	smov.u32 s21;
	[sflag:s12] =	ssyncset.done $0x0  }
0x30: {  	s18 =	sadd.s32 s18, s10;
	[sflag:s12] =	ssyncadd.s32 $0xFFFFC000  }
0x31: {  	[tilespmem:s4], [sflag:$0x1] =	stream.linear.gather [hbm4b:s18+s4], $0x80, $0x38;
	[tilespmem:$0x18900] =	vst v63  }
0x32: {  	_ =	swait.ge [sflag:s12], $0x80  }
0x33: {  	[sflag:s12] =	ssyncset.done $0x0  }
0x34: {  	[sflag:s12] =	ssyncadd.s32 $0xFFFFFF80  }
0x35: {  	[spmem:s3] =	stream.indirect.scatter.add.f32 [tilespmem:s13], [sflag:$0x1], $0x80, s4, s15, $0xb8;
	[tilespmem:$0x18900] =	vst v63  }
0x36: {  	_ =	swait.ge [sflag:s12], $0x4000  }
0x37: {  	[sflag:s12] =	ssyncset.done $0x0  }
0x38: {  	[sflag:s12] =	ssyncadd.s32 $0xFFFFC000  }
0x39: {  	[tilespmem:s15], [sflag:$0x1] =	stream.linear.gather [hbm4b:s7+s4], $0x10, $0x38;
	[tilespmem:$0x18900] =	vst v63  }
0x3a: {  	_ =	swait.ge [sflag:s12], $0x10  }
0x3b: {  	[sflag:s12] =	ssyncset.done $0x0  }
0x3c: {  	[sflag:s12] =	ssyncadd.s32 $0xFFFFFFF0  }
0x3d: {  	[spmem:s3] =	stream.indirect.scatter.add.f32 [tilespmem:s14], [sflag:$0x1], $0x80, s15, s16, $0xb8;
	[tilespmem:$0x18900] =	vst v63  }
0x3e: {  	_ =	swait.ge [sflag:s12], $0x800  }
0x3f: {  	s17 =	sadd.s32 $0x1, s17;
	[sflag:s12] =	ssyncset.done $0x0  }
0x40: {  	p0 =	sne.s32 s17, s9;
	[sflag:s12] =	ssyncadd.s32 $0xFFFFF800  }
.Ltmp1:
0x41: {  	[bflag:$0x0] =	sbarrier.arrive $0xFFFF;
	(pc) =	sbr.rel @p0 .LBB2_1-.Ltmp1, $4  }
0x42: {  	[hbm:s8], [sflag:s6] =	dma.local [spmem:s11], $0x2800  }
0x43: {  	_ =	swait.ge [sflag:s12], $0x2800  }
0x44: {  	[sflag:s12] =	ssyncset.done $0x0  }
0x45: {  	[sflag:s12] =	ssyncadd.s32 $0xFFFFD800  }
0x46: {  	_ =	sfence.sel $0x180000  }
0x47: {  	[bflag:$0x0] =	sbarrier.arrive $0xFFFF  }
0x48: {  	p0 =	sne.s32 s1, $0x0;
	_ =	strace $0x9000004A  }
0x49: {  	s0 =	sadd.s32 @!p0 $0x100000, s0;
	[bflag:$0x2] =	sbarrier.arrive $0xFFFF  }
0x4a: {  	[sflag:s0] =	ssyncadd.tile.s32 @!p0 $0x1;
	_ =	shalt  }
.Lfunc_end2:
_tile_overlayer_lowered:
.L_overlay_start_2:
0x4b: {  	(tag) =	ssettag $0x2  }
0x4c: {  	s0 =	rddreg [dreg:$0x0];
	s2 =	stileid.u32  }
0x4d: {  	s1 =	rddreg [dreg:$0x1];
	p0 =	sne.s32 s2, $0x0  }
0x4e: {  	s3 =	rddreg [dreg:$0x2];
	[bflag:$0x3] =	sbarrier.arrive $0xFFFF;
	s2 =	simm.s32 @!p0 $0x1C01  }
0x4f: {  	[timem:s3], [sflag:s2] =	dma.local @!p0 [hbm:s0], s1  }
0x50: {  	s0 =	simm.s32 @!p0 $0x1  }
0x51: {  	_ =	swait.ge @!p0 [sflag:s0], s1  }
0x52: {  	s1 =	ssub.s32 @!p0 $0x0, s1;
	[sflag:s0] =	ssyncset.done @!p0 $0x0  }
0x53: {  	[sflag:s0] =	ssyncadd.s32 @!p0 s1  }
0x54: {  	[bflag:$0x3] =	sbarrier.arrive $0xFFFF  }
0x55: {  	_ =	shalt  }

// kernel: kernel.24.cloned.1.call-start
scs
__scs_entry_jumppad:
0x0: {  	(pc) =	sbr.rel $0x88, $3  }
0x1: {  	(tag) =	ssettag $0x0;
	lr =	simm.s32 $0x1  }
0x2: {  	[smem:$0x3F79] =	sst lr;
	_ =	strace $0xD0000000  }
0x3: {  	_ = 	snop  }
0x4: {  	_ = 	snop  }
0x5: {  	_ = 	snop  }
0x6: {  	_ = 	snop  }
0x7: {  	_ = 	snop  }
__scs_overlays_trampoline_lowered:
0x8: {  	[smem:$0x3F88] =	sst s0  }
0x9: {  	[smem:$0x3F89] =	sst s1  }
0xa: {  	[smem:$0x3F8A] =	sst s2  }
0xb: {  	[smem:$0x3F8B] =	sst s3  }
0xc: {  	[smem:$0x3F8C] =	sst s4  }
0xd: {  	[smem:$0x3F8D] =	sst s5  }
0xe: {  	[smem:$0x3F8E] =	sst s6  }
0xf: {  	[smem:$0x3F8F] =	sst s7  }
0x10: {  	[smem:$0x3F90] =	sst s8  }
0x11: {  	[smem:$0x3F91] =	sst s9;
	s0 =	simm.s32 @!p0 $0x0  }
0x12: {  	s1 =	sld [smem:$0x3F77];
	s0 =	simm.s32 @p0 $0x1  }
0x13: {  	[smem:$0x3F92] =	sst s0;
	s0 =	simm.s32 @!p1 $0x0  }
0x14: {  	s2 =	sld [smem:$0x3F76];
	s0 =	simm.s32 @p1 $0x1  }
0x15: {  	[smem:$0x3F93] =	sst s0;
	s0 =	simm.s32 @!p2 $0x0  }
0x16: {  	s3 =	sld [smem:$0x3FDB];
	s0 =	simm.s32 @p2 $0x1  }
0x17: {  	s4 =	simm.s32 $0x1BF5;
	[smem:$0x3F95] =	sst s0  }
0x18: {  	s0 =	sld [smem:$0x3F78];
	_ =	swait.ge [sflag:s4], $0x0  }
0x19: {  	s7 =	sld [smem:$0x3F79]  }
0x1a: {  	s8 =	sadd.s32 $0xFFFFE003, lr  }
0x1b: {  	s9 =	sadd.s32 $0xFFFFFEF7, lr;
	s5 =	simm.s32 $0xFFFFFFFF;
	p2 =	slt.u32 s8, $0xFFFFF086  }
0x1c: {  	p1 =	slt.u32 s9, $0xF7A;
	s5 =	simm.s32 @!p2 $0x0  }
0x1d: {  	s5 =	simm.s32 @p1 $0x1;
	p0 =	seq.s32 s7, s2  }
0x1e: {  	s7 =	smul.u32 @!p0 $0xF7A, s2;
	p2 =	seq.s32 @!p0 s5, $0x0  }
0x1f: {  	s9 =	smul.u32 $0xF7A, s1;
	s8 =	simm.s32 @!p0 $0x1BF5;
	p2 =	por !p2, p0  }
0x20: {  	[sflag:s8] =	ssyncset.s32 @!p0 $0xFFFFF086;
	s6 =	sadd.s32 @!p0 s3, s7;
	s7 =	simm.s32 @!p0 $0x108  }
0x21: {  	s3 =	sadd.s32 s3, s9;
	s6 =	sadd.s32 @!p0 $0x88, s6;
	s7 =	simm.s32 @p2 $0x1082  }
0x22: {  	[simem:s7], [sflag:s8] =	dma.local @!p0 [hbm:s6], $0xF7A  }
0x23: {  	s9 =	sor.u32 $0xD0000000, s2;
	s6 =	simm.s32 $0x108;
	_ =	swait.ge @!p0 [sflag:s8], $0x0  }
0x24: {  	s3 =	sadd.s32 $0x88, s3;
	s6 =	simm.s32 @!p1 $0x1082;
	[sflag:s4] =	ssyncset.s32 $0xFFFFF086  }
0x25: {  	[simem:s6], [sflag:s4] =	dma.local [hbm:s3], $0xF7A  }
0x26: {  	[smem:$0x3F79] =	sst s1;
	(tag) =	ssettag s2;
	_ =	strace s9  }
0x27: {  	s1 =	sld [smem:$0x3F89]  }
0x28: {  	s2 =	sld [smem:$0x3F8A]  }
0x29: {  	s4 =	sld [smem:$0x3F8C]  }
0x2a: {  	p0 =	seq.s32 s5, $0x0;
	s5 =	sld [smem:$0x3F8D]  }
0x2b: {  	s6 =	sld [smem:$0x3F8E]  }
0x2c: {  	s7 =	sld [smem:$0x3F8F]  }
0x2d: {  	s3 =	simm.s32 $0x108;
	s8 =	sld [smem:$0x3F90]  }
0x2e: {  	s3 =	simm.s32 @!p0 $0x1082;
	s9 =	sld [smem:$0x3F91]  }
0x2f: {  	lr =	sadd.s32 s0, s3;
	s0 =	sld [smem:$0x3F88]  }
0x30: {  	s3 =	sld [smem:$0x3F8B]  }
0x31: {  	[smem:$0x3F94] =	sst s10  }
0x32: {  	s10 =	sld [smem:$0x3F92];
	_ =	sdelay $0x3  }
0x33: {  	p0 =	seq.s32 s10, $0x1;
	s10 =	sld [smem:$0x3F94];
	_ =	sdelay $0x3  }
0x34: {  	[smem:$0x3F94] =	sst s10  }
0x35: {  	s10 =	sld [smem:$0x3F93];
	_ =	sdelay $0x3  }
0x36: {  	p1 =	seq.s32 s10, $0x1;
	s10 =	sld [smem:$0x3F94];
	_ =	sdelay $0x3  }
0x37: {  	[smem:$0x3F94] =	sst s10  }
0x38: {  	s10 =	sld [smem:$0x3F95]  }
0x39: {  	_ = 	snop;
	(pc) =	sbr.ind lr, $3  }
0x3a: {  	_ = 	snop  }
0x3b: {  	_ = 	snop  }
0x3c: {  	p2 =	seq.s32 s10, $0x1;
	s10 =	sld [smem:$0x3F94]  }
0x3d: {  	_ =	shalt  }
0x3e: {  	_ =	shalt  }
0x3f: {  	_ =	shalt  }
0x40: {  	_ =	shalt  }
0x41: {  	_ =	shalt  }
0x42: {  	_ =	shalt  }
0x43: {  	_ =	shalt  }
0x44: {  	_ =	shalt  }
0x45: {  	_ =	shalt  }
0x46: {  	_ =	shalt  }
0x47: {  	_ =	shalt  }
0x48: {  	_ =	shalt  }
0x49: {  	_ =	shalt  }
0x4a: {  	_ =	shalt  }
0x4b: {  	_ =	shalt  }
0x4c: {  	_ =	shalt  }
0x4d: {  	_ =	shalt  }
0x4e: {  	_ =	shalt  }
0x4f: {  	_ =	shalt  }
0x50: {  	_ =	shalt  }
0x51: {  	_ =	shalt  }
0x52: {  	_ =	shalt  }
0x53: {  	_ =	shalt  }
0x54: {  	_ =	shalt  }
0x55: {  	_ =	shalt  }
0x56: {  	_ =	shalt  }
0x57: {  	_ =	shalt  }
0x58: {  	_ =	shalt  }
0x59: {  	_ =	shalt  }
0x5a: {  	_ =	shalt  }
0x5b: {  	_ =	shalt  }
0x5c: {  	_ =	shalt  }
0x5d: {  	_ =	shalt  }
0x5e: {  	_ =	shalt  }
0x5f: {  	_ =	shalt  }
0x60: {  	_ =	shalt  }
0x61: {  	_ =	shalt  }
0x62: {  	_ =	shalt  }
0x63: {  	_ =	shalt  }
0x64: {  	_ =	shalt  }
0x65: {  	_ =	shalt  }
0x66: {  	_ =	shalt  }
0x67: {  	_ =	shalt  }
0x68: {  	_ =	shalt  }
0x69: {  	_ =	shalt  }
0x6a: {  	_ =	shalt  }
0x6b: {  	_ =	shalt  }
0x6c: {  	_ =	shalt  }
0x6d: {  	_ =	shalt  }
0x6e: {  	_ =	shalt  }
0x6f: {  	_ =	shalt  }
0x70: {  	_ =	shalt  }
0x71: {  	_ =	shalt  }
0x72: {  	_ =	shalt  }
0x73: {  	_ =	shalt  }
0x74: {  	_ =	shalt  }
0x75: {  	_ =	shalt  }
0x76: {  	_ =	shalt  }
0x77: {  	_ =	shalt  }
0x78: {  	_ =	shalt  }
0x79: {  	_ =	shalt  }
0x7a: {  	_ =	shalt  }
0x7b: {  	_ =	shalt  }
0x7c: {  	_ =	shalt  }
0x7d: {  	_ =	shalt  }
0x7e: {  	_ =	shalt  }
0x7f: {  	_ =	shalt  }
0x80: {  	_ =	shalt  }
0x81: {  	_ =	shalt  }
0x82: {  	_ =	shalt  }
0x83: {  	_ =	shalt  }
0x84: {  	_ =	shalt  }
0x85: {  	_ =	shalt  }
0x86: {  	_ =	shalt  }
0x87: {  	_ =	shalt  }
.Lfunc_end0:
.L_simem_size_0:
called_computation.1_lowered:
.L_overlay_start_0:
0x88: {  	s2 =	sld [smem:$0x3FD9]  }
0x89: {  	s3 =	sld [smem:$0x3FFE];
	_ =	sdelay $0x1  }
0x8a: {  	s1 =	srdreg.scid  }
0x8b: {  	s0 =	sand.u32 $0x1, s1  }
0x8c: {  	s16 =	sshll.u32 s0, $0xA;
	s2 =	sadd.s32 s3, s2  }
0x8d: {  	s2 =	sadd.s32 s2, s16  }
0x8e: {  	[smem:$0x3FA0] =	sst s2  }
0x8f: {  	_ = 	snop  }
0x90: {  	(tm) =	ssettm $0x1  }
0x91: {  	s17 =	sld [smem:$0x3FFB];
	_ =	sdelay $0x3  }
0x92: {  	_ =	strace s17  }
0x93: {  	s2 =	sld [smem:$0x3FFC];
	_ =	sdelay $0x3  }
0x94: {  	_ =	strace s2  }
0x95: {  	s2 =	sld [smem:$0x3FFD];
	_ =	sdelay $0x3  }
0x96: {  	_ =	strace s2  }
0x97: {  	_ =	strace $0x8FFFFFFF  }
0x98: {  	s18 =	sld [smem:$0x3FDB];
	_ =	sdelay $0x1  }
0x99: {  	s19 =	simm.s32 $_scs_section_size  }
0x9a: {  	s4 =	simm.s32 $_size__tile_overlayer_lowered;
	s5 =	simm.s32 $_tile_overlayer_lowered  }
0x9b: {  	s22 =	simm.s32 $0x1BFF;
	s21 =	sshll.u32 s5, $0x1;
	s2 =	sadd.s32 s19, s18  }
0x9c: {  	s6 =	simm.s32 $0x0;
	s20 =	sshll.u32 s4, $0x1;
	s4 =	sadd.s32 s21, s2  }
0x9d: {  	[timem:s6], [sflag:s22] =	dma.local [hbm:s4], s20  }
0x9e: {  	_ =	swait.ge [sflag:s22], s20  }
0x9f: {  	s3 =	ssub.s32 $0x0, s20;
	[sflag:s22] =	ssyncset.done $0x0  }
0xa0: {  	[sflag:s22] =	ssyncadd.s32 s3;
	_ =	sdelay $0x1  }
0xa1: {  	s23 =	simm.s32 $0x1B8B  }
0xa2: {  	_ =	swait.ge [sflag:s23], $0x1  }
0xa3: {  	[sflag:s23] =	ssyncset.done $0x0  }
0xa4: {  	s25 =	simm.s32 $0x1B8E;
	s24 =	sld [smem:$0x3FFE];
	[sflag:s23] =	ssyncadd.s32 $0xFFFFFFFF  }
0xa5: {  	s26 =	simm.s32 $execute0_lowered;
	[smem:$0x3FD2] =	sst s25  }
0xa6: {  	s4 =	sshll.u32 s26, $0x1;
	_ =	strace $0x80000046;
	[dreg:$0x1] =	wrdreg $0xFFFFFFFF  }
0xa7: {  	s28 =	simm.s32 $_size_execute0_lowered;
	s2 =	sadd.s32 s2, s4;
	[dreg:$0x0] =	wrdreg $0x0  }
0xa8: {  	s4 =	sshll.u32 s28, $0x1;
	[dreg:$0x2] =	wrdreg s2  }
0xa9: {  	[dreg:$0x3] =	wrdreg s4  }
0xaa: {  	[dreg:$0x4] =	wrdreg $0xC0  }
0xab: {  	_ =	task [dreg:s6], $0x5FFFF  }
0xac: {  	[dreg:$0x1] =	wrdreg $0xFFFFFFFF  }
0xad: {  	[dreg:$0x0] =	wrdreg $0x60  }
0xae: {  	[dreg:$0x2] =	wrdreg s24  }
0xaf: {  	[dreg:$0x3] =	wrdreg $0xA  }
0xb0: {  	_ =	task.clear_ibuf [dreg:s6], $0x4FFFF;
	_ =	strace $0x90000046  }
0xb1: {  	s29 =	simm.s32 $0xA;
	_ =	strace $0x80000048  }
0xb2: {  	_ =	swait.ge [sflag:s29], $0x1  }
0xb3: {  	[sflag:s29] =	ssyncadd.s32 $0xFFFFFFFF  }
0xb4: {  	_ =	strace $0x90000048  }
0xb5: {  	_ =	sfence  }
0xb6: {  	s30 =	sld [smem:$0x0];
	_ =	sdelay $0x2  }
0xb7: {  	s31 =	sshll.u32 s1, $0xD;
	s1 =	sshrl.u32 s1, $0x2  }
0xb8: {  	s3 =	sand.u32 $0x4000, s31;
	s1 =	sadd.s32 s1, s30  }
0xb9: {  	s0 =	sor.u32 s3, s0;
	s1 =	sshll.u32 s1, $0x11  }
0xba: {  	s0 =	sor.u32 s1, s0  }
0xbb: {  	s0 =	sadd.s32 $0x8F2B, s0  }
0xbc: {  	[sflag:s0] =	ssyncadd.remote.s32 $0x1  }
0xbd: {  	_ =	sfence.sel $0xFFFF  }
0xbe: {  	[dreg:$0x0] =	wrdreg $0xFFFFFFFF;
	(pc) =	sbr.abs _section_cstart, $3  }
0xbf: {  	[dreg:$0x1] =	wrdreg $0xFFFFFFFF  }
0xc0: {  	_ =	task.clear_ibuf [dreg:s6], $0x2FFFF;
	_ =	strace $0x9FFFFFFF  }
0xc1: {  	(tm) =	ssettm $0x7FFFFFFF  }
tec
execute0_lowered:
.L_overlay_start_1:
0x0: {  	(tag) =	ssettag $0x1  }
0x1: {  	s0 =	rddreg [dreg:$0x0];
	s1 =	simm.s32 $0x0;
	s2 =	srdreg.scid  }
0x2: {  	s26 =	stileid.u32;
	s23 =	simm.s32 $0x1;
	s24 =	simm.s32 $0x10  }
0x3: {  	s25 =	simm.s32 $0x4100;
	s28 =	simm.s32 $0x0;
	[smem:$0x7FF] =	sst s1  }
0x4: {  	s11 =	sand.u32 $0x1, s2;
	s3 =	sadd.s32 $0xE000, s0;
	s4 =	sadd.s32 $0x35200, s0  }
0x5: {  	s5 =	sadd.s32 $0x83600, s0;
	s18 =	sadd.s32 $0xAA800, s0;
	s15 =	sadd.s32 $0x5C7600, s0  }
0x6: {  	s17 =	sadd.s32 $0xB4600, s0;
	s14 =	sadd.s32 $0xAA9600, s0;
	s20 =	smul.u32 $0x27100, s26  }
0x7: {  	s12 =	sadd.s32 $0xE5600, s0;
	s0 =	sadd.s32 $0xF8B600, s0;
	s22 =	smul.u32 $0x2710, s26  }
0x8: {  	_ =	strace $0x80000047;
	s6 =	sshll.u32 s11, $0x4;
	s19 =	smul.u32 $0x271000, s11  }
0x9: {  	s7 =	ssub.s32 $0x2, s11;
	s21 =	smul.u32 $0x27100, s11;
	s6 =	sor.u32 s26, s6  }
0xa: {  	s8 =	sshrl.u32 s7, $0x1;
	s26 =	simm.s32 $0x8900;
	s6 =	smul.u32 $0x2710, s6  }
0xb: {  	s13 =	ssub.s32 s7, s8;
	s29 =	sadd.s32 s19, s12;
	s30 =	sadd.s32 s22, s21  }
0xc: {  	s21 =	simm.s32 $0x100;
	s22 =	simm.s32 $0x4900;
	s9 =	sadd.s32 $0x2700, s6  }
0xd: {  	s31 =	sshrl.u32 s30, $0x3;
	s10 =	sshrl.u32 s9, $0x3;
	s16 =	sshll.u32 s9, $0x4  }
0xe: {  	s6 =	sadd.s32 s18, s10;
	s7 =	sadd.s32 s12, s16;
	s8 =	sadd.s32 s14, s16  }
0xf: {  	s9 =	sadd.s32 s17, s10;
	s10 =	sadd.s32 s15, s16;
	s11 =	sadd.s32 s0, s16  }
0x10: {  	s12 =	smax.u32 s13, $0x1;
	s13 =	sadd.s32 s20, s29;
	s14 =	sadd.s32 s19, s14  }
0x11: {  	s15 =	sadd.s32 s19, s15;
	s0 =	sadd.s32 s19, s0;
	s17 =	sadd.s32 s31, s17  }
0x12: {  	s18 =	sadd.s32 s31, s18;
	s19 =	simm.s32 $0x2;
	s14 =	sadd.s32 s20, s14  }
0x13: {  	s15 =	sadd.s32 s20, s15;
	s16 =	sadd.s32 s20, s0;
	s20 =	simm.s32 $0x80  }
.LBB2_1:
0x14: {  	[tilespmem:s1], [sflag:$0x2] =	stream.linear.gather [hbm4b:s18+s1], $0x80, $0x38;
	[tilespmem:$0x9100] =	vst v63  }
0x15: {  	_ =	swait.ge [sflag:s19], $0x80  }
0x16: {  	[sflag:s19] =	ssyncset.done $0x0  }
0x17: {  	[sflag:s19] =	ssyncadd.s32 $0xFFFFFF80  }
0x18: {  	[tilespmem:s21], [sflag:$0x1] =	stream.indirect.gather [hbm4b:s3+s20], $0x80, s1, s20, $0xb8;
	[tilespmem:$0x9100] =	vst v63  }
0x19: {  	_ = 	snop  }
0x1a: {  	[tilespmem:s22], [sflag:$0x1] =	stream.indirect.gather [hbm4b:s5+s20], $0x80, s1, s20, $0xb8;
	[tilespmem:$0x9100] =	vst v63  }
0x1b: {  	_ =	swait.ge [sflag:s23], $0x4000  }
0x1c: {  	[sflag:s23] =	ssyncset.done $0x0  }
0x1d: {  	[sflag:s23] =	ssyncadd.s32 $0xFFFFC000  }
0x1e: {  	_ =	swait.ge [sflag:s23], $0x4000  }
0x1f: {  	[sflag:s23] =	ssyncset.done $0x0  }
0x20: {  	s0 =	sadd.s32 $0x0, s13;
	[sflag:s23] =	ssyncadd.s32 $0xFFFFC000  }
0x21: {  	[hbm4b:s0+s1] =	stream.linear.scatter [tilespmem:s21], [sflag:$0x2], $0x4000, $0x38;
	[tilespmem:$0x9100] =	vst v63  }
0x22: {  	_ =	swait.ge [sflag:s19], $0x4000  }
0x23: {  	[sflag:s19] =	ssyncset.done $0x0  }
0x24: {  	s2 =	sadd.s32 $0x0, s14;
	[sflag:s19] =	ssyncadd.s32 $0xFFFFC000  }
0x25: {  	[hbm4b:s2+s1] =	stream.linear.scatter [tilespmem:s22], [sflag:$0x2], $0x4000, $0x38;
	[tilespmem:$0x9100] =	vst v63  }
0x26: {  	_ =	swait.ge [sflag:s19], $0x4000  }
0x27: {  	[sflag:s19] =	ssyncset.done $0x0  }
0x28: {  	[sflag:s19] =	ssyncadd.s32 $0xFFFFC000  }
0x29: {  	[tilespmem:s1], [sflag:$0x2] =	stream.linear.gather [hbm4b:s17+s1], $0x80, $0x38;
	[tilespmem:$0x9100] =	vst v63  }
0x2a: {  	_ =	swait.ge [sflag:s19], $0x80  }
0x2b: {  	[sflag:s19] =	ssyncset.done $0x0  }
0x2c: {  	[sflag:s19] =	ssyncadd.s32 $0xFFFFFF80  }
0x2d: {  	[tilespmem:s21], [sflag:$0x1] =	stream.indirect.gather [hbm4b:s4+s20], $0x80, s1, s20, $0xb8;
	[tilespmem:$0x9100] =	vst v63  }
0x2e: {  	_ = 	snop  }
0x2f: {  	[tilespmem:s22], [sflag:$0x1] =	stream.indirect.gather [hbm4b:s5+s20], $0x80, s1, s20, $0xb8;
	[tilespmem:$0x9100] =	vst v63  }
0x30: {  	_ =	swait.ge [sflag:s23], $0x4000  }
0x31: {  	[sflag:s23] =	ssyncset.done $0x0  }
0x32: {  	[sflag:s23] =	ssyncadd.s32 $0xFFFFC000  }
0x33: {  	_ =	swait.ge [sflag:s23], $0x4000  }
0x34: {  	[sflag:s23] =	ssyncset.done $0x0  }
0x35: {  	s2 =	sadd.s32 $0x0, s15;
	[sflag:s23] =	ssyncadd.s32 $0xFFFFC000  }
0x36: {  	[hbm4b:s2+s1] =	stream.linear.scatter [tilespmem:s21], [sflag:$0x2], $0x4000, $0x38;
	[tilespmem:$0x9100] =	vst v63  }
0x37: {  	_ =	swait.ge [sflag:s19], $0x4000  }
0x38: {  	[sflag:s19] =	ssyncset.done $0x0  }
0x39: {  	s2 =	sadd.s32 $0x0, s16;
	[sflag:s19] =	ssyncadd.s32 $0xFFFFC000  }
0x3a: {  	[hbm4b:s2+s1] =	stream.linear.scatter [tilespmem:s22], [sflag:$0x2], $0x4000, $0x38;
	[tilespmem:$0x9100] =	vst v63  }
0x3b: {  	s29 =	simm.s32 $0x800;
	_ =	swait.ge [sflag:s19], $0x4000  }
0x3c: {  	s30 =	smov.u32 s17;
	s31 =	smov.u32 s18;
	[sflag:s19] =	ssyncset.done $0x0  }
.LBB2_2:
0x3d: {  	[sflag:s19] =	ssyncadd.s32 $0xFFFFC000  }
0x3e: {  	s30 =	sadd.s32 $0x10, s30;
	s31 =	sadd.s32 $0x10, s31;
	s0 =	smov.u32 s29  }
0x3f: {  	[tilespmem:s1], [sflag:$0x2] =	stream.linear.gather [hbm4b:s31+s1], $0x80, $0x38;
	[tilespmem:$0x9100] =	vst v63  }
0x40: {  	p0 =	sne.s32 s29, $0x26800;
	s29 =	sadd.s32 $0x800, s29;
	_ =	swait.ge [sflag:s19], $0x80  }
0x41: {  	[sflag:s19] =	ssyncset.done $0x0  }
0x42: {  	[sflag:s19] =	ssyncadd.s32 $0xFFFFFF80  }
0x43: {  	[tilespmem:s21], [sflag:$0x1] =	stream.indirect.gather [hbm4b:s3+s20], $0x80, s1, s20, $0xb8;
	[tilespmem:$0x9100] =	vst v63  }
0x44: {  	_ = 	snop  }
0x45: {  	[tilespmem:s22], [sflag:$0x1] =	stream.indirect.gather [hbm4b:s5+s20], $0x80, s1, s20, $0xb8;
	[tilespmem:$0x9100] =	vst v63  }
0x46: {  	_ =	swait.ge [sflag:s23], $0x4000  }
0x47: {  	[sflag:s23] =	ssyncset.done $0x0  }
0x48: {  	[sflag:s23] =	ssyncadd.s32 $0xFFFFC000  }
0x49: {  	_ =	swait.ge [sflag:s23], $0x4000  }
0x4a: {  	[sflag:s23] =	ssyncset.done $0x0  }
0x4b: {  	s2 =	sadd.s32 s0, s13;
	[sflag:s23] =	ssyncadd.s32 $0xFFFFC000  }
0x4c: {  	[hbm4b:s2+s1] =	stream.linear.scatter [tilespmem:s21], [sflag:$0x2], $0x4000, $0x38;
	[tilespmem:$0x9100] =	vst v63  }
0x4d: {  	_ =	swait.ge [sflag:s19], $0x4000  }
0x4e: {  	[sflag:s19] =	ssyncset.done $0x0  }
0x4f: {  	s2 =	sadd.s32 s0, s14;
	[sflag:s19] =	ssyncadd.s32 $0xFFFFC000  }
0x50: {  	[hbm4b:s2+s1] =	stream.linear.scatter [tilespmem:s22], [sflag:$0x2], $0x4000, $0x38;
	[tilespmem:$0x9100] =	vst v63  }
0x51: {  	_ =	swait.ge [sflag:s19], $0x4000  }
0x52: {  	[sflag:s19] =	ssyncset.done $0x0  }
0x53: {  	[sflag:s19] =	ssyncadd.s32 $0xFFFFC000  }
0x54: {  	[tilespmem:s1], [sflag:$0x2] =	stream.linear.gather [hbm4b:s30+s1], $0x80, $0x38;
	[tilespmem:$0x9100] =	vst v63  }
0x55: {  	_ =	swait.ge [sflag:s19], $0x80  }
0x56: {  	[sflag:s19] =	ssyncset.done $0x0  }
0x57: {  	[sflag:s19] =	ssyncadd.s32 $0xFFFFFF80  }
0x58: {  	[tilespmem:s21], [sflag:$0x1] =	stream.indirect.gather [hbm4b:s4+s20], $0x80, s1, s20, $0xb8;
	[tilespmem:$0x9100] =	vst v63  }
0x59: {  	_ = 	snop  }
0x5a: {  	[tilespmem:s22], [sflag:$0x1] =	stream.indirect.gather [hbm4b:s5+s20], $0x80, s1, s20, $0xb8;
	[tilespmem:$0x9100] =	vst v63  }
0x5b: {  	_ =	swait.ge [sflag:s23], $0x4000  }
0x5c: {  	[sflag:s23] =	ssyncset.done $0x0  }
0x5d: {  	[sflag:s23] =	ssyncadd.s32 $0xFFFFC000  }
0x5e: {  	_ =	swait.ge [sflag:s23], $0x4000  }
0x5f: {  	[sflag:s23] =	ssyncset.done $0x0  }
0x60: {  	s2 =	sadd.s32 s0, s15;
	[sflag:s23] =	ssyncadd.s32 $0xFFFFC000  }
0x61: {  	[hbm4b:s2+s1] =	stream.linear.scatter [tilespmem:s21], [sflag:$0x2], $0x4000, $0x38;
	[tilespmem:$0x9100] =	vst v63  }
0x62: {  	_ =	swait.ge [sflag:s19], $0x4000  }
.Ltmp0:
0x63: {  	[sflag:s19] =	ssyncset.done $0x0;
	(pc) =	sbr.rel @p0 .LBB2_2-.Ltmp0, $4  }
0x64: {  	s0 =	sadd.s32 s0, s16;
	[sflag:s19] =	ssyncadd.s32 $0xFFFFC000  }
0x65: {  	[hbm4b:s0+s1] =	stream.linear.scatter [tilespmem:s22], [sflag:$0x2], $0x4000, $0x38;
	[tilespmem:$0x9100] =	vst v63  }
0x66: {  	_ =	swait.ge [sflag:s19], $0x4000  }
0x67: {  	[sflag:s19] =	ssyncset.done $0x0  }
0x68: {  	[sflag:s19] =	ssyncadd.s32 $0xFFFFC000  }
0x69: {  	[tilespmem:s20], [sflag:$0x2] =	stream.linear.gather [hbm4b:s6+s1], $0x10, $0x38;
	[tilespmem:$0x9100] =	vst v63  }
0x6a: {  	_ =	swait.ge [sflag:s19], $0x10  }
0x6b: {  	[sflag:s19] =	ssyncset.done $0x0  }
0x6c: {  	[sflag:s19] =	ssyncadd.s32 $0xFFFFFFF0  }
0x6d: {  	[tilespmem:s25], [sflag:$0x1] =	stream.indirect.gather [hbm4b:s3+s24], $0x80, s20, s24, $0xb8;
	[tilespmem:$0x9100] =	vst v63  }
0x6e: {  	_ = 	snop  }
0x6f: {  	[tilespmem:s26], [sflag:$0x1] =	stream.indirect.gather [hbm4b:s5+s24], $0x80, s20, s24, $0xb8;
	[tilespmem:$0x9100] =	vst v63  }
0x70: {  	_ =	swait.ge [sflag:s23], $0x800  }
0x71: {  	[sflag:s23] =	ssyncset.done $0x0  }
0x72: {  	[sflag:s23] =	ssyncadd.s32 $0xFFFFF800  }
0x73: {  	_ =	swait.ge [sflag:s23], $0x800  }
0x74: {  	[sflag:s23] =	ssyncset.done $0x0  }
0x75: {  	[sflag:s23] =	ssyncadd.s32 $0xFFFFF800  }
0x76: {  	[hbm4b:s7+s1] =	stream.linear.scatter [tilespmem:s25], [sflag:$0x2], $0x800, $0x38;
	[tilespmem:$0x9100] =	vst v63  }
0x77: {  	_ =	swait.ge [sflag:s19], $0x800  }
0x78: {  	[sflag:s19] =	ssyncset.done $0x0  }
0x79: {  	[sflag:s19] =	ssyncadd.s32 $0xFFFFF800  }
0x7a: {  	[hbm4b:s8+s1] =	stream.linear.scatter [tilespmem:s26], [sflag:$0x2], $0x800, $0x38;
	[tilespmem:$0x9100] =	vst v63  }
0x7b: {  	_ =	swait.ge [sflag:s19], $0x800  }
0x7c: {  	[sflag:s19] =	ssyncset.done $0x0  }
0x7d: {  	[sflag:s19] =	ssyncadd.s32 $0xFFFFF800  }
0x7e: {  	[tilespmem:s20], [sflag:$0x2] =	stream.linear.gather [hbm4b:s9+s1], $0x10, $0x38;
	[tilespmem:$0x9100] =	vst v63  }
0x7f: {  	_ =	swait.ge [sflag:s19], $0x10  }
0x80: {  	[sflag:s19] =	ssyncset.done $0x0  }
0x81: {  	[sflag:s19] =	ssyncadd.s32 $0xFFFFFFF0  }
0x82: {  	[tilespmem:s25], [sflag:$0x1] =	stream.indirect.gather [hbm4b:s4+s24], $0x80, s20, s24, $0xb8;
	[tilespmem:$0x9100] =	vst v63  }
0x83: {  	_ = 	snop  }
0x84: {  	[tilespmem:s26], [sflag:$0x1] =	stream.indirect.gather [hbm4b:s5+s24], $0x80, s20, s24, $0xb8;
	[tilespmem:$0x9100] =	vst v63  }
0x85: {  	_ =	swait.ge [sflag:s23], $0x800  }
0x86: {  	[sflag:s23] =	ssyncset.done $0x0  }
0x87: {  	[sflag:s23] =	ssyncadd.s32 $0xFFFFF800  }
0x88: {  	_ =	swait.ge [sflag:s23], $0x800  }
0x89: {  	[sflag:s23] =	ssyncset.done $0x0  }
0x8a: {  	[sflag:s23] =	ssyncadd.s32 $0xFFFFF800  }
0x8b: {  	[hbm4b:s10+s1] =	stream.linear.scatter [tilespmem:s25], [sflag:$0x2], $0x800, $0x38;
	[tilespmem:$0x9100] =	vst v63  }
0x8c: {  	s28 =	sadd.s32 $0x1, s28;
	_ =	swait.ge [sflag:s19], $0x800  }
0x8d: {  	p0 =	sne.s32 s28, s12;
	[sflag:s19] =	ssyncset.done $0x0  }
.Ltmp1:
0x8e: {  	[sflag:s19] =	ssyncadd.s32 $0xFFFFF800;
	(pc) =	sbr.rel @p0 .LBB2_1-.Ltmp1, $4  }
0x8f: {  	[hbm4b:s11+s1] =	stream.linear.scatter [tilespmem:s26], [sflag:$0x2], $0x800, $0x38;
	[tilespmem:$0x9100] =	vst v63  }
0x90: {  	_ =	swait.ge [sflag:s19], $0x800  }
0x91: {  	[sflag:s19] =	ssyncset.done $0x0  }
0x92: {  	[sflag:s19] =	ssyncadd.s32 $0xFFFFF800  }
0x93: {  	_ =	sfence.sel $0x180000  }
0x94: {  	[bflag:$0x0] =	sbarrier.arrive $0xFFFF  }
0x95: {  	_ =	strace $0x90000047  }
0x96: {  	s0 =	stileid.u32;
	[bflag:$0x2] =	sbarrier.arrive $0xFFFF  }
0x97: {  	p0 =	sne.s32 s0, $0x0;
	s0 =	rddreg [dreg:$0x1]  }
0x98: {  	s0 =	sadd.s32 @!p0 $0x100000, s0  }
0x99: {  	[sflag:s0] =	ssyncadd.tile.s32 @!p0 $0x1;
	_ =	shalt  }
.Lfunc_end2:
_tile_overlayer_lowered:
.L_overlay_start_2:
0x9a: {  	(tag) =	ssettag $0x2  }
0x9b: {  	s0 =	rddreg [dreg:$0x0];
	s2 =	stileid.u32  }
0x9c: {  	s1 =	rddreg [dreg:$0x1];
	p0 =	sne.s32 s2, $0x0  }
0x9d: {  	s3 =	rddreg [dreg:$0x2];
	[bflag:$0x3] =	sbarrier.arrive $0xFFFF;
	s2 =	simm.s32 @!p0 $0x1C02  }
0x9e: {  	[timem:s3], [sflag:s2] =	dma.local @!p0 [hbm:s0], s1  }
0x9f: {  	s0 =	simm.s32 @!p0 $0x2  }
0xa0: {  	_ =	swait.ge @!p0 [sflag:s0], s1  }
0xa1: {  	s1 =	ssub.s32 @!p0 $0x0, s1;
	[sflag:s0] =	ssyncset.done @!p0 $0x0  }
0xa2: {  	[sflag:s0] =	ssyncadd.s32 @!p0 s1  }
0xa3: {  	[bflag:$0x3] =	sbarrier.arrive $0xFFFF  }
0xa4: {  	_ =	shalt  }

// kernel: kernel.27.cloned.1.call-start
scs
__scs_entry_jumppad:
0x0: {  	(pc) =	sbr.rel $0x88, $3  }
0x1: {  	(tag) =	ssettag $0x0;
	lr =	simm.s32 $0x1  }
0x2: {  	[smem:$0x3F79] =	sst lr;
	_ =	strace $0xD0000000  }
0x3: {  	_ = 	snop  }
0x4: {  	_ = 	snop  }
0x5: {  	_ = 	snop  }
0x6: {  	_ = 	snop  }
0x7: {  	_ = 	snop  }
__scs_overlays_trampoline_lowered:
0x8: {  	[smem:$0x3F88] =	sst s0  }
0x9: {  	[smem:$0x3F89] =	sst s1  }
0xa: {  	[smem:$0x3F8A] =	sst s2  }
0xb: {  	[smem:$0x3F8B] =	sst s3  }
0xc: {  	[smem:$0x3F8C] =	sst s4  }
0xd: {  	[smem:$0x3F8D] =	sst s5  }
0xe: {  	[smem:$0x3F8E] =	sst s6  }
0xf: {  	[smem:$0x3F8F] =	sst s7  }
0x10: {  	[smem:$0x3F90] =	sst s8  }
0x11: {  	[smem:$0x3F91] =	sst s9;
	s0 =	simm.s32 @!p0 $0x0  }
0x12: {  	s1 =	sld [smem:$0x3F77];
	s0 =	simm.s32 @p0 $0x1  }
0x13: {  	[smem:$0x3F92] =	sst s0;
	s0 =	simm.s32 @!p1 $0x0  }
0x14: {  	s2 =	sld [smem:$0x3F76];
	s0 =	simm.s32 @p1 $0x1  }
0x15: {  	[smem:$0x3F93] =	sst s0;
	s0 =	simm.s32 @!p2 $0x0  }
0x16: {  	s3 =	sld [smem:$0x3FDB];
	s0 =	simm.s32 @p2 $0x1  }
0x17: {  	s4 =	simm.s32 $0x1BF5;
	[smem:$0x3F95] =	sst s0  }
0x18: {  	s0 =	sld [smem:$0x3F78];
	_ =	swait.ge [sflag:s4], $0x0  }
0x19: {  	s7 =	sld [smem:$0x3F79]  }
0x1a: {  	s8 =	sadd.s32 $0xFFFFE003, lr  }
0x1b: {  	s9 =	sadd.s32 $0xFFFFFEF7, lr;
	s5 =	simm.s32 $0xFFFFFFFF;
	p2 =	slt.u32 s8, $0xFFFFF086  }
0x1c: {  	p1 =	slt.u32 s9, $0xF7A;
	s5 =	simm.s32 @!p2 $0x0  }
0x1d: {  	s5 =	simm.s32 @p1 $0x1;
	p0 =	seq.s32 s7, s2  }
0x1e: {  	s7 =	smul.u32 @!p0 $0xF7A, s2;
	p2 =	seq.s32 @!p0 s5, $0x0  }
0x1f: {  	s9 =	smul.u32 $0xF7A, s1;
	s8 =	simm.s32 @!p0 $0x1BF5;
	p2 =	por !p2, p0  }
0x20: {  	[sflag:s8] =	ssyncset.s32 @!p0 $0xFFFFF086;
	s6 =	sadd.s32 @!p0 s3, s7;
	s7 =	simm.s32 @!p0 $0x108  }
0x21: {  	s3 =	sadd.s32 s3, s9;
	s6 =	sadd.s32 @!p0 $0x88, s6;
	s7 =	simm.s32 @p2 $0x1082  }
0x22: {  	[simem:s7], [sflag:s8] =	dma.local @!p0 [hbm:s6], $0xF7A  }
0x23: {  	s9 =	sor.u32 $0xD0000000, s2;
	s6 =	simm.s32 $0x108;
	_ =	swait.ge @!p0 [sflag:s8], $0x0  }
0x24: {  	s3 =	sadd.s32 $0x88, s3;
	s6 =	simm.s32 @!p1 $0x1082;
	[sflag:s4] =	ssyncset.s32 $0xFFFFF086  }
0x25: {  	[simem:s6], [sflag:s4] =	dma.local [hbm:s3], $0xF7A  }
0x26: {  	[smem:$0x3F79] =	sst s1;
	(tag) =	ssettag s2;
	_ =	strace s9  }
0x27: {  	s1 =	sld [smem:$0x3F89]  }
0x28: {  	s2 =	sld [smem:$0x3F8A]  }
0x29: {  	s4 =	sld [smem:$0x3F8C]  }
0x2a: {  	p0 =	seq.s32 s5, $0x0;
	s5 =	sld [smem:$0x3F8D]  }
0x2b: {  	s6 =	sld [smem:$0x3F8E]  }
0x2c: {  	s7 =	sld [smem:$0x3F8F]  }
0x2d: {  	s3 =	simm.s32 $0x108;
	s8 =	sld [smem:$0x3F90]  }
0x2e: {  	s3 =	simm.s32 @!p0 $0x1082;
	s9 =	sld [smem:$0x3F91]  }
0x2f: {  	lr =	sadd.s32 s0, s3;
	s0 =	sld [smem:$0x3F88]  }
0x30: {  	s3 =	sld [smem:$0x3F8B]  }
0x31: {  	[smem:$0x3F94] =	sst s10  }
0x32: {  	s10 =	sld [smem:$0x3F92];
	_ =	sdelay $0x3  }
0x33: {  	p0 =	seq.s32 s10, $0x1;
	s10 =	sld [smem:$0x3F94];
	_ =	sdelay $0x3  }
0x34: {  	[smem:$0x3F94] =	sst s10  }
0x35: {  	s10 =	sld [smem:$0x3F93];
	_ =	sdelay $0x3  }
0x36: {  	p1 =	seq.s32 s10, $0x1;
	s10 =	sld [smem:$0x3F94];
	_ =	sdelay $0x3  }
0x37: {  	[smem:$0x3F94] =	sst s10  }
0x38: {  	s10 =	sld [smem:$0x3F95]  }
0x39: {  	_ = 	snop;
	(pc) =	sbr.ind lr, $3  }
0x3a: {  	_ = 	snop  }
0x3b: {  	_ = 	snop  }
0x3c: {  	p2 =	seq.s32 s10, $0x1;
	s10 =	sld [smem:$0x3F94]  }
0x3d: {  	_ =	shalt  }
0x3e: {  	_ =	shalt  }
0x3f: {  	_ =	shalt  }
0x40: {  	_ =	shalt  }
0x41: {  	_ =	shalt  }
0x42: {  	_ =	shalt  }
0x43: {  	_ =	shalt  }
0x44: {  	_ =	shalt  }
0x45: {  	_ =	shalt  }
0x46: {  	_ =	shalt  }
0x47: {  	_ =	shalt  }
0x48: {  	_ =	shalt  }
0x49: {  	_ =	shalt  }
0x4a: {  	_ =	shalt  }
0x4b: {  	_ =	shalt  }
0x4c: {  	_ =	shalt  }
0x4d: {  	_ =	shalt  }
0x4e: {  	_ =	shalt  }
0x4f: {  	_ =	shalt  }
0x50: {  	_ =	shalt  }
0x51: {  	_ =	shalt  }
0x52: {  	_ =	shalt  }
0x53: {  	_ =	shalt  }
0x54: {  	_ =	shalt  }
0x55: {  	_ =	shalt  }
0x56: {  	_ =	shalt  }
0x57: {  	_ =	shalt  }
0x58: {  	_ =	shalt  }
0x59: {  	_ =	shalt  }
0x5a: {  	_ =	shalt  }
0x5b: {  	_ =	shalt  }
0x5c: {  	_ =	shalt  }
0x5d: {  	_ =	shalt  }
0x5e: {  	_ =	shalt  }
0x5f: {  	_ =	shalt  }
0x60: {  	_ =	shalt  }
0x61: {  	_ =	shalt  }
0x62: {  	_ =	shalt  }
0x63: {  	_ =	shalt  }
0x64: {  	_ =	shalt  }
0x65: {  	_ =	shalt  }
0x66: {  	_ =	shalt  }
0x67: {  	_ =	shalt  }
0x68: {  	_ =	shalt  }
0x69: {  	_ =	shalt  }
0x6a: {  	_ =	shalt  }
0x6b: {  	_ =	shalt  }
0x6c: {  	_ =	shalt  }
0x6d: {  	_ =	shalt  }
0x6e: {  	_ =	shalt  }
0x6f: {  	_ =	shalt  }
0x70: {  	_ =	shalt  }
0x71: {  	_ =	shalt  }
0x72: {  	_ =	shalt  }
0x73: {  	_ =	shalt  }
0x74: {  	_ =	shalt  }
0x75: {  	_ =	shalt  }
0x76: {  	_ =	shalt  }
0x77: {  	_ =	shalt  }
0x78: {  	_ =	shalt  }
0x79: {  	_ =	shalt  }
0x7a: {  	_ =	shalt  }
0x7b: {  	_ =	shalt  }
0x7c: {  	_ =	shalt  }
0x7d: {  	_ =	shalt  }
0x7e: {  	_ =	shalt  }
0x7f: {  	_ =	shalt  }
0x80: {  	_ =	shalt  }
0x81: {  	_ =	shalt  }
0x82: {  	_ =	shalt  }
0x83: {  	_ =	shalt  }
0x84: {  	_ =	shalt  }
0x85: {  	_ =	shalt  }
0x86: {  	_ =	shalt  }
0x87: {  	_ =	shalt  }
.Lfunc_end0:
.L_simem_size_0:
called_computation.2_lowered:
.L_overlay_start_0:
0x88: {  	s2 =	sld [smem:$0x3FD9]  }
0x89: {  	s3 =	sld [smem:$0x3FFE];
	_ =	sdelay $0x1  }
0x8a: {  	s1 =	srdreg.scid  }
0x8b: {  	s0 =	sand.u32 $0x1, s1  }
0x8c: {  	s17 =	sshll.u32 s0, $0xA;
	s2 =	sadd.s32 s3, s2  }
0x8d: {  	s2 =	sadd.s32 s2, s17  }
0x8e: {  	[smem:$0x3FA0] =	sst s2  }
0x8f: {  	_ = 	snop  }
0x90: {  	(tm) =	ssettm $0x1  }
0x91: {  	s18 =	sld [smem:$0x3FFB];
	_ =	sdelay $0x3  }
0x92: {  	_ =	strace s18  }
0x93: {  	s2 =	sld [smem:$0x3FFC];
	_ =	sdelay $0x3  }
0x94: {  	_ =	strace s2  }
0x95: {  	s2 =	sld [smem:$0x3FFD];
	_ =	sdelay $0x3  }
0x96: {  	_ =	strace s2  }
0x97: {  	_ =	strace $0x8FFFFFFF  }
0x98: {  	s19 =	sld [smem:$0x3FDB];
	_ =	sdelay $0x1  }
0x99: {  	s20 =	simm.s32 $_scs_section_size  }
0x9a: {  	s4 =	simm.s32 $_size__tile_overlayer_lowered;
	s5 =	simm.s32 $_tile_overlayer_lowered  }
0x9b: {  	s6 =	simm.s32 $0x1BFF;
	s21 =	sshll.u32 s5, $0x1;
	s3 =	sadd.s32 s20, s19  }
0x9c: {  	s22 =	simm.s32 $0x0;
	s4 =	sshll.u32 s4, $0x1;
	s5 =	sadd.s32 s21, s3  }
0x9d: {  	[timem:s22], [sflag:s6] =	dma.local [hbm:s5], s4  }
0x9e: {  	_ =	swait.ge [sflag:s6], s4  }
0x9f: {  	s4 =	ssub.s32 $0x0, s4;
	[sflag:s6] =	ssyncset.done $0x0  }
0xa0: {  	[sflag:s6] =	ssyncadd.s32 s4;
	_ =	sdelay $0x1  }
0xa1: {  	s23 =	simm.s32 $0x1B8B  }
0xa2: {  	_ =	swait.ge [sflag:s23], $0x1  }
0xa3: {  	[sflag:s23] =	ssyncset.done $0x0  }
0xa4: {  	[sflag:s23] =	ssyncadd.s32 $0xFFFFFFFF  }
0xa5: {  	s4 =	sld [smem:$0x0]  }
0xa6: {  	s5 =	sand.u32 $0xFFFFFFFE, s1  }
0xa7: {  	p0 =	sne.s32 s1, s5  }
0xa8: {  	s5 =	sshll.u32 @p0 s5, $0xE  }
0xa9: {  	s5 =	sadd.s32 @p0 $0x11B8D, s5;
	s6 =	sshll.u32 @p0 s4, $0x11  }
0xaa: {  	s5 =	sor.u32 @p0 s6, s5  }
0xab: {  	[sflag:s5] =	ssyncadd.remote.s32 @p0 $0x1;
	_ =	sdelay $0x1  }
0xac: {  	s5 =	simm.s32 @p0 $0x1B8D  }
0xad: {  	_ =	swait.eq @p0 [sflag:s5], $0x1  }
0xae: {  	[sflag:s5] =	ssyncadd.s32 @p0 $0xFFFFFFFF  }
0xaf: {  	s6 =	sshll.u32 @!p0 s1, $0xE  }
0xb0: {  	s6 =	sor.u32 @!p0 $0x4000, s6;
	s5 =	simm.s32 @!p0 $0x1B8D  }
0xb1: {  	s4 =	sshll.u32 @!p0 s4, $0x11;
	s6 =	sadd.s32 @!p0 $0x11B8D, s6;
	_ =	swait.eq @!p0 [sflag:s5], $0x1  }
0xb2: {  	s4 =	sor.u32 @!p0 s4, s6;
	[sflag:s5] =	ssyncadd.s32 @!p0 $0xFFFFFFFF  }
0xb3: {  	s25 =	simm.s32 $0x1B8E;
	s24 =	sld [smem:$0x3FFE];
	[sflag:s4] =	ssyncadd.remote.s32 @!p0 $0x1  }
0xb4: {  	s26 =	simm.s32 $execute0_lowered;
	[smem:$0x3FD2] =	sst s25  }
0xb5: {  	s5 =	sshll.u32 s26, $0x1;
	_ =	strace $0x8000004C;
	[dreg:$0x1] =	wrdreg $0xFFFFFFFF  }
0xb6: {  	s28 =	simm.s32 $_size_execute0_lowered;
	s3 =	sadd.s32 s3, s5;
	[dreg:$0x0] =	wrdreg $0x0  }
0xb7: {  	s5 =	sshll.u32 s28, $0x1;
	[dreg:$0x2] =	wrdreg s3  }
0xb8: {  	[dreg:$0x3] =	wrdreg s5  }
0xb9: {  	[dreg:$0x4] =	wrdreg $0xC0  }
0xba: {  	_ =	task [dreg:s22], $0x5FFFF  }
0xbb: {  	[dreg:$0x1] =	wrdreg $0xFFFFFFFF  }
0xbc: {  	[dreg:$0x0] =	wrdreg $0x60  }
0xbd: {  	[dreg:$0x2] =	wrdreg s24  }
0xbe: {  	[dreg:$0x3] =	wrdreg $0x49000  }
0xbf: {  	[dreg:$0x4] =	wrdreg $0xA  }
0xc0: {  	_ =	task.clear_ibuf [dreg:s22], $0x5FFFF;
	_ =	strace $0x9000004C  }
0xc1: {  	s29 =	simm.s32 $0xA;
	_ =	strace $0x8000004E  }
0xc2: {  	_ =	swait.ge [sflag:s29], $0x1  }
0xc3: {  	[sflag:s29] =	ssyncadd.s32 $0xFFFFFFFF  }
0xc4: {  	_ =	strace $0x9000004E  }
0xc5: {  	_ =	sfence  }
0xc6: {  	s30 =	sld [smem:$0x0];
	_ =	sdelay $0x2  }
0xc7: {  	s31 =	sshll.u32 s1, $0xD;
	s1 =	sshrl.u32 s1, $0x2  }
0xc8: {  	s4 =	sand.u32 $0x4000, s31;
	s1 =	sadd.s32 s1, s30  }
0xc9: {  	s0 =	sor.u32 s4, s0;
	s1 =	sshll.u32 s1, $0x11  }
0xca: {  	s0 =	sor.u32 s1, s0  }
0xcb: {  	s0 =	sadd.s32 $0x8F2B, s0  }
0xcc: {  	[sflag:s0] =	ssyncadd.remote.s32 $0x1  }
0xcd: {  	_ =	sfence.sel $0xFFFF  }
0xce: {  	[dreg:$0x0] =	wrdreg $0xFFFFFFFF;
	(pc) =	sbr.abs _section_cstart, $3  }
0xcf: {  	[dreg:$0x1] =	wrdreg $0xFFFFFFFF  }
0xd0: {  	_ =	task.clear_ibuf [dreg:s22], $0x2FFFF;
	_ =	strace $0x9FFFFFFF  }
0xd1: {  	(tm) =	ssettm $0x7FFFFFFF  }
tec
execute0_lowered:
.L_overlay_start_1:
0x0: {  	(tag) =	ssettag $0x1  }
0x1: {  	s4 =	rddreg [dreg:$0x0]  }
0x2: {  	s2 =	rddreg [dreg:$0x1];
	s1 =	stileid.u32  }
0x3: {  	s0 =	rddreg [dreg:$0x2];
	s6 =	smul.u32 $0x14000, s1  }
0x4: {  	s5 =	srdreg.scid;
	s3 =	simm.s32 $0x0;
	s12 =	smul.u32 $0x50000, s1  }
0x5: {  	s17 =	simm.s32 $0x10;
	s18 =	simm.s32 $0x0;
	s16 =	smul.u32 $0x2710, s1  }
0x6: {  	s8 =	sand.u32 $0x1, s5;
	[smem:$0x7FF] =	sst s3;
	s31 =	smul.u32 $0x27100, s1  }
0x7: {  	s10 =	sadd.s32 $0x14E5600, s4;
	s11 =	sadd.s32 $0xB4600, s4;
	s5 =	smul.u32 $0x140000, s8  }
0x8: {  	s28 =	sshll.u32 s1, $0x6;
	_ =	strace $0x8000004D;
	s14 =	smul.u32 $0x27100, s8  }
0x9: {  	s21 =	ssub.s32 $0x2, s8;
	s9 =	sshll.u32 s8, $0x4;
	s30 =	smul.u32 $0x271000, s8  }
0xa: {  	s7 =	sshrl.u32 s6, $0x3;
	s22 =	sshrl.u32 s21, $0x1;
	s23 =	sor.u32 s1, s9  }
0xb: {  	s26 =	sshrl.u32 s12, $0x2;
	s5 =	sadd.s32 s6, s5;
	s20 =	sadd.s32 s7, s4  }
0xc: {  	s24 =	ssub.s32 s21, s22;
	s25 =	smul.u32 $0x2710, s23;
	s12 =	sadd.s32 s26, s2  }
0xd: {  	s14 =	sadd.s32 s16, s14;
	s16 =	simm.s32 $0x4100;
	s5 =	sshrl.u32 s5, $0x3  }
0xe: {  	s9 =	smax.u32 s24, $0x1;
	s14 =	sshrl.u32 s14, $0x3;
	s12 =	sshrl.u32 s12, $0x3  }
0xf: {  	s13 =	sadd.s32 s5, s4;
	s4 =	sadd.s32 $0x146D600, s20;
	s29 =	sadd.s32 $0x2700, s25  }
0x10: {  	s5 =	sor.u32 $0x1C01, s28;
	s7 =	sshrl.u32 s29, $0x3;
	s15 =	sshll.u32 s29, $0x4  }
0x11: {  	s8 =	sadd.s32 $0xE5600, s13;
	s13 =	simm.s32 $0x1;
	s6 =	sadd.s32 s11, s7  }
0x12: {  	s7 =	sadd.s32 s10, s15;
	s10 =	sadd.s32 s30, s10;
	s11 =	sadd.s32 s14, s11  }
0x13: {  	s14 =	simm.s32 $0x100;
	s15 =	simm.s32 $0x80;
	s10 =	sadd.s32 s31, s10  }
.LBB2_1:
0x14: {  	[spmem:s12], [sflag:s5] =	dma.local [hbm:s4], $0x2800  }
0x15: {  	_ =	swait.ge [sflag:s13], $0x2800  }
0x16: {  	[sflag:s13] =	ssyncset.done $0x0  }
0x17: {  	[sflag:s13] =	ssyncadd.s32 $0xFFFFD800  }
0x18: {  	s19 =	sadd.s32 $0x0, s11;
	[bflag:$0x0] =	sbarrier.arrive $0xFFFF  }
0x19: {  	[tilespmem:s3], [sflag:$0x1] =	stream.linear.gather [hbm4b:s19+s3], $0x80, $0x38;
	[tilespmem:$0x18900] =	vst v63  }
0x1a: {  	_ =	swait.ge [sflag:s13], $0x80  }
0x1b: {  	[sflag:s13] =	ssyncset.done $0x0  }
0x1c: {  	[sflag:s13] =	ssyncadd.s32 $0xFFFFFF80  }
0x1d: {  	[tilespmem:s14], [sflag:$0x1] =	stream.linear.gather [hbm4b:s10+s3], $0x4000, $0x38;
	[tilespmem:$0x18900] =	vst v63  }
0x1e: {  	_ =	swait.ge [sflag:s13], $0x4000  }
0x1f: {  	[sflag:s13] =	ssyncset.done $0x0  }
0x20: {  	[sflag:s13] =	ssyncadd.s32 $0xFFFFC000  }
0x21: {  	[spmem:s2] =	stream.indirect.scatter.add.f32 [tilespmem:s14], [sflag:$0x1], $0x80, s3, s15, $0xb8;
	[tilespmem:$0x18900] =	vst v63  }
0x22: {  	s20 =	simm.s32 $0x10;
	_ =	swait.ge [sflag:s13], $0x4000  }
0x23: {  	s21 =	simm.s32 $0x20;
	s19 =	sadd.s32 $0x800, s10;
	[sflag:s13] =	ssyncset.done $0x0  }
.LBB2_2:
0x24: {  	s22 =	sadd.s32 s20, s11  }
0x25: {  	[sflag:s13] =	ssyncadd.s32 $0xFFFFC000;
	s20 =	smov.u32 s21;
	s23 =	sadd.s32 $0x10, s21  }
0x26: {  	[tilespmem:s3], [sflag:$0x1] =	stream.linear.gather [hbm4b:s22+s3], $0x80, $0x38;
	[tilespmem:$0x18900] =	vst v63  }
0x27: {  	p0 =	sne.s32 s21, $0x4D0;
	_ =	swait.ge [sflag:s13], $0x80  }
0x28: {  	[sflag:s13] =	ssyncset.done $0x0  }
0x29: {  	[sflag:s13] =	ssyncadd.s32 $0xFFFFFF80  }
0x2a: {  	[tilespmem:s14], [sflag:$0x1] =	stream.linear.gather [hbm4b:s19+s3], $0x4000, $0x38;
	[tilespmem:$0x18900] =	vst v63  }
0x2b: {  	_ =	swait.ge [sflag:s13], $0x4000  }
.Ltmp0:
0x2c: {  	[sflag:s13] =	ssyncset.done $0x0;
	(pc) =	sbr.rel @p0 .LBB2_2-.Ltmp0, $4  }
0x2d: {  	[sflag:s13] =	ssyncadd.s32 $0xFFFFC000  }
0x2e: {  	[spmem:s2] =	stream.indirect.scatter.add.f32 [tilespmem:s14], [sflag:$0x1], $0x80, s3, s15, $0xb8;
	[tilespmem:$0x18900] =	vst v63  }
0x2f: {  	_ =	swait.ge [sflag:s13], $0x4000  }
0x30: {  	s21 =	smov.u32 s23;
	s19 =	sadd.s32 $0x800, s19;
	[sflag:s13] =	ssyncset.done $0x0  }
0x31: {  	s20 =	sadd.s32 s20, s11;
	[sflag:s13] =	ssyncadd.s32 $0xFFFFC000  }
0x32: {  	[tilespmem:s3], [sflag:$0x1] =	stream.linear.gather [hbm4b:s20+s3], $0x80, $0x38;
	[tilespmem:$0x18900] =	vst v63  }
0x33: {  	_ =	swait.ge [sflag:s13], $0x80  }
0x34: {  	[sflag:s13] =	ssyncset.done $0x0  }
0x35: {  	[sflag:s13] =	ssyncadd.s32 $0xFFFFFF80  }
0x36: {  	[tilespmem:s14], [sflag:$0x1] =	stream.linear.gather [hbm4b:s19+s3], $0x4000, $0x38;
	[tilespmem:$0x18900] =	vst v63  }
0x37: {  	_ =	swait.ge [sflag:s13], $0x4000  }
0x38: {  	[sflag:s13] =	ssyncset.done $0x0  }
0x39: {  	[sflag:s13] =	ssyncadd.s32 $0xFFFFC000  }
0x3a: {  	[spmem:s2] =	stream.indirect.scatter.add.f32 [tilespmem:s14], [sflag:$0x1], $0x80, s3, s15, $0xb8;
	[tilespmem:$0x18900] =	vst v63  }
0x3b: {  	_ =	swait.ge [sflag:s13], $0x4000  }
0x3c: {  	[sflag:s13] =	ssyncset.done $0x0  }
0x3d: {  	[sflag:s13] =	ssyncadd.s32 $0xFFFFC000  }
0x3e: {  	[tilespmem:s15], [sflag:$0x1] =	stream.linear.gather [hbm4b:s6+s3], $0x10, $0x38;
	[tilespmem:$0x18900] =	vst v63  }
0x3f: {  	_ =	swait.ge [sflag:s13], $0x10  }
0x40: {  	[sflag:s13] =	ssyncset.done $0x0  }
0x41: {  	[sflag:s13] =	ssyncadd.s32 $0xFFFFFFF0  }
0x42: {  	[tilespmem:s16], [sflag:$0x1] =	stream.linear.gather [hbm4b:s7+s3], $0x800, $0x38;
	[tilespmem:$0x18900] =	vst v63  }
0x43: {  	_ =	swait.ge [sflag:s13], $0x800  }
0x44: {  	[sflag:s13] =	ssyncset.done $0x0  }
0x45: {  	[sflag:s13] =	ssyncadd.s32 $0xFFFFF800  }
0x46: {  	[spmem:s2] =	stream.indirect.scatter.add.f32 [tilespmem:s16], [sflag:$0x1], $0x80, s15, s17, $0xb8;
	[tilespmem:$0x18900] =	vst v63  }
0x47: {  	_ =	swait.ge [sflag:s13], $0x800  }
0x48: {  	s18 =	sadd.s32 $0x1, s18;
	[sflag:s13] =	ssyncset.done $0x0  }
0x49: {  	p0 =	sne.s32 s18, s9;
	[sflag:s13] =	ssyncadd.s32 $0xFFFFF800  }
.Ltmp1:
0x4a: {  	[bflag:$0x0] =	sbarrier.arrive $0xFFFF;
	(pc) =	sbr.rel @p0 .LBB2_1-.Ltmp1, $4  }
0x4b: {  	[hbm:s8], [sflag:s5] =	dma.local [spmem:s12], $0x2800  }
0x4c: {  	_ =	swait.ge [sflag:s13], $0x2800  }
0x4d: {  	[sflag:s13] =	ssyncset.done $0x0  }
0x4e: {  	[sflag:s13] =	ssyncadd.s32 $0xFFFFD800  }
0x4f: {  	_ =	sfence.sel $0x180000  }
0x50: {  	[bflag:$0x0] =	sbarrier.arrive $0xFFFF  }
0x51: {  	p0 =	sne.s32 s1, $0x0;
	_ =	strace $0x9000004D  }
0x52: {  	s0 =	sadd.s32 @!p0 $0x100000, s0;
	[bflag:$0x2] =	sbarrier.arrive $0xFFFF  }
0x53: {  	[sflag:s0] =	ssyncadd.tile.s32 @!p0 $0x1;
	_ =	shalt  }
.Lfunc_end2:
_tile_overlayer_lowered:
.L_overlay_start_2:
0x54: {  	(tag) =	ssettag $0x2  }
0x55: {  	s0 =	rddreg [dreg:$0x0];
	s2 =	stileid.u32  }
0x56: {  	s1 =	rddreg [dreg:$0x1];
	p0 =	sne.s32 s2, $0x0  }
0x57: {  	s3 =	rddreg [dreg:$0x2];
	[bflag:$0x3] =	sbarrier.arrive $0xFFFF;
	s2 =	simm.s32 @!p0 $0x1C01  }
0x58: {  	[timem:s3], [sflag:s2] =	dma.local @!p0 [hbm:s0], s1  }
0x59: {  	s0 =	simm.s32 @!p0 $0x1  }
0x5a: {  	_ =	swait.ge @!p0 [sflag:s0], s1  }
0x5b: {  	s1 =	ssub.s32 @!p0 $0x0, s1;
	[sflag:s0] =	ssyncset.done @!p0 $0x0  }
0x5c: {  	[sflag:s0] =	ssyncadd.s32 @!p0 s1  }
0x5d: {  	[bflag:$0x3] =	sbarrier.arrive $0xFFFF  }
0x5e: {  	_ =	shalt  }

// kernel: kernel.30.cloned.1.call-start
scs
__scs_entry_jumppad:
0x0: {  	(pc) =	sbr.rel $0x88, $3  }
0x1: {  	(tag) =	ssettag $0x0;
	lr =	simm.s32 $0x1  }
0x2: {  	[smem:$0x3F79] =	sst lr;
	_ =	strace $0xD0000000  }
0x3: {  	_ = 	snop  }
0x4: {  	_ = 	snop  }
0x5: {  	_ = 	snop  }
0x6: {  	_ = 	snop  }
0x7: {  	_ = 	snop  }
__scs_overlays_trampoline_lowered:
0x8: {  	[smem:$0x3F88] =	sst s0  }
0x9: {  	[smem:$0x3F89] =	sst s1  }
0xa: {  	[smem:$0x3F8A] =	sst s2  }
0xb: {  	[smem:$0x3F8B] =	sst s3  }
0xc: {  	[smem:$0x3F8C] =	sst s4  }
0xd: {  	[smem:$0x3F8D] =	sst s5  }
0xe: {  	[smem:$0x3F8E] =	sst s6  }
0xf: {  	[smem:$0x3F8F] =	sst s7  }
0x10: {  	[smem:$0x3F90] =	sst s8  }
0x11: {  	[smem:$0x3F91] =	sst s9;
	s0 =	simm.s32 @!p0 $0x0  }
0x12: {  	s1 =	sld [smem:$0x3F77];
	s0 =	simm.s32 @p0 $0x1  }
0x13: {  	[smem:$0x3F92] =	sst s0;
	s0 =	simm.s32 @!p1 $0x0  }
0x14: {  	s2 =	sld [smem:$0x3F76];
	s0 =	simm.s32 @p1 $0x1  }
0x15: {  	[smem:$0x3F93] =	sst s0;
	s0 =	simm.s32 @!p2 $0x0  }
0x16: {  	s3 =	sld [smem:$0x3FDB];
	s0 =	simm.s32 @p2 $0x1  }
0x17: {  	s4 =	simm.s32 $0x1BF5;
	[smem:$0x3F95] =	sst s0  }
0x18: {  	s0 =	sld [smem:$0x3F78];
	_ =	swait.ge [sflag:s4], $0x0  }
0x19: {  	s7 =	sld [smem:$0x3F79]  }
0x1a: {  	s8 =	sadd.s32 $0xFFFFE003, lr  }
0x1b: {  	s9 =	sadd.s32 $0xFFFFFEF7, lr;
	s5 =	simm.s32 $0xFFFFFFFF;
	p2 =	slt.u32 s8, $0xFFFFF086  }
0x1c: {  	p1 =	slt.u32 s9, $0xF7A;
	s5 =	simm.s32 @!p2 $0x0  }
0x1d: {  	s5 =	simm.s32 @p1 $0x1;
	p0 =	seq.s32 s7, s2  }
0x1e: {  	s7 =	smul.u32 @!p0 $0xF7A, s2;
	p2 =	seq.s32 @!p0 s5, $0x0  }
0x1f: {  	s9 =	smul.u32 $0xF7A, s1;
	s8 =	simm.s32 @!p0 $0x1BF5;
	p2 =	por !p2, p0  }
0x20: {  	[sflag:s8] =	ssyncset.s32 @!p0 $0xFFFFF086;
	s6 =	sadd.s32 @!p0 s3, s7;
	s7 =	simm.s32 @!p0 $0x108  }
0x21: {  	s3 =	sadd.s32 s3, s9;
	s6 =	sadd.s32 @!p0 $0x88, s6;
	s7 =	simm.s32 @p2 $0x1082  }
0x22: {  	[simem:s7], [sflag:s8] =	dma.local @!p0 [hbm:s6], $0xF7A  }
0x23: {  	s9 =	sor.u32 $0xD0000000, s2;
	s6 =	simm.s32 $0x108;
	_ =	swait.ge @!p0 [sflag:s8], $0x0  }
0x24: {  	s3 =	sadd.s32 $0x88, s3;
	s6 =	simm.s32 @!p1 $0x1082;
	[sflag:s4] =	ssyncset.s32 $0xFFFFF086  }
0x25: {  	[simem:s6], [sflag:s4] =	dma.local [hbm:s3], $0xF7A  }
0x26: {  	[smem:$0x3F79] =	sst s1;
	(tag) =	ssettag s2;
	_ =	strace s9  }
0x27: {  	s1 =	sld [smem:$0x3F89]  }
0x28: {  	s2 =	sld [smem:$0x3F8A]  }
0x29: {  	s4 =	sld [smem:$0x3F8C]  }
0x2a: {  	p0 =	seq.s32 s5, $0x0;
	s5 =	sld [smem:$0x3F8D]  }
0x2b: {  	s6 =	sld [smem:$0x3F8E]  }
0x2c: {  	s7 =	sld [smem:$0x3F8F]  }
0x2d: {  	s3 =	simm.s32 $0x108;
	s8 =	sld [smem:$0x3F90]  }
0x2e: {  	s3 =	simm.s32 @!p0 $0x1082;
	s9 =	sld [smem:$0x3F91]  }
0x2f: {  	lr =	sadd.s32 s0, s3;
	s0 =	sld [smem:$0x3F88]  }
0x30: {  	s3 =	sld [smem:$0x3F8B]  }
0x31: {  	[smem:$0x3F94] =	sst s10  }
0x32: {  	s10 =	sld [smem:$0x3F92];
	_ =	sdelay $0x3  }
0x33: {  	p0 =	seq.s32 s10, $0x1;
	s10 =	sld [smem:$0x3F94];
	_ =	sdelay $0x3  }
0x34: {  	[smem:$0x3F94] =	sst s10  }
0x35: {  	s10 =	sld [smem:$0x3F93];
	_ =	sdelay $0x3  }
0x36: {  	p1 =	seq.s32 s10, $0x1;
	s10 =	sld [smem:$0x3F94];
	_ =	sdelay $0x3  }
0x37: {  	[smem:$0x3F94] =	sst s10  }
0x38: {  	s10 =	sld [smem:$0x3F95]  }
0x39: {  	_ = 	snop;
	(pc) =	sbr.ind lr, $3  }
0x3a: {  	_ = 	snop  }
0x3b: {  	_ = 	snop  }
0x3c: {  	p2 =	seq.s32 s10, $0x1;
	s10 =	sld [smem:$0x3F94]  }
0x3d: {  	_ =	shalt  }
0x3e: {  	_ =	shalt  }
0x3f: {  	_ =	shalt  }
0x40: {  	_ =	shalt  }
0x41: {  	_ =	shalt  }
0x42: {  	_ =	shalt  }
0x43: {  	_ =	shalt  }
0x44: {  	_ =	shalt  }
0x45: {  	_ =	shalt  }
0x46: {  	_ =	shalt  }
0x47: {  	_ =	shalt  }
0x48: {  	_ =	shalt  }
0x49: {  	_ =	shalt  }
0x4a: {  	_ =	shalt  }
0x4b: {  	_ =	shalt  }
0x4c: {  	_ =	shalt  }
0x4d: {  	_ =	shalt  }
0x4e: {  	_ =	shalt  }
0x4f: {  	_ =	shalt  }
0x50: {  	_ =	shalt  }
0x51: {  	_ =	shalt  }
0x52: {  	_ =	shalt  }
0x53: {  	_ =	shalt  }
0x54: {  	_ =	shalt  }
0x55: {  	_ =	shalt  }
0x56: {  	_ =	shalt  }
0x57: {  	_ =	shalt  }
0x58: {  	_ =	shalt  }
0x59: {  	_ =	shalt  }
0x5a: {  	_ =	shalt  }
0x5b: {  	_ =	shalt  }
0x5c: {  	_ =	shalt  }
0x5d: {  	_ =	shalt  }
0x5e: {  	_ =	shalt  }
0x5f: {  	_ =	shalt  }
0x60: {  	_ =	shalt  }
0x61: {  	_ =	shalt  }
0x62: {  	_ =	shalt  }
0x63: {  	_ =	shalt  }
0x64: {  	_ =	shalt  }
0x65: {  	_ =	shalt  }
0x66: {  	_ =	shalt  }
0x67: {  	_ =	shalt  }
0x68: {  	_ =	shalt  }
0x69: {  	_ =	shalt  }
0x6a: {  	_ =	shalt  }
0x6b: {  	_ =	shalt  }
0x6c: {  	_ =	shalt  }
0x6d: {  	_ =	shalt  }
0x6e: {  	_ =	shalt  }
0x6f: {  	_ =	shalt  }
0x70: {  	_ =	shalt  }
0x71: {  	_ =	shalt  }
0x72: {  	_ =	shalt  }
0x73: {  	_ =	shalt  }
0x74: {  	_ =	shalt  }
0x75: {  	_ =	shalt  }
0x76: {  	_ =	shalt  }
0x77: {  	_ =	shalt  }
0x78: {  	_ =	shalt  }
0x79: {  	_ =	shalt  }
0x7a: {  	_ =	shalt  }
0x7b: {  	_ =	shalt  }
0x7c: {  	_ =	shalt  }
0x7d: {  	_ =	shalt  }
0x7e: {  	_ =	shalt  }
0x7f: {  	_ =	shalt  }
0x80: {  	_ =	shalt  }
0x81: {  	_ =	shalt  }
0x82: {  	_ =	shalt  }
0x83: {  	_ =	shalt  }
0x84: {  	_ =	shalt  }
0x85: {  	_ =	shalt  }
0x86: {  	_ =	shalt  }
0x87: {  	_ =	shalt  }
.Lfunc_end0:
.L_simem_size_0:
called_computation.3_lowered:
.L_overlay_start_0:
0x88: {  	s2 =	sld [smem:$0x3FD9]  }
0x89: {  	s3 =	sld [smem:$0x3FFE];
	_ =	sdelay $0x1  }
0x8a: {  	s1 =	srdreg.scid  }
0x8b: {  	s0 =	sand.u32 $0x1, s1  }
0x8c: {  	s16 =	sshll.u32 s0, $0xA;
	s2 =	sadd.s32 s3, s2  }
0x8d: {  	s2 =	sadd.s32 s2, s16  }
0x8e: {  	[smem:$0x3FA0] =	sst s2  }
0x8f: {  	_ = 	snop  }
0x90: {  	(tm) =	ssettm $0x1  }
0x91: {  	s17 =	sld [smem:$0x3FFB];
	_ =	sdelay $0x3  }
0x92: {  	_ =	strace s17  }
0x93: {  	s2 =	sld [smem:$0x3FFC];
	_ =	sdelay $0x3  }
0x94: {  	_ =	strace s2  }
0x95: {  	s2 =	sld [smem:$0x3FFD];
	_ =	sdelay $0x3  }
0x96: {  	_ =	strace s2  }
0x97: {  	_ =	strace $0x8FFFFFFF  }
0x98: {  	s18 =	sld [smem:$0x3FDB];
	_ =	sdelay $0x1  }
0x99: {  	s19 =	simm.s32 $_scs_section_size  }
0x9a: {  	s4 =	simm.s32 $_size__tile_overlayer_lowered;
	s5 =	simm.s32 $_tile_overlayer_lowered  }
0x9b: {  	s22 =	simm.s32 $0x1BFF;
	s21 =	sshll.u32 s5, $0x1;
	s2 =	sadd.s32 s19, s18  }
0x9c: {  	s6 =	simm.s32 $0x0;
	s20 =	sshll.u32 s4, $0x1;
	s4 =	sadd.s32 s21, s2  }
0x9d: {  	[timem:s6], [sflag:s22] =	dma.local [hbm:s4], s20  }
0x9e: {  	_ =	swait.ge [sflag:s22], s20  }
0x9f: {  	s3 =	ssub.s32 $0x0, s20;
	[sflag:s22] =	ssyncset.done $0x0  }
0xa0: {  	[sflag:s22] =	ssyncadd.s32 s3;
	_ =	sdelay $0x1  }
0xa1: {  	s23 =	simm.s32 $0x1B8B  }
0xa2: {  	_ =	swait.ge [sflag:s23], $0x1  }
0xa3: {  	[sflag:s23] =	ssyncset.done $0x0  }
0xa4: {  	s25 =	simm.s32 $0x1B8E;
	s24 =	sld [smem:$0x3FFE];
	[sflag:s23] =	ssyncadd.s32 $0xFFFFFFFF  }
0xa5: {  	s26 =	simm.s32 $execute0_lowered;
	[smem:$0x3FD2] =	sst s25  }
0xa6: {  	s4 =	sshll.u32 s26, $0x1;
	_ =	strace $0x8000004F;
	[dreg:$0x1] =	wrdreg $0xFFFFFFFF  }
0xa7: {  	s28 =	simm.s32 $_size_execute0_lowered;
	s2 =	sadd.s32 s2, s4;
	[dreg:$0x0] =	wrdreg $0x0  }
0xa8: {  	s4 =	sshll.u32 s28, $0x1;
	[dreg:$0x2] =	wrdreg s2  }
0xa9: {  	[dreg:$0x3] =	wrdreg s4  }
0xaa: {  	[dreg:$0x4] =	wrdreg $0xC0  }
0xab: {  	_ =	task [dreg:s6], $0x5FFFF  }
0xac: {  	[dreg:$0x1] =	wrdreg $0xFFFFFFFF  }
0xad: {  	[dreg:$0x0] =	wrdreg $0x60  }
0xae: {  	[dreg:$0x2] =	wrdreg s24  }
0xaf: {  	[dreg:$0x3] =	wrdreg $0x9  }
0xb0: {  	_ =	task.clear_ibuf [dreg:s6], $0x4FFFF;
	_ =	strace $0x9000004F  }
0xb1: {  	s29 =	simm.s32 $0x9;
	_ =	strace $0x80000051  }
0xb2: {  	_ =	swait.ge [sflag:s29], $0x1  }
0xb3: {  	[sflag:s29] =	ssyncadd.s32 $0xFFFFFFFF  }
0xb4: {  	_ =	strace $0x90000051  }
0xb5: {  	_ =	sfence  }
0xb6: {  	s30 =	sld [smem:$0x0];
	_ =	sdelay $0x2  }
0xb7: {  	s31 =	sshll.u32 s1, $0xD;
	s1 =	sshrl.u32 s1, $0x2  }
0xb8: {  	s3 =	sand.u32 $0x4000, s31;
	s1 =	sadd.s32 s1, s30  }
0xb9: {  	s0 =	sor.u32 s3, s0;
	s1 =	sshll.u32 s1, $0x11  }
0xba: {  	s0 =	sor.u32 s1, s0  }
0xbb: {  	s0 =	sadd.s32 $0x8F2B, s0  }
0xbc: {  	[sflag:s0] =	ssyncadd.remote.s32 $0x1  }
0xbd: {  	_ =	sfence.sel $0xFFFF  }
0xbe: {  	[dreg:$0x0] =	wrdreg $0xFFFFFFFF;
	(pc) =	sbr.abs _section_cstart, $3  }
0xbf: {  	[dreg:$0x1] =	wrdreg $0xFFFFFFFF  }
0xc0: {  	_ =	task.clear_ibuf [dreg:s6], $0x2FFFF;
	_ =	strace $0x9FFFFFFF  }
0xc1: {  	(tm) =	ssettm $0x7FFFFFFF  }
tec
execute0_lowered:
.L_overlay_start_1:
0x0: {  	(tag) =	ssettag $0x1  }
0x1: {  	s5 =	rddreg [dreg:$0x0];
	s1 =	srdreg.scid  }
0x2: {  	s0 =	rddreg [dreg:$0x1];
	s2 =	simm.s32 $0x0;
	s18 =	simm.s32 $0x10  }
0x3: {  	s19 =	simm.s32 $0x4100;
	s20 =	simm.s32 $0x0;
	s6 =	sand.u32 $0x1, s1  }
0x4: {  	[smem:$0x7FF] =	sst s2;
	s1 =	stileid.u32;
	s3 =	sadd.s32 $0x83600, s5  }
0x5: {  	s13 =	sadd.s32 $0xAA800, s5;
	s12 =	sadd.s32 $0xB4600, s5;
	s14 =	smul.u32 $0x271000, s6  }
0x6: {  	s10 =	sadd.s32 $0x1495600, s5;
	s4 =	sshll.u32 s6, $0x4;
	s16 =	smul.u32 $0x27100, s6  }
0x7: {  	s11 =	sadd.s32 $0x15D600, s5;
	s17 =	smul.u32 $0x2710, s1;
	s7 =	sor.u32 s1, s4  }
0x8: {  	_ =	strace $0x80000050;
	s8 =	ssub.s32 $0x2, s6;
	s7 =	smul.u32 $0x2710, s7  }
0x9: {  	s30 =	smul.u32 $0x27100, s1;
	s4 =	sadd.s32 $0xBE400, s5;
	s28 =	sshrl.u32 s8, $0x1  }
0xa: {  	s9 =	ssub.s32 s8, s28;
	s31 =	sadd.s32 s17, s16;
	s7 =	sadd.s32 $0x2700, s7  }
0xb: {  	s16 =	simm.s32 $0x100;
	s17 =	simm.s32 $0x1;
	s29 =	sshrl.u32 s7, $0x3  }
0xc: {  	s9 =	smax.u32 s9, $0x1;
	s15 =	sshll.u32 s7, $0x4;
	s5 =	sadd.s32 s13, s29  }
0xd: {  	s6 =	sadd.s32 s10, s15;
	s7 =	sadd.s32 s12, s29;
	s8 =	sadd.s32 s11, s15  }
0xe: {  	s10 =	sadd.s32 s14, s10;
	s11 =	sadd.s32 s14, s11;
	s14 =	sshrl.u32 s31, $0x3  }
0xf: {  	s15 =	simm.s32 $0x80;
	s10 =	sadd.s32 s30, s10;
	s11 =	sadd.s32 s30, s11  }
0x10: {  	s12 =	sadd.s32 s14, s12;
	s13 =	sadd.s32 s14, s13;
	s14 =	simm.s32 $0x2  }
.LBB2_1:
0x11: {  	s21 =	sadd.s32 $0x0, s13  }
0x12: {  	[tilespmem:s2], [sflag:$0x2] =	stream.linear.gather [hbm4b:s21+s2], $0x80, $0x38;
	[tilespmem:$0x4900] =	vst v63  }
0x13: {  	_ =	swait.ge [sflag:s14], $0x80  }
0x14: {  	[sflag:s14] =	ssyncset.done $0x0  }
0x15: {  	[sflag:s14] =	ssyncadd.s32 $0xFFFFFF80  }
0x16: {  	[tilespmem:s16], [sflag:$0x1] =	stream.indirect.gather [hbm4b:s3+s15], $0x80, s2, s15, $0xb8;
	[tilespmem:$0x4900] =	vst v63  }
0x17: {  	_ =	swait.ge [sflag:s17], $0x4000  }
0x18: {  	[sflag:s17] =	ssyncset.done $0x0  }
0x19: {  	[sflag:s17] =	ssyncadd.s32 $0xFFFFC000  }
0x1a: {  	[hbm4b:s10+s2] =	stream.linear.scatter [tilespmem:s16], [sflag:$0x2], $0x4000, $0x38;
	[tilespmem:$0x4900] =	vst v63  }
0x1b: {  	_ =	swait.ge [sflag:s14], $0x4000  }
0x1c: {  	[sflag:s14] =	ssyncset.done $0x0  }
0x1d: {  	s31 =	sadd.s32 $0x0, s12;
	[sflag:s14] =	ssyncadd.s32 $0xFFFFC000  }
0x1e: {  	[tilespmem:s2], [sflag:$0x2] =	stream.linear.gather [hbm4b:s31+s2], $0x80, $0x38;
	[tilespmem:$0x4900] =	vst v63  }
0x1f: {  	_ =	swait.ge [sflag:s14], $0x80  }
0x20: {  	[sflag:s14] =	ssyncset.done $0x0  }
0x21: {  	[sflag:s14] =	ssyncadd.s32 $0xFFFFFF80  }
0x22: {  	[tilespmem:s16], [sflag:$0x1] =	stream.indirect.gather [hbm4b:s4+s15], $0x80, s2, s15, $0xb8;
	[tilespmem:$0x4900] =	vst v63  }
0x23: {  	_ =	swait.ge [sflag:s17], $0x4000  }
0x24: {  	[sflag:s17] =	ssyncset.done $0x0  }
0x25: {  	[sflag:s17] =	ssyncadd.s32 $0xFFFFC000  }
0x26: {  	[hbm4b:s11+s2] =	stream.linear.scatter [tilespmem:s16], [sflag:$0x2], $0x4000, $0x38;
	[tilespmem:$0x4900] =	vst v63  }
0x27: {  	s22 =	simm.s32 $0x10;
	s24 =	simm.s32 $0x20;
	_ =	swait.ge [sflag:s14], $0x4000  }
0x28: {  	s23 =	sadd.s32 $0x800, s10;
	s21 =	sadd.s32 $0x800, s11;
	[sflag:s14] =	ssyncset.done $0x0  }
.LBB2_2:
0x29: {  	s25 =	sadd.s32 s22, s13  }
0x2a: {  	[sflag:s14] =	ssyncadd.s32 $0xFFFFC000;
	s26 =	smov.u32 s24;
	s28 =	sadd.s32 $0x10, s24  }
0x2b: {  	[tilespmem:s2], [sflag:$0x2] =	stream.linear.gather [hbm4b:s25+s2], $0x80, $0x38;
	[tilespmem:$0x4900] =	vst v63  }
0x2c: {  	p0 =	sne.s32 s24, $0x4D0;
	_ =	swait.ge [sflag:s14], $0x80  }
0x2d: {  	[sflag:s14] =	ssyncset.done $0x0  }
0x2e: {  	[sflag:s14] =	ssyncadd.s32 $0xFFFFFF80  }
0x2f: {  	[tilespmem:s16], [sflag:$0x1] =	stream.indirect.gather [hbm4b:s3+s15], $0x80, s2, s15, $0xb8;
	[tilespmem:$0x4900] =	vst v63  }
0x30: {  	_ =	swait.ge [sflag:s17], $0x4000  }
0x31: {  	[sflag:s17] =	ssyncset.done $0x0  }
0x32: {  	[sflag:s17] =	ssyncadd.s32 $0xFFFFC000  }
0x33: {  	[hbm4b:s23+s2] =	stream.linear.scatter [tilespmem:s16], [sflag:$0x2], $0x4000, $0x38;
	[tilespmem:$0x4900] =	vst v63  }
0x34: {  	_ =	swait.ge [sflag:s14], $0x4000  }
0x35: {  	[sflag:s14] =	ssyncset.done $0x0  }
0x36: {  	s24 =	sadd.s32 s22, s12;
	s22 =	smov.u32 s26;
	[sflag:s14] =	ssyncadd.s32 $0xFFFFC000  }
0x37: {  	[tilespmem:s2], [sflag:$0x2] =	stream.linear.gather [hbm4b:s24+s2], $0x80, $0x38;
	[tilespmem:$0x4900] =	vst v63  }
0x38: {  	_ =	swait.ge [sflag:s14], $0x80  }
0x39: {  	[sflag:s14] =	ssyncset.done $0x0  }
0x3a: {  	[sflag:s14] =	ssyncadd.s32 $0xFFFFFF80  }
0x3b: {  	[tilespmem:s16], [sflag:$0x1] =	stream.indirect.gather [hbm4b:s4+s15], $0x80, s2, s15, $0xb8;
	[tilespmem:$0x4900] =	vst v63  }
0x3c: {  	_ =	swait.ge [sflag:s17], $0x4000  }
.Ltmp0:
0x3d: {  	[sflag:s17] =	ssyncset.done $0x0;
	(pc) =	sbr.rel @p0 .LBB2_2-.Ltmp0, $4  }
0x3e: {  	[sflag:s17] =	ssyncadd.s32 $0xFFFFC000  }
0x3f: {  	[hbm4b:s21+s2] =	stream.linear.scatter [tilespmem:s16], [sflag:$0x2], $0x4000, $0x38;
	[tilespmem:$0x4900] =	vst v63  }
0x40: {  	s23 =	sadd.s32 $0x800, s23;
	_ =	swait.ge [sflag:s14], $0x4000  }
0x41: {  	s24 =	smov.u32 s28;
	s21 =	sadd.s32 $0x800, s21;
	[sflag:s14] =	ssyncset.done $0x0  }
0x42: {  	s24 =	sadd.s32 s22, s13;
	[sflag:s14] =	ssyncadd.s32 $0xFFFFC000  }
0x43: {  	[tilespmem:s2], [sflag:$0x2] =	stream.linear.gather [hbm4b:s24+s2], $0x80, $0x38;
	[tilespmem:$0x4900] =	vst v63  }
0x44: {  	_ =	swait.ge [sflag:s14], $0x80  }
0x45: {  	[sflag:s14] =	ssyncset.done $0x0  }
0x46: {  	[sflag:s14] =	ssyncadd.s32 $0xFFFFFF80  }
0x47: {  	[tilespmem:s16], [sflag:$0x1] =	stream.indirect.gather [hbm4b:s3+s15], $0x80, s2, s15, $0xb8;
	[tilespmem:$0x4900] =	vst v63  }
0x48: {  	_ =	swait.ge [sflag:s17], $0x4000  }
0x49: {  	[sflag:s17] =	ssyncset.done $0x0  }
0x4a: {  	[sflag:s17] =	ssyncadd.s32 $0xFFFFC000  }
0x4b: {  	[hbm4b:s23+s2] =	stream.linear.scatter [tilespmem:s16], [sflag:$0x2], $0x4000, $0x38;
	[tilespmem:$0x4900] =	vst v63  }
0x4c: {  	_ =	swait.ge [sflag:s14], $0x4000  }
0x4d: {  	[sflag:s14] =	ssyncset.done $0x0  }
0x4e: {  	s31 =	sadd.s32 s22, s12;
	[sflag:s14] =	ssyncadd.s32 $0xFFFFC000  }
0x4f: {  	[tilespmem:s2], [sflag:$0x2] =	stream.linear.gather [hbm4b:s31+s2], $0x80, $0x38;
	[tilespmem:$0x4900] =	vst v63  }
0x50: {  	_ =	swait.ge [sflag:s14], $0x80  }
0x51: {  	[sflag:s14] =	ssyncset.done $0x0  }
0x52: {  	[sflag:s14] =	ssyncadd.s32 $0xFFFFFF80  }
0x53: {  	[tilespmem:s16], [sflag:$0x1] =	stream.indirect.gather [hbm4b:s4+s15], $0x80, s2, s15, $0xb8;
	[tilespmem:$0x4900] =	vst v63  }
0x54: {  	_ =	swait.ge [sflag:s17], $0x4000  }
0x55: {  	[sflag:s17] =	ssyncset.done $0x0  }
0x56: {  	[sflag:s17] =	ssyncadd.s32 $0xFFFFC000  }
0x57: {  	[hbm4b:s21+s2] =	stream.linear.scatter [tilespmem:s16], [sflag:$0x2], $0x4000, $0x38;
	[tilespmem:$0x4900] =	vst v63  }
0x58: {  	_ =	swait.ge [sflag:s14], $0x4000  }
0x59: {  	[sflag:s14] =	ssyncset.done $0x0  }
0x5a: {  	[sflag:s14] =	ssyncadd.s32 $0xFFFFC000  }
0x5b: {  	[tilespmem:s15], [sflag:$0x2] =	stream.linear.gather [hbm4b:s5+s2], $0x10, $0x38;
	[tilespmem:$0x4900] =	vst v63  }
0x5c: {  	_ =	swait.ge [sflag:s14], $0x10  }
0x5d: {  	[sflag:s14] =	ssyncset.done $0x0  }
0x5e: {  	[sflag:s14] =	ssyncadd.s32 $0xFFFFFFF0  }
0x5f: {  	[tilespmem:s19], [sflag:$0x1] =	stream.indirect.gather [hbm4b:s3+s18], $0x80, s15, s18, $0xb8;
	[tilespmem:$0x4900] =	vst v63  }
0x60: {  	_ =	swait.ge [sflag:s17], $0x800  }
0x61: {  	[sflag:s17] =	ssyncset.done $0x0  }
0x62: {  	[sflag:s17] =	ssyncadd.s32 $0xFFFFF800  }
0x63: {  	[hbm4b:s6+s2] =	stream.linear.scatter [tilespmem:s19], [sflag:$0x2], $0x800, $0x38;
	[tilespmem:$0x4900] =	vst v63  }
0x64: {  	_ =	swait.ge [sflag:s14], $0x800  }
0x65: {  	[sflag:s14] =	ssyncset.done $0x0  }
0x66: {  	[sflag:s14] =	ssyncadd.s32 $0xFFFFF800  }
0x67: {  	[tilespmem:s15], [sflag:$0x2] =	stream.linear.gather [hbm4b:s7+s2], $0x10, $0x38;
	[tilespmem:$0x4900] =	vst v63  }
0x68: {  	_ =	swait.ge [sflag:s14], $0x10  }
0x69: {  	[sflag:s14] =	ssyncset.done $0x0  }
0x6a: {  	[sflag:s14] =	ssyncadd.s32 $0xFFFFFFF0  }
0x6b: {  	[tilespmem:s19], [sflag:$0x1] =	stream.indirect.gather [hbm4b:s4+s18], $0x80, s15, s18, $0xb8;
	[tilespmem:$0x4900] =	vst v63  }
0x6c: {  	s20 =	sadd.s32 $0x1, s20;
	_ =	swait.ge [sflag:s17], $0x800  }
0x6d: {  	p0 =	sne.s32 s20, s9;
	[sflag:s17] =	ssyncset.done $0x0  }
.Ltmp1:
0x6e: {  	[sflag:s17] =	ssyncadd.s32 $0xFFFFF800;
	(pc) =	sbr.rel @p0 .LBB2_1-.Ltmp1, $4  }
0x6f: {  	[hbm4b:s8+s2] =	stream.linear.scatter [tilespmem:s19], [sflag:$0x2], $0x800, $0x38;
	[tilespmem:$0x4900] =	vst v63  }
0x70: {  	_ =	swait.ge [sflag:s14], $0x800  }
0x71: {  	[sflag:s14] =	ssyncset.done $0x0  }
0x72: {  	[sflag:s14] =	ssyncadd.s32 $0xFFFFF800  }
0x73: {  	_ =	sfence.sel $0x180000  }
0x74: {  	[bflag:$0x0] =	sbarrier.arrive $0xFFFF  }
0x75: {  	p0 =	sne.s32 s1, $0x0;
	_ =	strace $0x90000050  }
0x76: {  	s0 =	sadd.s32 @!p0 $0x100000, s0;
	[bflag:$0x2] =	sbarrier.arrive $0xFFFF  }
0x77: {  	[sflag:s0] =	ssyncadd.tile.s32 @!p0 $0x1;
	_ =	shalt  }
.Lfunc_end2:
_tile_overlayer_lowered:
.L_overlay_start_2:
0x78: {  	(tag) =	ssettag $0x2  }
0x79: {  	s0 =	rddreg [dreg:$0x0];
	s2 =	stileid.u32  }
0x7a: {  	s1 =	rddreg [dreg:$0x1];
	p0 =	sne.s32 s2, $0x0  }
0x7b: {  	s3 =	rddreg [dreg:$0x2];
	[bflag:$0x3] =	sbarrier.arrive $0xFFFF;
	s2 =	simm.s32 @!p0 $0x1C02  }
0x7c: {  	[timem:s3], [sflag:s2] =	dma.local @!p0 [hbm:s0], s1  }
0x7d: {  	s0 =	simm.s32 @!p0 $0x2  }
0x7e: {  	_ =	swait.ge @!p0 [sflag:s0], s1  }
0x7f: {  	s1 =	ssub.s32 @!p0 $0x0, s1;
	[sflag:s0] =	ssyncset.done @!p0 $0x0  }
0x80: {  	[sflag:s0] =	ssyncadd.s32 @!p0 s1  }
0x81: {  	[bflag:$0x3] =	sbarrier.arrive $0xFFFF  }
0x82: {  	_ =	shalt  }

// kernel: kernel.33.cloned.1.call-start
scs
__scs_entry_jumppad:
0x0: {  	(pc) =	sbr.rel $0x88, $3  }
0x1: {  	(tag) =	ssettag $0x0;
	lr =	simm.s32 $0x1  }
0x2: {  	[smem:$0x3F79] =	sst lr;
	_ =	strace $0xD0000000  }
0x3: {  	_ = 	snop  }
0x4: {  	_ = 	snop  }
0x5: {  	_ = 	snop  }
0x6: {  	_ = 	snop  }
0x7: {  	_ = 	snop  }
__scs_overlays_trampoline_lowered:
0x8: {  	[smem:$0x3F88] =	sst s0  }
0x9: {  	[smem:$0x3F89] =	sst s1  }
0xa: {  	[smem:$0x3F8A] =	sst s2  }
0xb: {  	[smem:$0x3F8B] =	sst s3  }
0xc: {  	[smem:$0x3F8C] =	sst s4  }
0xd: {  	[smem:$0x3F8D] =	sst s5  }
0xe: {  	[smem:$0x3F8E] =	sst s6  }
0xf: {  	[smem:$0x3F8F] =	sst s7  }
0x10: {  	[smem:$0x3F90] =	sst s8  }
0x11: {  	[smem:$0x3F91] =	sst s9;
	s0 =	simm.s32 @!p0 $0x0  }
0x12: {  	s1 =	sld [smem:$0x3F77];
	s0 =	simm.s32 @p0 $0x1  }
0x13: {  	[smem:$0x3F92] =	sst s0;
	s0 =	simm.s32 @!p1 $0x0  }
0x14: {  	s2 =	sld [smem:$0x3F76];
	s0 =	simm.s32 @p1 $0x1  }
0x15: {  	[smem:$0x3F93] =	sst s0;
	s0 =	simm.s32 @!p2 $0x0  }
0x16: {  	s3 =	sld [smem:$0x3FDB];
	s0 =	simm.s32 @p2 $0x1  }
0x17: {  	s4 =	simm.s32 $0x1BF5;
	[smem:$0x3F95] =	sst s0  }
0x18: {  	s0 =	sld [smem:$0x3F78];
	_ =	swait.ge [sflag:s4], $0x0  }
0x19: {  	s7 =	sld [smem:$0x3F79]  }
0x1a: {  	s8 =	sadd.s32 $0xFFFFE003, lr  }
0x1b: {  	s9 =	sadd.s32 $0xFFFFFEF7, lr;
	s5 =	simm.s32 $0xFFFFFFFF;
	p2 =	slt.u32 s8, $0xFFFFF086  }
0x1c: {  	p1 =	slt.u32 s9, $0xF7A;
	s5 =	simm.s32 @!p2 $0x0  }
0x1d: {  	s5 =	simm.s32 @p1 $0x1;
	p0 =	seq.s32 s7, s2  }
0x1e: {  	s7 =	smul.u32 @!p0 $0xF7A, s2;
	p2 =	seq.s32 @!p0 s5, $0x0  }
0x1f: {  	s9 =	smul.u32 $0xF7A, s1;
	s8 =	simm.s32 @!p0 $0x1BF5;
	p2 =	por !p2, p0  }
0x20: {  	[sflag:s8] =	ssyncset.s32 @!p0 $0xFFFFF086;
	s6 =	sadd.s32 @!p0 s3, s7;
	s7 =	simm.s32 @!p0 $0x108  }
0x21: {  	s3 =	sadd.s32 s3, s9;
	s6 =	sadd.s32 @!p0 $0x88, s6;
	s7 =	simm.s32 @p2 $0x1082  }
0x22: {  	[simem:s7], [sflag:s8] =	dma.local @!p0 [hbm:s6], $0xF7A  }
0x23: {  	s9 =	sor.u32 $0xD0000000, s2;
	s6 =	simm.s32 $0x108;
	_ =	swait.ge @!p0 [sflag:s8], $0x0  }
0x24: {  	s3 =	sadd.s32 $0x88, s3;
	s6 =	simm.s32 @!p1 $0x1082;
	[sflag:s4] =	ssyncset.s32 $0xFFFFF086  }
0x25: {  	[simem:s6], [sflag:s4] =	dma.local [hbm:s3], $0xF7A  }
0x26: {  	[smem:$0x3F79] =	sst s1;
	(tag) =	ssettag s2;
	_ =	strace s9  }
0x27: {  	s1 =	sld [smem:$0x3F89]  }
0x28: {  	s2 =	sld [smem:$0x3F8A]  }
0x29: {  	s4 =	sld [smem:$0x3F8C]  }
0x2a: {  	p0 =	seq.s32 s5, $0x0;
	s5 =	sld [smem:$0x3F8D]  }
0x2b: {  	s6 =	sld [smem:$0x3F8E]  }
0x2c: {  	s7 =	sld [smem:$0x3F8F]  }
0x2d: {  	s3 =	simm.s32 $0x108;
	s8 =	sld [smem:$0x3F90]  }
0x2e: {  	s3 =	simm.s32 @!p0 $0x1082;
	s9 =	sld [smem:$0x3F91]  }
0x2f: {  	lr =	sadd.s32 s0, s3;
	s0 =	sld [smem:$0x3F88]  }
0x30: {  	s3 =	sld [smem:$0x3F8B]  }
0x31: {  	[smem:$0x3F94] =	sst s10  }
0x32: {  	s10 =	sld [smem:$0x3F92];
	_ =	sdelay $0x3  }
0x33: {  	p0 =	seq.s32 s10, $0x1;
	s10 =	sld [smem:$0x3F94];
	_ =	sdelay $0x3  }
0x34: {  	[smem:$0x3F94] =	sst s10  }
0x35: {  	s10 =	sld [smem:$0x3F93];
	_ =	sdelay $0x3  }
0x36: {  	p1 =	seq.s32 s10, $0x1;
	s10 =	sld [smem:$0x3F94];
	_ =	sdelay $0x3  }
0x37: {  	[smem:$0x3F94] =	sst s10  }
0x38: {  	s10 =	sld [smem:$0x3F95]  }
0x39: {  	_ = 	snop;
	(pc) =	sbr.ind lr, $3  }
0x3a: {  	_ = 	snop  }
0x3b: {  	_ = 	snop  }
0x3c: {  	p2 =	seq.s32 s10, $0x1;
	s10 =	sld [smem:$0x3F94]  }
0x3d: {  	_ =	shalt  }
0x3e: {  	_ =	shalt  }
0x3f: {  	_ =	shalt  }
0x40: {  	_ =	shalt  }
0x41: {  	_ =	shalt  }
0x42: {  	_ =	shalt  }
0x43: {  	_ =	shalt  }
0x44: {  	_ =	shalt  }
0x45: {  	_ =	shalt  }
0x46: {  	_ =	shalt  }
0x47: {  	_ =	shalt  }
0x48: {  	_ =	shalt  }
0x49: {  	_ =	shalt  }
0x4a: {  	_ =	shalt  }
0x4b: {  	_ =	shalt  }
0x4c: {  	_ =	shalt  }
0x4d: {  	_ =	shalt  }
0x4e: {  	_ =	shalt  }
0x4f: {  	_ =	shalt  }
0x50: {  	_ =	shalt  }
0x51: {  	_ =	shalt  }
0x52: {  	_ =	shalt  }
0x53: {  	_ =	shalt  }
0x54: {  	_ =	shalt  }
0x55: {  	_ =	shalt  }
0x56: {  	_ =	shalt  }
0x57: {  	_ =	shalt  }
0x58: {  	_ =	shalt  }
0x59: {  	_ =	shalt  }
0x5a: {  	_ =	shalt  }
0x5b: {  	_ =	shalt  }
0x5c: {  	_ =	shalt  }
0x5d: {  	_ =	shalt  }
0x5e: {  	_ =	shalt  }
0x5f: {  	_ =	shalt  }
0x60: {  	_ =	shalt  }
0x61: {  	_ =	shalt  }
0x62: {  	_ =	shalt  }
0x63: {  	_ =	shalt  }
0x64: {  	_ =	shalt  }
0x65: {  	_ =	shalt  }
0x66: {  	_ =	shalt  }
0x67: {  	_ =	shalt  }
0x68: {  	_ =	shalt  }
0x69: {  	_ =	shalt  }
0x6a: {  	_ =	shalt  }
0x6b: {  	_ =	shalt  }
0x6c: {  	_ =	shalt  }
0x6d: {  	_ =	shalt  }
0x6e: {  	_ =	shalt  }
0x6f: {  	_ =	shalt  }
0x70: {  	_ =	shalt  }
0x71: {  	_ =	shalt  }
0x72: {  	_ =	shalt  }
0x73: {  	_ =	shalt  }
0x74: {  	_ =	shalt  }
0x75: {  	_ =	shalt  }
0x76: {  	_ =	shalt  }
0x77: {  	_ =	shalt  }
0x78: {  	_ =	shalt  }
0x79: {  	_ =	shalt  }
0x7a: {  	_ =	shalt  }
0x7b: {  	_ =	shalt  }
0x7c: {  	_ =	shalt  }
0x7d: {  	_ =	shalt  }
0x7e: {  	_ =	shalt  }
0x7f: {  	_ =	shalt  }
0x80: {  	_ =	shalt  }
0x81: {  	_ =	shalt  }
0x82: {  	_ =	shalt  }
0x83: {  	_ =	shalt  }
0x84: {  	_ =	shalt  }
0x85: {  	_ =	shalt  }
0x86: {  	_ =	shalt  }
0x87: {  	_ =	shalt  }
.Lfunc_end0:
.L_simem_size_0:
called_computation.4_lowered:
.L_overlay_start_0:
0x88: {  	s2 =	sld [smem:$0x3FD9]  }
0x89: {  	s3 =	sld [smem:$0x3FFE];
	_ =	sdelay $0x1  }
0x8a: {  	s1 =	srdreg.scid  }
0x8b: {  	s0 =	sand.u32 $0x1, s1  }
0x8c: {  	s16 =	sshll.u32 s0, $0xA;
	s2 =	sadd.s32 s3, s2  }
0x8d: {  	s2 =	sadd.s32 s2, s16  }
0x8e: {  	[smem:$0x3FA0] =	sst s2  }
0x8f: {  	_ = 	snop  }
0x90: {  	(tm) =	ssettm $0x1  }
0x91: {  	s17 =	sld [smem:$0x3FFB];
	_ =	sdelay $0x3  }
0x92: {  	_ =	strace s17  }
0x93: {  	s2 =	sld [smem:$0x3FFC];
	_ =	sdelay $0x3  }
0x94: {  	_ =	strace s2  }
0x95: {  	s2 =	sld [smem:$0x3FFD];
	_ =	sdelay $0x3  }
0x96: {  	_ =	strace s2  }
0x97: {  	_ =	strace $0x8FFFFFFF  }
0x98: {  	s18 =	sld [smem:$0x3FDB];
	_ =	sdelay $0x1  }
0x99: {  	s19 =	simm.s32 $_scs_section_size  }
0x9a: {  	s4 =	simm.s32 $_size__tile_overlayer_lowered;
	s5 =	simm.s32 $_tile_overlayer_lowered  }
0x9b: {  	s22 =	simm.s32 $0x1BFF;
	s21 =	sshll.u32 s5, $0x1;
	s2 =	sadd.s32 s19, s18  }
0x9c: {  	s6 =	simm.s32 $0x0;
	s20 =	sshll.u32 s4, $0x1;
	s4 =	sadd.s32 s21, s2  }
0x9d: {  	[timem:s6], [sflag:s22] =	dma.local [hbm:s4], s20  }
0x9e: {  	_ =	swait.ge [sflag:s22], s20  }
0x9f: {  	s3 =	ssub.s32 $0x0, s20;
	[sflag:s22] =	ssyncset.done $0x0  }
0xa0: {  	[sflag:s22] =	ssyncadd.s32 s3;
	_ =	sdelay $0x1  }
0xa1: {  	s23 =	simm.s32 $0x1B8B  }
0xa2: {  	_ =	swait.ge [sflag:s23], $0x1  }
0xa3: {  	[sflag:s23] =	ssyncset.done $0x0  }
0xa4: {  	s25 =	simm.s32 $0x1B8E;
	s24 =	sld [smem:$0x3FFE];
	[sflag:s23] =	ssyncadd.s32 $0xFFFFFFFF  }
0xa5: {  	s26 =	simm.s32 $execute0_lowered;
	[smem:$0x3FD2] =	sst s25  }
0xa6: {  	s4 =	sshll.u32 s26, $0x1;
	_ =	strace $0x80000052;
	[dreg:$0x1] =	wrdreg $0xFFFFFFFF  }
0xa7: {  	s28 =	simm.s32 $_size_execute0_lowered;
	s2 =	sadd.s32 s2, s4;
	[dreg:$0x0] =	wrdreg $0x0  }
0xa8: {  	s4 =	sshll.u32 s28, $0x1;
	[dreg:$0x2] =	wrdreg s2  }
0xa9: {  	[dreg:$0x3] =	wrdreg s4  }
0xaa: {  	[dreg:$0x4] =	wrdreg $0xC0  }
0xab: {  	_ =	task [dreg:s6], $0x5FFFF  }
0xac: {  	[dreg:$0x1] =	wrdreg $0xFFFFFFFF  }
0xad: {  	[dreg:$0x0] =	wrdreg $0x60  }
0xae: {  	[dreg:$0x2] =	wrdreg s24  }
0xaf: {  	[dreg:$0x3] =	wrdreg $0x49000  }
0xb0: {  	[dreg:$0x4] =	wrdreg $0x9  }
0xb1: {  	_ =	task.clear_ibuf [dreg:s6], $0x5FFFF;
	_ =	strace $0x90000052  }
0xb2: {  	s29 =	simm.s32 $0x9;
	_ =	strace $0x80000054  }
0xb3: {  	_ =	swait.ge [sflag:s29], $0x1  }
0xb4: {  	[sflag:s29] =	ssyncadd.s32 $0xFFFFFFFF  }
0xb5: {  	_ =	strace $0x90000054  }
0xb6: {  	_ =	sfence  }
0xb7: {  	s30 =	sld [smem:$0x0];
	_ =	sdelay $0x2  }
0xb8: {  	s31 =	sshll.u32 s1, $0xD;
	s1 =	sshrl.u32 s1, $0x2  }
0xb9: {  	s3 =	sand.u32 $0x4000, s31;
	s1 =	sadd.s32 s1, s30  }
0xba: {  	s0 =	sor.u32 s3, s0;
	s1 =	sshll.u32 s1, $0x11  }
0xbb: {  	s0 =	sor.u32 s1, s0  }
0xbc: {  	s0 =	sadd.s32 $0x8F2B, s0  }
0xbd: {  	[sflag:s0] =	ssyncadd.remote.s32 $0x1  }
0xbe: {  	_ =	sfence.sel $0xFFFF  }
0xbf: {  	[dreg:$0x0] =	wrdreg $0xFFFFFFFF;
	(pc) =	sbr.abs _section_cstart, $3  }
0xc0: {  	[dreg:$0x1] =	wrdreg $0xFFFFFFFF  }
0xc1: {  	_ =	task.clear_ibuf [dreg:s6], $0x2FFFF;
	_ =	strace $0x9FFFFFFF  }
0xc2: {  	(tm) =	ssettm $0x7FFFFFFF  }
0xc3: {  	_ =	shalt  }
tec
execute0_lowered:
.L_overlay_start_1:
0x0: {  	(tag) =	ssettag $0x1  }
0x1: {  	s4 =	rddreg [dreg:$0x0]  }
0x2: {  	s2 =	rddreg [dreg:$0x1];
	s1 =	stileid.u32  }
0x3: {  	s0 =	rddreg [dreg:$0x2];
	s6 =	smul.u32 $0x14000, s1  }
0x4: {  	s5 =	srdreg.scid;
	s3 =	simm.s32 $0x0;
	s12 =	smul.u32 $0x50000, s1  }
0x5: {  	s17 =	simm.s32 $0x10;
	s18 =	simm.s32 $0x0;
	s16 =	smul.u32 $0x2710, s1  }
0x6: {  	s8 =	sand.u32 $0x1, s5;
	[smem:$0x7FF] =	sst s3;
	s31 =	smul.u32 $0x27100, s1  }
0x7: {  	s10 =	sadd.s32 $0x63F600, s4;
	s11 =	sadd.s32 $0xB4600, s4;
	s5 =	smul.u32 $0x140000, s8  }
0x8: {  	s28 =	sshll.u32 s1, $0x6;
	_ =	strace $0x80000053;
	s14 =	smul.u32 $0x27100, s8  }
0x9: {  	s21 =	ssub.s32 $0x2, s8;
	s9 =	sshll.u32 s8, $0x4;
	s30 =	smul.u32 $0x271000, s8  }
0xa: {  	s7 =	sshrl.u32 s6, $0x3;
	s22 =	sshrl.u32 s21, $0x1;
	s23 =	sor.u32 s1, s9  }
0xb: {  	s26 =	sshrl.u32 s12, $0x2;
	s5 =	sadd.s32 s6, s5;
	s20 =	sadd.s32 s7, s4  }
0xc: {  	s24 =	ssub.s32 s21, s22;
	s25 =	smul.u32 $0x2710, s23;
	s12 =	sadd.s32 s26, s2  }
0xd: {  	s14 =	sadd.s32 s16, s14;
	s16 =	simm.s32 $0x4100;
	s5 =	sshrl.u32 s5, $0x3  }
0xe: {  	s9 =	smax.u32 s24, $0x1;
	s14 =	sshrl.u32 s14, $0x3;
	s12 =	sshrl.u32 s12, $0x3  }
0xf: {  	s13 =	sadd.s32 s5, s4;
	s4 =	sadd.s32 $0x146D600, s20;
	s29 =	sadd.s32 $0x2700, s25  }
0x10: {  	s5 =	sor.u32 $0x1C01, s28;
	s7 =	sshrl.u32 s29, $0x3;
	s15 =	sshll.u32 s29, $0x4  }
0x11: {  	s8 =	sadd.s32 $0x15D600, s13;
	s13 =	simm.s32 $0x1;
	s6 =	sadd.s32 s11, s7  }
0x12: {  	s7 =	sadd.s32 s10, s15;
	s10 =	sadd.s32 s30, s10;
	s11 =	sadd.s32 s14, s11  }
0x13: {  	s14 =	simm.s32 $0x100;
	s15 =	simm.s32 $0x80;
	s10 =	sadd.s32 s31, s10  }
.LBB2_1:
0x14: {  	[spmem:s12], [sflag:s5] =	dma.local [hbm:s4], $0x2800  }
0x15: {  	_ =	swait.ge [sflag:s13], $0x2800  }
0x16: {  	[sflag:s13] =	ssyncset.done $0x0  }
0x17: {  	[sflag:s13] =	ssyncadd.s32 $0xFFFFD800  }
0x18: {  	s19 =	sadd.s32 $0x0, s11;
	[bflag:$0x0] =	sbarrier.arrive $0xFFFF  }
0x19: {  	[tilespmem:s3], [sflag:$0x1] =	stream.linear.gather [hbm4b:s19+s3], $0x80, $0x38;
	[tilespmem:$0x18900] =	vst v63  }
0x1a: {  	_ =	swait.ge [sflag:s13], $0x80  }
0x1b: {  	[sflag:s13] =	ssyncset.done $0x0  }
0x1c: {  	[sflag:s13] =	ssyncadd.s32 $0xFFFFFF80  }
0x1d: {  	[tilespmem:s14], [sflag:$0x1] =	stream.linear.gather [hbm4b:s10+s3], $0x4000, $0x38;
	[tilespmem:$0x18900] =	vst v63  }
0x1e: {  	_ =	swait.ge [sflag:s13], $0x4000  }
0x1f: {  	[sflag:s13] =	ssyncset.done $0x0  }
0x20: {  	[sflag:s13] =	ssyncadd.s32 $0xFFFFC000  }
0x21: {  	[spmem:s2] =	stream.indirect.scatter.add.f32 [tilespmem:s14], [sflag:$0x1], $0x80, s3, s15, $0xb8;
	[tilespmem:$0x18900] =	vst v63  }
0x22: {  	s20 =	simm.s32 $0x10;
	_ =	swait.ge [sflag:s13], $0x4000  }
0x23: {  	s21 =	simm.s32 $0x20;
	s19 =	sadd.s32 $0x800, s10;
	[sflag:s13] =	ssyncset.done $0x0  }
.LBB2_2:
0x24: {  	s22 =	sadd.s32 s20, s11  }
0x25: {  	[sflag:s13] =	ssyncadd.s32 $0xFFFFC000;
	s20 =	smov.u32 s21;
	s23 =	sadd.s32 $0x10, s21  }
0x26: {  	[tilespmem:s3], [sflag:$0x1] =	stream.linear.gather [hbm4b:s22+s3], $0x80, $0x38;
	[tilespmem:$0x18900] =	vst v63  }
0x27: {  	p0 =	sne.s32 s21, $0x4D0;
	_ =	swait.ge [sflag:s13], $0x80  }
0x28: {  	[sflag:s13] =	ssyncset.done $0x0  }
0x29: {  	[sflag:s13] =	ssyncadd.s32 $0xFFFFFF80  }
0x2a: {  	[tilespmem:s14], [sflag:$0x1] =	stream.linear.gather [hbm4b:s19+s3], $0x4000, $0x38;
	[tilespmem:$0x18900] =	vst v63  }
0x2b: {  	_ =	swait.ge [sflag:s13], $0x4000  }
.Ltmp0:
0x2c: {  	[sflag:s13] =	ssyncset.done $0x0;
	(pc) =	sbr.rel @p0 .LBB2_2-.Ltmp0, $4  }
0x2d: {  	[sflag:s13] =	ssyncadd.s32 $0xFFFFC000  }
0x2e: {  	[spmem:s2] =	stream.indirect.scatter.add.f32 [tilespmem:s14], [sflag:$0x1], $0x80, s3, s15, $0xb8;
	[tilespmem:$0x18900] =	vst v63  }
0x2f: {  	_ =	swait.ge [sflag:s13], $0x4000  }
0x30: {  	s21 =	smov.u32 s23;
	s19 =	sadd.s32 $0x800, s19;
	[sflag:s13] =	ssyncset.done $0x0  }
0x31: {  	s20 =	sadd.s32 s20, s11;
	[sflag:s13] =	ssyncadd.s32 $0xFFFFC000  }
0x32: {  	[tilespmem:s3], [sflag:$0x1] =	stream.linear.gather [hbm4b:s20+s3], $0x80, $0x38;
	[tilespmem:$0x18900] =	vst v63  }
0x33: {  	_ =	swait.ge [sflag:s13], $0x80  }
0x34: {  	[sflag:s13] =	ssyncset.done $0x0  }
0x35: {  	[sflag:s13] =	ssyncadd.s32 $0xFFFFFF80  }
0x36: {  	[tilespmem:s14], [sflag:$0x1] =	stream.linear.gather [hbm4b:s19+s3], $0x4000, $0x38;
	[tilespmem:$0x18900] =	vst v63  }
0x37: {  	_ =	swait.ge [sflag:s13], $0x4000  }
0x38: {  	[sflag:s13] =	ssyncset.done $0x0  }
0x39: {  	[sflag:s13] =	ssyncadd.s32 $0xFFFFC000  }
0x3a: {  	[spmem:s2] =	stream.indirect.scatter.add.f32 [tilespmem:s14], [sflag:$0x1], $0x80, s3, s15, $0xb8;
	[tilespmem:$0x18900] =	vst v63  }
0x3b: {  	_ =	swait.ge [sflag:s13], $0x4000  }
0x3c: {  	[sflag:s13] =	ssyncset.done $0x0  }
0x3d: {  	[sflag:s13] =	ssyncadd.s32 $0xFFFFC000  }
0x3e: {  	[tilespmem:s15], [sflag:$0x1] =	stream.linear.gather [hbm4b:s6+s3], $0x10, $0x38;
	[tilespmem:$0x18900] =	vst v63  }
0x3f: {  	_ =	swait.ge [sflag:s13], $0x10  }
0x40: {  	[sflag:s13] =	ssyncset.done $0x0  }
0x41: {  	[sflag:s13] =	ssyncadd.s32 $0xFFFFFFF0  }
0x42: {  	[tilespmem:s16], [sflag:$0x1] =	stream.linear.gather [hbm4b:s7+s3], $0x800, $0x38;
	[tilespmem:$0x18900] =	vst v63  }
0x43: {  	_ =	swait.ge [sflag:s13], $0x800  }
0x44: {  	[sflag:s13] =	ssyncset.done $0x0  }
0x45: {  	[sflag:s13] =	ssyncadd.s32 $0xFFFFF800  }
0x46: {  	[spmem:s2] =	stream.indirect.scatter.add.f32 [tilespmem:s16], [sflag:$0x1], $0x80, s15, s17, $0xb8;
	[tilespmem:$0x18900] =	vst v63  }
0x47: {  	_ =	swait.ge [sflag:s13], $0x800  }
0x48: {  	s18 =	sadd.s32 $0x1, s18;
	[sflag:s13] =	ssyncset.done $0x0  }
0x49: {  	p0 =	sne.s32 s18, s9;
	[sflag:s13] =	ssyncadd.s32 $0xFFFFF800  }
.Ltmp1:
0x4a: {  	[bflag:$0x0] =	sbarrier.arrive $0xFFFF;
	(pc) =	sbr.rel @p0 .LBB2_1-.Ltmp1, $4  }
0x4b: {  	[hbm:s8], [sflag:s5] =	dma.local [spmem:s12], $0x2800  }
0x4c: {  	_ =	swait.ge [sflag:s13], $0x2800  }
0x4d: {  	[sflag:s13] =	ssyncset.done $0x0  }
0x4e: {  	[sflag:s13] =	ssyncadd.s32 $0xFFFFD800  }
0x4f: {  	_ =	sfence.sel $0x180000  }
0x50: {  	[bflag:$0x0] =	sbarrier.arrive $0xFFFF  }
0x51: {  	p0 =	sne.s32 s1, $0x0;
	_ =	strace $0x90000053  }
0x52: {  	s0 =	sadd.s32 @!p0 $0x100000, s0;
	[bflag:$0x2] =	sbarrier.arrive $0xFFFF  }
0x53: {  	[sflag:s0] =	ssyncadd.tile.s32 @!p0 $0x1;
	_ =	shalt  }
.Lfunc_end2:
_tile_overlayer_lowered:
.L_overlay_start_2:
0x54: {  	(tag) =	ssettag $0x2  }
0x55: {  	s0 =	rddreg [dreg:$0x0];
	s2 =	stileid.u32  }
0x56: {  	s1 =	rddreg [dreg:$0x1];
	p0 =	sne.s32 s2, $0x0  }
0x57: {  	s3 =	rddreg [dreg:$0x2];
	[bflag:$0x3] =	sbarrier.arrive $0xFFFF;
	s2 =	simm.s32 @!p0 $0x1C01  }
0x58: {  	[timem:s3], [sflag:s2] =	dma.local @!p0 [hbm:s0], s1  }
0x59: {  	s0 =	simm.s32 @!p0 $0x1  }
0x5a: {  	_ =	swait.ge @!p0 [sflag:s0], s1  }
0x5b: {  	s1 =	ssub.s32 @!p0 $0x0, s1;
	[sflag:s0] =	ssyncset.done @!p0 $0x0  }
0x5c: {  	[sflag:s0] =	ssyncadd.s32 @!p0 s1  }
0x5d: {  	[bflag:$0x3] =	sbarrier.arrive $0xFFFF  }
0x5e: {  	_ =	shalt  }

// kernel: kernel.36.cloned.1.call-start
scs
__scs_entry_jumppad:
0x0: {  	(pc) =	sbr.rel $0x88, $3  }
0x1: {  	(tag) =	ssettag $0x0;
	lr =	simm.s32 $0x1  }
0x2: {  	[smem:$0x3F79] =	sst lr;
	_ =	strace $0xD0000000  }
0x3: {  	_ = 	snop  }
0x4: {  	_ = 	snop  }
0x5: {  	_ = 	snop  }
0x6: {  	_ = 	snop  }
0x7: {  	_ = 	snop  }
__scs_overlays_trampoline_lowered:
0x8: {  	[smem:$0x3F88] =	sst s0  }
0x9: {  	[smem:$0x3F89] =	sst s1  }
0xa: {  	[smem:$0x3F8A] =	sst s2  }
0xb: {  	[smem:$0x3F8B] =	sst s3  }
0xc: {  	[smem:$0x3F8C] =	sst s4  }
0xd: {  	[smem:$0x3F8D] =	sst s5  }
0xe: {  	[smem:$0x3F8E] =	sst s6  }
0xf: {  	[smem:$0x3F8F] =	sst s7  }
0x10: {  	[smem:$0x3F90] =	sst s8  }
0x11: {  	[smem:$0x3F91] =	sst s9;
	s0 =	simm.s32 @!p0 $0x0  }
0x12: {  	s1 =	sld [smem:$0x3F77];
	s0 =	simm.s32 @p0 $0x1  }
0x13: {  	[smem:$0x3F92] =	sst s0;
	s0 =	simm.s32 @!p1 $0x0  }
0x14: {  	s2 =	sld [smem:$0x3F76];
	s0 =	simm.s32 @p1 $0x1  }
0x15: {  	[smem:$0x3F93] =	sst s0;
	s0 =	simm.s32 @!p2 $0x0  }
0x16: {  	s3 =	sld [smem:$0x3FDB];
	s0 =	simm.s32 @p2 $0x1  }
0x17: {  	s4 =	simm.s32 $0x1BF5;
	[smem:$0x3F95] =	sst s0  }
0x18: {  	s0 =	sld [smem:$0x3F78];
	_ =	swait.ge [sflag:s4], $0x0  }
0x19: {  	s7 =	sld [smem:$0x3F79]  }
0x1a: {  	s8 =	sadd.s32 $0xFFFFE003, lr  }
0x1b: {  	s9 =	sadd.s32 $0xFFFFFEF7, lr;
	s5 =	simm.s32 $0xFFFFFFFF;
	p2 =	slt.u32 s8, $0xFFFFF086  }
0x1c: {  	p1 =	slt.u32 s9, $0xF7A;
	s5 =	simm.s32 @!p2 $0x0  }
0x1d: {  	s5 =	simm.s32 @p1 $0x1;
	p0 =	seq.s32 s7, s2  }
0x1e: {  	s7 =	smul.u32 @!p0 $0xF7A, s2;
	p2 =	seq.s32 @!p0 s5, $0x0  }
0x1f: {  	s9 =	smul.u32 $0xF7A, s1;
	s8 =	simm.s32 @!p0 $0x1BF5;
	p2 =	por !p2, p0  }
0x20: {  	[sflag:s8] =	ssyncset.s32 @!p0 $0xFFFFF086;
	s6 =	sadd.s32 @!p0 s3, s7;
	s7 =	simm.s32 @!p0 $0x108  }
0x21: {  	s3 =	sadd.s32 s3, s9;
	s6 =	sadd.s32 @!p0 $0x88, s6;
	s7 =	simm.s32 @p2 $0x1082  }
0x22: {  	[simem:s7], [sflag:s8] =	dma.local @!p0 [hbm:s6], $0xF7A  }
0x23: {  	s9 =	sor.u32 $0xD0000000, s2;
	s6 =	simm.s32 $0x108;
	_ =	swait.ge @!p0 [sflag:s8], $0x0  }
0x24: {  	s3 =	sadd.s32 $0x88, s3;
	s6 =	simm.s32 @!p1 $0x1082;
	[sflag:s4] =	ssyncset.s32 $0xFFFFF086  }
0x25: {  	[simem:s6], [sflag:s4] =	dma.local [hbm:s3], $0xF7A  }
0x26: {  	[smem:$0x3F79] =	sst s1;
	(tag) =	ssettag s2;
	_ =	strace s9  }
0x27: {  	s1 =	sld [smem:$0x3F89]  }
0x28: {  	s2 =	sld [smem:$0x3F8A]  }
0x29: {  	s4 =	sld [smem:$0x3F8C]  }
0x2a: {  	p0 =	seq.s32 s5, $0x0;
	s5 =	sld [smem:$0x3F8D]  }
0x2b: {  	s6 =	sld [smem:$0x3F8E]  }
0x2c: {  	s7 =	sld [smem:$0x3F8F]  }
0x2d: {  	s3 =	simm.s32 $0x108;
	s8 =	sld [smem:$0x3F90]  }
0x2e: {  	s3 =	simm.s32 @!p0 $0x1082;
	s9 =	sld [smem:$0x3F91]  }
0x2f: {  	lr =	sadd.s32 s0, s3;
	s0 =	sld [smem:$0x3F88]  }
0x30: {  	s3 =	sld [smem:$0x3F8B]  }
0x31: {  	[smem:$0x3F94] =	sst s10  }
0x32: {  	s10 =	sld [smem:$0x3F92];
	_ =	sdelay $0x3  }
0x33: {  	p0 =	seq.s32 s10, $0x1;
	s10 =	sld [smem:$0x3F94];
	_ =	sdelay $0x3  }
0x34: {  	[smem:$0x3F94] =	sst s10  }
0x35: {  	s10 =	sld [smem:$0x3F93];
	_ =	sdelay $0x3  }
0x36: {  	p1 =	seq.s32 s10, $0x1;
	s10 =	sld [smem:$0x3F94];
	_ =	sdelay $0x3  }
0x37: {  	[smem:$0x3F94] =	sst s10  }
0x38: {  	s10 =	sld [smem:$0x3F95]  }
0x39: {  	_ = 	snop;
	(pc) =	sbr.ind lr, $3  }
0x3a: {  	_ = 	snop  }
0x3b: {  	_ = 	snop  }
0x3c: {  	p2 =	seq.s32 s10, $0x1;
	s10 =	sld [smem:$0x3F94]  }
0x3d: {  	_ =	shalt  }
0x3e: {  	_ =	shalt  }
0x3f: {  	_ =	shalt  }
0x40: {  	_ =	shalt  }
0x41: {  	_ =	shalt  }
0x42: {  	_ =	shalt  }
0x43: {  	_ =	shalt  }
0x44: {  	_ =	shalt  }
0x45: {  	_ =	shalt  }
0x46: {  	_ =	shalt  }
0x47: {  	_ =	shalt  }
0x48: {  	_ =	shalt  }
0x49: {  	_ =	shalt  }
0x4a: {  	_ =	shalt  }
0x4b: {  	_ =	shalt  }
0x4c: {  	_ =	shalt  }
0x4d: {  	_ =	shalt  }
0x4e: {  	_ =	shalt  }
0x4f: {  	_ =	shalt  }
0x50: {  	_ =	shalt  }
0x51: {  	_ =	shalt  }
0x52: {  	_ =	shalt  }
0x53: {  	_ =	shalt  }
0x54: {  	_ =	shalt  }
0x55: {  	_ =	shalt  }
0x56: {  	_ =	shalt  }
0x57: {  	_ =	shalt  }
0x58: {  	_ =	shalt  }
0x59: {  	_ =	shalt  }
0x5a: {  	_ =	shalt  }
0x5b: {  	_ =	shalt  }
0x5c: {  	_ =	shalt  }
0x5d: {  	_ =	shalt  }
0x5e: {  	_ =	shalt  }
0x5f: {  	_ =	shalt  }
0x60: {  	_ =	shalt  }
0x61: {  	_ =	shalt  }
0x62: {  	_ =	shalt  }
0x63: {  	_ =	shalt  }
0x64: {  	_ =	shalt  }
0x65: {  	_ =	shalt  }
0x66: {  	_ =	shalt  }
0x67: {  	_ =	shalt  }
0x68: {  	_ =	shalt  }
0x69: {  	_ =	shalt  }
0x6a: {  	_ =	shalt  }
0x6b: {  	_ =	shalt  }
0x6c: {  	_ =	shalt  }
0x6d: {  	_ =	shalt  }
0x6e: {  	_ =	shalt  }
0x6f: {  	_ =	shalt  }
0x70: {  	_ =	shalt  }
0x71: {  	_ =	shalt  }
0x72: {  	_ =	shalt  }
0x73: {  	_ =	shalt  }
0x74: {  	_ =	shalt  }
0x75: {  	_ =	shalt  }
0x76: {  	_ =	shalt  }
0x77: {  	_ =	shalt  }
0x78: {  	_ =	shalt  }
0x79: {  	_ =	shalt  }
0x7a: {  	_ =	shalt  }
0x7b: {  	_ =	shalt  }
0x7c: {  	_ =	shalt  }
0x7d: {  	_ =	shalt  }
0x7e: {  	_ =	shalt  }
0x7f: {  	_ =	shalt  }
0x80: {  	_ =	shalt  }
0x81: {  	_ =	shalt  }
0x82: {  	_ =	shalt  }
0x83: {  	_ =	shalt  }
0x84: {  	_ =	shalt  }
0x85: {  	_ =	shalt  }
0x86: {  	_ =	shalt  }
0x87: {  	_ =	shalt  }
.Lfunc_end0:
.L_simem_size_0:
called_computation.5_lowered:
.L_overlay_start_0:
0x88: {  	s2 =	sld [smem:$0x3FD9]  }
0x89: {  	s3 =	sld [smem:$0x3FFE];
	_ =	sdelay $0x1  }
0x8a: {  	s1 =	srdreg.scid  }
0x8b: {  	s0 =	sand.u32 $0x1, s1  }
0x8c: {  	s16 =	sshll.u32 s0, $0xA;
	s2 =	sadd.s32 s3, s2  }
0x8d: {  	s2 =	sadd.s32 s2, s16  }
0x8e: {  	[smem:$0x3FA0] =	sst s2  }
0x8f: {  	_ = 	snop  }
0x90: {  	(tm) =	ssettm $0x1  }
0x91: {  	s17 =	sld [smem:$0x3FFB];
	_ =	sdelay $0x3  }
0x92: {  	_ =	strace s17  }
0x93: {  	s2 =	sld [smem:$0x3FFC];
	_ =	sdelay $0x3  }
0x94: {  	_ =	strace s2  }
0x95: {  	s2 =	sld [smem:$0x3FFD];
	_ =	sdelay $0x3  }
0x96: {  	_ =	strace s2  }
0x97: {  	_ =	strace $0x8FFFFFFF  }
0x98: {  	s18 =	sld [smem:$0x3FDB];
	_ =	sdelay $0x1  }
0x99: {  	s19 =	simm.s32 $_scs_section_size  }
0x9a: {  	s4 =	simm.s32 $_size__tile_overlayer_lowered;
	s5 =	simm.s32 $_tile_overlayer_lowered  }
0x9b: {  	s22 =	simm.s32 $0x1BFF;
	s21 =	sshll.u32 s5, $0x1;
	s2 =	sadd.s32 s19, s18  }
0x9c: {  	s6 =	simm.s32 $0x0;
	s20 =	sshll.u32 s4, $0x1;
	s4 =	sadd.s32 s21, s2  }
0x9d: {  	[timem:s6], [sflag:s22] =	dma.local [hbm:s4], s20  }
0x9e: {  	_ =	swait.ge [sflag:s22], s20  }
0x9f: {  	s3 =	ssub.s32 $0x0, s20;
	[sflag:s22] =	ssyncset.done $0x0  }
0xa0: {  	[sflag:s22] =	ssyncadd.s32 s3;
	_ =	sdelay $0x1  }
0xa1: {  	s23 =	simm.s32 $0x1B8B  }
0xa2: {  	_ =	swait.ge [sflag:s23], $0x1  }
0xa3: {  	[sflag:s23] =	ssyncset.done $0x0  }
0xa4: {  	s25 =	simm.s32 $0x1B8E;
	s24 =	sld [smem:$0x3FFE];
	[sflag:s23] =	ssyncadd.s32 $0xFFFFFFFF  }
0xa5: {  	s26 =	simm.s32 $execute0_lowered;
	[smem:$0x3FD2] =	sst s25  }
0xa6: {  	s4 =	sshll.u32 s26, $0x1;
	_ =	strace $0x80000055;
	[dreg:$0x1] =	wrdreg $0xFFFFFFFF  }
0xa7: {  	s28 =	simm.s32 $_size_execute0_lowered;
	s2 =	sadd.s32 s2, s4;
	[dreg:$0x0] =	wrdreg $0x0  }
0xa8: {  	s4 =	sshll.u32 s28, $0x1;
	[dreg:$0x2] =	wrdreg s2  }
0xa9: {  	[dreg:$0x3] =	wrdreg s4  }
0xaa: {  	[dreg:$0x4] =	wrdreg $0xC0  }
0xab: {  	_ =	task [dreg:s6], $0x5FFFF  }
0xac: {  	[dreg:$0x1] =	wrdreg $0xFFFFFFFF  }
0xad: {  	[dreg:$0x0] =	wrdreg $0x60  }
0xae: {  	[dreg:$0x2] =	wrdreg s24  }
0xaf: {  	[dreg:$0x3] =	wrdreg $0x9  }
0xb0: {  	_ =	task.clear_ibuf [dreg:s6], $0x4FFFF;
	_ =	strace $0x90000055  }
0xb1: {  	s29 =	simm.s32 $0x9;
	_ =	strace $0x80000057  }
0xb2: {  	_ =	swait.ge [sflag:s29], $0x1  }
0xb3: {  	[sflag:s29] =	ssyncadd.s32 $0xFFFFFFFF  }
0xb4: {  	_ =	strace $0x90000057  }
0xb5: {  	_ =	sfence  }
0xb6: {  	s30 =	sld [smem:$0x0];
	_ =	sdelay $0x2  }
0xb7: {  	s31 =	sshll.u32 s1, $0xD;
	s1 =	sshrl.u32 s1, $0x2  }
0xb8: {  	s3 =	sand.u32 $0x4000, s31;
	s1 =	sadd.s32 s1, s30  }
0xb9: {  	s0 =	sor.u32 s3, s0;
	s1 =	sshll.u32 s1, $0x11  }
0xba: {  	s0 =	sor.u32 s1, s0  }
0xbb: {  	s0 =	sadd.s32 $0x8F2B, s0  }
0xbc: {  	[sflag:s0] =	ssyncadd.remote.s32 $0x1  }
0xbd: {  	_ =	sfence.sel $0xFFFF  }
0xbe: {  	[dreg:$0x0] =	wrdreg $0xFFFFFFFF;
	(pc) =	sbr.abs _section_cstart, $3  }
0xbf: {  	[dreg:$0x1] =	wrdreg $0xFFFFFFFF  }
0xc0: {  	_ =	task.clear_ibuf [dreg:s6], $0x2FFFF;
	_ =	strace $0x9FFFFFFF  }
0xc1: {  	(tm) =	ssettm $0x7FFFFFFF  }
tec
execute0_lowered:
.L_overlay_start_1:
0x0: {  	(tag) =	ssettag $0x1  }
0x1: {  	s5 =	rddreg [dreg:$0x0];
	s1 =	srdreg.scid  }
0x2: {  	s0 =	rddreg [dreg:$0x1];
	s2 =	simm.s32 $0x0;
	s18 =	simm.s32 $0x10  }
0x3: {  	s19 =	simm.s32 $0x4100;
	s20 =	simm.s32 $0x0;
	s6 =	sand.u32 $0x1, s1  }
0x4: {  	[smem:$0x7FF] =	sst s2;
	s1 =	stileid.u32;
	s3 =	sadd.s32 $0x83600, s5  }
0x5: {  	s13 =	sadd.s32 $0xAA800, s5;
	s12 =	sadd.s32 $0xB4600, s5;
	s14 =	smul.u32 $0x271000, s6  }
0x6: {  	s10 =	sadd.s32 $0x1495600, s5;
	s4 =	sshll.u32 s6, $0x4;
	s16 =	smul.u32 $0x27100, s6  }
0x7: {  	s11 =	sadd.s32 $0x15D600, s5;
	s17 =	smul.u32 $0x2710, s1;
	s7 =	sor.u32 s1, s4  }
0x8: {  	_ =	strace $0x80000056;
	s8 =	ssub.s32 $0x2, s6;
	s7 =	smul.u32 $0x2710, s7  }
0x9: {  	s30 =	smul.u32 $0x27100, s1;
	s4 =	sadd.s32 $0xBE400, s5;
	s28 =	sshrl.u32 s8, $0x1  }
0xa: {  	s9 =	ssub.s32 s8, s28;
	s31 =	sadd.s32 s17, s16;
	s7 =	sadd.s32 $0x2700, s7  }
0xb: {  	s16 =	simm.s32 $0x100;
	s17 =	simm.s32 $0x1;
	s29 =	sshrl.u32 s7, $0x3  }
0xc: {  	s9 =	smax.u32 s9, $0x1;
	s15 =	sshll.u32 s7, $0x4;
	s5 =	sadd.s32 s13, s29  }
0xd: {  	s6 =	sadd.s32 s10, s15;
	s7 =	sadd.s32 s12, s29;
	s8 =	sadd.s32 s11, s15  }
0xe: {  	s10 =	sadd.s32 s14, s10;
	s11 =	sadd.s32 s14, s11;
	s14 =	sshrl.u32 s31, $0x3  }
0xf: {  	s15 =	simm.s32 $0x80;
	s10 =	sadd.s32 s30, s10;
	s11 =	sadd.s32 s30, s11  }
0x10: {  	s12 =	sadd.s32 s14, s12;
	s13 =	sadd.s32 s14, s13;
	s14 =	simm.s32 $0x2  }
.LBB2_1:
0x11: {  	s21 =	sadd.s32 $0x0, s13  }
0x12: {  	[tilespmem:s2], [sflag:$0x2] =	stream.linear.gather [hbm4b:s21+s2], $0x80, $0x38;
	[tilespmem:$0x4900] =	vst v63  }
0x13: {  	_ =	swait.ge [sflag:s14], $0x80  }
0x14: {  	[sflag:s14] =	ssyncset.done $0x0  }
0x15: {  	[sflag:s14] =	ssyncadd.s32 $0xFFFFFF80  }
0x16: {  	[tilespmem:s16], [sflag:$0x1] =	stream.indirect.gather [hbm4b:s3+s15], $0x80, s2, s15, $0xb8;
	[tilespmem:$0x4900] =	vst v63  }
0x17: {  	_ =	swait.ge [sflag:s17], $0x4000  }
0x18: {  	[sflag:s17] =	ssyncset.done $0x0  }
0x19: {  	[sflag:s17] =	ssyncadd.s32 $0xFFFFC000  }
0x1a: {  	[hbm4b:s10+s2] =	stream.linear.scatter [tilespmem:s16], [sflag:$0x2], $0x4000, $0x38;
	[tilespmem:$0x4900] =	vst v63  }
0x1b: {  	_ =	swait.ge [sflag:s14], $0x4000  }
0x1c: {  	[sflag:s14] =	ssyncset.done $0x0  }
0x1d: {  	s31 =	sadd.s32 $0x0, s12;
	[sflag:s14] =	ssyncadd.s32 $0xFFFFC000  }
0x1e: {  	[tilespmem:s2], [sflag:$0x2] =	stream.linear.gather [hbm4b:s31+s2], $0x80, $0x38;
	[tilespmem:$0x4900] =	vst v63  }
0x1f: {  	_ =	swait.ge [sflag:s14], $0x80  }
0x20: {  	[sflag:s14] =	ssyncset.done $0x0  }
0x21: {  	[sflag:s14] =	ssyncadd.s32 $0xFFFFFF80  }
0x22: {  	[tilespmem:s16], [sflag:$0x1] =	stream.indirect.gather [hbm4b:s4+s15], $0x80, s2, s15, $0xb8;
	[tilespmem:$0x4900] =	vst v63  }
0x23: {  	_ =	swait.ge [sflag:s17], $0x4000  }
0x24: {  	[sflag:s17] =	ssyncset.done $0x0  }
0x25: {  	[sflag:s17] =	ssyncadd.s32 $0xFFFFC000  }
0x26: {  	[hbm4b:s11+s2] =	stream.linear.scatter [tilespmem:s16], [sflag:$0x2], $0x4000, $0x38;
	[tilespmem:$0x4900] =	vst v63  }
0x27: {  	s22 =	simm.s32 $0x10;
	s24 =	simm.s32 $0x20;
	_ =	swait.ge [sflag:s14], $0x4000  }
0x28: {  	s23 =	sadd.s32 $0x800, s10;
	s21 =	sadd.s32 $0x800, s11;
	[sflag:s14] =	ssyncset.done $0x0  }
.LBB2_2:
0x29: {  	s25 =	sadd.s32 s22, s13  }
0x2a: {  	[sflag:s14] =	ssyncadd.s32 $0xFFFFC000;
	s26 =	smov.u32 s24;
	s28 =	sadd.s32 $0x10, s24  }
0x2b: {  	[tilespmem:s2], [sflag:$0x2] =	stream.linear.gather [hbm4b:s25+s2], $0x80, $0x38;
	[tilespmem:$0x4900] =	vst v63  }
0x2c: {  	p0 =	sne.s32 s24, $0x4D0;
	_ =	swait.ge [sflag:s14], $0x80  }
0x2d: {  	[sflag:s14] =	ssyncset.done $0x0  }
0x2e: {  	[sflag:s14] =	ssyncadd.s32 $0xFFFFFF80  }
0x2f: {  	[tilespmem:s16], [sflag:$0x1] =	stream.indirect.gather [hbm4b:s3+s15], $0x80, s2, s15, $0xb8;
	[tilespmem:$0x4900] =	vst v63  }
0x30: {  	_ =	swait.ge [sflag:s17], $0x4000  }
0x31: {  	[sflag:s17] =	ssyncset.done $0x0  }
0x32: {  	[sflag:s17] =	ssyncadd.s32 $0xFFFFC000  }
0x33: {  	[hbm4b:s23+s2] =	stream.linear.scatter [tilespmem:s16], [sflag:$0x2], $0x4000, $0x38;
	[tilespmem:$0x4900] =	vst v63  }
0x34: {  	_ =	swait.ge [sflag:s14], $0x4000  }
0x35: {  	[sflag:s14] =	ssyncset.done $0x0  }
0x36: {  	s24 =	sadd.s32 s22, s12;
	s22 =	smov.u32 s26;
	[sflag:s14] =	ssyncadd.s32 $0xFFFFC000  }
0x37: {  	[tilespmem:s2], [sflag:$0x2] =	stream.linear.gather [hbm4b:s24+s2], $0x80, $0x38;
	[tilespmem:$0x4900] =	vst v63  }
0x38: {  	_ =	swait.ge [sflag:s14], $0x80  }
0x39: {  	[sflag:s14] =	ssyncset.done $0x0  }
0x3a: {  	[sflag:s14] =	ssyncadd.s32 $0xFFFFFF80  }
0x3b: {  	[tilespmem:s16], [sflag:$0x1] =	stream.indirect.gather [hbm4b:s4+s15], $0x80, s2, s15, $0xb8;
	[tilespmem:$0x4900] =	vst v63  }
0x3c: {  	_ =	swait.ge [sflag:s17], $0x4000  }
.Ltmp0:
0x3d: {  	[sflag:s17] =	ssyncset.done $0x0;
	(pc) =	sbr.rel @p0 .LBB2_2-.Ltmp0, $4  }
0x3e: {  	[sflag:s17] =	ssyncadd.s32 $0xFFFFC000  }
0x3f: {  	[hbm4b:s21+s2] =	stream.linear.scatter [tilespmem:s16], [sflag:$0x2], $0x4000, $0x38;
	[tilespmem:$0x4900] =	vst v63  }
0x40: {  	s23 =	sadd.s32 $0x800, s23;
	_ =	swait.ge [sflag:s14], $0x4000  }
0x41: {  	s24 =	smov.u32 s28;
	s21 =	sadd.s32 $0x800, s21;
	[sflag:s14] =	ssyncset.done $0x0  }
0x42: {  	s24 =	sadd.s32 s22, s13;
	[sflag:s14] =	ssyncadd.s32 $0xFFFFC000  }
0x43: {  	[tilespmem:s2], [sflag:$0x2] =	stream.linear.gather [hbm4b:s24+s2], $0x80, $0x38;
	[tilespmem:$0x4900] =	vst v63  }
0x44: {  	_ =	swait.ge [sflag:s14], $0x80  }
0x45: {  	[sflag:s14] =	ssyncset.done $0x0  }
0x46: {  	[sflag:s14] =	ssyncadd.s32 $0xFFFFFF80  }
0x47: {  	[tilespmem:s16], [sflag:$0x1] =	stream.indirect.gather [hbm4b:s3+s15], $0x80, s2, s15, $0xb8;
	[tilespmem:$0x4900] =	vst v63  }
0x48: {  	_ =	swait.ge [sflag:s17], $0x4000  }
0x49: {  	[sflag:s17] =	ssyncset.done $0x0  }
0x4a: {  	[sflag:s17] =	ssyncadd.s32 $0xFFFFC000  }
0x4b: {  	[hbm4b:s23+s2] =	stream.linear.scatter [tilespmem:s16], [sflag:$0x2], $0x4000, $0x38;
	[tilespmem:$0x4900] =	vst v63  }
0x4c: {  	_ =	swait.ge [sflag:s14], $0x4000  }
0x4d: {  	[sflag:s14] =	ssyncset.done $0x0  }
0x4e: {  	s31 =	sadd.s32 s22, s12;
	[sflag:s14] =	ssyncadd.s32 $0xFFFFC000  }
0x4f: {  	[tilespmem:s2], [sflag:$0x2] =	stream.linear.gather [hbm4b:s31+s2], $0x80, $0x38;
	[tilespmem:$0x4900] =	vst v63  }
0x50: {  	_ =	swait.ge [sflag:s14], $0x80  }
0x51: {  	[sflag:s14] =	ssyncset.done $0x0  }
0x52: {  	[sflag:s14] =	ssyncadd.s32 $0xFFFFFF80  }
0x53: {  	[tilespmem:s16], [sflag:$0x1] =	stream.indirect.gather [hbm4b:s4+s15], $0x80, s2, s15, $0xb8;
	[tilespmem:$0x4900] =	vst v63  }
0x54: {  	_ =	swait.ge [sflag:s17], $0x4000  }
0x55: {  	[sflag:s17] =	ssyncset.done $0x0  }
0x56: {  	[sflag:s17] =	ssyncadd.s32 $0xFFFFC000  }
0x57: {  	[hbm4b:s21+s2] =	stream.linear.scatter [tilespmem:s16], [sflag:$0x2], $0x4000, $0x38;
	[tilespmem:$0x4900] =	vst v63  }
0x58: {  	_ =	swait.ge [sflag:s14], $0x4000  }
0x59: {  	[sflag:s14] =	ssyncset.done $0x0  }
0x5a: {  	[sflag:s14] =	ssyncadd.s32 $0xFFFFC000  }
0x5b: {  	[tilespmem:s15], [sflag:$0x2] =	stream.linear.gather [hbm4b:s5+s2], $0x10, $0x38;
	[tilespmem:$0x4900] =	vst v63  }
0x5c: {  	_ =	swait.ge [sflag:s14], $0x10  }
0x5d: {  	[sflag:s14] =	ssyncset.done $0x0  }
0x5e: {  	[sflag:s14] =	ssyncadd.s32 $0xFFFFFFF0  }
0x5f: {  	[tilespmem:s19], [sflag:$0x1] =	stream.indirect.gather [hbm4b:s3+s18], $0x80, s15, s18, $0xb8;
	[tilespmem:$0x4900] =	vst v63  }
0x60: {  	_ =	swait.ge [sflag:s17], $0x800  }
0x61: {  	[sflag:s17] =	ssyncset.done $0x0  }
0x62: {  	[sflag:s17] =	ssyncadd.s32 $0xFFFFF800  }
0x63: {  	[hbm4b:s6+s2] =	stream.linear.scatter [tilespmem:s19], [sflag:$0x2], $0x800, $0x38;
	[tilespmem:$0x4900] =	vst v63  }
0x64: {  	_ =	swait.ge [sflag:s14], $0x800  }
0x65: {  	[sflag:s14] =	ssyncset.done $0x0  }
0x66: {  	[sflag:s14] =	ssyncadd.s32 $0xFFFFF800  }
0x67: {  	[tilespmem:s15], [sflag:$0x2] =	stream.linear.gather [hbm4b:s7+s2], $0x10, $0x38;
	[tilespmem:$0x4900] =	vst v63  }
0x68: {  	_ =	swait.ge [sflag:s14], $0x10  }
0x69: {  	[sflag:s14] =	ssyncset.done $0x0  }
0x6a: {  	[sflag:s14] =	ssyncadd.s32 $0xFFFFFFF0  }
0x6b: {  	[tilespmem:s19], [sflag:$0x1] =	stream.indirect.gather [hbm4b:s4+s18], $0x80, s15, s18, $0xb8;
	[tilespmem:$0x4900] =	vst v63  }
0x6c: {  	s20 =	sadd.s32 $0x1, s20;
	_ =	swait.ge [sflag:s17], $0x800  }
0x6d: {  	p0 =	sne.s32 s20, s9;
	[sflag:s17] =	ssyncset.done $0x0  }
.Ltmp1:
0x6e: {  	[sflag:s17] =	ssyncadd.s32 $0xFFFFF800;
	(pc) =	sbr.rel @p0 .LBB2_1-.Ltmp1, $4  }
0x6f: {  	[hbm4b:s8+s2] =	stream.linear.scatter [tilespmem:s19], [sflag:$0x2], $0x800, $0x38;
	[tilespmem:$0x4900] =	vst v63  }
0x70: {  	_ =	swait.ge [sflag:s14], $0x800  }
0x71: {  	[sflag:s14] =	ssyncset.done $0x0  }
0x72: {  	[sflag:s14] =	ssyncadd.s32 $0xFFFFF800  }
0x73: {  	_ =	sfence.sel $0x180000  }
0x74: {  	[bflag:$0x0] =	sbarrier.arrive $0xFFFF  }
0x75: {  	p0 =	sne.s32 s1, $0x0;
	_ =	strace $0x90000056  }
0x76: {  	s0 =	sadd.s32 @!p0 $0x100000, s0;
	[bflag:$0x2] =	sbarrier.arrive $0xFFFF  }
0x77: {  	[sflag:s0] =	ssyncadd.tile.s32 @!p0 $0x1;
	_ =	shalt  }
.Lfunc_end2:
_tile_overlayer_lowered:
.L_overlay_start_2:
0x78: {  	(tag) =	ssettag $0x2  }
0x79: {  	s0 =	rddreg [dreg:$0x0];
	s2 =	stileid.u32  }
0x7a: {  	s1 =	rddreg [dreg:$0x1];
	p0 =	sne.s32 s2, $0x0  }
0x7b: {  	s3 =	rddreg [dreg:$0x2];
	[bflag:$0x3] =	sbarrier.arrive $0xFFFF;
	s2 =	simm.s32 @!p0 $0x1C02  }
0x7c: {  	[timem:s3], [sflag:s2] =	dma.local @!p0 [hbm:s0], s1  }
0x7d: {  	s0 =	simm.s32 @!p0 $0x2  }
0x7e: {  	_ =	swait.ge @!p0 [sflag:s0], s1  }
0x7f: {  	s1 =	ssub.s32 @!p0 $0x0, s1;
	[sflag:s0] =	ssyncset.done @!p0 $0x0  }
0x80: {  	[sflag:s0] =	ssyncadd.s32 @!p0 s1  }
0x81: {  	[bflag:$0x3] =	sbarrier.arrive $0xFFFF  }
0x82: {  	_ =	shalt  }

// kernel: kernel.39.cloned.1.call-start
scs
__scs_entry_jumppad:
0x0: {  	(pc) =	sbr.rel $0x88, $3  }
0x1: {  	(tag) =	ssettag $0x0;
	lr =	simm.s32 $0x1  }
0x2: {  	[smem:$0x3F79] =	sst lr;
	_ =	strace $0xD0000000  }
0x3: {  	_ = 	snop  }
0x4: {  	_ = 	snop  }
0x5: {  	_ = 	snop  }
0x6: {  	_ = 	snop  }
0x7: {  	_ = 	snop  }
__scs_overlays_trampoline_lowered:
0x8: {  	[smem:$0x3F88] =	sst s0  }
0x9: {  	[smem:$0x3F89] =	sst s1  }
0xa: {  	[smem:$0x3F8A] =	sst s2  }
0xb: {  	[smem:$0x3F8B] =	sst s3  }
0xc: {  	[smem:$0x3F8C] =	sst s4  }
0xd: {  	[smem:$0x3F8D] =	sst s5  }
0xe: {  	[smem:$0x3F8E] =	sst s6  }
0xf: {  	[smem:$0x3F8F] =	sst s7  }
0x10: {  	[smem:$0x3F90] =	sst s8  }
0x11: {  	[smem:$0x3F91] =	sst s9;
	s0 =	simm.s32 @!p0 $0x0  }
0x12: {  	s1 =	sld [smem:$0x3F77];
	s0 =	simm.s32 @p0 $0x1  }
0x13: {  	[smem:$0x3F92] =	sst s0;
	s0 =	simm.s32 @!p1 $0x0  }
0x14: {  	s2 =	sld [smem:$0x3F76];
	s0 =	simm.s32 @p1 $0x1  }
0x15: {  	[smem:$0x3F93] =	sst s0;
	s0 =	simm.s32 @!p2 $0x0  }
0x16: {  	s3 =	sld [smem:$0x3FDB];
	s0 =	simm.s32 @p2 $0x1  }
0x17: {  	s4 =	simm.s32 $0x1BF5;
	[smem:$0x3F95] =	sst s0  }
0x18: {  	s0 =	sld [smem:$0x3F78];
	_ =	swait.ge [sflag:s4], $0x0  }
0x19: {  	s7 =	sld [smem:$0x3F79]  }
0x1a: {  	s8 =	sadd.s32 $0xFFFFE003, lr  }
0x1b: {  	s9 =	sadd.s32 $0xFFFFFEF7, lr;
	s5 =	simm.s32 $0xFFFFFFFF;
	p2 =	slt.u32 s8, $0xFFFFF086  }
0x1c: {  	p1 =	slt.u32 s9, $0xF7A;
	s5 =	simm.s32 @!p2 $0x0  }
0x1d: {  	s5 =	simm.s32 @p1 $0x1;
	p0 =	seq.s32 s7, s2  }
0x1e: {  	s7 =	smul.u32 @!p0 $0xF7A, s2;
	p2 =	seq.s32 @!p0 s5, $0x0  }
0x1f: {  	s9 =	smul.u32 $0xF7A, s1;
	s8 =	simm.s32 @!p0 $0x1BF5;
	p2 =	por !p2, p0  }
0x20: {  	[sflag:s8] =	ssyncset.s32 @!p0 $0xFFFFF086;
	s6 =	sadd.s32 @!p0 s3, s7;
	s7 =	simm.s32 @!p0 $0x108  }
0x21: {  	s3 =	sadd.s32 s3, s9;
	s6 =	sadd.s32 @!p0 $0x88, s6;
	s7 =	simm.s32 @p2 $0x1082  }
0x22: {  	[simem:s7], [sflag:s8] =	dma.local @!p0 [hbm:s6], $0xF7A  }
0x23: {  	s9 =	sor.u32 $0xD0000000, s2;
	s6 =	simm.s32 $0x108;
	_ =	swait.ge @!p0 [sflag:s8], $0x0  }
0x24: {  	s3 =	sadd.s32 $0x88, s3;
	s6 =	simm.s32 @!p1 $0x1082;
	[sflag:s4] =	ssyncset.s32 $0xFFFFF086  }
0x25: {  	[simem:s6], [sflag:s4] =	dma.local [hbm:s3], $0xF7A  }
0x26: {  	[smem:$0x3F79] =	sst s1;
	(tag) =	ssettag s2;
	_ =	strace s9  }
0x27: {  	s1 =	sld [smem:$0x3F89]  }
0x28: {  	s2 =	sld [smem:$0x3F8A]  }
0x29: {  	s4 =	sld [smem:$0x3F8C]  }
0x2a: {  	p0 =	seq.s32 s5, $0x0;
	s5 =	sld [smem:$0x3F8D]  }
0x2b: {  	s6 =	sld [smem:$0x3F8E]  }
0x2c: {  	s7 =	sld [smem:$0x3F8F]  }
0x2d: {  	s3 =	simm.s32 $0x108;
	s8 =	sld [smem:$0x3F90]  }
0x2e: {  	s3 =	simm.s32 @!p0 $0x1082;
	s9 =	sld [smem:$0x3F91]  }
0x2f: {  	lr =	sadd.s32 s0, s3;
	s0 =	sld [smem:$0x3F88]  }
0x30: {  	s3 =	sld [smem:$0x3F8B]  }
0x31: {  	[smem:$0x3F94] =	sst s10  }
0x32: {  	s10 =	sld [smem:$0x3F92];
	_ =	sdelay $0x3  }
0x33: {  	p0 =	seq.s32 s10, $0x1;
	s10 =	sld [smem:$0x3F94];
	_ =	sdelay $0x3  }
0x34: {  	[smem:$0x3F94] =	sst s10  }
0x35: {  	s10 =	sld [smem:$0x3F93];
	_ =	sdelay $0x3  }
0x36: {  	p1 =	seq.s32 s10, $0x1;
	s10 =	sld [smem:$0x3F94];
	_ =	sdelay $0x3  }
0x37: {  	[smem:$0x3F94] =	sst s10  }
0x38: {  	s10 =	sld [smem:$0x3F95]  }
0x39: {  	_ = 	snop;
	(pc) =	sbr.ind lr, $3  }
0x3a: {  	_ = 	snop  }
0x3b: {  	_ = 	snop  }
0x3c: {  	p2 =	seq.s32 s10, $0x1;
	s10 =	sld [smem:$0x3F94]  }
0x3d: {  	_ =	shalt  }
0x3e: {  	_ =	shalt  }
0x3f: {  	_ =	shalt  }
0x40: {  	_ =	shalt  }
0x41: {  	_ =	shalt  }
0x42: {  	_ =	shalt  }
0x43: {  	_ =	shalt  }
0x44: {  	_ =	shalt  }
0x45: {  	_ =	shalt  }
0x46: {  	_ =	shalt  }
0x47: {  	_ =	shalt  }
0x48: {  	_ =	shalt  }
0x49: {  	_ =	shalt  }
0x4a: {  	_ =	shalt  }
0x4b: {  	_ =	shalt  }
0x4c: {  	_ =	shalt  }
0x4d: {  	_ =	shalt  }
0x4e: {  	_ =	shalt  }
0x4f: {  	_ =	shalt  }
0x50: {  	_ =	shalt  }
0x51: {  	_ =	shalt  }
0x52: {  	_ =	shalt  }
0x53: {  	_ =	shalt  }
0x54: {  	_ =	shalt  }
0x55: {  	_ =	shalt  }
0x56: {  	_ =	shalt  }
0x57: {  	_ =	shalt  }
0x58: {  	_ =	shalt  }
0x59: {  	_ =	shalt  }
0x5a: {  	_ =	shalt  }
0x5b: {  	_ =	shalt  }
0x5c: {  	_ =	shalt  }
0x5d: {  	_ =	shalt  }
0x5e: {  	_ =	shalt  }
0x5f: {  	_ =	shalt  }
0x60: {  	_ =	shalt  }
0x61: {  	_ =	shalt  }
0x62: {  	_ =	shalt  }
0x63: {  	_ =	shalt  }
0x64: {  	_ =	shalt  }
0x65: {  	_ =	shalt  }
0x66: {  	_ =	shalt  }
0x67: {  	_ =	shalt  }
0x68: {  	_ =	shalt  }
0x69: {  	_ =	shalt  }
0x6a: {  	_ =	shalt  }
0x6b: {  	_ =	shalt  }
0x6c: {  	_ =	shalt  }
0x6d: {  	_ =	shalt  }
0x6e: {  	_ =	shalt  }
0x6f: {  	_ =	shalt  }
0x70: {  	_ =	shalt  }
0x71: {  	_ =	shalt  }
0x72: {  	_ =	shalt  }
0x73: {  	_ =	shalt  }
0x74: {  	_ =	shalt  }
0x75: {  	_ =	shalt  }
0x76: {  	_ =	shalt  }
0x77: {  	_ =	shalt  }
0x78: {  	_ =	shalt  }
0x79: {  	_ =	shalt  }
0x7a: {  	_ =	shalt  }
0x7b: {  	_ =	shalt  }
0x7c: {  	_ =	shalt  }
0x7d: {  	_ =	shalt  }
0x7e: {  	_ =	shalt  }
0x7f: {  	_ =	shalt  }
0x80: {  	_ =	shalt  }
0x81: {  	_ =	shalt  }
0x82: {  	_ =	shalt  }
0x83: {  	_ =	shalt  }
0x84: {  	_ =	shalt  }
0x85: {  	_ =	shalt  }
0x86: {  	_ =	shalt  }
0x87: {  	_ =	shalt  }
.Lfunc_end0:
.L_simem_size_0:
called_computation.6_lowered:
.L_overlay_start_0:
0x88: {  	s2 =	sld [smem:$0x3FD9]  }
0x89: {  	s3 =	sld [smem:$0x3FFE];
	_ =	sdelay $0x1  }
0x8a: {  	s1 =	srdreg.scid  }
0x8b: {  	s0 =	sand.u32 $0x1, s1  }
0x8c: {  	s16 =	sshll.u32 s0, $0xA;
	s2 =	sadd.s32 s3, s2  }
0x8d: {  	s2 =	sadd.s32 s2, s16  }
0x8e: {  	[smem:$0x3FA0] =	sst s2  }
0x8f: {  	_ = 	snop  }
0x90: {  	(tm) =	ssettm $0x1  }
0x91: {  	s17 =	sld [smem:$0x3FFB];
	_ =	sdelay $0x3  }
0x92: {  	_ =	strace s17  }
0x93: {  	s2 =	sld [smem:$0x3FFC];
	_ =	sdelay $0x3  }
0x94: {  	_ =	strace s2  }
0x95: {  	s2 =	sld [smem:$0x3FFD];
	_ =	sdelay $0x3  }
0x96: {  	_ =	strace s2  }
0x97: {  	_ =	strace $0x8FFFFFFF  }
0x98: {  	s18 =	sld [smem:$0x3FDB];
	_ =	sdelay $0x1  }
0x99: {  	s19 =	simm.s32 $_scs_section_size  }
0x9a: {  	s4 =	simm.s32 $_size__tile_overlayer_lowered;
	s5 =	simm.s32 $_tile_overlayer_lowered  }
0x9b: {  	s22 =	simm.s32 $0x1BFF;
	s21 =	sshll.u32 s5, $0x1;
	s2 =	sadd.s32 s19, s18  }
0x9c: {  	s6 =	simm.s32 $0x0;
	s20 =	sshll.u32 s4, $0x1;
	s4 =	sadd.s32 s21, s2  }
0x9d: {  	[timem:s6], [sflag:s22] =	dma.local [hbm:s4], s20  }
0x9e: {  	_ =	swait.ge [sflag:s22], s20  }
0x9f: {  	s3 =	ssub.s32 $0x0, s20;
	[sflag:s22] =	ssyncset.done $0x0  }
0xa0: {  	[sflag:s22] =	ssyncadd.s32 s3;
	_ =	sdelay $0x1  }
0xa1: {  	s23 =	simm.s32 $0x1B8B  }
0xa2: {  	_ =	swait.ge [sflag:s23], $0x1  }
0xa3: {  	[sflag:s23] =	ssyncset.done $0x0  }
0xa4: {  	s25 =	simm.s32 $0x1B8E;
	s24 =	sld [smem:$0x3FFE];
	[sflag:s23] =	ssyncadd.s32 $0xFFFFFFFF  }
0xa5: {  	s26 =	simm.s32 $execute0_lowered;
	[smem:$0x3FD2] =	sst s25  }
0xa6: {  	s4 =	sshll.u32 s26, $0x1;
	_ =	strace $0x80000058;
	[dreg:$0x1] =	wrdreg $0xFFFFFFFF  }
0xa7: {  	s28 =	simm.s32 $_size_execute0_lowered;
	s2 =	sadd.s32 s2, s4;
	[dreg:$0x0] =	wrdreg $0x0  }
0xa8: {  	s4 =	sshll.u32 s28, $0x1;
	[dreg:$0x2] =	wrdreg s2  }
0xa9: {  	[dreg:$0x3] =	wrdreg s4  }
0xaa: {  	[dreg:$0x4] =	wrdreg $0xC0  }
0xab: {  	_ =	task [dreg:s6], $0x5FFFF  }
0xac: {  	[dreg:$0x1] =	wrdreg $0xFFFFFFFF  }
0xad: {  	[dreg:$0x0] =	wrdreg $0x60  }
0xae: {  	[dreg:$0x2] =	wrdreg s24  }
0xaf: {  	[dreg:$0x3] =	wrdreg $0x49000  }
0xb0: {  	[dreg:$0x4] =	wrdreg $0x9  }
0xb1: {  	_ =	task.clear_ibuf [dreg:s6], $0x5FFFF;
	_ =	strace $0x90000058  }
0xb2: {  	s29 =	simm.s32 $0x9;
	_ =	strace $0x8000005A  }
0xb3: {  	_ =	swait.ge [sflag:s29], $0x1  }
0xb4: {  	[sflag:s29] =	ssyncadd.s32 $0xFFFFFFFF  }
0xb5: {  	_ =	strace $0x9000005A  }
0xb6: {  	_ =	sfence  }
0xb7: {  	s30 =	sld [smem:$0x0];
	_ =	sdelay $0x2  }
0xb8: {  	s31 =	sshll.u32 s1, $0xD;
	s1 =	sshrl.u32 s1, $0x2  }
0xb9: {  	s3 =	sand.u32 $0x4000, s31;
	s1 =	sadd.s32 s1, s30  }
0xba: {  	s0 =	sor.u32 s3, s0;
	s1 =	sshll.u32 s1, $0x11  }
0xbb: {  	s0 =	sor.u32 s1, s0  }
0xbc: {  	s0 =	sadd.s32 $0x8F2B, s0  }
0xbd: {  	[sflag:s0] =	ssyncadd.remote.s32 $0x1  }
0xbe: {  	_ =	sfence.sel $0xFFFF  }
0xbf: {  	[dreg:$0x0] =	wrdreg $0xFFFFFFFF;
	(pc) =	sbr.abs _section_cstart, $3  }
0xc0: {  	[dreg:$0x1] =	wrdreg $0xFFFFFFFF  }
0xc1: {  	_ =	task.clear_ibuf [dreg:s6], $0x2FFFF;
	_ =	strace $0x9FFFFFFF  }
0xc2: {  	(tm) =	ssettm $0x7FFFFFFF  }
0xc3: {  	_ =	shalt  }
tec
execute0_lowered:
.L_overlay_start_1:
0x0: {  	(tag) =	ssettag $0x1  }
0x1: {  	s4 =	rddreg [dreg:$0x0]  }
0x2: {  	s2 =	rddreg [dreg:$0x1];
	s1 =	stileid.u32  }
0x3: {  	s0 =	rddreg [dreg:$0x2];
	s6 =	smul.u32 $0x14000, s1  }
0x4: {  	s5 =	srdreg.scid;
	s3 =	simm.s32 $0x0;
	s12 =	smul.u32 $0x50000, s1  }
0x5: {  	s17 =	simm.s32 $0x10;
	s18 =	simm.s32 $0x0;
	s16 =	smul.u32 $0x2710, s1  }
0x6: {  	s8 =	sand.u32 $0x1, s5;
	[smem:$0x7FF] =	sst s3;
	s31 =	smul.u32 $0x27100, s1  }
0x7: {  	s10 =	sadd.s32 $0x63F600, s4;
	s11 =	sadd.s32 $0xB4600, s4;
	s5 =	smul.u32 $0x140000, s8  }
0x8: {  	s28 =	sshll.u32 s1, $0x6;
	_ =	strace $0x80000059;
	s14 =	smul.u32 $0x27100, s8  }
0x9: {  	s21 =	ssub.s32 $0x2, s8;
	s9 =	sshll.u32 s8, $0x4;
	s30 =	smul.u32 $0x271000, s8  }
0xa: {  	s7 =	sshrl.u32 s6, $0x3;
	s22 =	sshrl.u32 s21, $0x1;
	s23 =	sor.u32 s1, s9  }
0xb: {  	s26 =	sshrl.u32 s12, $0x2;
	s5 =	sadd.s32 s6, s5;
	s20 =	sadd.s32 s7, s4  }
0xc: {  	s24 =	ssub.s32 s21, s22;
	s25 =	smul.u32 $0x2710, s23;
	s12 =	sadd.s32 s26, s2  }
0xd: {  	s14 =	sadd.s32 s16, s14;
	s16 =	simm.s32 $0x4100;
	s5 =	sshrl.u32 s5, $0x3  }
0xe: {  	s9 =	smax.u32 s24, $0x1;
	s14 =	sshrl.u32 s14, $0x3;
	s12 =	sshrl.u32 s12, $0x3  }
0xf: {  	s13 =	sadd.s32 s5, s4;
	s4 =	sadd.s32 $0x146D600, s20;
	s29 =	sadd.s32 $0x2700, s25  }
0x10: {  	s5 =	sor.u32 $0x1C01, s28;
	s7 =	sshrl.u32 s29, $0x3;
	s15 =	sshll.u32 s29, $0x4  }
0x11: {  	s8 =	sadd.s32 $0x15D600, s13;
	s13 =	simm.s32 $0x1;
	s6 =	sadd.s32 s11, s7  }
0x12: {  	s7 =	sadd.s32 s10, s15;
	s10 =	sadd.s32 s30, s10;
	s11 =	sadd.s32 s14, s11  }
0x13: {  	s14 =	simm.s32 $0x100;
	s15 =	simm.s32 $0x80;
	s10 =	sadd.s32 s31, s10  }
.LBB2_1:
0x14: {  	[spmem:s12], [sflag:s5] =	dma.local [hbm:s4], $0x2800  }
0x15: {  	_ =	swait.ge [sflag:s13], $0x2800  }
0x16: {  	[sflag:s13] =	ssyncset.done $0x0  }
0x17: {  	[sflag:s13] =	ssyncadd.s32 $0xFFFFD800  }
0x18: {  	s19 =	sadd.s32 $0x0, s11;
	[bflag:$0x0] =	sbarrier.arrive $0xFFFF  }
0x19: {  	[tilespmem:s3], [sflag:$0x1] =	stream.linear.gather [hbm4b:s19+s3], $0x80, $0x38;
	[tilespmem:$0x18900] =	vst v63  }
0x1a: {  	_ =	swait.ge [sflag:s13], $0x80  }
0x1b: {  	[sflag:s13] =	ssyncset.done $0x0  }
0x1c: {  	[sflag:s13] =	ssyncadd.s32 $0xFFFFFF80  }
0x1d: {  	[tilespmem:s14], [sflag:$0x1] =	stream.linear.gather [hbm4b:s10+s3], $0x4000, $0x38;
	[tilespmem:$0x18900] =	vst v63  }
0x1e: {  	_ =	swait.ge [sflag:s13], $0x4000  }
0x1f: {  	[sflag:s13] =	ssyncset.done $0x0  }
0x20: {  	[sflag:s13] =	ssyncadd.s32 $0xFFFFC000  }
0x21: {  	[spmem:s2] =	stream.indirect.scatter.add.f32 [tilespmem:s14], [sflag:$0x1], $0x80, s3, s15, $0xb8;
	[tilespmem:$0x18900] =	vst v63  }
0x22: {  	s20 =	simm.s32 $0x10;
	_ =	swait.ge [sflag:s13], $0x4000  }
0x23: {  	s21 =	simm.s32 $0x20;
	s19 =	sadd.s32 $0x800, s10;
	[sflag:s13] =	ssyncset.done $0x0  }
.LBB2_2:
0x24: {  	s22 =	sadd.s32 s20, s11  }
0x25: {  	[sflag:s13] =	ssyncadd.s32 $0xFFFFC000;
	s20 =	smov.u32 s21;
	s23 =	sadd.s32 $0x10, s21  }
0x26: {  	[tilespmem:s3], [sflag:$0x1] =	stream.linear.gather [hbm4b:s22+s3], $0x80, $0x38;
	[tilespmem:$0x18900] =	vst v63  }
0x27: {  	p0 =	sne.s32 s21, $0x4D0;
	_ =	swait.ge [sflag:s13], $0x80  }
0x28: {  	[sflag:s13] =	ssyncset.done $0x0  }
0x29: {  	[sflag:s13] =	ssyncadd.s32 $0xFFFFFF80  }
0x2a: {  	[tilespmem:s14], [sflag:$0x1] =	stream.linear.gather [hbm4b:s19+s3], $0x4000, $0x38;
	[tilespmem:$0x18900] =	vst v63  }
0x2b: {  	_ =	swait.ge [sflag:s13], $0x4000  }
.Ltmp0:
0x2c: {  	[sflag:s13] =	ssyncset.done $0x0;
	(pc) =	sbr.rel @p0 .LBB2_2-.Ltmp0, $4  }
0x2d: {  	[sflag:s13] =	ssyncadd.s32 $0xFFFFC000  }
0x2e: {  	[spmem:s2] =	stream.indirect.scatter.add.f32 [tilespmem:s14], [sflag:$0x1], $0x80, s3, s15, $0xb8;
	[tilespmem:$0x18900] =	vst v63  }
0x2f: {  	_ =	swait.ge [sflag:s13], $0x4000  }
0x30: {  	s21 =	smov.u32 s23;
	s19 =	sadd.s32 $0x800, s19;
	[sflag:s13] =	ssyncset.done $0x0  }
0x31: {  	s20 =	sadd.s32 s20, s11;
	[sflag:s13] =	ssyncadd.s32 $0xFFFFC000  }
0x32: {  	[tilespmem:s3], [sflag:$0x1] =	stream.linear.gather [hbm4b:s20+s3], $0x80, $0x38;
	[tilespmem:$0x18900] =	vst v63  }
0x33: {  	_ =	swait.ge [sflag:s13], $0x80  }
0x34: {  	[sflag:s13] =	ssyncset.done $0x0  }
0x35: {  	[sflag:s13] =	ssyncadd.s32 $0xFFFFFF80  }
0x36: {  	[tilespmem:s14], [sflag:$0x1] =	stream.linear.gather [hbm4b:s19+s3], $0x4000, $0x38;
	[tilespmem:$0x18900] =	vst v63  }
0x37: {  	_ =	swait.ge [sflag:s13], $0x4000  }
0x38: {  	[sflag:s13] =	ssyncset.done $0x0  }
0x39: {  	[sflag:s13] =	ssyncadd.s32 $0xFFFFC000  }
0x3a: {  	[spmem:s2] =	stream.indirect.scatter.add.f32 [tilespmem:s14], [sflag:$0x1], $0x80, s3, s15, $0xb8;
	[tilespmem:$0x18900] =	vst v63  }
0x3b: {  	_ =	swait.ge [sflag:s13], $0x4000  }
0x3c: {  	[sflag:s13] =	ssyncset.done $0x0  }
0x3d: {  	[sflag:s13] =	ssyncadd.s32 $0xFFFFC000  }
0x3e: {  	[tilespmem:s15], [sflag:$0x1] =	stream.linear.gather [hbm4b:s6+s3], $0x10, $0x38;
	[tilespmem:$0x18900] =	vst v63  }
0x3f: {  	_ =	swait.ge [sflag:s13], $0x10  }
0x40: {  	[sflag:s13] =	ssyncset.done $0x0  }
0x41: {  	[sflag:s13] =	ssyncadd.s32 $0xFFFFFFF0  }
0x42: {  	[tilespmem:s16], [sflag:$0x1] =	stream.linear.gather [hbm4b:s7+s3], $0x800, $0x38;
	[tilespmem:$0x18900] =	vst v63  }
0x43: {  	_ =	swait.ge [sflag:s13], $0x800  }
0x44: {  	[sflag:s13] =	ssyncset.done $0x0  }
0x45: {  	[sflag:s13] =	ssyncadd.s32 $0xFFFFF800  }
0x46: {  	[spmem:s2] =	stream.indirect.scatter.add.f32 [tilespmem:s16], [sflag:$0x1], $0x80, s15, s17, $0xb8;
	[tilespmem:$0x18900] =	vst v63  }
0x47: {  	_ =	swait.ge [sflag:s13], $0x800  }
0x48: {  	s18 =	sadd.s32 $0x1, s18;
	[sflag:s13] =	ssyncset.done $0x0  }
0x49: {  	p0 =	sne.s32 s18, s9;
	[sflag:s13] =	ssyncadd.s32 $0xFFFFF800  }
.Ltmp1:
0x4a: {  	[bflag:$0x0] =	sbarrier.arrive $0xFFFF;
	(pc) =	sbr.rel @p0 .LBB2_1-.Ltmp1, $4  }
0x4b: {  	[hbm:s8], [sflag:s5] =	dma.local [spmem:s12], $0x2800  }
0x4c: {  	_ =	swait.ge [sflag:s13], $0x2800  }
0x4d: {  	[sflag:s13] =	ssyncset.done $0x0  }
0x4e: {  	[sflag:s13] =	ssyncadd.s32 $0xFFFFD800  }
0x4f: {  	_ =	sfence.sel $0x180000  }
0x50: {  	[bflag:$0x0] =	sbarrier.arrive $0xFFFF  }
0x51: {  	p0 =	sne.s32 s1, $0x0;
	_ =	strace $0x90000059  }
0x52: {  	s0 =	sadd.s32 @!p0 $0x100000, s0;
	[bflag:$0x2] =	sbarrier.arrive $0xFFFF  }
0x53: {  	[sflag:s0] =	ssyncadd.tile.s32 @!p0 $0x1;
	_ =	shalt  }
.Lfunc_end2:
_tile_overlayer_lowered:
.L_overlay_start_2:
0x54: {  	(tag) =	ssettag $0x2  }
0x55: {  	s0 =	rddreg [dreg:$0x0];
	s2 =	stileid.u32  }
0x56: {  	s1 =	rddreg [dreg:$0x1];
	p0 =	sne.s32 s2, $0x0  }
0x57: {  	s3 =	rddreg [dreg:$0x2];
	[bflag:$0x3] =	sbarrier.arrive $0xFFFF;
	s2 =	simm.s32 @!p0 $0x1C01  }
0x58: {  	[timem:s3], [sflag:s2] =	dma.local @!p0 [hbm:s0], s1  }
0x59: {  	s0 =	simm.s32 @!p0 $0x1  }
0x5a: {  	_ =	swait.ge @!p0 [sflag:s0], s1  }
0x5b: {  	s1 =	ssub.s32 @!p0 $0x0, s1;
	[sflag:s0] =	ssyncset.done @!p0 $0x0  }
0x5c: {  	[sflag:s0] =	ssyncadd.s32 @!p0 s1  }
0x5d: {  	[bflag:$0x3] =	sbarrier.arrive $0xFFFF  }
0x5e: {  	_ =	shalt  }

// kernel: kernel.42.cloned.1.call-start
scs
__scs_entry_jumppad:
0x0: {  	(pc) =	sbr.rel $0x88, $3  }
0x1: {  	(tag) =	ssettag $0x0;
	lr =	simm.s32 $0x1  }
0x2: {  	[smem:$0x3F79] =	sst lr;
	_ =	strace $0xD0000000  }
0x3: {  	_ = 	snop  }
0x4: {  	_ = 	snop  }
0x5: {  	_ = 	snop  }
0x6: {  	_ = 	snop  }
0x7: {  	_ = 	snop  }
__scs_overlays_trampoline_lowered:
0x8: {  	[smem:$0x3F88] =	sst s0  }
0x9: {  	[smem:$0x3F89] =	sst s1  }
0xa: {  	[smem:$0x3F8A] =	sst s2  }
0xb: {  	[smem:$0x3F8B] =	sst s3  }
0xc: {  	[smem:$0x3F8C] =	sst s4  }
0xd: {  	[smem:$0x3F8D] =	sst s5  }
0xe: {  	[smem:$0x3F8E] =	sst s6  }
0xf: {  	[smem:$0x3F8F] =	sst s7  }
0x10: {  	[smem:$0x3F90] =	sst s8  }
0x11: {  	[smem:$0x3F91] =	sst s9;
	s0 =	simm.s32 @!p0 $0x0  }
0x12: {  	s1 =	sld [smem:$0x3F77];
	s0 =	simm.s32 @p0 $0x1  }
0x13: {  	[smem:$0x3F92] =	sst s0;
	s0 =	simm.s32 @!p1 $0x0  }
0x14: {  	s2 =	sld [smem:$0x3F76];
	s0 =	simm.s32 @p1 $0x1  }
0x15: {  	[smem:$0x3F93] =	sst s0;
	s0 =	simm.s32 @!p2 $0x0  }
0x16: {  	s3 =	sld [smem:$0x3FDB];
	s0 =	simm.s32 @p2 $0x1  }
0x17: {  	s4 =	simm.s32 $0x1BF5;
	[smem:$0x3F95] =	sst s0  }
0x18: {  	s0 =	sld [smem:$0x3F78];
	_ =	swait.ge [sflag:s4], $0x0  }
0x19: {  	s7 =	sld [smem:$0x3F79]  }
0x1a: {  	s8 =	sadd.s32 $0xFFFFE003, lr  }
0x1b: {  	s9 =	sadd.s32 $0xFFFFFEF7, lr;
	s5 =	simm.s32 $0xFFFFFFFF;
	p2 =	slt.u32 s8, $0xFFFFF086  }
0x1c: {  	p1 =	slt.u32 s9, $0xF7A;
	s5 =	simm.s32 @!p2 $0x0  }
0x1d: {  	s5 =	simm.s32 @p1 $0x1;
	p0 =	seq.s32 s7, s2  }
0x1e: {  	s7 =	smul.u32 @!p0 $0xF7A, s2;
	p2 =	seq.s32 @!p0 s5, $0x0  }
0x1f: {  	s9 =	smul.u32 $0xF7A, s1;
	s8 =	simm.s32 @!p0 $0x1BF5;
	p2 =	por !p2, p0  }
0x20: {  	[sflag:s8] =	ssyncset.s32 @!p0 $0xFFFFF086;
	s6 =	sadd.s32 @!p0 s3, s7;
	s7 =	simm.s32 @!p0 $0x108  }
0x21: {  	s3 =	sadd.s32 s3, s9;
	s6 =	sadd.s32 @!p0 $0x88, s6;
	s7 =	simm.s32 @p2 $0x1082  }
0x22: {  	[simem:s7], [sflag:s8] =	dma.local @!p0 [hbm:s6], $0xF7A  }
0x23: {  	s9 =	sor.u32 $0xD0000000, s2;
	s6 =	simm.s32 $0x108;
	_ =	swait.ge @!p0 [sflag:s8], $0x0  }
0x24: {  	s3 =	sadd.s32 $0x88, s3;
	s6 =	simm.s32 @!p1 $0x1082;
	[sflag:s4] =	ssyncset.s32 $0xFFFFF086  }
0x25: {  	[simem:s6], [sflag:s4] =	dma.local [hbm:s3], $0xF7A  }
0x26: {  	[smem:$0x3F79] =	sst s1;
	(tag) =	ssettag s2;
	_ =	strace s9  }
0x27: {  	s1 =	sld [smem:$0x3F89]  }
0x28: {  	s2 =	sld [smem:$0x3F8A]  }
0x29: {  	s4 =	sld [smem:$0x3F8C]  }
0x2a: {  	p0 =	seq.s32 s5, $0x0;
	s5 =	sld [smem:$0x3F8D]  }
0x2b: {  	s6 =	sld [smem:$0x3F8E]  }
0x2c: {  	s7 =	sld [smem:$0x3F8F]  }
0x2d: {  	s3 =	simm.s32 $0x108;
	s8 =	sld [smem:$0x3F90]  }
0x2e: {  	s3 =	simm.s32 @!p0 $0x1082;
	s9 =	sld [smem:$0x3F91]  }
0x2f: {  	lr =	sadd.s32 s0, s3;
	s0 =	sld [smem:$0x3F88]  }
0x30: {  	s3 =	sld [smem:$0x3F8B]  }
0x31: {  	[smem:$0x3F94] =	sst s10  }
0x32: {  	s10 =	sld [smem:$0x3F92];
	_ =	sdelay $0x3  }
0x33: {  	p0 =	seq.s32 s10, $0x1;
	s10 =	sld [smem:$0x3F94];
	_ =	sdelay $0x3  }
0x34: {  	[smem:$0x3F94] =	sst s10  }
0x35: {  	s10 =	sld [smem:$0x3F93];
	_ =	sdelay $0x3  }
0x36: {  	p1 =	seq.s32 s10, $0x1;
	s10 =	sld [smem:$0x3F94];
	_ =	sdelay $0x3  }
0x37: {  	[smem:$0x3F94] =	sst s10  }
0x38: {  	s10 =	sld [smem:$0x3F95]  }
0x39: {  	_ = 	snop;
	(pc) =	sbr.ind lr, $3  }
0x3a: {  	_ = 	snop  }
0x3b: {  	_ = 	snop  }
0x3c: {  	p2 =	seq.s32 s10, $0x1;
	s10 =	sld [smem:$0x3F94]  }
0x3d: {  	_ =	shalt  }
0x3e: {  	_ =	shalt  }
0x3f: {  	_ =	shalt  }
0x40: {  	_ =	shalt  }
0x41: {  	_ =	shalt  }
0x42: {  	_ =	shalt  }
0x43: {  	_ =	shalt  }
0x44: {  	_ =	shalt  }
0x45: {  	_ =	shalt  }
0x46: {  	_ =	shalt  }
0x47: {  	_ =	shalt  }
0x48: {  	_ =	shalt  }
0x49: {  	_ =	shalt  }
0x4a: {  	_ =	shalt  }
0x4b: {  	_ =	shalt  }
0x4c: {  	_ =	shalt  }
0x4d: {  	_ =	shalt  }
0x4e: {  	_ =	shalt  }
0x4f: {  	_ =	shalt  }
0x50: {  	_ =	shalt  }
0x51: {  	_ =	shalt  }
0x52: {  	_ =	shalt  }
0x53: {  	_ =	shalt  }
0x54: {  	_ =	shalt  }
0x55: {  	_ =	shalt  }
0x56: {  	_ =	shalt  }
0x57: {  	_ =	shalt  }
0x58: {  	_ =	shalt  }
0x59: {  	_ =	shalt  }
0x5a: {  	_ =	shalt  }
0x5b: {  	_ =	shalt  }
0x5c: {  	_ =	shalt  }
0x5d: {  	_ =	shalt  }
0x5e: {  	_ =	shalt  }
0x5f: {  	_ =	shalt  }
0x60: {  	_ =	shalt  }
0x61: {  	_ =	shalt  }
0x62: {  	_ =	shalt  }
0x63: {  	_ =	shalt  }
0x64: {  	_ =	shalt  }
0x65: {  	_ =	shalt  }
0x66: {  	_ =	shalt  }
0x67: {  	_ =	shalt  }
0x68: {  	_ =	shalt  }
0x69: {  	_ =	shalt  }
0x6a: {  	_ =	shalt  }
0x6b: {  	_ =	shalt  }
0x6c: {  	_ =	shalt  }
0x6d: {  	_ =	shalt  }
0x6e: {  	_ =	shalt  }
0x6f: {  	_ =	shalt  }
0x70: {  	_ =	shalt  }
0x71: {  	_ =	shalt  }
0x72: {  	_ =	shalt  }
0x73: {  	_ =	shalt  }
0x74: {  	_ =	shalt  }
0x75: {  	_ =	shalt  }
0x76: {  	_ =	shalt  }
0x77: {  	_ =	shalt  }
0x78: {  	_ =	shalt  }
0x79: {  	_ =	shalt  }
0x7a: {  	_ =	shalt  }
0x7b: {  	_ =	shalt  }
0x7c: {  	_ =	shalt  }
0x7d: {  	_ =	shalt  }
0x7e: {  	_ =	shalt  }
0x7f: {  	_ =	shalt  }
0x80: {  	_ =	shalt  }
0x81: {  	_ =	shalt  }
0x82: {  	_ =	shalt  }
0x83: {  	_ =	shalt  }
0x84: {  	_ =	shalt  }
0x85: {  	_ =	shalt  }
0x86: {  	_ =	shalt  }
0x87: {  	_ =	shalt  }
.Lfunc_end0:
.L_simem_size_0:
called_computation.7_lowered:
.L_overlay_start_0:
0x88: {  	s2 =	sld [smem:$0x3FD9]  }
0x89: {  	s3 =	sld [smem:$0x3FFE];
	_ =	sdelay $0x1  }
0x8a: {  	s1 =	srdreg.scid  }
0x8b: {  	s0 =	sand.u32 $0x1, s1  }
0x8c: {  	s16 =	sshll.u32 s0, $0xA;
	s2 =	sadd.s32 s3, s2  }
0x8d: {  	s2 =	sadd.s32 s2, s16  }
0x8e: {  	[smem:$0x3FA0] =	sst s2  }
0x8f: {  	_ = 	snop  }
0x90: {  	(tm) =	ssettm $0x1  }
0x91: {  	s17 =	sld [smem:$0x3FFB];
	_ =	sdelay $0x3  }
0x92: {  	_ =	strace s17  }
0x93: {  	s2 =	sld [smem:$0x3FFC];
	_ =	sdelay $0x3  }
0x94: {  	_ =	strace s2  }
0x95: {  	s2 =	sld [smem:$0x3FFD];
	_ =	sdelay $0x3  }
0x96: {  	_ =	strace s2  }
0x97: {  	_ =	strace $0x8FFFFFFF  }
0x98: {  	s18 =	sld [smem:$0x3FDB];
	_ =	sdelay $0x1  }
0x99: {  	s19 =	simm.s32 $_scs_section_size  }
0x9a: {  	s4 =	simm.s32 $_size__tile_overlayer_lowered;
	s5 =	simm.s32 $_tile_overlayer_lowered  }
0x9b: {  	s22 =	simm.s32 $0x1BFF;
	s21 =	sshll.u32 s5, $0x1;
	s2 =	sadd.s32 s19, s18  }
0x9c: {  	s6 =	simm.s32 $0x0;
	s20 =	sshll.u32 s4, $0x1;
	s4 =	sadd.s32 s21, s2  }
0x9d: {  	[timem:s6], [sflag:s22] =	dma.local [hbm:s4], s20  }
0x9e: {  	_ =	swait.ge [sflag:s22], s20  }
0x9f: {  	s3 =	ssub.s32 $0x0, s20;
	[sflag:s22] =	ssyncset.done $0x0  }
0xa0: {  	[sflag:s22] =	ssyncadd.s32 s3;
	_ =	sdelay $0x1  }
0xa1: {  	s23 =	simm.s32 $0x1B8B  }
0xa2: {  	_ =	swait.ge [sflag:s23], $0x1  }
0xa3: {  	[sflag:s23] =	ssyncset.done $0x0  }
0xa4: {  	s25 =	simm.s32 $0x1B8E;
	s24 =	sld [smem:$0x3FFE];
	[sflag:s23] =	ssyncadd.s32 $0xFFFFFFFF  }
0xa5: {  	s26 =	simm.s32 $execute0_lowered;
	[smem:$0x3FD2] =	sst s25  }
0xa6: {  	s4 =	sshll.u32 s26, $0x1;
	_ =	strace $0x8000005B;
	[dreg:$0x1] =	wrdreg $0xFFFFFFFF  }
0xa7: {  	s28 =	simm.s32 $_size_execute0_lowered;
	s2 =	sadd.s32 s2, s4;
	[dreg:$0x0] =	wrdreg $0x0  }
0xa8: {  	s4 =	sshll.u32 s28, $0x1;
	[dreg:$0x2] =	wrdreg s2  }
0xa9: {  	[dreg:$0x3] =	wrdreg s4  }
0xaa: {  	[dreg:$0x4] =	wrdreg $0xC0  }
0xab: {  	_ =	task [dreg:s6], $0x5FFFF  }
0xac: {  	[dreg:$0x1] =	wrdreg $0xFFFFFFFF  }
0xad: {  	[dreg:$0x0] =	wrdreg $0x60  }
0xae: {  	[dreg:$0x2] =	wrdreg s24  }
0xaf: {  	[dreg:$0x3] =	wrdreg $0x9  }
0xb0: {  	_ =	task.clear_ibuf [dreg:s6], $0x4FFFF;
	_ =	strace $0x9000005B  }
0xb1: {  	s29 =	simm.s32 $0x9;
	_ =	strace $0x8000005D  }
0xb2: {  	_ =	swait.ge [sflag:s29], $0x1  }
0xb3: {  	[sflag:s29] =	ssyncadd.s32 $0xFFFFFFFF  }
0xb4: {  	_ =	strace $0x9000005D  }
0xb5: {  	_ =	sfence  }
0xb6: {  	s30 =	sld [smem:$0x0];
	_ =	sdelay $0x2  }
0xb7: {  	s31 =	sshll.u32 s1, $0xD;
	s1 =	sshrl.u32 s1, $0x2  }
0xb8: {  	s3 =	sand.u32 $0x4000, s31;
	s1 =	sadd.s32 s1, s30  }
0xb9: {  	s0 =	sor.u32 s3, s0;
	s1 =	sshll.u32 s1, $0x11  }
0xba: {  	s0 =	sor.u32 s1, s0  }
0xbb: {  	s0 =	sadd.s32 $0x8F2B, s0  }
0xbc: {  	[sflag:s0] =	ssyncadd.remote.s32 $0x1  }
0xbd: {  	_ =	sfence.sel $0xFFFF  }
0xbe: {  	[dreg:$0x0] =	wrdreg $0xFFFFFFFF;
	(pc) =	sbr.abs _section_cstart, $3  }
0xbf: {  	[dreg:$0x1] =	wrdreg $0xFFFFFFFF  }
0xc0: {  	_ =	task.clear_ibuf [dreg:s6], $0x2FFFF;
	_ =	strace $0x9FFFFFFF  }
0xc1: {  	(tm) =	ssettm $0x7FFFFFFF  }
tec
execute0_lowered:
.L_overlay_start_1:
0x0: {  	(tag) =	ssettag $0x1  }
0x1: {  	s5 =	rddreg [dreg:$0x0];
	s1 =	srdreg.scid  }
0x2: {  	s0 =	rddreg [dreg:$0x1];
	s2 =	simm.s32 $0x0;
	s18 =	simm.s32 $0x10  }
0x3: {  	s19 =	simm.s32 $0x4100;
	s20 =	simm.s32 $0x0;
	s6 =	sand.u32 $0x1, s1  }
0x4: {  	[smem:$0x7FF] =	sst s2;
	s1 =	stileid.u32;
	s3 =	sadd.s32 $0x36000, s5  }
0x5: {  	s13 =	sadd.s32 $0xAA800, s5;
	s12 =	sadd.s32 $0xB4600, s5;
	s14 =	smul.u32 $0x271000, s6  }
0x6: {  	s10 =	sadd.s32 $0x1495600, s5;
	s4 =	sshll.u32 s6, $0x4;
	s16 =	smul.u32 $0x27100, s6  }
0x7: {  	s11 =	sadd.s32 $0x15D600, s5;
	s17 =	smul.u32 $0x2710, s1;
	s7 =	sor.u32 s1, s4  }
0x8: {  	_ =	strace $0x8000005C;
	s8 =	ssub.s32 $0x2, s6;
	s7 =	smul.u32 $0x2710, s7  }
0x9: {  	s30 =	smul.u32 $0x27100, s1;
	s4 =	sadd.s32 $0x5D200, s5;
	s28 =	sshrl.u32 s8, $0x1  }
0xa: {  	s9 =	ssub.s32 s8, s28;
	s31 =	sadd.s32 s17, s16;
	s7 =	sadd.s32 $0x2700, s7  }
0xb: {  	s16 =	simm.s32 $0x100;
	s17 =	simm.s32 $0x1;
	s29 =	sshrl.u32 s7, $0x3  }
0xc: {  	s9 =	smax.u32 s9, $0x1;
	s15 =	sshll.u32 s7, $0x4;
	s5 =	sadd.s32 s13, s29  }
0xd: {  	s6 =	sadd.s32 s10, s15;
	s7 =	sadd.s32 s12, s29;
	s8 =	sadd.s32 s11, s15  }
0xe: {  	s10 =	sadd.s32 s14, s10;
	s11 =	sadd.s32 s14, s11;
	s14 =	sshrl.u32 s31, $0x3  }
0xf: {  	s15 =	simm.s32 $0x80;
	s10 =	sadd.s32 s30, s10;
	s11 =	sadd.s32 s30, s11  }
0x10: {  	s12 =	sadd.s32 s14, s12;
	s13 =	sadd.s32 s14, s13;
	s14 =	simm.s32 $0x2  }
.LBB2_1:
0x11: {  	s21 =	sadd.s32 $0x0, s13  }
0x12: {  	[tilespmem:s2], [sflag:$0x2] =	stream.linear.gather [hbm4b:s21+s2], $0x80, $0x38;
	[tilespmem:$0x4900] =	vst v63  }
0x13: {  	_ =	swait.ge [sflag:s14], $0x80  }
0x14: {  	[sflag:s14] =	ssyncset.done $0x0  }
0x15: {  	[sflag:s14] =	ssyncadd.s32 $0xFFFFFF80  }
0x16: {  	[tilespmem:s16], [sflag:$0x1] =	stream.indirect.gather [hbm4b:s3+s15], $0x80, s2, s15, $0xb8;
	[tilespmem:$0x4900] =	vst v63  }
0x17: {  	_ =	swait.ge [sflag:s17], $0x4000  }
0x18: {  	[sflag:s17] =	ssyncset.done $0x0  }
0x19: {  	[sflag:s17] =	ssyncadd.s32 $0xFFFFC000  }
0x1a: {  	[hbm4b:s10+s2] =	stream.linear.scatter [tilespmem:s16], [sflag:$0x2], $0x4000, $0x38;
	[tilespmem:$0x4900] =	vst v63  }
0x1b: {  	_ =	swait.ge [sflag:s14], $0x4000  }
0x1c: {  	[sflag:s14] =	ssyncset.done $0x0  }
0x1d: {  	s31 =	sadd.s32 $0x0, s12;
	[sflag:s14] =	ssyncadd.s32 $0xFFFFC000  }
0x1e: {  	[tilespmem:s2], [sflag:$0x2] =	stream.linear.gather [hbm4b:s31+s2], $0x80, $0x38;
	[tilespmem:$0x4900] =	vst v63  }
0x1f: {  	_ =	swait.ge [sflag:s14], $0x80  }
0x20: {  	[sflag:s14] =	ssyncset.done $0x0  }
0x21: {  	[sflag:s14] =	ssyncadd.s32 $0xFFFFFF80  }
0x22: {  	[tilespmem:s16], [sflag:$0x1] =	stream.indirect.gather [hbm4b:s4+s15], $0x80, s2, s15, $0xb8;
	[tilespmem:$0x4900] =	vst v63  }
0x23: {  	_ =	swait.ge [sflag:s17], $0x4000  }
0x24: {  	[sflag:s17] =	ssyncset.done $0x0  }
0x25: {  	[sflag:s17] =	ssyncadd.s32 $0xFFFFC000  }
0x26: {  	[hbm4b:s11+s2] =	stream.linear.scatter [tilespmem:s16], [sflag:$0x2], $0x4000, $0x38;
	[tilespmem:$0x4900] =	vst v63  }
0x27: {  	s22 =	simm.s32 $0x10;
	s24 =	simm.s32 $0x20;
	_ =	swait.ge [sflag:s14], $0x4000  }
0x28: {  	s23 =	sadd.s32 $0x800, s10;
	s21 =	sadd.s32 $0x800, s11;
	[sflag:s14] =	ssyncset.done $0x0  }
.LBB2_2:
0x29: {  	s25 =	sadd.s32 s22, s13  }
0x2a: {  	[sflag:s14] =	ssyncadd.s32 $0xFFFFC000;
	s26 =	smov.u32 s24;
	s28 =	sadd.s32 $0x10, s24  }
0x2b: {  	[tilespmem:s2], [sflag:$0x2] =	stream.linear.gather [hbm4b:s25+s2], $0x80, $0x38;
	[tilespmem:$0x4900] =	vst v63  }
0x2c: {  	p0 =	sne.s32 s24, $0x4D0;
	_ =	swait.ge [sflag:s14], $0x80  }
0x2d: {  	[sflag:s14] =	ssyncset.done $0x0  }
0x2e: {  	[sflag:s14] =	ssyncadd.s32 $0xFFFFFF80  }
0x2f: {  	[tilespmem:s16], [sflag:$0x1] =	stream.indirect.gather [hbm4b:s3+s15], $0x80, s2, s15, $0xb8;
	[tilespmem:$0x4900] =	vst v63  }
0x30: {  	_ =	swait.ge [sflag:s17], $0x4000  }
0x31: {  	[sflag:s17] =	ssyncset.done $0x0  }
0x32: {  	[sflag:s17] =	ssyncadd.s32 $0xFFFFC000  }
0x33: {  	[hbm4b:s23+s2] =	stream.linear.scatter [tilespmem:s16], [sflag:$0x2], $0x4000, $0x38;
	[tilespmem:$0x4900] =	vst v63  }
0x34: {  	_ =	swait.ge [sflag:s14], $0x4000  }
0x35: {  	[sflag:s14] =	ssyncset.done $0x0  }
0x36: {  	s24 =	sadd.s32 s22, s12;
	s22 =	smov.u32 s26;
	[sflag:s14] =	ssyncadd.s32 $0xFFFFC000  }
0x37: {  	[tilespmem:s2], [sflag:$0x2] =	stream.linear.gather [hbm4b:s24+s2], $0x80, $0x38;
	[tilespmem:$0x4900] =	vst v63  }
0x38: {  	_ =	swait.ge [sflag:s14], $0x80  }
0x39: {  	[sflag:s14] =	ssyncset.done $0x0  }
0x3a: {  	[sflag:s14] =	ssyncadd.s32 $0xFFFFFF80  }
0x3b: {  	[tilespmem:s16], [sflag:$0x1] =	stream.indirect.gather [hbm4b:s4+s15], $0x80, s2, s15, $0xb8;
	[tilespmem:$0x4900] =	vst v63  }
0x3c: {  	_ =	swait.ge [sflag:s17], $0x4000  }
.Ltmp0:
0x3d: {  	[sflag:s17] =	ssyncset.done $0x0;
	(pc) =	sbr.rel @p0 .LBB2_2-.Ltmp0, $4  }
0x3e: {  	[sflag:s17] =	ssyncadd.s32 $0xFFFFC000  }
0x3f: {  	[hbm4b:s21+s2] =	stream.linear.scatter [tilespmem:s16], [sflag:$0x2], $0x4000, $0x38;
	[tilespmem:$0x4900] =	vst v63  }
0x40: {  	s23 =	sadd.s32 $0x800, s23;
	_ =	swait.ge [sflag:s14], $0x4000  }
0x41: {  	s24 =	smov.u32 s28;
	s21 =	sadd.s32 $0x800, s21;
	[sflag:s14] =	ssyncset.done $0x0  }
0x42: {  	s24 =	sadd.s32 s22, s13;
	[sflag:s14] =	ssyncadd.s32 $0xFFFFC000  }
0x43: {  	[tilespmem:s2], [sflag:$0x2] =	stream.linear.gather [hbm4b:s24+s2], $0x80, $0x38;
	[tilespmem:$0x4900] =	vst v63  }
0x44: {  	_ =	swait.ge [sflag:s14], $0x80  }
0x45: {  	[sflag:s14] =	ssyncset.done $0x0  }
0x46: {  	[sflag:s14] =	ssyncadd.s32 $0xFFFFFF80  }
0x47: {  	[tilespmem:s16], [sflag:$0x1] =	stream.indirect.gather [hbm4b:s3+s15], $0x80, s2, s15, $0xb8;
	[tilespmem:$0x4900] =	vst v63  }
0x48: {  	_ =	swait.ge [sflag:s17], $0x4000  }
0x49: {  	[sflag:s17] =	ssyncset.done $0x0  }
0x4a: {  	[sflag:s17] =	ssyncadd.s32 $0xFFFFC000  }
0x4b: {  	[hbm4b:s23+s2] =	stream.linear.scatter [tilespmem:s16], [sflag:$0x2], $0x4000, $0x38;
	[tilespmem:$0x4900] =	vst v63  }
0x4c: {  	_ =	swait.ge [sflag:s14], $0x4000  }
0x4d: {  	[sflag:s14] =	ssyncset.done $0x0  }
0x4e: {  	s31 =	sadd.s32 s22, s12;
	[sflag:s14] =	ssyncadd.s32 $0xFFFFC000  }
0x4f: {  	[tilespmem:s2], [sflag:$0x2] =	stream.linear.gather [hbm4b:s31+s2], $0x80, $0x38;
	[tilespmem:$0x4900] =	vst v63  }
0x50: {  	_ =	swait.ge [sflag:s14], $0x80  }
0x51: {  	[sflag:s14] =	ssyncset.done $0x0  }
0x52: {  	[sflag:s14] =	ssyncadd.s32 $0xFFFFFF80  }
0x53: {  	[tilespmem:s16], [sflag:$0x1] =	stream.indirect.gather [hbm4b:s4+s15], $0x80, s2, s15, $0xb8;
	[tilespmem:$0x4900] =	vst v63  }
0x54: {  	_ =	swait.ge [sflag:s17], $0x4000  }
0x55: {  	[sflag:s17] =	ssyncset.done $0x0  }
0x56: {  	[sflag:s17] =	ssyncadd.s32 $0xFFFFC000  }
0x57: {  	[hbm4b:s21+s2] =	stream.linear.scatter [tilespmem:s16], [sflag:$0x2], $0x4000, $0x38;
	[tilespmem:$0x4900] =	vst v63  }
0x58: {  	_ =	swait.ge [sflag:s14], $0x4000  }
0x59: {  	[sflag:s14] =	ssyncset.done $0x0  }
0x5a: {  	[sflag:s14] =	ssyncadd.s32 $0xFFFFC000  }
0x5b: {  	[tilespmem:s15], [sflag:$0x2] =	stream.linear.gather [hbm4b:s5+s2], $0x10, $0x38;
	[tilespmem:$0x4900] =	vst v63  }
0x5c: {  	_ =	swait.ge [sflag:s14], $0x10  }
0x5d: {  	[sflag:s14] =	ssyncset.done $0x0  }
0x5e: {  	[sflag:s14] =	ssyncadd.s32 $0xFFFFFFF0  }
0x5f: {  	[tilespmem:s19], [sflag:$0x1] =	stream.indirect.gather [hbm4b:s3+s18], $0x80, s15, s18, $0xb8;
	[tilespmem:$0x4900] =	vst v63  }
0x60: {  	_ =	swait.ge [sflag:s17], $0x800  }
0x61: {  	[sflag:s17] =	ssyncset.done $0x0  }
0x62: {  	[sflag:s17] =	ssyncadd.s32 $0xFFFFF800  }
0x63: {  	[hbm4b:s6+s2] =	stream.linear.scatter [tilespmem:s19], [sflag:$0x2], $0x800, $0x38;
	[tilespmem:$0x4900] =	vst v63  }
0x64: {  	_ =	swait.ge [sflag:s14], $0x800  }
0x65: {  	[sflag:s14] =	ssyncset.done $0x0  }
0x66: {  	[sflag:s14] =	ssyncadd.s32 $0xFFFFF800  }
0x67: {  	[tilespmem:s15], [sflag:$0x2] =	stream.linear.gather [hbm4b:s7+s2], $0x10, $0x38;
	[tilespmem:$0x4900] =	vst v63  }
0x68: {  	_ =	swait.ge [sflag:s14], $0x10  }
0x69: {  	[sflag:s14] =	ssyncset.done $0x0  }
0x6a: {  	[sflag:s14] =	ssyncadd.s32 $0xFFFFFFF0  }
0x6b: {  	[tilespmem:s19], [sflag:$0x1] =	stream.indirect.gather [hbm4b:s4+s18], $0x80, s15, s18, $0xb8;
	[tilespmem:$0x4900] =	vst v63  }
0x6c: {  	s20 =	sadd.s32 $0x1, s20;
	_ =	swait.ge [sflag:s17], $0x800  }
0x6d: {  	p0 =	sne.s32 s20, s9;
	[sflag:s17] =	ssyncset.done $0x0  }
.Ltmp1:
0x6e: {  	[sflag:s17] =	ssyncadd.s32 $0xFFFFF800;
	(pc) =	sbr.rel @p0 .LBB2_1-.Ltmp1, $4  }
0x6f: {  	[hbm4b:s8+s2] =	stream.linear.scatter [tilespmem:s19], [sflag:$0x2], $0x800, $0x38;
	[tilespmem:$0x4900] =	vst v63  }
0x70: {  	_ =	swait.ge [sflag:s14], $0x800  }
0x71: {  	[sflag:s14] =	ssyncset.done $0x0  }
0x72: {  	[sflag:s14] =	ssyncadd.s32 $0xFFFFF800  }
0x73: {  	_ =	sfence.sel $0x180000  }
0x74: {  	[bflag:$0x0] =	sbarrier.arrive $0xFFFF  }
0x75: {  	p0 =	sne.s32 s1, $0x0;
	_ =	strace $0x9000005C  }
0x76: {  	s0 =	sadd.s32 @!p0 $0x100000, s0;
	[bflag:$0x2] =	sbarrier.arrive $0xFFFF  }
0x77: {  	[sflag:s0] =	ssyncadd.tile.s32 @!p0 $0x1;
	_ =	shalt  }
.Lfunc_end2:
_tile_overlayer_lowered:
.L_overlay_start_2:
0x78: {  	(tag) =	ssettag $0x2  }
0x79: {  	s0 =	rddreg [dreg:$0x0];
	s2 =	stileid.u32  }
0x7a: {  	s1 =	rddreg [dreg:$0x1];
	p0 =	sne.s32 s2, $0x0  }
0x7b: {  	s3 =	rddreg [dreg:$0x2];
	[bflag:$0x3] =	sbarrier.arrive $0xFFFF;
	s2 =	simm.s32 @!p0 $0x1C02  }
0x7c: {  	[timem:s3], [sflag:s2] =	dma.local @!p0 [hbm:s0], s1  }
0x7d: {  	s0 =	simm.s32 @!p0 $0x2  }
0x7e: {  	_ =	swait.ge @!p0 [sflag:s0], s1  }
0x7f: {  	s1 =	ssub.s32 @!p0 $0x0, s1;
	[sflag:s0] =	ssyncset.done @!p0 $0x0  }
0x80: {  	[sflag:s0] =	ssyncadd.s32 @!p0 s1  }
0x81: {  	[bflag:$0x3] =	sbarrier.arrive $0xFFFF  }
0x82: {  	_ =	shalt  }

// kernel: kernel.45.cloned.1.call-start
scs
__scs_entry_jumppad:
0x0: {  	(pc) =	sbr.rel $0x88, $3  }
0x1: {  	(tag) =	ssettag $0x0;
	lr =	simm.s32 $0x1  }
0x2: {  	[smem:$0x3F79] =	sst lr;
	_ =	strace $0xD0000000  }
0x3: {  	_ = 	snop  }
0x4: {  	_ = 	snop  }
0x5: {  	_ = 	snop  }
0x6: {  	_ = 	snop  }
0x7: {  	_ = 	snop  }
__scs_overlays_trampoline_lowered:
0x8: {  	[smem:$0x3F88] =	sst s0  }
0x9: {  	[smem:$0x3F89] =	sst s1  }
0xa: {  	[smem:$0x3F8A] =	sst s2  }
0xb: {  	[smem:$0x3F8B] =	sst s3  }
0xc: {  	[smem:$0x3F8C] =	sst s4  }
0xd: {  	[smem:$0x3F8D] =	sst s5  }
0xe: {  	[smem:$0x3F8E] =	sst s6  }
0xf: {  	[smem:$0x3F8F] =	sst s7  }
0x10: {  	[smem:$0x3F90] =	sst s8  }
0x11: {  	[smem:$0x3F91] =	sst s9;
	s0 =	simm.s32 @!p0 $0x0  }
0x12: {  	s1 =	sld [smem:$0x3F77];
	s0 =	simm.s32 @p0 $0x1  }
0x13: {  	[smem:$0x3F92] =	sst s0;
	s0 =	simm.s32 @!p1 $0x0  }
0x14: {  	s2 =	sld [smem:$0x3F76];
	s0 =	simm.s32 @p1 $0x1  }
0x15: {  	[smem:$0x3F93] =	sst s0;
	s0 =	simm.s32 @!p2 $0x0  }
0x16: {  	s3 =	sld [smem:$0x3FDB];
	s0 =	simm.s32 @p2 $0x1  }
0x17: {  	s4 =	simm.s32 $0x1BF5;
	[smem:$0x3F95] =	sst s0  }
0x18: {  	s0 =	sld [smem:$0x3F78];
	_ =	swait.ge [sflag:s4], $0x0  }
0x19: {  	s7 =	sld [smem:$0x3F79]  }
0x1a: {  	s8 =	sadd.s32 $0xFFFFE003, lr  }
0x1b: {  	s9 =	sadd.s32 $0xFFFFFEF7, lr;
	s5 =	simm.s32 $0xFFFFFFFF;
	p2 =	slt.u32 s8, $0xFFFFF086  }
0x1c: {  	p1 =	slt.u32 s9, $0xF7A;
	s5 =	simm.s32 @!p2 $0x0  }
0x1d: {  	s5 =	simm.s32 @p1 $0x1;
	p0 =	seq.s32 s7, s2  }
0x1e: {  	s7 =	smul.u32 @!p0 $0xF7A, s2;
	p2 =	seq.s32 @!p0 s5, $0x0  }
0x1f: {  	s9 =	smul.u32 $0xF7A, s1;
	s8 =	simm.s32 @!p0 $0x1BF5;
	p2 =	por !p2, p0  }
0x20: {  	[sflag:s8] =	ssyncset.s32 @!p0 $0xFFFFF086;
	s6 =	sadd.s32 @!p0 s3, s7;
	s7 =	simm.s32 @!p0 $0x108  }
0x21: {  	s3 =	sadd.s32 s3, s9;
	s6 =	sadd.s32 @!p0 $0x88, s6;
	s7 =	simm.s32 @p2 $0x1082  }
0x22: {  	[simem:s7], [sflag:s8] =	dma.local @!p0 [hbm:s6], $0xF7A  }
0x23: {  	s9 =	sor.u32 $0xD0000000, s2;
	s6 =	simm.s32 $0x108;
	_ =	swait.ge @!p0 [sflag:s8], $0x0  }
0x24: {  	s3 =	sadd.s32 $0x88, s3;
	s6 =	simm.s32 @!p1 $0x1082;
	[sflag:s4] =	ssyncset.s32 $0xFFFFF086  }
0x25: {  	[simem:s6], [sflag:s4] =	dma.local [hbm:s3], $0xF7A  }
0x26: {  	[smem:$0x3F79] =	sst s1;
	(tag) =	ssettag s2;
	_ =	strace s9  }
0x27: {  	s1 =	sld [smem:$0x3F89]  }
0x28: {  	s2 =	sld [smem:$0x3F8A]  }
0x29: {  	s4 =	sld [smem:$0x3F8C]  }
0x2a: {  	p0 =	seq.s32 s5, $0x0;
	s5 =	sld [smem:$0x3F8D]  }
0x2b: {  	s6 =	sld [smem:$0x3F8E]  }
0x2c: {  	s7 =	sld [smem:$0x3F8F]  }
0x2d: {  	s3 =	simm.s32 $0x108;
	s8 =	sld [smem:$0x3F90]  }
0x2e: {  	s3 =	simm.s32 @!p0 $0x1082;
	s9 =	sld [smem:$0x3F91]  }
0x2f: {  	lr =	sadd.s32 s0, s3;
	s0 =	sld [smem:$0x3F88]  }
0x30: {  	s3 =	sld [smem:$0x3F8B]  }
0x31: {  	[smem:$0x3F94] =	sst s10  }
0x32: {  	s10 =	sld [smem:$0x3F92];
	_ =	sdelay $0x3  }
0x33: {  	p0 =	seq.s32 s10, $0x1;
	s10 =	sld [smem:$0x3F94];
	_ =	sdelay $0x3  }
0x34: {  	[smem:$0x3F94] =	sst s10  }
0x35: {  	s10 =	sld [smem:$0x3F93];
	_ =	sdelay $0x3  }
0x36: {  	p1 =	seq.s32 s10, $0x1;
	s10 =	sld [smem:$0x3F94];
	_ =	sdelay $0x3  }
0x37: {  	[smem:$0x3F94] =	sst s10  }
0x38: {  	s10 =	sld [smem:$0x3F95]  }
0x39: {  	_ = 	snop;
	(pc) =	sbr.ind lr, $3  }
0x3a: {  	_ = 	snop  }
0x3b: {  	_ = 	snop  }
0x3c: {  	p2 =	seq.s32 s10, $0x1;
	s10 =	sld [smem:$0x3F94]  }
0x3d: {  	_ =	shalt  }
0x3e: {  	_ =	shalt  }
0x3f: {  	_ =	shalt  }
0x40: {  	_ =	shalt  }
0x41: {  	_ =	shalt  }
0x42: {  	_ =	shalt  }
0x43: {  	_ =	shalt  }
0x44: {  	_ =	shalt  }
0x45: {  	_ =	shalt  }
0x46: {  	_ =	shalt  }
0x47: {  	_ =	shalt  }
0x48: {  	_ =	shalt  }
0x49: {  	_ =	shalt  }
0x4a: {  	_ =	shalt  }
0x4b: {  	_ =	shalt  }
0x4c: {  	_ =	shalt  }
0x4d: {  	_ =	shalt  }
0x4e: {  	_ =	shalt  }
0x4f: {  	_ =	shalt  }
0x50: {  	_ =	shalt  }
0x51: {  	_ =	shalt  }
0x52: {  	_ =	shalt  }
0x53: {  	_ =	shalt  }
0x54: {  	_ =	shalt  }
0x55: {  	_ =	shalt  }
0x56: {  	_ =	shalt  }
0x57: {  	_ =	shalt  }
0x58: {  	_ =	shalt  }
0x59: {  	_ =	shalt  }
0x5a: {  	_ =	shalt  }
0x5b: {  	_ =	shalt  }
0x5c: {  	_ =	shalt  }
0x5d: {  	_ =	shalt  }
0x5e: {  	_ =	shalt  }
0x5f: {  	_ =	shalt  }
0x60: {  	_ =	shalt  }
0x61: {  	_ =	shalt  }
0x62: {  	_ =	shalt  }
0x63: {  	_ =	shalt  }
0x64: {  	_ =	shalt  }
0x65: {  	_ =	shalt  }
0x66: {  	_ =	shalt  }
0x67: {  	_ =	shalt  }
0x68: {  	_ =	shalt  }
0x69: {  	_ =	shalt  }
0x6a: {  	_ =	shalt  }
0x6b: {  	_ =	shalt  }
0x6c: {  	_ =	shalt  }
0x6d: {  	_ =	shalt  }
0x6e: {  	_ =	shalt  }
0x6f: {  	_ =	shalt  }
0x70: {  	_ =	shalt  }
0x71: {  	_ =	shalt  }
0x72: {  	_ =	shalt  }
0x73: {  	_ =	shalt  }
0x74: {  	_ =	shalt  }
0x75: {  	_ =	shalt  }
0x76: {  	_ =	shalt  }
0x77: {  	_ =	shalt  }
0x78: {  	_ =	shalt  }
0x79: {  	_ =	shalt  }
0x7a: {  	_ =	shalt  }
0x7b: {  	_ =	shalt  }
0x7c: {  	_ =	shalt  }
0x7d: {  	_ =	shalt  }
0x7e: {  	_ =	shalt  }
0x7f: {  	_ =	shalt  }
0x80: {  	_ =	shalt  }
0x81: {  	_ =	shalt  }
0x82: {  	_ =	shalt  }
0x83: {  	_ =	shalt  }
0x84: {  	_ =	shalt  }
0x85: {  	_ =	shalt  }
0x86: {  	_ =	shalt  }
0x87: {  	_ =	shalt  }
.Lfunc_end0:
.L_simem_size_0:
called_computation.8_lowered:
.L_overlay_start_0:
0x88: {  	s2 =	sld [smem:$0x3FD9]  }
0x89: {  	s3 =	sld [smem:$0x3FFE];
	_ =	sdelay $0x1  }
0x8a: {  	s1 =	srdreg.scid  }
0x8b: {  	s0 =	sand.u32 $0x1, s1  }
0x8c: {  	s16 =	sshll.u32 s0, $0xA;
	s2 =	sadd.s32 s3, s2  }
0x8d: {  	s2 =	sadd.s32 s2, s16  }
0x8e: {  	[smem:$0x3FA0] =	sst s2  }
0x8f: {  	_ = 	snop  }
0x90: {  	(tm) =	ssettm $0x1  }
0x91: {  	s17 =	sld [smem:$0x3FFB];
	_ =	sdelay $0x3  }
0x92: {  	_ =	strace s17  }
0x93: {  	s2 =	sld [smem:$0x3FFC];
	_ =	sdelay $0x3  }
0x94: {  	_ =	strace s2  }
0x95: {  	s2 =	sld [smem:$0x3FFD];
	_ =	sdelay $0x3  }
0x96: {  	_ =	strace s2  }
0x97: {  	_ =	strace $0x8FFFFFFF  }
0x98: {  	s18 =	sld [smem:$0x3FDB];
	_ =	sdelay $0x1  }
0x99: {  	s19 =	simm.s32 $_scs_section_size  }
0x9a: {  	s4 =	simm.s32 $_size__tile_overlayer_lowered;
	s5 =	simm.s32 $_tile_overlayer_lowered  }
0x9b: {  	s22 =	simm.s32 $0x1BFF;
	s21 =	sshll.u32 s5, $0x1;
	s2 =	sadd.s32 s19, s18  }
0x9c: {  	s6 =	simm.s32 $0x0;
	s20 =	sshll.u32 s4, $0x1;
	s4 =	sadd.s32 s21, s2  }
0x9d: {  	[timem:s6], [sflag:s22] =	dma.local [hbm:s4], s20  }
0x9e: {  	_ =	swait.ge [sflag:s22], s20  }
0x9f: {  	s3 =	ssub.s32 $0x0, s20;
	[sflag:s22] =	ssyncset.done $0x0  }
0xa0: {  	[sflag:s22] =	ssyncadd.s32 s3;
	_ =	sdelay $0x1  }
0xa1: {  	s23 =	simm.s32 $0x1B8B  }
0xa2: {  	_ =	swait.ge [sflag:s23], $0x1  }
0xa3: {  	[sflag:s23] =	ssyncset.done $0x0  }
0xa4: {  	s25 =	simm.s32 $0x1B8E;
	s24 =	sld [smem:$0x3FFE];
	[sflag:s23] =	ssyncadd.s32 $0xFFFFFFFF  }
0xa5: {  	s26 =	simm.s32 $execute0_lowered;
	[smem:$0x3FD2] =	sst s25  }
0xa6: {  	s4 =	sshll.u32 s26, $0x1;
	_ =	strace $0x8000005E;
	[dreg:$0x1] =	wrdreg $0xFFFFFFFF  }
0xa7: {  	s28 =	simm.s32 $_size_execute0_lowered;
	s2 =	sadd.s32 s2, s4;
	[dreg:$0x0] =	wrdreg $0x0  }
0xa8: {  	s4 =	sshll.u32 s28, $0x1;
	[dreg:$0x2] =	wrdreg s2  }
0xa9: {  	[dreg:$0x3] =	wrdreg s4  }
0xaa: {  	[dreg:$0x4] =	wrdreg $0xC0  }
0xab: {  	_ =	task [dreg:s6], $0x5FFFF  }
0xac: {  	[dreg:$0x1] =	wrdreg $0xFFFFFFFF  }
0xad: {  	[dreg:$0x0] =	wrdreg $0x60  }
0xae: {  	[dreg:$0x2] =	wrdreg s24  }
0xaf: {  	[dreg:$0x3] =	wrdreg $0x49000  }
0xb0: {  	[dreg:$0x4] =	wrdreg $0x9  }
0xb1: {  	_ =	task.clear_ibuf [dreg:s6], $0x5FFFF;
	_ =	strace $0x9000005E  }
0xb2: {  	s29 =	simm.s32 $0x9;
	_ =	strace $0x80000060  }
0xb3: {  	_ =	swait.ge [sflag:s29], $0x1  }
0xb4: {  	[sflag:s29] =	ssyncadd.s32 $0xFFFFFFFF  }
0xb5: {  	_ =	strace $0x90000060  }
0xb6: {  	_ =	sfence  }
0xb7: {  	s30 =	sld [smem:$0x0];
	_ =	sdelay $0x2  }
0xb8: {  	s31 =	sshll.u32 s1, $0xD;
	s1 =	sshrl.u32 s1, $0x2  }
0xb9: {  	s3 =	sand.u32 $0x4000, s31;
	s1 =	sadd.s32 s1, s30  }
0xba: {  	s0 =	sor.u32 s3, s0;
	s1 =	sshll.u32 s1, $0x11  }
0xbb: {  	s0 =	sor.u32 s1, s0  }
0xbc: {  	s0 =	sadd.s32 $0x8F2B, s0  }
0xbd: {  	[sflag:s0] =	ssyncadd.remote.s32 $0x1  }
0xbe: {  	_ =	sfence.sel $0xFFFF  }
0xbf: {  	[dreg:$0x0] =	wrdreg $0xFFFFFFFF;
	(pc) =	sbr.abs _section_cstart, $3  }
0xc0: {  	[dreg:$0x1] =	wrdreg $0xFFFFFFFF  }
0xc1: {  	_ =	task.clear_ibuf [dreg:s6], $0x2FFFF;
	_ =	strace $0x9FFFFFFF  }
0xc2: {  	(tm) =	ssettm $0x7FFFFFFF  }
0xc3: {  	_ =	shalt  }
tec
execute0_lowered:
.L_overlay_start_1:
0x0: {  	(tag) =	ssettag $0x1  }
0x1: {  	s4 =	rddreg [dreg:$0x0]  }
0x2: {  	s2 =	rddreg [dreg:$0x1];
	s1 =	stileid.u32  }
0x3: {  	s0 =	rddreg [dreg:$0x2];
	s6 =	smul.u32 $0x14000, s1  }
0x4: {  	s5 =	srdreg.scid;
	s3 =	simm.s32 $0x0;
	s12 =	smul.u32 $0x50000, s1  }
0x5: {  	s17 =	simm.s32 $0x10;
	s18 =	simm.s32 $0x0;
	s16 =	smul.u32 $0x2710, s1  }
0x6: {  	s8 =	sand.u32 $0x1, s5;
	[smem:$0x7FF] =	sst s3;
	s31 =	smul.u32 $0x27100, s1  }
0x7: {  	s10 =	sadd.s32 $0x15D600, s4;
	s11 =	sadd.s32 $0xB4600, s4;
	s5 =	smul.u32 $0x140000, s8  }
0x8: {  	s28 =	sshll.u32 s1, $0x6;
	_ =	strace $0x8000005F;
	s14 =	smul.u32 $0x27100, s8  }
0x9: {  	s21 =	ssub.s32 $0x2, s8;
	s9 =	sshll.u32 s8, $0x4;
	s30 =	smul.u32 $0x271000, s8  }
0xa: {  	s7 =	sshrl.u32 s6, $0x3;
	s22 =	sshrl.u32 s21, $0x1;
	s23 =	sor.u32 s1, s9  }
0xb: {  	s26 =	sshrl.u32 s12, $0x2;
	s5 =	sadd.s32 s6, s5;
	s20 =	sadd.s32 s7, s4  }
0xc: {  	s24 =	ssub.s32 s21, s22;
	s25 =	smul.u32 $0x2710, s23;
	s12 =	sadd.s32 s26, s2  }
0xd: {  	s14 =	sadd.s32 s16, s14;
	s16 =	simm.s32 $0x4100;
	s5 =	sshrl.u32 s5, $0x3  }
0xe: {  	s9 =	smax.u32 s24, $0x1;
	s14 =	sshrl.u32 s14, $0x3;
	s12 =	sshrl.u32 s12, $0x3  }
0xf: {  	s13 =	sadd.s32 s5, s4;
	s4 =	sadd.s32 $0x146D600, s20;
	s29 =	sadd.s32 $0x2700, s25  }
0x10: {  	s5 =	sor.u32 $0x1C01, s28;
	s7 =	sshrl.u32 s29, $0x3;
	s15 =	sshll.u32 s29, $0x4  }
0x11: {  	s8 =	sadd.s32 $0xBE400, s13;
	s13 =	simm.s32 $0x1;
	s6 =	sadd.s32 s11, s7  }
0x12: {  	s7 =	sadd.s32 s10, s15;
	s10 =	sadd.s32 s30, s10;
	s11 =	sadd.s32 s14, s11  }
0x13: {  	s14 =	simm.s32 $0x100;
	s15 =	simm.s32 $0x80;
	s10 =	sadd.s32 s31, s10  }
.LBB2_1:
0x14: {  	[spmem:s12], [sflag:s5] =	dma.local [hbm:s4], $0x2800  }
0x15: {  	_ =	swait.ge [sflag:s13], $0x2800  }
0x16: {  	[sflag:s13] =	ssyncset.done $0x0  }
0x17: {  	[sflag:s13] =	ssyncadd.s32 $0xFFFFD800  }
0x18: {  	s19 =	sadd.s32 $0x0, s11;
	[bflag:$0x0] =	sbarrier.arrive $0xFFFF  }
0x19: {  	[tilespmem:s3], [sflag:$0x1] =	stream.linear.gather [hbm4b:s19+s3], $0x80, $0x38;
	[tilespmem:$0x18900] =	vst v63  }
0x1a: {  	_ =	swait.ge [sflag:s13], $0x80  }
0x1b: {  	[sflag:s13] =	ssyncset.done $0x0  }
0x1c: {  	[sflag:s13] =	ssyncadd.s32 $0xFFFFFF80  }
0x1d: {  	[tilespmem:s14], [sflag:$0x1] =	stream.linear.gather [hbm4b:s10+s3], $0x4000, $0x38;
	[tilespmem:$0x18900] =	vst v63  }
0x1e: {  	_ =	swait.ge [sflag:s13], $0x4000  }
0x1f: {  	[sflag:s13] =	ssyncset.done $0x0  }
0x20: {  	[sflag:s13] =	ssyncadd.s32 $0xFFFFC000  }
0x21: {  	[spmem:s2] =	stream.indirect.scatter.add.f32 [tilespmem:s14], [sflag:$0x1], $0x80, s3, s15, $0xb8;
	[tilespmem:$0x18900] =	vst v63  }
0x22: {  	s20 =	simm.s32 $0x10;
	_ =	swait.ge [sflag:s13], $0x4000  }
0x23: {  	s21 =	simm.s32 $0x20;
	s19 =	sadd.s32 $0x800, s10;
	[sflag:s13] =	ssyncset.done $0x0  }
.LBB2_2:
0x24: {  	s22 =	sadd.s32 s20, s11  }
0x25: {  	[sflag:s13] =	ssyncadd.s32 $0xFFFFC000;
	s20 =	smov.u32 s21;
	s23 =	sadd.s32 $0x10, s21  }
0x26: {  	[tilespmem:s3], [sflag:$0x1] =	stream.linear.gather [hbm4b:s22+s3], $0x80, $0x38;
	[tilespmem:$0x18900] =	vst v63  }
0x27: {  	p0 =	sne.s32 s21, $0x4D0;
	_ =	swait.ge [sflag:s13], $0x80  }
0x28: {  	[sflag:s13] =	ssyncset.done $0x0  }
0x29: {  	[sflag:s13] =	ssyncadd.s32 $0xFFFFFF80  }
0x2a: {  	[tilespmem:s14], [sflag:$0x1] =	stream.linear.gather [hbm4b:s19+s3], $0x4000, $0x38;
	[tilespmem:$0x18900] =	vst v63  }
0x2b: {  	_ =	swait.ge [sflag:s13], $0x4000  }
.Ltmp0:
0x2c: {  	[sflag:s13] =	ssyncset.done $0x0;
	(pc) =	sbr.rel @p0 .LBB2_2-.Ltmp0, $4  }
0x2d: {  	[sflag:s13] =	ssyncadd.s32 $0xFFFFC000  }
0x2e: {  	[spmem:s2] =	stream.indirect.scatter.add.f32 [tilespmem:s14], [sflag:$0x1], $0x80, s3, s15, $0xb8;
	[tilespmem:$0x18900] =	vst v63  }
0x2f: {  	_ =	swait.ge [sflag:s13], $0x4000  }
0x30: {  	s21 =	smov.u32 s23;
	s19 =	sadd.s32 $0x800, s19;
	[sflag:s13] =	ssyncset.done $0x0  }
0x31: {  	s20 =	sadd.s32 s20, s11;
	[sflag:s13] =	ssyncadd.s32 $0xFFFFC000  }
0x32: {  	[tilespmem:s3], [sflag:$0x1] =	stream.linear.gather [hbm4b:s20+s3], $0x80, $0x38;
	[tilespmem:$0x18900] =	vst v63  }
0x33: {  	_ =	swait.ge [sflag:s13], $0x80  }
0x34: {  	[sflag:s13] =	ssyncset.done $0x0  }
0x35: {  	[sflag:s13] =	ssyncadd.s32 $0xFFFFFF80  }
0x36: {  	[tilespmem:s14], [sflag:$0x1] =	stream.linear.gather [hbm4b:s19+s3], $0x4000, $0x38;
	[tilespmem:$0x18900] =	vst v63  }
0x37: {  	_ =	swait.ge [sflag:s13], $0x4000  }
0x38: {  	[sflag:s13] =	ssyncset.done $0x0  }
0x39: {  	[sflag:s13] =	ssyncadd.s32 $0xFFFFC000  }
0x3a: {  	[spmem:s2] =	stream.indirect.scatter.add.f32 [tilespmem:s14], [sflag:$0x1], $0x80, s3, s15, $0xb8;
	[tilespmem:$0x18900] =	vst v63  }
0x3b: {  	_ =	swait.ge [sflag:s13], $0x4000  }
0x3c: {  	[sflag:s13] =	ssyncset.done $0x0  }
0x3d: {  	[sflag:s13] =	ssyncadd.s32 $0xFFFFC000  }
0x3e: {  	[tilespmem:s15], [sflag:$0x1] =	stream.linear.gather [hbm4b:s6+s3], $0x10, $0x38;
	[tilespmem:$0x18900] =	vst v63  }
0x3f: {  	_ =	swait.ge [sflag:s13], $0x10  }
0x40: {  	[sflag:s13] =	ssyncset.done $0x0  }
0x41: {  	[sflag:s13] =	ssyncadd.s32 $0xFFFFFFF0  }
0x42: {  	[tilespmem:s16], [sflag:$0x1] =	stream.linear.gather [hbm4b:s7+s3], $0x800, $0x38;
	[tilespmem:$0x18900] =	vst v63  }
0x43: {  	_ =	swait.ge [sflag:s13], $0x800  }
0x44: {  	[sflag:s13] =	ssyncset.done $0x0  }
0x45: {  	[sflag:s13] =	ssyncadd.s32 $0xFFFFF800  }
0x46: {  	[spmem:s2] =	stream.indirect.scatter.add.f32 [tilespmem:s16], [sflag:$0x1], $0x80, s15, s17, $0xb8;
	[tilespmem:$0x18900] =	vst v63  }
0x47: {  	_ =	swait.ge [sflag:s13], $0x800  }
0x48: {  	s18 =	sadd.s32 $0x1, s18;
	[sflag:s13] =	ssyncset.done $0x0  }
0x49: {  	p0 =	sne.s32 s18, s9;
	[sflag:s13] =	ssyncadd.s32 $0xFFFFF800  }
.Ltmp1:
0x4a: {  	[bflag:$0x0] =	sbarrier.arrive $0xFFFF;
	(pc) =	sbr.rel @p0 .LBB2_1-.Ltmp1, $4  }
0x4b: {  	[hbm:s8], [sflag:s5] =	dma.local [spmem:s12], $0x2800  }
0x4c: {  	_ =	swait.ge [sflag:s13], $0x2800  }
0x4d: {  	[sflag:s13] =	ssyncset.done $0x0  }
0x4e: {  	[sflag:s13] =	ssyncadd.s32 $0xFFFFD800  }
0x4f: {  	_ =	sfence.sel $0x180000  }
0x50: {  	[bflag:$0x0] =	sbarrier.arrive $0xFFFF  }
0x51: {  	p0 =	sne.s32 s1, $0x0;
	_ =	strace $0x9000005F  }
0x52: {  	s0 =	sadd.s32 @!p0 $0x100000, s0;
	[bflag:$0x2] =	sbarrier.arrive $0xFFFF  }
0x53: {  	[sflag:s0] =	ssyncadd.tile.s32 @!p0 $0x1;
	_ =	shalt  }
.Lfunc_end2:
_tile_overlayer_lowered:
.L_overlay_start_2:
0x54: {  	(tag) =	ssettag $0x2  }
0x55: {  	s0 =	rddreg [dreg:$0x0];
	s2 =	stileid.u32  }
0x56: {  	s1 =	rddreg [dreg:$0x1];
	p0 =	sne.s32 s2, $0x0  }
0x57: {  	s3 =	rddreg [dreg:$0x2];
	[bflag:$0x3] =	sbarrier.arrive $0xFFFF;
	s2 =	simm.s32 @!p0 $0x1C01  }
0x58: {  	[timem:s3], [sflag:s2] =	dma.local @!p0 [hbm:s0], s1  }
0x59: {  	s0 =	simm.s32 @!p0 $0x1  }
0x5a: {  	_ =	swait.ge @!p0 [sflag:s0], s1  }
0x5b: {  	s1 =	ssub.s32 @!p0 $0x0, s1;
	[sflag:s0] =	ssyncset.done @!p0 $0x0  }
0x5c: {  	[sflag:s0] =	ssyncadd.s32 @!p0 s1  }
0x5d: {  	[bflag:$0x3] =	sbarrier.arrive $0xFFFF  }
0x5e: {  	_ =	shalt  }

</sc_bundles>
